<compile_context>
chip_gen: v7x
topology: tpu7x:2x2x1
jax: 0.10.2.dev20260603
libtpu: 0.0.44.dev20260713+nightly
codegen_flags: <defaults>
</compile_context>

<pallas_src>
import functools

import jax
import jax.numpy as jnp
from jax import lax
from jax.experimental import pallas as pl
from jax.experimental.pallas import tpu as pltpu
from jax.experimental.pallas import tpu_sc as plsc

_LANES = 16
_N_SUBCORES = 16
_CHUNK = 64
_GROUP = 4


def _edge_proj_kernel(nb_half, ef_ref, w_ref, b_ref, src_ref, tgt_ref,
                      o_ep, o_src, o_tgt):
    o_ep[...] = (
        jnp.dot(ef_ref[...], w_ref[...], preferred_element_type=jnp.float32)
        + b_ref[...]
    )
    bi = pl.program_id(0) // nb_half
    for ref, out in ((src_ref, o_src), (tgt_ref, o_tgt)):
        rows = ref[...]
        sel = rows[0]
        for r in range(1, rows.shape[0]):
            sel = jnp.where(bi == r, rows[r], sel)
        out[...] = sel[None]


def _edge_proj(ef, w, b2d, src2d, tgt2d, blk, B, E, E_half, half):
    d = ef.shape[1]
    m = w.shape[1]
    nb_half = E_half // blk
    nb_e = E // blk

    def ef_map(i):
        return ((i // nb_half) * nb_e + half * nb_half + i % nb_half, 0)

    def idx_map(i):
        return (0, half * nb_half + i % nb_half)

    return pl.pallas_call(
        functools.partial(_edge_proj_kernel, nb_half),
        grid=(B * nb_half,),
        in_specs=[
            pl.BlockSpec((blk, d), ef_map),
            pl.BlockSpec((d, m), lambda i: (0, 0)),
            pl.BlockSpec((1, m), lambda i: (0, 0)),
            pl.BlockSpec((B, blk), idx_map),
            pl.BlockSpec((B, blk), idx_map),
        ],
        out_specs=[
            pl.BlockSpec((blk, m), lambda i: (i, 0)),
            pl.BlockSpec((1, blk), lambda i: (0, i)),
            pl.BlockSpec((1, blk), lambda i: (0, i)),
        ],
        out_shape=[
            jax.ShapeDtypeStruct((B * E_half, m), jnp.float32),
            jax.ShapeDtypeStruct((1, B * E_half), jnp.int32),
            jax.ShapeDtypeStruct((1, B * E_half), jnp.int32),
        ],
    )(ef, w, b2d, src2d, tgt2d)


def _make_sc_mp(B, N, N_pad, E, M, E_half, half, init_from_prev):
    edges_per_tile = E_half // _N_SUBCORES
    n_pipe = (edges_per_tile // _CHUNK // _GROUP) * _GROUP
    n_groups = n_pipe // _GROUP
    rem = edges_per_tile - n_pipe * _CHUNK
    assert rem % 16 == 0 and rem < _CHUNK
    rows_per_tile = N_pad // _N_SUBCORES
    assert N_pad % (_N_SUBCORES * 8) == 0
    rows_last = N - rows_per_tile * (_N_SUBCORES - 1)
    assert rows_last % 8 == 0 and rows_last > 0
    zrep = rows_per_tile // _CHUNK
    zrem = rows_per_tile - zrep * _CHUNK
    assert zrem % 8 == 0
    mesh = plsc.VectorSubcoreMesh(core_axis_name="c", subcore_axis_name="s")

    scratch_types = [
        pltpu.VMEM_SHARED((N_pad, M), jnp.float32),
        [pltpu.VMEM((_CHUNK,), jnp.int32)] * 4,
        [pltpu.VMEM((_CHUNK,), jnp.int32)] * 4,
        pltpu.VMEM((max(rem, 16),), jnp.int32),
        pltpu.VMEM((max(rem, 16),), jnp.int32),
        [pltpu.VMEM((_CHUNK, M), jnp.float32)] * 4,
        [pltpu.SemaphoreType.DMA] * 4,
        [pltpu.SemaphoreType.DMA] * 4,
        [pltpu.SemaphoreType.DMA] * 4,
        [pltpu.SemaphoreType.DMA] * 4,
        [pltpu.SemaphoreType.DMA] * 4,
    ]
    out_type = jax.ShapeDtypeStruct((B, N, M), jnp.float32)

    def body(hidden_hbm, ep_hbm, src_hbm, tgt_hbm, prev_hbm, out_hbm,
             acc, src_v, tgt_v, src_t, tgt_t, msg_v,
             ssem, tsem, gsem, esem, wsem):
        c = lax.axis_index("c")
        s = lax.axis_index("s")
        b = c
        row_off = b * N
        r0 = s * rows_per_tile

        if prev_hbm is None:
            def zrow(r, rc):
                zv = jnp.zeros((_LANES,), jnp.float32)
                for j in range(M // _LANES):
                    msg_v[1][r, pl.ds(j * _LANES, _LANES)] = zv
                return rc

            lax.fori_loop(0, _CHUNK, zrow, 0)
            for t in range(zrep):
                pltpu.sync_copy(msg_v[1],
                                acc.at[pl.ds(r0 + t * _CHUNK, _CHUNK)])
            if zrem:
                pltpu.sync_copy(msg_v[1].at[pl.ds(0, zrem)],
                                acc.at[pl.ds(r0 + zrep * _CHUNK, zrem)])
        else:
            @pl.when(s < _N_SUBCORES - 1)
            def _():
                for t in range(rows_per_tile // _CHUNK):
                    sl = pl.ds(r0 + t * _CHUNK, _CHUNK)
                    pltpu.sync_copy(prev_hbm.at[b, sl], acc.at[sl])

            @pl.when(s == _N_SUBCORES - 1)
            def _():
                q = (_N_SUBCORES - 1) * rows_per_tile
                for t in range(rows_last // _CHUNK):
                    sl = pl.ds(q + t * _CHUNK, _CHUNK)
                    pltpu.sync_copy(prev_hbm.at[b, sl], acc.at[sl])
                lr = rows_last % _CHUNK
                if lr:
                    sl = pl.ds(q + (rows_last // _CHUNK) * _CHUNK, lr)
                    pltpu.sync_copy(prev_hbm.at[b, sl], acc.at[sl])

        plsc.subcore_barrier()

        tile_base = s * edges_per_tile

        def issue_idx(ci, s4):
            q = b * E_half + tile_base + ci * _CHUNK
            pltpu.async_copy(src_hbm.at[pl.ds(q, _CHUNK)], src_v[s4],
                             ssem[s4])
            pltpu.async_copy(tgt_hbm.at[pl.ds(q, _CHUNK)], tgt_v[s4],
                             tsem[s4])

        def wait_idx(s4):
            pltpu.make_async_copy(src_hbm.at[pl.ds(0, _CHUNK)], src_v[s4],
                                  ssem[s4]).wait()
            pltpu.make_async_copy(tgt_hbm.at[pl.ds(0, _CHUNK)], tgt_v[s4],
                                  tsem[s4]).wait()
            for t in range(_CHUNK // _LANES):
                sl = pl.ds(t * _LANES, _LANES)
                src_v[s4][sl] = src_v[s4][sl] + row_off

        def issue_ep(ci, p):
            q = b * E_half + tile_base + ci * _CHUNK
            pltpu.async_copy(ep_hbm.at[pl.ds(q, _CHUNK)], msg_v[p], esem[p])

        def wait_ep(p):
            pltpu.make_async_copy(ep_hbm.at[pl.ds(0, _CHUNK)], msg_v[p],
                                  esem[p]).wait()

        def issue_gather(s4, p):
            pltpu.async_copy(hidden_hbm.at[src_v[s4]], msg_v[p], gsem[p],
                             add=True)

        def wait_gather(s4, p):
            pltpu.make_async_copy(hidden_hbm.at[src_v[s4]], msg_v[p],
                                  gsem[p]).wait()

        def wait_scatter(s4, p):
            pltpu.make_async_copy(msg_v[p], acc.at[tgt_v[s4]], wsem[p]).wait()

        def compute(p, nrows):
            mb = msg_v[p]

            def row_body(r, rc):
                for j in range(M // _LANES):
                    sl = pl.ds(j * _LANES, _LANES)
                    mb[r, sl] = jnp.maximum(mb[r, sl], 0.0)
                return rc

            lax.fori_loop(0, nrows, row_body, 0)

        issue_idx(0, 0)
        issue_idx(1, 1)
        issue_ep(0, 0)
        issue_ep(1, 1)
        wait_idx(0)
        wait_ep(0)
        issue_gather(0, 0)

        def group_body(g, carry):
            for j in range(_GROUP):
                ci = g * _GROUP + j

                @pl.when(ci + 1 < n_pipe)
                def _():
                    wait_idx((j + 1) % 4)
                    wait_ep((j + 1) % 4)
                    issue_gather((j + 1) % 4, (j + 1) % 4)

                wait_gather(j, j)
                compute(j, _CHUNK)
                pltpu.async_copy(msg_v[j], acc.at[tgt_v[j]], wsem[j], add=True)

                @pl.when((ci >= 2) & (ci + 2 < n_pipe))
                def _():
                    wait_scatter((j + 2) % 4, (j + 2) % 4)

                @pl.when(ci + 2 < n_pipe)
                def _():
                    issue_ep(ci + 2, (j + 2) % 4)
                    issue_idx(ci + 2, (j + 2) % 4)
            return carry

        lax.fori_loop(0, n_groups, group_body, 0)
        for j in range(4):
            wait_scatter(j, j)

        if rem:
            q = tile_base + n_pipe * _CHUNK
            qa = b * E_half + q
            pltpu.sync_copy(src_hbm.at[pl.ds(qa, rem)], src_t)
            pltpu.sync_copy(tgt_hbm.at[pl.ds(qa, rem)], tgt_t)
            for t in range(rem // _LANES):
                sl = pl.ds(t * _LANES, _LANES)
                src_t[sl] = src_t[sl] + row_off
            mv = msg_v[0].at[pl.ds(0, rem)]
            pltpu.sync_copy(ep_hbm.at[pl.ds(b * E_half + q, rem)], mv)
            pltpu.async_copy(hidden_hbm.at[src_t], mv, gsem[0],
                             add=True).wait()
            compute(0, rem)
            pltpu.sync_copy(msg_v[0].at[pl.ds(0, rem)], acc.at[tgt_t], add=True)

        plsc.subcore_barrier()

        @pl.when(s < _N_SUBCORES - 1)
        def _():
            pltpu.sync_copy(acc.at[pl.ds(r0, rows_per_tile)],
                            out_hbm.at[b, pl.ds(r0, rows_per_tile)])

        @pl.when(s == _N_SUBCORES - 1)
        def _():
            q = (_N_SUBCORES - 1) * rows_per_tile
            pltpu.sync_copy(acc.at[pl.ds(q, rows_last)],
                            out_hbm.at[b, pl.ds(q, rows_last)])

    if init_from_prev:
        @functools.partial(pl.kernel, out_type=out_type, mesh=mesh,
                           scratch_types=scratch_types)
        def k(hidden_hbm, ep_hbm, src_hbm, tgt_hbm, prev_hbm, out_hbm,
              acc, src_v, tgt_v, src_t, tgt_t, msg_v,
              ssem, tsem, gsem, esem, wsem):
            body(hidden_hbm, ep_hbm, src_hbm, tgt_hbm, prev_hbm, out_hbm,
                 acc, src_v, tgt_v, src_t, tgt_t, msg_v,
                 ssem, tsem, gsem, esem, wsem)
    else:
        @functools.partial(pl.kernel, out_type=out_type, mesh=mesh,
                           scratch_types=scratch_types)
        def k(hidden_hbm, ep_hbm, src_hbm, tgt_hbm, out_hbm,
              acc, src_v, tgt_v, src_t, tgt_t, msg_v,
              ssem, tsem, gsem, esem, wsem):
            body(hidden_hbm, ep_hbm, src_hbm, tgt_hbm, None, out_hbm,
                 acc, src_v, tgt_v, src_t, tgt_t, msg_v,
                 ssem, tsem, gsem, esem, wsem)

    return k


def kernel(hidden, edge_features, edge_sources, edge_targets, W_e, b):
    B, N, H = hidden.shape
    _, E, D_E = edge_features.shape
    M = W_e.shape[1]
    E_half = E // 2

    n_pad = ((N + _N_SUBCORES * 8 - 1) // (_N_SUBCORES * 8)) * (_N_SUBCORES * 8)
    src2d = edge_sources.astype(jnp.int32)
    tgt2d = edge_targets.astype(jnp.int32)
    hidden2d = hidden.reshape(B * N, H)
    ef_flat = edge_features.reshape(B * E, D_E)
    b2d = b.reshape(1, M).astype(jnp.float32)

    blk = next(d for d in range(4096, 127, -128) if E_half % d == 0)
    ep0, src0, tgt0 = _edge_proj(ef_flat, W_e, b2d, src2d, tgt2d,
                                 blk, B, E, E_half, half=0)
    ep1, src1, tgt1 = _edge_proj(ef_flat, W_e, b2d, src2d, tgt2d,
                                 blk, B, E, E_half, half=1)
    k0 = _make_sc_mp(B, N, n_pad, E, M, E_half, half=0, init_from_prev=False)
    k1 = _make_sc_mp(B, N, n_pad, E, M, E_half, half=1, init_from_prev=True)
    src0, tgt0, src1, tgt1 = (a.reshape(B * E_half)
                              for a in (src0, tgt0, src1, tgt1))
    out0 = k0(hidden2d, ep0, src0, tgt0)
    return k1(hidden2d, ep1, src1, tgt1, out0)

# --- scband reference (transcript-rebuilt; emitter-appended) ---
"""Pipeline reference for scband-message-passing-layer-30262339568006 (READ-ONLY COPY).

The authoritative reference and input builder live on the scoring server;
editing this copy changes nothing except your own understanding.
"""

import jax, jax.numpy as jnp
import numpy as np

B = 2
N = 10000
E = 320000
H = 128
D_E = 16
M = 128


def setup_inputs(seed: int = 0) -> dict:
    key = jax.random.key(seed)
    k1, k2, k3, k4, k5 = jax.random.split(key, 5)
    hidden = jax.random.normal(k1, (B, N, H), dtype=jnp.float32)
    edge_features = jax.random.normal(k2, (B, E, D_E), dtype=jnp.float32)
    edge_sources = jax.random.randint(k3, (B, E), 0, N, dtype=jnp.int64)
    edge_targets = jax.random.randint(k4, (B, E), 0, N, dtype=jnp.int64)
    # Learned parameters for the concrete message function (edge-feature projection + bias)
    W_e = jax.random.normal(k5, (D_E, M), dtype=jnp.float32) * 0.05
    b = jnp.zeros((M,), dtype=jnp.float32)
    return {"hidden": hidden, "edge_features": edge_features,
            "edge_sources": edge_sources, "edge_targets": edge_targets,
            "W_e": W_e, "b": b}


def reference(hidden, edge_features, edge_sources, edge_targets, W_e, b):
    # Vectorized equivalent of the per-node tf.map_fn message passing:
    # for each target node, gather edges with edge_targets == node, gather
    # source-node hidden states, form messages, and sum-aggregate.
    def per_batch(h, ef, src, tgt):
        neigh = jnp.take(h, src, axis=0)                  # [E, H] gather of neighbour hidden states
        msgs = jax.nn.relu(neigh + ef @ W_e + b)          # [E, M] message function
        return jax.ops.segment_sum(msgs, tgt, num_segments=N)  # [N, M] sum aggregation per target node
    return jax.vmap(per_batch, in_axes=(0, 0, 0, 0))(hidden, edge_features, edge_sources, edge_targets)

if __name__ == "__main__":
    import jax
    _d = setup_inputs()
    print(jax.jit(kernel)(*tuple(_d.values())))

</pallas_src>

<mosaic_0001>
#map = affine_map<(d0, d1) -> (0, 0)>
#map1 = affine_map<(d0, d1) -> (0)>
#map2 = affine_map<(d0, d1) -> (0, 0, 0)>
module attributes {stable_mosaic.version = 14 : i64} {
  func.func @k(%arg0: i32, %arg1: i32, %arg2: memref<20000x128xf32, #tpu.memory_space<hbm>>, %arg3: memref<320000x128xf32, #tpu.memory_space<hbm>>, %arg4: memref<320000xi32, #tpu.memory_space<hbm>>, %arg5: memref<320000xi32, #tpu.memory_space<hbm>>, %arg6: memref<2x10000x128xf32, #tpu.memory_space<hbm>>, %arg7: memref<2x10000x128xf32, #tpu.memory_space<hbm>>, %arg8: memref<10112x128xf32, #tpu.memory_space<vmem_shared>>, %arg9: memref<64xi32, #tpu.memory_space<vmem>>, %arg10: memref<64xi32, #tpu.memory_space<vmem>>, %arg11: memref<64xi32, #tpu.memory_space<vmem>>, %arg12: memref<64xi32, #tpu.memory_space<vmem>>, %arg13: memref<64xi32, #tpu.memory_space<vmem>>, %arg14: memref<64xi32, #tpu.memory_space<vmem>>, %arg15: memref<64xi32, #tpu.memory_space<vmem>>, %arg16: memref<64xi32, #tpu.memory_space<vmem>>, %arg17: memref<16xi32, #tpu.memory_space<vmem>>, %arg18: memref<16xi32, #tpu.memory_space<vmem>>, %arg19: memref<64x128xf32, #tpu.memory_space<vmem>>, %arg20: memref<64x128xf32, #tpu.memory_space<vmem>>, %arg21: memref<64x128xf32, #tpu.memory_space<vmem>>, %arg22: memref<64x128xf32, #tpu.memory_space<vmem>>, %arg23: memref<!tpu.dma_semaphore, #tpu.memory_space<semaphore_mem>>, %arg24: memref<!tpu.dma_semaphore, #tpu.memory_space<semaphore_mem>>, %arg25: memref<!tpu.dma_semaphore, #tpu.memory_space<semaphore_mem>>, %arg26: memref<!tpu.dma_semaphore, #tpu.memory_space<semaphore_mem>>, %arg27: memref<!tpu.dma_semaphore, #tpu.memory_space<semaphore_mem>>, %arg28: memref<!tpu.dma_semaphore, #tpu.memory_space<semaphore_mem>>, %arg29: memref<!tpu.dma_semaphore, #tpu.memory_space<semaphore_mem>>, %arg30: memref<!tpu.dma_semaphore, #tpu.memory_space<semaphore_mem>>, %arg31: memref<!tpu.dma_semaphore, #tpu.memory_space<semaphore_mem>>, %arg32: memref<!tpu.dma_semaphore, #tpu.memory_space<semaphore_mem>>, %arg33: memref<!tpu.dma_semaphore, #tpu.memory_space<semaphore_mem>>, %arg34: memref<!tpu.dma_semaphore, #tpu.memory_space<semaphore_mem>>, %arg35: memref<!tpu.dma_semaphore, #tpu.memory_space<semaphore_mem>>, %arg36: memref<!tpu.dma_semaphore, #tpu.memory_space<semaphore_mem>>, %arg37: memref<!tpu.dma_semaphore, #tpu.memory_space<semaphore_mem>>, %arg38: memref<!tpu.dma_semaphore, #tpu.memory_space<semaphore_mem>>, %arg39: memref<!tpu.dma_semaphore, #tpu.memory_space<semaphore_mem>>, %arg40: memref<!tpu.dma_semaphore, #tpu.memory_space<semaphore_mem>>, %arg41: memref<!tpu.dma_semaphore, #tpu.memory_space<semaphore_mem>>, %arg42: memref<!tpu.dma_semaphore, #tpu.memory_space<semaphore_mem>>) attributes {dimension_semantics = [#tpu.dimension_semantics<core_parallel>, #tpu.dimension_semantics<subcore_parallel>], iteration_bounds = array<i64: 2, 16>, scalar_prefetch = 0 : i64, scratch_operands = 35 : i64, tpu.core_type = #tpu.core_type<sc_vector_subcore>, window_params = [{transform_indices = #map}, {transform_indices = #map}, {transform_indices = #map1}, {transform_indices = #map1}, {transform_indices = #map2}, {transform_indices = #map2}]} {
    %mul3A = arith.constant 10000 : i32
    %mul3A_0 = arith.muli %arg0, %mul3A : i32
    %mul3A_1 = arith.constant 632 : i32
    %mul3A_2 = arith.muli %arg1, %mul3A_1 : i32
    %lt3A = arith.constant 15 : i32
    %lt3A_3 = arith.cmpi slt, %arg1, %lt3A : i32
    %convert_element_type3A = arith.extui %lt3A_3 : i1 to i32
    %cond3A = arith.constant 0 : i32
    %cond3A_4 = arith.cmpi ne, %convert_element_type3A, %cond3A : i32
    scf.if %cond3A_4 {
      %add3A_158 = arith.constant 0 : i32
      %add3A_159 = arith.addi %mul3A_2, %add3A_158 : i32
      "tpu.region"() ({
        %run_scoped3A = tpu.sem_alloc : memref<!tpu.dma_semaphore, #tpu.memory_space<semaphore_mem>>
        %dma_start3A_176 = arith.constant 0 : i32
        %dma_start3A_177 = tpu.memref_slice %arg8[%add3A_159, %dma_start3A_176] : memref<10112x128xf32, #tpu.memory_space<vmem_shared>> -> memref<64x128xf32, #tpu.memory_space<vmem_shared>>
        %dma_start3A_178 = arith.constant 0 : i32
        %dma_start3A_179 = tpu.memref_slice %arg6[%arg0, %add3A_159, %dma_start3A_178] : memref<2x10000x128xf32, #tpu.memory_space<hbm>> -> memref<1x64x128xf32, #tpu.memory_space<hbm>>
        %dma_start3A_180 = tpu.memref_squeeze %dma_start3A_179 : memref<1x64x128xf32, #tpu.memory_space<hbm>> -> memref<64x128xf32, #tpu.memory_space<hbm>>
        tpu.enqueue_dma source(%dma_start3A_180 : memref<64x128xf32, #tpu.memory_space<hbm>>) target(%dma_start3A_177 : memref<64x128xf32, #tpu.memory_space<vmem_shared>>) target_semaphore(%run_scoped3A : memref<!tpu.dma_semaphore, #tpu.memory_space<semaphore_mem>>)
        %dma_wait3A_181 = arith.constant 0 : i32
        %dma_wait3A_182 = tpu.memref_slice %arg8[%add3A_159, %dma_wait3A_181] : memref<10112x128xf32, #tpu.memory_space<vmem_shared>> -> memref<64x128xf32, #tpu.memory_space<vmem_shared>>
        %dma_wait3A_183 = arith.constant 0 : i32
        %dma_wait3A_184 = tpu.memref_slice %arg6[%arg0, %add3A_159, %dma_wait3A_183] : memref<2x10000x128xf32, #tpu.memory_space<hbm>> -> memref<1x64x128xf32, #tpu.memory_space<hbm>>
        %dma_wait3A_185 = tpu.memref_squeeze %dma_wait3A_184 : memref<1x64x128xf32, #tpu.memory_space<hbm>> -> memref<64x128xf32, #tpu.memory_space<hbm>>
        tpu.wait_dma2 semaphore(%run_scoped3A : memref<!tpu.dma_semaphore, #tpu.memory_space<semaphore_mem>>) src(%dma_wait3A_185 : memref<64x128xf32, #tpu.memory_space<hbm>>) dst(%dma_wait3A_182 : memref<64x128xf32, #tpu.memory_space<vmem_shared>>)
        tpu.yield
      }) : () -> ()
      %add3A_160 = arith.constant 64 : i32
      %add3A_161 = arith.addi %mul3A_2, %add3A_160 : i32
      "tpu.region"() ({
        %run_scoped3A = tpu.sem_alloc : memref<!tpu.dma_semaphore, #tpu.memory_space<semaphore_mem>>
        %dma_start3A_176 = arith.constant 0 : i32
        %dma_start3A_177 = tpu.memref_slice %arg8[%add3A_161, %dma_start3A_176] : memref<10112x128xf32, #tpu.memory_space<vmem_shared>> -> memref<64x128xf32, #tpu.memory_space<vmem_shared>>
        %dma_start3A_178 = arith.constant 0 : i32
        %dma_start3A_179 = tpu.memref_slice %arg6[%arg0, %add3A_161, %dma_start3A_178] : memref<2x10000x128xf32, #tpu.memory_space<hbm>> -> memref<1x64x128xf32, #tpu.memory_space<hbm>>
        %dma_start3A_180 = tpu.memref_squeeze %dma_start3A_179 : memref<1x64x128xf32, #tpu.memory_space<hbm>> -> memref<64x128xf32, #tpu.memory_space<hbm>>
        tpu.enqueue_dma source(%dma_start3A_180 : memref<64x128xf32, #tpu.memory_space<hbm>>) target(%dma_start3A_177 : memref<64x128xf32, #tpu.memory_space<vmem_shared>>) target_semaphore(%run_scoped3A : memref<!tpu.dma_semaphore, #tpu.memory_space<semaphore_mem>>)
        %dma_wait3A_181 = arith.constant 0 : i32
        %dma_wait3A_182 = tpu.memref_slice %arg8[%add3A_161, %dma_wait3A_181] : memref<10112x128xf32, #tpu.memory_space<vmem_shared>> -> memref<64x128xf32, #tpu.memory_space<vmem_shared>>
        %dma_wait3A_183 = arith.constant 0 : i32
        %dma_wait3A_184 = tpu.memref_slice %arg6[%arg0, %add3A_161, %dma_wait3A_183] : memref<2x10000x128xf32, #tpu.memory_space<hbm>> -> memref<1x64x128xf32, #tpu.memory_space<hbm>>
        %dma_wait3A_185 = tpu.memref_squeeze %dma_wait3A_184 : memref<1x64x128xf32, #tpu.memory_space<hbm>> -> memref<64x128xf32, #tpu.memory_space<hbm>>
        tpu.wait_dma2 semaphore(%run_scoped3A : memref<!tpu.dma_semaphore, #tpu.memory_space<semaphore_mem>>) src(%dma_wait3A_185 : memref<64x128xf32, #tpu.memory_space<hbm>>) dst(%dma_wait3A_182 : memref<64x128xf32, #tpu.memory_space<vmem_shared>>)
        tpu.yield
      }) : () -> ()
      %add3A_162 = arith.constant 128 : i32
      %add3A_163 = arith.addi %mul3A_2, %add3A_162 : i32
      "tpu.region"() ({
        %run_scoped3A = tpu.sem_alloc : memref<!tpu.dma_semaphore, #tpu.memory_space<semaphore_mem>>
        %dma_start3A_176 = arith.constant 0 : i32
        %dma_start3A_177 = tpu.memref_slice %arg8[%add3A_163, %dma_start3A_176] : memref<10112x128xf32, #tpu.memory_space<vmem_shared>> -> memref<64x128xf32, #tpu.memory_space<vmem_shared>>
        %dma_start3A_178 = arith.constant 0 : i32
        %dma_start3A_179 = tpu.memref_slice %arg6[%arg0, %add3A_163, %dma_start3A_178] : memref<2x10000x128xf32, #tpu.memory_space<hbm>> -> memref<1x64x128xf32, #tpu.memory_space<hbm>>
        %dma_start3A_180 = tpu.memref_squeeze %dma_start3A_179 : memref<1x64x128xf32, #tpu.memory_space<hbm>> -> memref<64x128xf32, #tpu.memory_space<hbm>>
        tpu.enqueue_dma source(%dma_start3A_180 : memref<64x128xf32, #tpu.memory_space<hbm>>) target(%dma_start3A_177 : memref<64x128xf32, #tpu.memory_space<vmem_shared>>) target_semaphore(%run_scoped3A : memref<!tpu.dma_semaphore, #tpu.memory_space<semaphore_mem>>)
        %dma_wait3A_181 = arith.constant 0 : i32
        %dma_wait3A_182 = tpu.memref_slice %arg8[%add3A_163, %dma_wait3A_181] : memref<10112x128xf32, #tpu.memory_space<vmem_shared>> -> memref<64x128xf32, #tpu.memory_space<vmem_shared>>
        %dma_wait3A_183 = arith.constant 0 : i32
        %dma_wait3A_184 = tpu.memref_slice %arg6[%arg0, %add3A_163, %dma_wait3A_183] : memref<2x10000x128xf32, #tpu.memory_space<hbm>> -> memref<1x64x128xf32, #tpu.memory_space<hbm>>
        %dma_wait3A_185 = tpu.memref_squeeze %dma_wait3A_184 : memref<1x64x128xf32, #tpu.memory_space<hbm>> -> memref<64x128xf32, #tpu.memory_space<hbm>>
        tpu.wait_dma2 semaphore(%run_scoped3A : memref<!tpu.dma_semaphore, #tpu.memory_space<semaphore_mem>>) src(%dma_wait3A_185 : memref<64x128xf32, #tpu.memory_space<hbm>>) dst(%dma_wait3A_182 : memref<64x128xf32, #tpu.memory_space<vmem_shared>>)
        tpu.yield
      }) : () -> ()
      %add3A_164 = arith.constant 192 : i32
      %add3A_165 = arith.addi %mul3A_2, %add3A_164 : i32
      "tpu.region"() ({
        %run_scoped3A = tpu.sem_alloc : memref<!tpu.dma_semaphore, #tpu.memory_space<semaphore_mem>>
        %dma_start3A_176 = arith.constant 0 : i32
        %dma_start3A_177 = tpu.memref_slice %arg8[%add3A_165, %dma_start3A_176] : memref<10112x128xf32, #tpu.memory_space<vmem_shared>> -> memref<64x128xf32, #tpu.memory_space<vmem_shared>>
        %dma_start3A_178 = arith.constant 0 : i32
        %dma_start3A_179 = tpu.memref_slice %arg6[%arg0, %add3A_165, %dma_start3A_178] : memref<2x10000x128xf32, #tpu.memory_space<hbm>> -> memref<1x64x128xf32, #tpu.memory_space<hbm>>
        %dma_start3A_180 = tpu.memref_squeeze %dma_start3A_179 : memref<1x64x128xf32, #tpu.memory_space<hbm>> -> memref<64x128xf32, #tpu.memory_space<hbm>>
        tpu.enqueue_dma source(%dma_start3A_180 : memref<64x128xf32, #tpu.memory_space<hbm>>) target(%dma_start3A_177 : memref<64x128xf32, #tpu.memory_space<vmem_shared>>) target_semaphore(%run_scoped3A : memref<!tpu.dma_semaphore, #tpu.memory_space<semaphore_mem>>)
        %dma_wait3A_181 = arith.constant 0 : i32
        %dma_wait3A_182 = tpu.memref_slice %arg8[%add3A_165, %dma_wait3A_181] : memref<10112x128xf32, #tpu.memory_space<vmem_shared>> -> memref<64x128xf32, #tpu.memory_space<vmem_shared>>
        %dma_wait3A_183 = arith.constant 0 : i32
        %dma_wait3A_184 = tpu.memref_slice %arg6[%arg0, %add3A_165, %dma_wait3A_183] : memref<2x10000x128xf32, #tpu.memory_space<hbm>> -> memref<1x64x128xf32, #tpu.memory_space<hbm>>
        %dma_wait3A_185 = tpu.memref_squeeze %dma_wait3A_184 : memref<1x64x128xf32, #tpu.memory_space<hbm>> -> memref<64x128xf32, #tpu.memory_space<hbm>>
        tpu.wait_dma2 semaphore(%run_scoped3A : memref<!tpu.dma_semaphore, #tpu.memory_space<semaphore_mem>>) src(%dma_wait3A_185 : memref<64x128xf32, #tpu.memory_space<hbm>>) dst(%dma_wait3A_182 : memref<64x128xf32, #tpu.memory_space<vmem_shared>>)
        tpu.yield
      }) : () -> ()
      %add3A_166 = arith.constant 256 : i32
      %add3A_167 = arith.addi %mul3A_2, %add3A_166 : i32
      "tpu.region"() ({
        %run_scoped3A = tpu.sem_alloc : memref<!tpu.dma_semaphore, #tpu.memory_space<semaphore_mem>>
        %dma_start3A_176 = arith.constant 0 : i32
        %dma_start3A_177 = tpu.memref_slice %arg8[%add3A_167, %dma_start3A_176] : memref<10112x128xf32, #tpu.memory_space<vmem_shared>> -> memref<64x128xf32, #tpu.memory_space<vmem_shared>>
        %dma_start3A_178 = arith.constant 0 : i32
        %dma_start3A_179 = tpu.memref_slice %arg6[%arg0, %add3A_167, %dma_start3A_178] : memref<2x10000x128xf32, #tpu.memory_space<hbm>> -> memref<1x64x128xf32, #tpu.memory_space<hbm>>
        %dma_start3A_180 = tpu.memref_squeeze %dma_start3A_179 : memref<1x64x128xf32, #tpu.memory_space<hbm>> -> memref<64x128xf32, #tpu.memory_space<hbm>>
        tpu.enqueue_dma source(%dma_start3A_180 : memref<64x128xf32, #tpu.memory_space<hbm>>) target(%dma_start3A_177 : memref<64x128xf32, #tpu.memory_space<vmem_shared>>) target_semaphore(%run_scoped3A : memref<!tpu.dma_semaphore, #tpu.memory_space<semaphore_mem>>)
        %dma_wait3A_181 = arith.constant 0 : i32
        %dma_wait3A_182 = tpu.memref_slice %arg8[%add3A_167, %dma_wait3A_181] : memref<10112x128xf32, #tpu.memory_space<vmem_shared>> -> memref<64x128xf32, #tpu.memory_space<vmem_shared>>
        %dma_wait3A_183 = arith.constant 0 : i32
        %dma_wait3A_184 = tpu.memref_slice %arg6[%arg0, %add3A_167, %dma_wait3A_183] : memref<2x10000x128xf32, #tpu.memory_space<hbm>> -> memref<1x64x128xf32, #tpu.memory_space<hbm>>
        %dma_wait3A_185 = tpu.memref_squeeze %dma_wait3A_184 : memref<1x64x128xf32, #tpu.memory_space<hbm>> -> memref<64x128xf32, #tpu.memory_space<hbm>>
        tpu.wait_dma2 semaphore(%run_scoped3A : memref<!tpu.dma_semaphore, #tpu.memory_space<semaphore_mem>>) src(%dma_wait3A_185 : memref<64x128xf32, #tpu.memory_space<hbm>>) dst(%dma_wait3A_182 : memref<64x128xf32, #tpu.memory_space<vmem_shared>>)
        tpu.yield
      }) : () -> ()
      %add3A_168 = arith.constant 320 : i32
      %add3A_169 = arith.addi %mul3A_2, %add3A_168 : i32
      "tpu.region"() ({
        %run_scoped3A = tpu.sem_alloc : memref<!tpu.dma_semaphore, #tpu.memory_space<semaphore_mem>>
        %dma_start3A_176 = arith.constant 0 : i32
        %dma_start3A_177 = tpu.memref_slice %arg8[%add3A_169, %dma_start3A_176] : memref<10112x128xf32, #tpu.memory_space<vmem_shared>> -> memref<64x128xf32, #tpu.memory_space<vmem_shared>>
        %dma_start3A_178 = arith.constant 0 : i32
        %dma_start3A_179 = tpu.memref_slice %arg6[%arg0, %add3A_169, %dma_start3A_178] : memref<2x10000x128xf32, #tpu.memory_space<hbm>> -> memref<1x64x128xf32, #tpu.memory_space<hbm>>
        %dma_start3A_180 = tpu.memref_squeeze %dma_start3A_179 : memref<1x64x128xf32, #tpu.memory_space<hbm>> -> memref<64x128xf32, #tpu.memory_space<hbm>>
        tpu.enqueue_dma source(%dma_start3A_180 : memref<64x128xf32, #tpu.memory_space<hbm>>) target(%dma_start3A_177 : memref<64x128xf32, #tpu.memory_space<vmem_shared>>) target_semaphore(%run_scoped3A : memref<!tpu.dma_semaphore, #tpu.memory_space<semaphore_mem>>)
        %dma_wait3A_181 = arith.constant 0 : i32
        %dma_wait3A_182 = tpu.memref_slice %arg8[%add3A_169, %dma_wait3A_181] : memref<10112x128xf32, #tpu.memory_space<vmem_shared>> -> memref<64x128xf32, #tpu.memory_space<vmem_shared>>
        %dma_wait3A_183 = arith.constant 0 : i32
        %dma_wait3A_184 = tpu.memref_slice %arg6[%arg0, %add3A_169, %dma_wait3A_183] : memref<2x10000x128xf32, #tpu.memory_space<hbm>> -> memref<1x64x128xf32, #tpu.memory_space<hbm>>
        %dma_wait3A_185 = tpu.memref_squeeze %dma_wait3A_184 : memref<1x64x128xf32, #tpu.memory_space<hbm>> -> memref<64x128xf32, #tpu.memory_space<hbm>>
        tpu.wait_dma2 semaphore(%run_scoped3A : memref<!tpu.dma_semaphore, #tpu.memory_space<semaphore_mem>>) src(%dma_wait3A_185 : memref<64x128xf32, #tpu.memory_space<hbm>>) dst(%dma_wait3A_182 : memref<64x128xf32, #tpu.memory_space<vmem_shared>>)
        tpu.yield
      }) : () -> ()
      %add3A_170 = arith.constant 384 : i32
      %add3A_171 = arith.addi %mul3A_2, %add3A_170 : i32
      "tpu.region"() ({
        %run_scoped3A = tpu.sem_alloc : memref<!tpu.dma_semaphore, #tpu.memory_space<semaphore_mem>>
        %dma_start3A_176 = arith.constant 0 : i32
        %dma_start3A_177 = tpu.memref_slice %arg8[%add3A_171, %dma_start3A_176] : memref<10112x128xf32, #tpu.memory_space<vmem_shared>> -> memref<64x128xf32, #tpu.memory_space<vmem_shared>>
        %dma_start3A_178 = arith.constant 0 : i32
        %dma_start3A_179 = tpu.memref_slice %arg6[%arg0, %add3A_171, %dma_start3A_178] : memref<2x10000x128xf32, #tpu.memory_space<hbm>> -> memref<1x64x128xf32, #tpu.memory_space<hbm>>
        %dma_start3A_180 = tpu.memref_squeeze %dma_start3A_179 : memref<1x64x128xf32, #tpu.memory_space<hbm>> -> memref<64x128xf32, #tpu.memory_space<hbm>>
        tpu.enqueue_dma source(%dma_start3A_180 : memref<64x128xf32, #tpu.memory_space<hbm>>) target(%dma_start3A_177 : memref<64x128xf32, #tpu.memory_space<vmem_shared>>) target_semaphore(%run_scoped3A : memref<!tpu.dma_semaphore, #tpu.memory_space<semaphore_mem>>)
        %dma_wait3A_181 = arith.constant 0 : i32
        %dma_wait3A_182 = tpu.memref_slice %arg8[%add3A_171, %dma_wait3A_181] : memref<10112x128xf32, #tpu.memory_space<vmem_shared>> -> memref<64x128xf32, #tpu.memory_space<vmem_shared>>
        %dma_wait3A_183 = arith.constant 0 : i32
        %dma_wait3A_184 = tpu.memref_slice %arg6[%arg0, %add3A_171, %dma_wait3A_183] : memref<2x10000x128xf32, #tpu.memory_space<hbm>> -> memref<1x64x128xf32, #tpu.memory_space<hbm>>
        %dma_wait3A_185 = tpu.memref_squeeze %dma_wait3A_184 : memref<1x64x128xf32, #tpu.memory_space<hbm>> -> memref<64x128xf32, #tpu.memory_space<hbm>>
        tpu.wait_dma2 semaphore(%run_scoped3A : memref<!tpu.dma_semaphore, #tpu.memory_space<semaphore_mem>>) src(%dma_wait3A_185 : memref<64x128xf32, #tpu.memory_space<hbm>>) dst(%dma_wait3A_182 : memref<64x128xf32, #tpu.memory_space<vmem_shared>>)
        tpu.yield
      }) : () -> ()
      %add3A_172 = arith.constant 448 : i32
      %add3A_173 = arith.addi %mul3A_2, %add3A_172 : i32
      "tpu.region"() ({
        %run_scoped3A = tpu.sem_alloc : memref<!tpu.dma_semaphore, #tpu.memory_space<semaphore_mem>>
        %dma_start3A_176 = arith.constant 0 : i32
        %dma_start3A_177 = tpu.memref_slice %arg8[%add3A_173, %dma_start3A_176] : memref<10112x128xf32, #tpu.memory_space<vmem_shared>> -> memref<64x128xf32, #tpu.memory_space<vmem_shared>>
        %dma_start3A_178 = arith.constant 0 : i32
        %dma_start3A_179 = tpu.memref_slice %arg6[%arg0, %add3A_173, %dma_start3A_178] : memref<2x10000x128xf32, #tpu.memory_space<hbm>> -> memref<1x64x128xf32, #tpu.memory_space<hbm>>
        %dma_start3A_180 = tpu.memref_squeeze %dma_start3A_179 : memref<1x64x128xf32, #tpu.memory_space<hbm>> -> memref<64x128xf32, #tpu.memory_space<hbm>>
        tpu.enqueue_dma source(%dma_start3A_180 : memref<64x128xf32, #tpu.memory_space<hbm>>) target(%dma_start3A_177 : memref<64x128xf32, #tpu.memory_space<vmem_shared>>) target_semaphore(%run_scoped3A : memref<!tpu.dma_semaphore, #tpu.memory_space<semaphore_mem>>)
        %dma_wait3A_181 = arith.constant 0 : i32
        %dma_wait3A_182 = tpu.memref_slice %arg8[%add3A_173, %dma_wait3A_181] : memref<10112x128xf32, #tpu.memory_space<vmem_shared>> -> memref<64x128xf32, #tpu.memory_space<vmem_shared>>
        %dma_wait3A_183 = arith.constant 0 : i32
        %dma_wait3A_184 = tpu.memref_slice %arg6[%arg0, %add3A_173, %dma_wait3A_183] : memref<2x10000x128xf32, #tpu.memory_space<hbm>> -> memref<1x64x128xf32, #tpu.memory_space<hbm>>
        %dma_wait3A_185 = tpu.memref_squeeze %dma_wait3A_184 : memref<1x64x128xf32, #tpu.memory_space<hbm>> -> memref<64x128xf32, #tpu.memory_space<hbm>>
        tpu.wait_dma2 semaphore(%run_scoped3A : memref<!tpu.dma_semaphore, #tpu.memory_space<semaphore_mem>>) src(%dma_wait3A_185 : memref<64x128xf32, #tpu.memory_space<hbm>>) dst(%dma_wait3A_182 : memref<64x128xf32, #tpu.memory_space<vmem_shared>>)
        tpu.yield
      }) : () -> ()
      %add3A_174 = arith.constant 512 : i32
      %add3A_175 = arith.addi %mul3A_2, %add3A_174 : i32
      "tpu.region"() ({
        %run_scoped3A = tpu.sem_alloc : memref<!tpu.dma_semaphore, #tpu.memory_space<semaphore_mem>>
        %dma_start3A_176 = arith.constant 0 : i32
        %dma_start3A_177 = tpu.memref_slice %arg8[%add3A_175, %dma_start3A_176] : memref<10112x128xf32, #tpu.memory_space<vmem_shared>> -> memref<64x128xf32, #tpu.memory_space<vmem_shared>>
        %dma_start3A_178 = arith.constant 0 : i32
        %dma_start3A_179 = tpu.memref_slice %arg6[%arg0, %add3A_175, %dma_start3A_178] : memref<2x10000x128xf32, #tpu.memory_space<hbm>> -> memref<1x64x128xf32, #tpu.memory_space<hbm>>
        %dma_start3A_180 = tpu.memref_squeeze %dma_start3A_179 : memref<1x64x128xf32, #tpu.memory_space<hbm>> -> memref<64x128xf32, #tpu.memory_space<hbm>>
        tpu.enqueue_dma source(%dma_start3A_180 : memref<64x128xf32, #tpu.memory_space<hbm>>) target(%dma_start3A_177 : memref<64x128xf32, #tpu.memory_space<vmem_shared>>) target_semaphore(%run_scoped3A : memref<!tpu.dma_semaphore, #tpu.memory_space<semaphore_mem>>)
        %dma_wait3A_181 = arith.constant 0 : i32
        %dma_wait3A_182 = tpu.memref_slice %arg8[%add3A_175, %dma_wait3A_181] : memref<10112x128xf32, #tpu.memory_space<vmem_shared>> -> memref<64x128xf32, #tpu.memory_space<vmem_shared>>
        %dma_wait3A_183 = arith.constant 0 : i32
        %dma_wait3A_184 = tpu.memref_slice %arg6[%arg0, %add3A_175, %dma_wait3A_183] : memref<2x10000x128xf32, #tpu.memory_space<hbm>> -> memref<1x64x128xf32, #tpu.memory_space<hbm>>
        %dma_wait3A_185 = tpu.memref_squeeze %dma_wait3A_184 : memref<1x64x128xf32, #tpu.memory_space<hbm>> -> memref<64x128xf32, #tpu.memory_space<hbm>>
        tpu.wait_dma2 semaphore(%run_scoped3A : memref<!tpu.dma_semaphore, #tpu.memory_space<semaphore_mem>>) src(%dma_wait3A_185 : memref<64x128xf32, #tpu.memory_space<hbm>>) dst(%dma_wait3A_182 : memref<64x128xf32, #tpu.memory_space<vmem_shared>>)
        tpu.yield
      }) : () -> ()
    } else {
    }
    %eq3A = arith.constant 15 : i32
    %eq3A_5 = arith.cmpi eq, %arg1, %eq3A : i32
    %convert_element_type3A_6 = arith.extui %eq3A_5 : i1 to i32
    %cond3A_7 = arith.constant 0 : i32
    %cond3A_8 = arith.cmpi ne, %convert_element_type3A_6, %cond3A_7 : i32
    scf.if %cond3A_8 {
      "tpu.region"() ({
        %run_scoped3A = tpu.sem_alloc : memref<!tpu.dma_semaphore, #tpu.memory_space<semaphore_mem>>
        %dma_start3A_158 = arith.constant 9480 : i32
        %dma_start3A_159 = arith.constant 0 : i32
        %dma_start3A_160 = tpu.memref_slice %arg8[%dma_start3A_158, %dma_start3A_159] : memref<10112x128xf32, #tpu.memory_space<vmem_shared>> -> memref<64x128xf32, #tpu.memory_space<vmem_shared>>
        %dma_start3A_161 = arith.constant 9480 : i32
        %dma_start3A_162 = arith.constant 0 : i32
        %dma_start3A_163 = tpu.memref_slice %arg6[%arg0, %dma_start3A_161, %dma_start3A_162] : memref<2x10000x128xf32, #tpu.memory_space<hbm>> -> memref<1x64x128xf32, #tpu.memory_space<hbm>>
        %dma_start3A_164 = tpu.memref_squeeze %dma_start3A_163 : memref<1x64x128xf32, #tpu.memory_space<hbm>> -> memref<64x128xf32, #tpu.memory_space<hbm>>
        tpu.enqueue_dma source(%dma_start3A_164 : memref<64x128xf32, #tpu.memory_space<hbm>>) target(%dma_start3A_160 : memref<64x128xf32, #tpu.memory_space<vmem_shared>>) target_semaphore(%run_scoped3A : memref<!tpu.dma_semaphore, #tpu.memory_space<semaphore_mem>>)
        %dma_wait3A_165 = arith.constant 9480 : i32
        %dma_wait3A_166 = arith.constant 0 : i32
        %dma_wait3A_167 = tpu.memref_slice %arg8[%dma_wait3A_165, %dma_wait3A_166] : memref<10112x128xf32, #tpu.memory_space<vmem_shared>> -> memref<64x128xf32, #tpu.memory_space<vmem_shared>>
        %dma_wait3A_168 = arith.constant 9480 : i32
        %dma_wait3A_169 = arith.constant 0 : i32
        %dma_wait3A_170 = tpu.memref_slice %arg6[%arg0, %dma_wait3A_168, %dma_wait3A_169] : memref<2x10000x128xf32, #tpu.memory_space<hbm>> -> memref<1x64x128xf32, #tpu.memory_space<hbm>>
        %dma_wait3A_171 = tpu.memref_squeeze %dma_wait3A_170 : memref<1x64x128xf32, #tpu.memory_space<hbm>> -> memref<64x128xf32, #tpu.memory_space<hbm>>
        tpu.wait_dma2 semaphore(%run_scoped3A : memref<!tpu.dma_semaphore, #tpu.memory_space<semaphore_mem>>) src(%dma_wait3A_171 : memref<64x128xf32, #tpu.memory_space<hbm>>) dst(%dma_wait3A_167 : memref<64x128xf32, #tpu.memory_space<vmem_shared>>)
        tpu.yield
      }) : () -> ()
      "tpu.region"() ({
        %run_scoped3A = tpu.sem_alloc : memref<!tpu.dma_semaphore, #tpu.memory_space<semaphore_mem>>
        %dma_start3A_158 = arith.constant 9544 : i32
        %dma_start3A_159 = arith.constant 0 : i32
        %dma_start3A_160 = tpu.memref_slice %arg8[%dma_start3A_158, %dma_start3A_159] : memref<10112x128xf32, #tpu.memory_space<vmem_shared>> -> memref<64x128xf32, #tpu.memory_space<vmem_shared>>
        %dma_start3A_161 = arith.constant 9544 : i32
        %dma_start3A_162 = arith.constant 0 : i32
        %dma_start3A_163 = tpu.memref_slice %arg6[%arg0, %dma_start3A_161, %dma_start3A_162] : memref<2x10000x128xf32, #tpu.memory_space<hbm>> -> memref<1x64x128xf32, #tpu.memory_space<hbm>>
        %dma_start3A_164 = tpu.memref_squeeze %dma_start3A_163 : memref<1x64x128xf32, #tpu.memory_space<hbm>> -> memref<64x128xf32, #tpu.memory_space<hbm>>
        tpu.enqueue_dma source(%dma_start3A_164 : memref<64x128xf32, #tpu.memory_space<hbm>>) target(%dma_start3A_160 : memref<64x128xf32, #tpu.memory_space<vmem_shared>>) target_semaphore(%run_scoped3A : memref<!tpu.dma_semaphore, #tpu.memory_space<semaphore_mem>>)
        %dma_wait3A_165 = arith.constant 9544 : i32
        %dma_wait3A_166 = arith.constant 0 : i32
        %dma_wait3A_167 = tpu.memref_slice %arg8[%dma_wait3A_165, %dma_wait3A_166] : memref<10112x128xf32, #tpu.memory_space<vmem_shared>> -> memref<64x128xf32, #tpu.memory_space<vmem_shared>>
        %dma_wait3A_168 = arith.constant 9544 : i32
        %dma_wait3A_169 = arith.constant 0 : i32
        %dma_wait3A_170 = tpu.memref_slice %arg6[%arg0, %dma_wait3A_168, %dma_wait3A_169] : memref<2x10000x128xf32, #tpu.memory_space<hbm>> -> memref<1x64x128xf32, #tpu.memory_space<hbm>>
        %dma_wait3A_171 = tpu.memref_squeeze %dma_wait3A_170 : memref<1x64x128xf32, #tpu.memory_space<hbm>> -> memref<64x128xf32, #tpu.memory_space<hbm>>
        tpu.wait_dma2 semaphore(%run_scoped3A : memref<!tpu.dma_semaphore, #tpu.memory_space<semaphore_mem>>) src(%dma_wait3A_171 : memref<64x128xf32, #tpu.memory_space<hbm>>) dst(%dma_wait3A_167 : memref<64x128xf32, #tpu.memory_space<vmem_shared>>)
        tpu.yield
      }) : () -> ()
      "tpu.region"() ({
        %run_scoped3A = tpu.sem_alloc : memref<!tpu.dma_semaphore, #tpu.memory_space<semaphore_mem>>
        %dma_start3A_158 = arith.constant 9608 : i32
        %dma_start3A_159 = arith.constant 0 : i32
        %dma_start3A_160 = tpu.memref_slice %arg8[%dma_start3A_158, %dma_start3A_159] : memref<10112x128xf32, #tpu.memory_space<vmem_shared>> -> memref<64x128xf32, #tpu.memory_space<vmem_shared>>
        %dma_start3A_161 = arith.constant 9608 : i32
        %dma_start3A_162 = arith.constant 0 : i32
        %dma_start3A_163 = tpu.memref_slice %arg6[%arg0, %dma_start3A_161, %dma_start3A_162] : memref<2x10000x128xf32, #tpu.memory_space<hbm>> -> memref<1x64x128xf32, #tpu.memory_space<hbm>>
        %dma_start3A_164 = tpu.memref_squeeze %dma_start3A_163 : memref<1x64x128xf32, #tpu.memory_space<hbm>> -> memref<64x128xf32, #tpu.memory_space<hbm>>
        tpu.enqueue_dma source(%dma_start3A_164 : memref<64x128xf32, #tpu.memory_space<hbm>>) target(%dma_start3A_160 : memref<64x128xf32, #tpu.memory_space<vmem_shared>>) target_semaphore(%run_scoped3A : memref<!tpu.dma_semaphore, #tpu.memory_space<semaphore_mem>>)
        %dma_wait3A_165 = arith.constant 9608 : i32
        %dma_wait3A_166 = arith.constant 0 : i32
        %dma_wait3A_167 = tpu.memref_slice %arg8[%dma_wait3A_165, %dma_wait3A_166] : memref<10112x128xf32, #tpu.memory_space<vmem_shared>> -> memref<64x128xf32, #tpu.memory_space<vmem_shared>>
        %dma_wait3A_168 = arith.constant 9608 : i32
        %dma_wait3A_169 = arith.constant 0 : i32
        %dma_wait3A_170 = tpu.memref_slice %arg6[%arg0, %dma_wait3A_168, %dma_wait3A_169] : memref<2x10000x128xf32, #tpu.memory_space<hbm>> -> memref<1x64x128xf32, #tpu.memory_space<hbm>>
        %dma_wait3A_171 = tpu.memref_squeeze %dma_wait3A_170 : memref<1x64x128xf32, #tpu.memory_space<hbm>> -> memref<64x128xf32, #tpu.memory_space<hbm>>
        tpu.wait_dma2 semaphore(%run_scoped3A : memref<!tpu.dma_semaphore, #tpu.memory_space<semaphore_mem>>) src(%dma_wait3A_171 : memref<64x128xf32, #tpu.memory_space<hbm>>) dst(%dma_wait3A_167 : memref<64x128xf32, #tpu.memory_space<vmem_shared>>)
        tpu.yield
      }) : () -> ()
      "tpu.region"() ({
        %run_scoped3A = tpu.sem_alloc : memref<!tpu.dma_semaphore, #tpu.memory_space<semaphore_mem>>
        %dma_start3A_158 = arith.constant 9672 : i32
        %dma_start3A_159 = arith.constant 0 : i32
        %dma_start3A_160 = tpu.memref_slice %arg8[%dma_start3A_158, %dma_start3A_159] : memref<10112x128xf32, #tpu.memory_space<vmem_shared>> -> memref<64x128xf32, #tpu.memory_space<vmem_shared>>
        %dma_start3A_161 = arith.constant 9672 : i32
        %dma_start3A_162 = arith.constant 0 : i32
        %dma_start3A_163 = tpu.memref_slice %arg6[%arg0, %dma_start3A_161, %dma_start3A_162] : memref<2x10000x128xf32, #tpu.memory_space<hbm>> -> memref<1x64x128xf32, #tpu.memory_space<hbm>>
        %dma_start3A_164 = tpu.memref_squeeze %dma_start3A_163 : memref<1x64x128xf32, #tpu.memory_space<hbm>> -> memref<64x128xf32, #tpu.memory_space<hbm>>
        tpu.enqueue_dma source(%dma_start3A_164 : memref<64x128xf32, #tpu.memory_space<hbm>>) target(%dma_start3A_160 : memref<64x128xf32, #tpu.memory_space<vmem_shared>>) target_semaphore(%run_scoped3A : memref<!tpu.dma_semaphore, #tpu.memory_space<semaphore_mem>>)
        %dma_wait3A_165 = arith.constant 9672 : i32
        %dma_wait3A_166 = arith.constant 0 : i32
        %dma_wait3A_167 = tpu.memref_slice %arg8[%dma_wait3A_165, %dma_wait3A_166] : memref<10112x128xf32, #tpu.memory_space<vmem_shared>> -> memref<64x128xf32, #tpu.memory_space<vmem_shared>>
        %dma_wait3A_168 = arith.constant 9672 : i32
        %dma_wait3A_169 = arith.constant 0 : i32
        %dma_wait3A_170 = tpu.memref_slice %arg6[%arg0, %dma_wait3A_168, %dma_wait3A_169] : memref<2x10000x128xf32, #tpu.memory_space<hbm>> -> memref<1x64x128xf32, #tpu.memory_space<hbm>>
        %dma_wait3A_171 = tpu.memref_squeeze %dma_wait3A_170 : memref<1x64x128xf32, #tpu.memory_space<hbm>> -> memref<64x128xf32, #tpu.memory_space<hbm>>
        tpu.wait_dma2 semaphore(%run_scoped3A : memref<!tpu.dma_semaphore, #tpu.memory_space<semaphore_mem>>) src(%dma_wait3A_171 : memref<64x128xf32, #tpu.memory_space<hbm>>) dst(%dma_wait3A_167 : memref<64x128xf32, #tpu.memory_space<vmem_shared>>)
        tpu.yield
      }) : () -> ()
      "tpu.region"() ({
        %run_scoped3A = tpu.sem_alloc : memref<!tpu.dma_semaphore, #tpu.memory_space<semaphore_mem>>
        %dma_start3A_158 = arith.constant 9736 : i32
        %dma_start3A_159 = arith.constant 0 : i32
        %dma_start3A_160 = tpu.memref_slice %arg8[%dma_start3A_158, %dma_start3A_159] : memref<10112x128xf32, #tpu.memory_space<vmem_shared>> -> memref<64x128xf32, #tpu.memory_space<vmem_shared>>
        %dma_start3A_161 = arith.constant 9736 : i32
        %dma_start3A_162 = arith.constant 0 : i32
        %dma_start3A_163 = tpu.memref_slice %arg6[%arg0, %dma_start3A_161, %dma_start3A_162] : memref<2x10000x128xf32, #tpu.memory_space<hbm>> -> memref<1x64x128xf32, #tpu.memory_space<hbm>>
        %dma_start3A_164 = tpu.memref_squeeze %dma_start3A_163 : memref<1x64x128xf32, #tpu.memory_space<hbm>> -> memref<64x128xf32, #tpu.memory_space<hbm>>
        tpu.enqueue_dma source(%dma_start3A_164 : memref<64x128xf32, #tpu.memory_space<hbm>>) target(%dma_start3A_160 : memref<64x128xf32, #tpu.memory_space<vmem_shared>>) target_semaphore(%run_scoped3A : memref<!tpu.dma_semaphore, #tpu.memory_space<semaphore_mem>>)
        %dma_wait3A_165 = arith.constant 9736 : i32
        %dma_wait3A_166 = arith.constant 0 : i32
        %dma_wait3A_167 = tpu.memref_slice %arg8[%dma_wait3A_165, %dma_wait3A_166] : memref<10112x128xf32, #tpu.memory_space<vmem_shared>> -> memref<64x128xf32, #tpu.memory_space<vmem_shared>>
        %dma_wait3A_168 = arith.constant 9736 : i32
        %dma_wait3A_169 = arith.constant 0 : i32
        %dma_wait3A_170 = tpu.memref_slice %arg6[%arg0, %dma_wait3A_168, %dma_wait3A_169] : memref<2x10000x128xf32, #tpu.memory_space<hbm>> -> memref<1x64x128xf32, #tpu.memory_space<hbm>>
        %dma_wait3A_171 = tpu.memref_squeeze %dma_wait3A_170 : memref<1x64x128xf32, #tpu.memory_space<hbm>> -> memref<64x128xf32, #tpu.memory_space<hbm>>
        tpu.wait_dma2 semaphore(%run_scoped3A : memref<!tpu.dma_semaphore, #tpu.memory_space<semaphore_mem>>) src(%dma_wait3A_171 : memref<64x128xf32, #tpu.memory_space<hbm>>) dst(%dma_wait3A_167 : memref<64x128xf32, #tpu.memory_space<vmem_shared>>)
        tpu.yield
      }) : () -> ()
      "tpu.region"() ({
        %run_scoped3A = tpu.sem_alloc : memref<!tpu.dma_semaphore, #tpu.memory_space<semaphore_mem>>
        %dma_start3A_158 = arith.constant 9800 : i32
        %dma_start3A_159 = arith.constant 0 : i32
        %dma_start3A_160 = tpu.memref_slice %arg8[%dma_start3A_158, %dma_start3A_159] : memref<10112x128xf32, #tpu.memory_space<vmem_shared>> -> memref<64x128xf32, #tpu.memory_space<vmem_shared>>
        %dma_start3A_161 = arith.constant 9800 : i32
        %dma_start3A_162 = arith.constant 0 : i32
        %dma_start3A_163 = tpu.memref_slice %arg6[%arg0, %dma_start3A_161, %dma_start3A_162] : memref<2x10000x128xf32, #tpu.memory_space<hbm>> -> memref<1x64x128xf32, #tpu.memory_space<hbm>>
        %dma_start3A_164 = tpu.memref_squeeze %dma_start3A_163 : memref<1x64x128xf32, #tpu.memory_space<hbm>> -> memref<64x128xf32, #tpu.memory_space<hbm>>
        tpu.enqueue_dma source(%dma_start3A_164 : memref<64x128xf32, #tpu.memory_space<hbm>>) target(%dma_start3A_160 : memref<64x128xf32, #tpu.memory_space<vmem_shared>>) target_semaphore(%run_scoped3A : memref<!tpu.dma_semaphore, #tpu.memory_space<semaphore_mem>>)
        %dma_wait3A_165 = arith.constant 9800 : i32
        %dma_wait3A_166 = arith.constant 0 : i32
        %dma_wait3A_167 = tpu.memref_slice %arg8[%dma_wait3A_165, %dma_wait3A_166] : memref<10112x128xf32, #tpu.memory_space<vmem_shared>> -> memref<64x128xf32, #tpu.memory_space<vmem_shared>>
        %dma_wait3A_168 = arith.constant 9800 : i32
        %dma_wait3A_169 = arith.constant 0 : i32
        %dma_wait3A_170 = tpu.memref_slice %arg6[%arg0, %dma_wait3A_168, %dma_wait3A_169] : memref<2x10000x128xf32, #tpu.memory_space<hbm>> -> memref<1x64x128xf32, #tpu.memory_space<hbm>>
        %dma_wait3A_171 = tpu.memref_squeeze %dma_wait3A_170 : memref<1x64x128xf32, #tpu.memory_space<hbm>> -> memref<64x128xf32, #tpu.memory_space<hbm>>
        tpu.wait_dma2 semaphore(%run_scoped3A : memref<!tpu.dma_semaphore, #tpu.memory_space<semaphore_mem>>) src(%dma_wait3A_171 : memref<64x128xf32, #tpu.memory_space<hbm>>) dst(%dma_wait3A_167 : memref<64x128xf32, #tpu.memory_space<vmem_shared>>)
        tpu.yield
      }) : () -> ()
      "tpu.region"() ({
        %run_scoped3A = tpu.sem_alloc : memref<!tpu.dma_semaphore, #tpu.memory_space<semaphore_mem>>
        %dma_start3A_158 = arith.constant 9864 : i32
        %dma_start3A_159 = arith.constant 0 : i32
        %dma_start3A_160 = tpu.memref_slice %arg8[%dma_start3A_158, %dma_start3A_159] : memref<10112x128xf32, #tpu.memory_space<vmem_shared>> -> memref<64x128xf32, #tpu.memory_space<vmem_shared>>
        %dma_start3A_161 = arith.constant 9864 : i32
        %dma_start3A_162 = arith.constant 0 : i32
        %dma_start3A_163 = tpu.memref_slice %arg6[%arg0, %dma_start3A_161, %dma_start3A_162] : memref<2x10000x128xf32, #tpu.memory_space<hbm>> -> memref<1x64x128xf32, #tpu.memory_space<hbm>>
        %dma_start3A_164 = tpu.memref_squeeze %dma_start3A_163 : memref<1x64x128xf32, #tpu.memory_space<hbm>> -> memref<64x128xf32, #tpu.memory_space<hbm>>
        tpu.enqueue_dma source(%dma_start3A_164 : memref<64x128xf32, #tpu.memory_space<hbm>>) target(%dma_start3A_160 : memref<64x128xf32, #tpu.memory_space<vmem_shared>>) target_semaphore(%run_scoped3A : memref<!tpu.dma_semaphore, #tpu.memory_space<semaphore_mem>>)
        %dma_wait3A_165 = arith.constant 9864 : i32
        %dma_wait3A_166 = arith.constant 0 : i32
        %dma_wait3A_167 = tpu.memref_slice %arg8[%dma_wait3A_165, %dma_wait3A_166] : memref<10112x128xf32, #tpu.memory_space<vmem_shared>> -> memref<64x128xf32, #tpu.memory_space<vmem_shared>>
        %dma_wait3A_168 = arith.constant 9864 : i32
        %dma_wait3A_169 = arith.constant 0 : i32
        %dma_wait3A_170 = tpu.memref_slice %arg6[%arg0, %dma_wait3A_168, %dma_wait3A_169] : memref<2x10000x128xf32, #tpu.memory_space<hbm>> -> memref<1x64x128xf32, #tpu.memory_space<hbm>>
        %dma_wait3A_171 = tpu.memref_squeeze %dma_wait3A_170 : memref<1x64x128xf32, #tpu.memory_space<hbm>> -> memref<64x128xf32, #tpu.memory_space<hbm>>
        tpu.wait_dma2 semaphore(%run_scoped3A : memref<!tpu.dma_semaphore, #tpu.memory_space<semaphore_mem>>) src(%dma_wait3A_171 : memref<64x128xf32, #tpu.memory_space<hbm>>) dst(%dma_wait3A_167 : memref<64x128xf32, #tpu.memory_space<vmem_shared>>)
        tpu.yield
      }) : () -> ()
      "tpu.region"() ({
        %run_scoped3A = tpu.sem_alloc : memref<!tpu.dma_semaphore, #tpu.memory_space<semaphore_mem>>
        %dma_start3A_158 = arith.constant 9928 : i32
        %dma_start3A_159 = arith.constant 0 : i32
        %dma_start3A_160 = tpu.memref_slice %arg8[%dma_start3A_158, %dma_start3A_159] : memref<10112x128xf32, #tpu.memory_space<vmem_shared>> -> memref<64x128xf32, #tpu.memory_space<vmem_shared>>
        %dma_start3A_161 = arith.constant 9928 : i32
        %dma_start3A_162 = arith.constant 0 : i32
        %dma_start3A_163 = tpu.memref_slice %arg6[%arg0, %dma_start3A_161, %dma_start3A_162] : memref<2x10000x128xf32, #tpu.memory_space<hbm>> -> memref<1x64x128xf32, #tpu.memory_space<hbm>>
        %dma_start3A_164 = tpu.memref_squeeze %dma_start3A_163 : memref<1x64x128xf32, #tpu.memory_space<hbm>> -> memref<64x128xf32, #tpu.memory_space<hbm>>
        tpu.enqueue_dma source(%dma_start3A_164 : memref<64x128xf32, #tpu.memory_space<hbm>>) target(%dma_start3A_160 : memref<64x128xf32, #tpu.memory_space<vmem_shared>>) target_semaphore(%run_scoped3A : memref<!tpu.dma_semaphore, #tpu.memory_space<semaphore_mem>>)
        %dma_wait3A_165 = arith.constant 9928 : i32
        %dma_wait3A_166 = arith.constant 0 : i32
        %dma_wait3A_167 = tpu.memref_slice %arg8[%dma_wait3A_165, %dma_wait3A_166] : memref<10112x128xf32, #tpu.memory_space<vmem_shared>> -> memref<64x128xf32, #tpu.memory_space<vmem_shared>>
        %dma_wait3A_168 = arith.constant 9928 : i32
        %dma_wait3A_169 = arith.constant 0 : i32
        %dma_wait3A_170 = tpu.memref_slice %arg6[%arg0, %dma_wait3A_168, %dma_wait3A_169] : memref<2x10000x128xf32, #tpu.memory_space<hbm>> -> memref<1x64x128xf32, #tpu.memory_space<hbm>>
        %dma_wait3A_171 = tpu.memref_squeeze %dma_wait3A_170 : memref<1x64x128xf32, #tpu.memory_space<hbm>> -> memref<64x128xf32, #tpu.memory_space<hbm>>
        tpu.wait_dma2 semaphore(%run_scoped3A : memref<!tpu.dma_semaphore, #tpu.memory_space<semaphore_mem>>) src(%dma_wait3A_171 : memref<64x128xf32, #tpu.memory_space<hbm>>) dst(%dma_wait3A_167 : memref<64x128xf32, #tpu.memory_space<vmem_shared>>)
        tpu.yield
      }) : () -> ()
      "tpu.region"() ({
        %run_scoped3A = tpu.sem_alloc : memref<!tpu.dma_semaphore, #tpu.memory_space<semaphore_mem>>
        %dma_start3A_158 = arith.constant 9992 : i32
        %dma_start3A_159 = arith.constant 0 : i32
        %dma_start3A_160 = tpu.memref_slice %arg8[%dma_start3A_158, %dma_start3A_159] : memref<10112x128xf32, #tpu.memory_space<vmem_shared>> -> memref<8x128xf32, #tpu.memory_space<vmem_shared>>
        %dma_start3A_161 = arith.constant 9992 : i32
        %dma_start3A_162 = arith.constant 0 : i32
        %dma_start3A_163 = tpu.memref_slice %arg6[%arg0, %dma_start3A_161, %dma_start3A_162] : memref<2x10000x128xf32, #tpu.memory_space<hbm>> -> memref<1x8x128xf32, #tpu.memory_space<hbm>>
        %dma_start3A_164 = tpu.memref_squeeze %dma_start3A_163 : memref<1x8x128xf32, #tpu.memory_space<hbm>> -> memref<8x128xf32, #tpu.memory_space<hbm>>
        tpu.enqueue_dma source(%dma_start3A_164 : memref<8x128xf32, #tpu.memory_space<hbm>>) target(%dma_start3A_160 : memref<8x128xf32, #tpu.memory_space<vmem_shared>>) target_semaphore(%run_scoped3A : memref<!tpu.dma_semaphore, #tpu.memory_space<semaphore_mem>>)
        %dma_wait3A_165 = arith.constant 9992 : i32
        %dma_wait3A_166 = arith.constant 0 : i32
        %dma_wait3A_167 = tpu.memref_slice %arg8[%dma_wait3A_165, %dma_wait3A_166] : memref<10112x128xf32, #tpu.memory_space<vmem_shared>> -> memref<8x128xf32, #tpu.memory_space<vmem_shared>>
        %dma_wait3A_168 = arith.constant 9992 : i32
        %dma_wait3A_169 = arith.constant 0 : i32
        %dma_wait3A_170 = tpu.memref_slice %arg6[%arg0, %dma_wait3A_168, %dma_wait3A_169] : memref<2x10000x128xf32, #tpu.memory_space<hbm>> -> memref<1x8x128xf32, #tpu.memory_space<hbm>>
        %dma_wait3A_171 = tpu.memref_squeeze %dma_wait3A_170 : memref<1x8x128xf32, #tpu.memory_space<hbm>> -> memref<8x128xf32, #tpu.memory_space<hbm>>
        tpu.wait_dma2 semaphore(%run_scoped3A : memref<!tpu.dma_semaphore, #tpu.memory_space<semaphore_mem>>) src(%dma_wait3A_171 : memref<8x128xf32, #tpu.memory_space<hbm>>) dst(%dma_wait3A_167 : memref<8x128xf32, #tpu.memory_space<vmem_shared>>)
        tpu.yield
      }) : () -> ()
    } else {
    }
    %barrier3A = arith.constant 0 : index
    tpu.barrier barrier_id(%barrier3A)
    %mul3A_9 = arith.constant 10000 : i32
    %mul3A_10 = arith.muli %arg1, %mul3A_9 : i32
    %mul3A_11 = arith.constant 160000 : i32
    %mul3A_12 = arith.muli %arg0, %mul3A_11 : i32
    %add3A = arith.addi %mul3A_12, %mul3A_10 : i32
    %add3A_13 = arith.constant 0 : i32
    %add3A_14 = arith.addi %add3A, %add3A_13 : i32
    %dma_start3A = tpu.memref_slice %arg4[%add3A_14] : memref<320000xi32, #tpu.memory_space<hbm>> -> memref<64xi32, #tpu.memory_space<hbm>>
    %dma_start3A_15 = tpu.memref_slice %arg4[%add3A_14] : memref<320000xi32, #tpu.memory_space<hbm>> -> memref<64xi32, #tpu.memory_space<hbm>>
    tpu.enqueue_dma source(%dma_start3A_15 : memref<64xi32, #tpu.memory_space<hbm>>) target(%arg9 : memref<64xi32, #tpu.memory_space<vmem>>) target_semaphore(%arg23 : memref<!tpu.dma_semaphore, #tpu.memory_space<semaphore_mem>>)
    %dma_start3A_16 = tpu.memref_slice %arg5[%add3A_14] : memref<320000xi32, #tpu.memory_space<hbm>> -> memref<64xi32, #tpu.memory_space<hbm>>
    %dma_start3A_17 = tpu.memref_slice %arg5[%add3A_14] : memref<320000xi32, #tpu.memory_space<hbm>> -> memref<64xi32, #tpu.memory_space<hbm>>
    tpu.enqueue_dma source(%dma_start3A_17 : memref<64xi32, #tpu.memory_space<hbm>>) target(%arg13 : memref<64xi32, #tpu.memory_space<vmem>>) target_semaphore(%arg27 : memref<!tpu.dma_semaphore, #tpu.memory_space<semaphore_mem>>)
    %mul3A_18 = arith.constant 160000 : i32
    %mul3A_19 = arith.muli %arg0, %mul3A_18 : i32
    %add3A_20 = arith.addi %mul3A_19, %mul3A_10 : i32
    %add3A_21 = arith.constant 64 : i32
    %add3A_22 = arith.addi %add3A_20, %add3A_21 : i32
    %dma_start3A_23 = tpu.memref_slice %arg4[%add3A_22] : memref<320000xi32, #tpu.memory_space<hbm>> -> memref<64xi32, #tpu.memory_space<hbm>>
    %dma_start3A_24 = tpu.memref_slice %arg4[%add3A_22] : memref<320000xi32, #tpu.memory_space<hbm>> -> memref<64xi32, #tpu.memory_space<hbm>>
    tpu.enqueue_dma source(%dma_start3A_24 : memref<64xi32, #tpu.memory_space<hbm>>) target(%arg10 : memref<64xi32, #tpu.memory_space<vmem>>) target_semaphore(%arg24 : memref<!tpu.dma_semaphore, #tpu.memory_space<semaphore_mem>>)
    %dma_start3A_25 = tpu.memref_slice %arg5[%add3A_22] : memref<320000xi32, #tpu.memory_space<hbm>> -> memref<64xi32, #tpu.memory_space<hbm>>
    %dma_start3A_26 = tpu.memref_slice %arg5[%add3A_22] : memref<320000xi32, #tpu.memory_space<hbm>> -> memref<64xi32, #tpu.memory_space<hbm>>
    tpu.enqueue_dma source(%dma_start3A_26 : memref<64xi32, #tpu.memory_space<hbm>>) target(%arg14 : memref<64xi32, #tpu.memory_space<vmem>>) target_semaphore(%arg28 : memref<!tpu.dma_semaphore, #tpu.memory_space<semaphore_mem>>)
    %mul3A_27 = arith.constant 160000 : i32
    %mul3A_28 = arith.muli %arg0, %mul3A_27 : i32
    %add3A_29 = arith.addi %mul3A_28, %mul3A_10 : i32
    %add3A_30 = arith.constant 0 : i32
    %add3A_31 = arith.addi %add3A_29, %add3A_30 : i32
    %dma_start3A_32 = arith.constant 0 : i32
    %dma_start3A_33 = tpu.memref_slice %arg3[%add3A_31, %dma_start3A_32] : memref<320000x128xf32, #tpu.memory_space<hbm>> -> memref<64x128xf32, #tpu.memory_space<hbm>>
    %dma_start3A_34 = arith.constant 0 : i32
    %dma_start3A_35 = tpu.memref_slice %arg3[%add3A_31, %dma_start3A_34] : memref<320000x128xf32, #tpu.memory_space<hbm>> -> memref<64x128xf32, #tpu.memory_space<hbm>>
    tpu.enqueue_dma source(%dma_start3A_35 : memref<64x128xf32, #tpu.memory_space<hbm>>) target(%arg19 : memref<64x128xf32, #tpu.memory_space<vmem>>) target_semaphore(%arg35 : memref<!tpu.dma_semaphore, #tpu.memory_space<semaphore_mem>>)
    %mul3A_36 = arith.constant 160000 : i32
    %mul3A_37 = arith.muli %arg0, %mul3A_36 : i32
    %add3A_38 = arith.addi %mul3A_37, %mul3A_10 : i32
    %add3A_39 = arith.constant 64 : i32
    %add3A_40 = arith.addi %add3A_38, %add3A_39 : i32
    %dma_start3A_41 = arith.constant 0 : i32
    %dma_start3A_42 = tpu.memref_slice %arg3[%add3A_40, %dma_start3A_41] : memref<320000x128xf32, #tpu.memory_space<hbm>> -> memref<64x128xf32, #tpu.memory_space<hbm>>
    %dma_start3A_43 = arith.constant 0 : i32
    %dma_start3A_44 = tpu.memref_slice %arg3[%add3A_40, %dma_start3A_43] : memref<320000x128xf32, #tpu.memory_space<hbm>> -> memref<64x128xf32, #tpu.memory_space<hbm>>
    tpu.enqueue_dma source(%dma_start3A_44 : memref<64x128xf32, #tpu.memory_space<hbm>>) target(%arg20 : memref<64x128xf32, #tpu.memory_space<vmem>>) target_semaphore(%arg36 : memref<!tpu.dma_semaphore, #tpu.memory_space<semaphore_mem>>)
    %dma_wait3A = arith.constant 0 : i32
    %dma_wait3A_45 = tpu.memref_slice %arg4[%dma_wait3A] : memref<320000xi32, #tpu.memory_space<hbm>> -> memref<64xi32, #tpu.memory_space<hbm>>
    %dma_wait3A_46 = arith.constant 0 : i32
    %dma_wait3A_47 = tpu.memref_slice %arg4[%dma_wait3A_46] : memref<320000xi32, #tpu.memory_space<hbm>> -> memref<64xi32, #tpu.memory_space<hbm>>
    tpu.wait_dma2 semaphore(%arg23 : memref<!tpu.dma_semaphore, #tpu.memory_space<semaphore_mem>>) src(%dma_wait3A_47 : memref<64xi32, #tpu.memory_space<hbm>>) dst(%arg9 : memref<64xi32, #tpu.memory_space<vmem>>)
    %dma_wait3A_48 = arith.constant 0 : i32
    %dma_wait3A_49 = tpu.memref_slice %arg5[%dma_wait3A_48] : memref<320000xi32, #tpu.memory_space<hbm>> -> memref<64xi32, #tpu.memory_space<hbm>>
    %dma_wait3A_50 = arith.constant 0 : i32
    %dma_wait3A_51 = tpu.memref_slice %arg5[%dma_wait3A_50] : memref<320000xi32, #tpu.memory_space<hbm>> -> memref<64xi32, #tpu.memory_space<hbm>>
    tpu.wait_dma2 semaphore(%arg27 : memref<!tpu.dma_semaphore, #tpu.memory_space<semaphore_mem>>) src(%dma_wait3A_51 : memref<64xi32, #tpu.memory_space<hbm>>) dst(%arg13 : memref<64xi32, #tpu.memory_space<vmem>>)
    %get3A = arith.constant 0 : index
    %get3A_52 = tpu.vector_load %arg9[%get3A] {strides = array<i32>} : memref<64xi32, #tpu.memory_space<vmem>>, vector<16xi32>,
    %get3A_53 = vector.shape_cast %get3A_52 : vector<16xi32> to vector<16xi32>
    %add3A_54 = vector.broadcast %mul3A_0 : i32 to vector<16xi32>
    %add3A_55 = arith.addi %get3A_53, %add3A_54 : vector<16xi32>
    %swap3A = arith.constant 0 : index
    %swap3A_56 = tpu.vector_load %arg9[%swap3A] {strides = array<i32>} : memref<64xi32, #tpu.memory_space<vmem>>, vector<16xi32>,
    %swap3A_57 = vector.shape_cast %swap3A_56 : vector<16xi32> to vector<16xi32>
    %swap3A_58 = vector.shape_cast %add3A_55 : vector<16xi32> to vector<16xi32>
    tpu.vector_store %arg9[%swap3A], %swap3A_58 {strides = array<i32>} : memref<64xi32, #tpu.memory_space<vmem>>, vector<16xi32>,
    %get3A_59 = arith.constant 16 : index
    %get3A_60 = tpu.vector_load %arg9[%get3A_59] {strides = array<i32>} : memref<64xi32, #tpu.memory_space<vmem>>, vector<16xi32>,
    %get3A_61 = vector.shape_cast %get3A_60 : vector<16xi32> to vector<16xi32>
    %add3A_62 = vector.broadcast %mul3A_0 : i32 to vector<16xi32>
    %add3A_63 = arith.addi %get3A_61, %add3A_62 : vector<16xi32>
    %swap3A_64 = arith.constant 16 : index
    %swap3A_65 = tpu.vector_load %arg9[%swap3A_64] {strides = array<i32>} : memref<64xi32, #tpu.memory_space<vmem>>, vector<16xi32>,
    %swap3A_66 = vector.shape_cast %swap3A_65 : vector<16xi32> to vector<16xi32>
    %swap3A_67 = vector.shape_cast %add3A_63 : vector<16xi32> to vector<16xi32>
    tpu.vector_store %arg9[%swap3A_64], %swap3A_67 {strides = array<i32>} : memref<64xi32, #tpu.memory_space<vmem>>, vector<16xi32>,
    %get3A_68 = arith.constant 32 : index
    %get3A_69 = tpu.vector_load %arg9[%get3A_68] {strides = array<i32>} : memref<64xi32, #tpu.memory_space<vmem>>, vector<16xi32>,
    %get3A_70 = vector.shape_cast %get3A_69 : vector<16xi32> to vector<16xi32>
    %add3A_71 = vector.broadcast %mul3A_0 : i32 to vector<16xi32>
    %add3A_72 = arith.addi %get3A_70, %add3A_71 : vector<16xi32>
    %swap3A_73 = arith.constant 32 : index
    %swap3A_74 = tpu.vector_load %arg9[%swap3A_73] {strides = array<i32>} : memref<64xi32, #tpu.memory_space<vmem>>, vector<16xi32>,
    %swap3A_75 = vector.shape_cast %swap3A_74 : vector<16xi32> to vector<16xi32>
    %swap3A_76 = vector.shape_cast %add3A_72 : vector<16xi32> to vector<16xi32>
    tpu.vector_store %arg9[%swap3A_73], %swap3A_76 {strides = array<i32>} : memref<64xi32, #tpu.memory_space<vmem>>, vector<16xi32>,
    %get3A_77 = arith.constant 48 : index
    %get3A_78 = tpu.vector_load %arg9[%get3A_77] {strides = array<i32>} : memref<64xi32, #tpu.memory_space<vmem>>, vector<16xi32>,
    %get3A_79 = vector.shape_cast %get3A_78 : vector<16xi32> to vector<16xi32>
    %add3A_80 = vector.broadcast %mul3A_0 : i32 to vector<16xi32>
    %add3A_81 = arith.addi %get3A_79, %add3A_80 : vector<16xi32>
    %swap3A_82 = arith.constant 48 : index
    %swap3A_83 = tpu.vector_load %arg9[%swap3A_82] {strides = array<i32>} : memref<64xi32, #tpu.memory_space<vmem>>, vector<16xi32>,
    %swap3A_84 = vector.shape_cast %swap3A_83 : vector<16xi32> to vector<16xi32>
    %swap3A_85 = vector.shape_cast %add3A_81 : vector<16xi32> to vector<16xi32>
    tpu.vector_store %arg9[%swap3A_82], %swap3A_85 {strides = array<i32>} : memref<64xi32, #tpu.memory_space<vmem>>, vector<16xi32>,
    %dma_wait3A_86 = arith.constant 0 : i32
    %dma_wait3A_87 = arith.constant 0 : i32
    %dma_wait3A_88 = tpu.memref_slice %arg3[%dma_wait3A_86, %dma_wait3A_87] : memref<320000x128xf32, #tpu.memory_space<hbm>> -> memref<64x128xf32, #tpu.memory_space<hbm>>
    %dma_wait3A_89 = arith.constant 0 : i32
    %dma_wait3A_90 = arith.constant 0 : i32
    %dma_wait3A_91 = tpu.memref_slice %arg3[%dma_wait3A_89, %dma_wait3A_90] : memref<320000x128xf32, #tpu.memory_space<hbm>> -> memref<64x128xf32, #tpu.memory_space<hbm>>
    tpu.wait_dma2 semaphore(%arg35 : memref<!tpu.dma_semaphore, #tpu.memory_space<semaphore_mem>>) src(%dma_wait3A_91 : memref<64x128xf32, #tpu.memory_space<hbm>>) dst(%arg19 : memref<64x128xf32, #tpu.memory_space<vmem>>)
    %dma_start3A_92 = arith.constant 0 : i32
    %dma_start3A_93 = arith.constant 0 : i32
    %dma_start3A_94 = tpu.memref_slice %arg2[%dma_start3A_92, %dma_start3A_93] : memref<20000x128xf32, #tpu.memory_space<hbm>> -> memref<20000x128xf32, #tpu.memory_space<hbm>>
    tpu.enqueue_indirect_dma source(%dma_start3A_94 : memref<20000x128xf32, #tpu.memory_space<hbm>>) target(%arg19 : memref<64x128xf32, #tpu.memory_space<vmem>>) offsets(%arg9 : memref<64xi32, #tpu.memory_space<vmem>>) semaphore(%arg31 : memref<!tpu.dma_semaphore, #tpu.memory_space<semaphore_mem>>) {add = true}
    %scan3A = arith.constant 0 : i32
    %scan3A_95 = arith.constant 0 : i32
    %scan3A_96 = arith.constant 39 : i32
    %scan3A_97 = arith.addi %scan3A_95, %scan3A_96 : i32
    %scan3A_98 = arith.constant 1 : i32
    scf.for %scan3A_158 = %scan3A_95 to %scan3A_97 step %scan3A_98  : i32 {
      %mul3A_159 = arith.constant 4 : i32
      %mul3A_160 = arith.muli %scan3A_158, %mul3A_159 : i32
      %add3A_161 = arith.constant 0 : i32
      %add3A_162 = arith.addi %mul3A_160, %add3A_161 : i32
      %add3A_163 = arith.constant 1 : i32
      %add3A_164 = arith.addi %add3A_162, %add3A_163 : i32
      %lt3A_165 = arith.constant 156 : i32
      %lt3A_166 = arith.cmpi slt, %add3A_164, %lt3A_165 : i32
      %convert_element_type3A_167 = arith.extui %lt3A_166 : i1 to i32
      %cond3A_168 = arith.constant 0 : i32
      %cond3A_169 = arith.cmpi ne, %convert_element_type3A_167, %cond3A_168 : i32
      scf.if %cond3A_169 {
        %dma_wait3A_317 = arith.constant 0 : i32
        %dma_wait3A_318 = tpu.memref_slice %arg4[%dma_wait3A_317] : memref<320000xi32, #tpu.memory_space<hbm>> -> memref<64xi32, #tpu.memory_space<hbm>>
        %dma_wait3A_319 = arith.constant 0 : i32
        %dma_wait3A_320 = tpu.memref_slice %arg4[%dma_wait3A_319] : memref<320000xi32, #tpu.memory_space<hbm>> -> memref<64xi32, #tpu.memory_space<hbm>>
        tpu.wait_dma2 semaphore(%arg24 : memref<!tpu.dma_semaphore, #tpu.memory_space<semaphore_mem>>) src(%dma_wait3A_320 : memref<64xi32, #tpu.memory_space<hbm>>) dst(%arg10 : memref<64xi32, #tpu.memory_space<vmem>>)
        %dma_wait3A_321 = arith.constant 0 : i32
        %dma_wait3A_322 = tpu.memref_slice %arg5[%dma_wait3A_321] : memref<320000xi32, #tpu.memory_space<hbm>> -> memref<64xi32, #tpu.memory_space<hbm>>
        %dma_wait3A_323 = arith.constant 0 : i32
        %dma_wait3A_324 = tpu.memref_slice %arg5[%dma_wait3A_323] : memref<320000xi32, #tpu.memory_space<hbm>> -> memref<64xi32, #tpu.memory_space<hbm>>
        tpu.wait_dma2 semaphore(%arg28 : memref<!tpu.dma_semaphore, #tpu.memory_space<semaphore_mem>>) src(%dma_wait3A_324 : memref<64xi32, #tpu.memory_space<hbm>>) dst(%arg14 : memref<64xi32, #tpu.memory_space<vmem>>)
        %get3A_325 = arith.constant 0 : index
        %get3A_326 = tpu.vector_load %arg10[%get3A_325] {strides = array<i32>} : memref<64xi32, #tpu.memory_space<vmem>>, vector<16xi32>,
        %get3A_327 = vector.shape_cast %get3A_326 : vector<16xi32> to vector<16xi32>
        %add3A_328 = vector.broadcast %mul3A_0 : i32 to vector<16xi32>
        %add3A_329 = arith.addi %get3A_327, %add3A_328 : vector<16xi32>
        %swap3A_330 = arith.constant 0 : index
        %swap3A_331 = tpu.vector_load %arg10[%swap3A_330] {strides = array<i32>} : memref<64xi32, #tpu.memory_space<vmem>>, vector<16xi32>,
        %swap3A_332 = vector.shape_cast %swap3A_331 : vector<16xi32> to vector<16xi32>
        %swap3A_333 = vector.shape_cast %add3A_329 : vector<16xi32> to vector<16xi32>
        tpu.vector_store %arg10[%swap3A_330], %swap3A_333 {strides = array<i32>} : memref<64xi32, #tpu.memory_space<vmem>>, vector<16xi32>,
        %get3A_334 = arith.constant 16 : index
        %get3A_335 = tpu.vector_load %arg10[%get3A_334] {strides = array<i32>} : memref<64xi32, #tpu.memory_space<vmem>>, vector<16xi32>,
        %get3A_336 = vector.shape_cast %get3A_335 : vector<16xi32> to vector<16xi32>
        %add3A_337 = vector.broadcast %mul3A_0 : i32 to vector<16xi32>
        %add3A_338 = arith.addi %get3A_336, %add3A_337 : vector<16xi32>
        %swap3A_339 = arith.constant 16 : index
        %swap3A_340 = tpu.vector_load %arg10[%swap3A_339] {strides = array<i32>} : memref<64xi32, #tpu.memory_space<vmem>>, vector<16xi32>,
        %swap3A_341 = vector.shape_cast %swap3A_340 : vector<16xi32> to vector<16xi32>
        %swap3A_342 = vector.shape_cast %add3A_338 : vector<16xi32> to vector<16xi32>
        tpu.vector_store %arg10[%swap3A_339], %swap3A_342 {strides = array<i32>} : memref<64xi32, #tpu.memory_space<vmem>>, vector<16xi32>,
        %get3A_343 = arith.constant 32 : index
        %get3A_344 = tpu.vector_load %arg10[%get3A_343] {strides = array<i32>} : memref<64xi32, #tpu.memory_space<vmem>>, vector<16xi32>,
        %get3A_345 = vector.shape_cast %get3A_344 : vector<16xi32> to vector<16xi32>
        %add3A_346 = vector.broadcast %mul3A_0 : i32 to vector<16xi32>
        %add3A_347 = arith.addi %get3A_345, %add3A_346 : vector<16xi32>
        %swap3A_348 = arith.constant 32 : index
        %swap3A_349 = tpu.vector_load %arg10[%swap3A_348] {strides = array<i32>} : memref<64xi32, #tpu.memory_space<vmem>>, vector<16xi32>,
        %swap3A_350 = vector.shape_cast %swap3A_349 : vector<16xi32> to vector<16xi32>
        %swap3A_351 = vector.shape_cast %add3A_347 : vector<16xi32> to vector<16xi32>
        tpu.vector_store %arg10[%swap3A_348], %swap3A_351 {strides = array<i32>} : memref<64xi32, #tpu.memory_space<vmem>>, vector<16xi32>,
        %get3A_352 = arith.constant 48 : index
        %get3A_353 = tpu.vector_load %arg10[%get3A_352] {strides = array<i32>} : memref<64xi32, #tpu.memory_space<vmem>>, vector<16xi32>,
        %get3A_354 = vector.shape_cast %get3A_353 : vector<16xi32> to vector<16xi32>
        %add3A_355 = vector.broadcast %mul3A_0 : i32 to vector<16xi32>
        %add3A_356 = arith.addi %get3A_354, %add3A_355 : vector<16xi32>
        %swap3A_357 = arith.constant 48 : index
        %swap3A_358 = tpu.vector_load %arg10[%swap3A_357] {strides = array<i32>} : memref<64xi32, #tpu.memory_space<vmem>>, vector<16xi32>,
        %swap3A_359 = vector.shape_cast %swap3A_358 : vector<16xi32> to vector<16xi32>
        %swap3A_360 = vector.shape_cast %add3A_356 : vector<16xi32> to vector<16xi32>
        tpu.vector_store %arg10[%swap3A_357], %swap3A_360 {strides = array<i32>} : memref<64xi32, #tpu.memory_space<vmem>>, vector<16xi32>,
        %dma_wait3A_361 = arith.constant 0 : i32
        %dma_wait3A_362 = arith.constant 0 : i32
        %dma_wait3A_363 = tpu.memref_slice %arg3[%dma_wait3A_361, %dma_wait3A_362] : memref<320000x128xf32, #tpu.memory_space<hbm>> -> memref<64x128xf32, #tpu.memory_space<hbm>>
        %dma_wait3A_364 = arith.constant 0 : i32
        %dma_wait3A_365 = arith.constant 0 : i32
        %dma_wait3A_366 = tpu.memref_slice %arg3[%dma_wait3A_364, %dma_wait3A_365] : memref<320000x128xf32, #tpu.memory_space<hbm>> -> memref<64x128xf32, #tpu.memory_space<hbm>>
        tpu.wait_dma2 semaphore(%arg36 : memref<!tpu.dma_semaphore, #tpu.memory_space<semaphore_mem>>) src(%dma_wait3A_366 : memref<64x128xf32, #tpu.memory_space<hbm>>) dst(%arg20 : memref<64x128xf32, #tpu.memory_space<vmem>>)
        %dma_start3A_367 = arith.constant 0 : i32
        %dma_start3A_368 = arith.constant 0 : i32
        %dma_start3A_369 = tpu.memref_slice %arg2[%dma_start3A_367, %dma_start3A_368] : memref<20000x128xf32, #tpu.memory_space<hbm>> -> memref<20000x128xf32, #tpu.memory_space<hbm>>
        tpu.enqueue_indirect_dma source(%dma_start3A_369 : memref<20000x128xf32, #tpu.memory_space<hbm>>) target(%arg20 : memref<64x128xf32, #tpu.memory_space<vmem>>) offsets(%arg10 : memref<64xi32, #tpu.memory_space<vmem>>) semaphore(%arg32 : memref<!tpu.dma_semaphore, #tpu.memory_space<semaphore_mem>>) {add = true}
      } else {
      }
      %dma_wait3A_170 = arith.constant 0 : i32
      %dma_wait3A_171 = arith.constant 0 : i32
      %dma_wait3A_172 = tpu.memref_slice %arg2[%dma_wait3A_170, %dma_wait3A_171] : memref<20000x128xf32, #tpu.memory_space<hbm>> -> memref<20000x128xf32, #tpu.memory_space<hbm>>
      tpu.wait_indirect_dma semaphore(%arg31 : memref<!tpu.dma_semaphore, #tpu.memory_space<semaphore_mem>>) src(%dma_wait3A_172 : memref<20000x128xf32, #tpu.memory_space<hbm>>) dst(%arg19 : memref<64x128xf32, #tpu.memory_space<vmem>>)
      %scan3A_173 = arith.constant 0 : i32
      %scan3A_174 = arith.constant 0 : i32
      %scan3A_175 = arith.constant 64 : i32
      %scan3A_176 = arith.addi %scan3A_174, %scan3A_175 : i32
      %scan3A_177 = arith.constant 1 : i32
      scf.for %scan3A_317 = %scan3A_174 to %scan3A_176 step %scan3A_177  : i32 {
        %get3A_318 = arith.index_cast %scan3A_317 : i32 to index
        %get3A_319 = arith.constant 0 : index
        %get3A_320 = tpu.vector_load %arg19[%get3A_318, %get3A_319] {strides = array<i32>} : memref<64x128xf32, #tpu.memory_space<vmem>>, vector<1x16xf32>,
        %get3A_321 = vector.shape_cast %get3A_320 : vector<1x16xf32> to vector<16xf32>
        %max3A = arith.constant 0.000000e+00 : f32
        %max3A_322 = vector.broadcast %max3A : f32 to vector<16xf32>
        %max3A_323 = arith.maximumf %get3A_321, %max3A_322 : vector<16xf32>
        %swap3A_324 = arith.index_cast %scan3A_317 : i32 to index
        %swap3A_325 = arith.constant 0 : index
        %swap3A_326 = tpu.vector_load %arg19[%swap3A_324, %swap3A_325] {strides = array<i32>} : memref<64x128xf32, #tpu.memory_space<vmem>>, vector<1x16xf32>,
        %swap3A_327 = vector.shape_cast %swap3A_326 : vector<1x16xf32> to vector<16xf32>
        %swap3A_328 = vector.shape_cast %max3A_323 : vector<16xf32> to vector<1x16xf32>
        tpu.vector_store %arg19[%swap3A_324, %swap3A_325], %swap3A_328 {strides = array<i32>} : memref<64x128xf32, #tpu.memory_space<vmem>>, vector<1x16xf32>,
        %get3A_329 = arith.index_cast %scan3A_317 : i32 to index
        %get3A_330 = arith.constant 16 : index
        %get3A_331 = tpu.vector_load %arg19[%get3A_329, %get3A_330] {strides = array<i32>} : memref<64x128xf32, #tpu.memory_space<vmem>>, vector<1x16xf32>,
        %get3A_332 = vector.shape_cast %get3A_331 : vector<1x16xf32> to vector<16xf32>
        %max3A_333 = arith.constant 0.000000e+00 : f32
        %max3A_334 = vector.broadcast %max3A_333 : f32 to vector<16xf32>
        %max3A_335 = arith.maximumf %get3A_332, %max3A_334 : vector<16xf32>
        %swap3A_336 = arith.index_cast %scan3A_317 : i32 to index
        %swap3A_337 = arith.constant 16 : index
        %swap3A_338 = tpu.vector_load %arg19[%swap3A_336, %swap3A_337] {strides = array<i32>} : memref<64x128xf32, #tpu.memory_space<vmem>>, vector<1x16xf32>,
        %swap3A_339 = vector.shape_cast %swap3A_338 : vector<1x16xf32> to vector<16xf32>
        %swap3A_340 = vector.shape_cast %max3A_335 : vector<16xf32> to vector<1x16xf32>
        tpu.vector_store %arg19[%swap3A_336, %swap3A_337], %swap3A_340 {strides = array<i32>} : memref<64x128xf32, #tpu.memory_space<vmem>>, vector<1x16xf32>,
        %get3A_341 = arith.index_cast %scan3A_317 : i32 to index
        %get3A_342 = arith.constant 32 : index
        %get3A_343 = tpu.vector_load %arg19[%get3A_341, %get3A_342] {strides = array<i32>} : memref<64x128xf32, #tpu.memory_space<vmem>>, vector<1x16xf32>,
        %get3A_344 = vector.shape_cast %get3A_343 : vector<1x16xf32> to vector<16xf32>
        %max3A_345 = arith.constant 0.000000e+00 : f32
        %max3A_346 = vector.broadcast %max3A_345 : f32 to vector<16xf32>
        %max3A_347 = arith.maximumf %get3A_344, %max3A_346 : vector<16xf32>
        %swap3A_348 = arith.index_cast %scan3A_317 : i32 to index
        %swap3A_349 = arith.constant 32 : index
        %swap3A_350 = tpu.vector_load %arg19[%swap3A_348, %swap3A_349] {strides = array<i32>} : memref<64x128xf32, #tpu.memory_space<vmem>>, vector<1x16xf32>,
        %swap3A_351 = vector.shape_cast %swap3A_350 : vector<1x16xf32> to vector<16xf32>
        %swap3A_352 = vector.shape_cast %max3A_347 : vector<16xf32> to vector<1x16xf32>
        tpu.vector_store %arg19[%swap3A_348, %swap3A_349], %swap3A_352 {strides = array<i32>} : memref<64x128xf32, #tpu.memory_space<vmem>>, vector<1x16xf32>,
        %get3A_353 = arith.index_cast %scan3A_317 : i32 to index
        %get3A_354 = arith.constant 48 : index
        %get3A_355 = tpu.vector_load %arg19[%get3A_353, %get3A_354] {strides = array<i32>} : memref<64x128xf32, #tpu.memory_space<vmem>>, vector<1x16xf32>,
        %get3A_356 = vector.shape_cast %get3A_355 : vector<1x16xf32> to vector<16xf32>
        %max3A_357 = arith.constant 0.000000e+00 : f32
        %max3A_358 = vector.broadcast %max3A_357 : f32 to vector<16xf32>
        %max3A_359 = arith.maximumf %get3A_356, %max3A_358 : vector<16xf32>
        %swap3A_360 = arith.index_cast %scan3A_317 : i32 to index
        %swap3A_361 = arith.constant 48 : index
        %swap3A_362 = tpu.vector_load %arg19[%swap3A_360, %swap3A_361] {strides = array<i32>} : memref<64x128xf32, #tpu.memory_space<vmem>>, vector<1x16xf32>,
        %swap3A_363 = vector.shape_cast %swap3A_362 : vector<1x16xf32> to vector<16xf32>
        %swap3A_364 = vector.shape_cast %max3A_359 : vector<16xf32> to vector<1x16xf32>
        tpu.vector_store %arg19[%swap3A_360, %swap3A_361], %swap3A_364 {strides = array<i32>} : memref<64x128xf32, #tpu.memory_space<vmem>>, vector<1x16xf32>,
        %get3A_365 = arith.index_cast %scan3A_317 : i32 to index
        %get3A_366 = arith.constant 64 : index
        %get3A_367 = tpu.vector_load %arg19[%get3A_365, %get3A_366] {strides = array<i32>} : memref<64x128xf32, #tpu.memory_space<vmem>>, vector<1x16xf32>,
        %get3A_368 = vector.shape_cast %get3A_367 : vector<1x16xf32> to vector<16xf32>
        %max3A_369 = arith.constant 0.000000e+00 : f32
        %max3A_370 = vector.broadcast %max3A_369 : f32 to vector<16xf32>
        %max3A_371 = arith.maximumf %get3A_368, %max3A_370 : vector<16xf32>
        %swap3A_372 = arith.index_cast %scan3A_317 : i32 to index
        %swap3A_373 = arith.constant 64 : index
        %swap3A_374 = tpu.vector_load %arg19[%swap3A_372, %swap3A_373] {strides = array<i32>} : memref<64x128xf32, #tpu.memory_space<vmem>>, vector<1x16xf32>,
        %swap3A_375 = vector.shape_cast %swap3A_374 : vector<1x16xf32> to vector<16xf32>
        %swap3A_376 = vector.shape_cast %max3A_371 : vector<16xf32> to vector<1x16xf32>
        tpu.vector_store %arg19[%swap3A_372, %swap3A_373], %swap3A_376 {strides = array<i32>} : memref<64x128xf32, #tpu.memory_space<vmem>>, vector<1x16xf32>,
        %get3A_377 = arith.index_cast %scan3A_317 : i32 to index
        %get3A_378 = arith.constant 80 : index
        %get3A_379 = tpu.vector_load %arg19[%get3A_377, %get3A_378] {strides = array<i32>} : memref<64x128xf32, #tpu.memory_space<vmem>>, vector<1x16xf32>,
        %get3A_380 = vector.shape_cast %get3A_379 : vector<1x16xf32> to vector<16xf32>
        %max3A_381 = arith.constant 0.000000e+00 : f32
        %max3A_382 = vector.broadcast %max3A_381 : f32 to vector<16xf32>
        %max3A_383 = arith.maximumf %get3A_380, %max3A_382 : vector<16xf32>
        %swap3A_384 = arith.index_cast %scan3A_317 : i32 to index
        %swap3A_385 = arith.constant 80 : index
        %swap3A_386 = tpu.vector_load %arg19[%swap3A_384, %swap3A_385] {strides = array<i32>} : memref<64x128xf32, #tpu.memory_space<vmem>>, vector<1x16xf32>,
        %swap3A_387 = vector.shape_cast %swap3A_386 : vector<1x16xf32> to vector<16xf32>
        %swap3A_388 = vector.shape_cast %max3A_383 : vector<16xf32> to vector<1x16xf32>
        tpu.vector_store %arg19[%swap3A_384, %swap3A_385], %swap3A_388 {strides = array<i32>} : memref<64x128xf32, #tpu.memory_space<vmem>>, vector<1x16xf32>,
        %get3A_389 = arith.index_cast %scan3A_317 : i32 to index
        %get3A_390 = arith.constant 96 : index
        %get3A_391 = tpu.vector_load %arg19[%get3A_389, %get3A_390] {strides = array<i32>} : memref<64x128xf32, #tpu.memory_space<vmem>>, vector<1x16xf32>,
        %get3A_392 = vector.shape_cast %get3A_391 : vector<1x16xf32> to vector<16xf32>
        %max3A_393 = arith.constant 0.000000e+00 : f32
        %max3A_394 = vector.broadcast %max3A_393 : f32 to vector<16xf32>
        %max3A_395 = arith.maximumf %get3A_392, %max3A_394 : vector<16xf32>
        %swap3A_396 = arith.index_cast %scan3A_317 : i32 to index
        %swap3A_397 = arith.constant 96 : index
        %swap3A_398 = tpu.vector_load %arg19[%swap3A_396, %swap3A_397] {strides = array<i32>} : memref<64x128xf32, #tpu.memory_space<vmem>>, vector<1x16xf32>,
        %swap3A_399 = vector.shape_cast %swap3A_398 : vector<1x16xf32> to vector<16xf32>
        %swap3A_400 = vector.shape_cast %max3A_395 : vector<16xf32> to vector<1x16xf32>
        tpu.vector_store %arg19[%swap3A_396, %swap3A_397], %swap3A_400 {strides = array<i32>} : memref<64x128xf32, #tpu.memory_space<vmem>>, vector<1x16xf32>,
        %get3A_401 = arith.index_cast %scan3A_317 : i32 to index
        %get3A_402 = arith.constant 112 : index
        %get3A_403 = tpu.vector_load %arg19[%get3A_401, %get3A_402] {strides = array<i32>} : memref<64x128xf32, #tpu.memory_space<vmem>>, vector<1x16xf32>,
        %get3A_404 = vector.shape_cast %get3A_403 : vector<1x16xf32> to vector<16xf32>
        %max3A_405 = arith.constant 0.000000e+00 : f32
        %max3A_406 = vector.broadcast %max3A_405 : f32 to vector<16xf32>
        %max3A_407 = arith.maximumf %get3A_404, %max3A_406 : vector<16xf32>
        %swap3A_408 = arith.index_cast %scan3A_317 : i32 to index
        %swap3A_409 = arith.constant 112 : index
        %swap3A_410 = tpu.vector_load %arg19[%swap3A_408, %swap3A_409] {strides = array<i32>} : memref<64x128xf32, #tpu.memory_space<vmem>>, vector<1x16xf32>,
        %swap3A_411 = vector.shape_cast %swap3A_410 : vector<1x16xf32> to vector<16xf32>
        %swap3A_412 = vector.shape_cast %max3A_407 : vector<16xf32> to vector<1x16xf32>
        tpu.vector_store %arg19[%swap3A_408, %swap3A_409], %swap3A_412 {strides = array<i32>} : memref<64x128xf32, #tpu.memory_space<vmem>>, vector<1x16xf32>,
      }
      %scan3A_178 = arith.constant 64 : i32
      %dma_start3A_179 = arith.constant 0 : i32
      %dma_start3A_180 = arith.constant 0 : i32
      %dma_start3A_181 = tpu.memref_slice %arg8[%dma_start3A_179, %dma_start3A_180] : memref<10112x128xf32, #tpu.memory_space<vmem_shared>> -> memref<10112x128xf32, #tpu.memory_space<vmem_shared>>
      tpu.enqueue_indirect_dma source(%arg19 : memref<64x128xf32, #tpu.memory_space<vmem>>) target(%dma_start3A_181 : memref<10112x128xf32, #tpu.memory_space<vmem_shared>>) offsets(%arg13 : memref<64xi32, #tpu.memory_space<vmem>>) semaphore(%arg39 : memref<!tpu.dma_semaphore, #tpu.memory_space<semaphore_mem>>) {add = true}
      %ge3A = arith.constant 2 : i32
      %ge3A_182 = arith.cmpi sge, %add3A_162, %ge3A : i32
      %add3A_183 = arith.constant 2 : i32
      %add3A_184 = arith.addi %add3A_162, %add3A_183 : i32
      %lt3A_185 = arith.constant 156 : i32
      %lt3A_186 = arith.cmpi slt, %add3A_184, %lt3A_185 : i32
      %and3A = arith.andi %ge3A_182, %lt3A_186 : i1
      %convert_element_type3A_187 = arith.extui %and3A : i1 to i32
      %cond3A_188 = arith.constant 0 : i32
      %cond3A_189 = arith.cmpi ne, %convert_element_type3A_187, %cond3A_188 : i32
      scf.if %cond3A_189 {
        %dma_wait3A_317 = arith.constant 0 : i32
        %dma_wait3A_318 = arith.constant 0 : i32
        %dma_wait3A_319 = tpu.memref_slice %arg8[%dma_wait3A_317, %dma_wait3A_318] : memref<10112x128xf32, #tpu.memory_space<vmem_shared>> -> memref<10112x128xf32, #tpu.memory_space<vmem_shared>>
        tpu.wait_indirect_dma semaphore(%arg41 : memref<!tpu.dma_semaphore, #tpu.memory_space<semaphore_mem>>) src(%arg21 : memref<64x128xf32, #tpu.memory_space<vmem>>) dst(%dma_wait3A_319 : memref<10112x128xf32, #tpu.memory_space<vmem_shared>>)
      } else {
      }
      %add3A_190 = arith.constant 2 : i32
      %add3A_191 = arith.addi %add3A_162, %add3A_190 : i32
      %lt3A_192 = arith.constant 156 : i32
      %lt3A_193 = arith.cmpi slt, %add3A_191, %lt3A_192 : i32
      %convert_element_type3A_194 = arith.extui %lt3A_193 : i1 to i32
      %cond3A_195 = arith.constant 0 : i32
      %cond3A_196 = arith.cmpi ne, %convert_element_type3A_194, %cond3A_195 : i32
      scf.if %cond3A_196 {
        %add3A_317 = arith.constant 2 : i32
        %add3A_318 = arith.addi %add3A_162, %add3A_317 : i32
        %mul3A_319 = arith.constant 160000 : i32
        %mul3A_320 = arith.muli %arg0, %mul3A_319 : i32
        %add3A_321 = arith.addi %mul3A_320, %mul3A_10 : i32
        %mul3A_322 = arith.constant 64 : i32
        %mul3A_323 = arith.muli %add3A_318, %mul3A_322 : i32
        %add3A_324 = arith.addi %add3A_321, %mul3A_323 : i32
        %dma_start3A_325 = arith.constant 0 : i32
        %dma_start3A_326 = tpu.memref_slice %arg3[%add3A_324, %dma_start3A_325] : memref<320000x128xf32, #tpu.memory_space<hbm>> -> memref<64x128xf32, #tpu.memory_space<hbm>>
        %dma_start3A_327 = arith.constant 0 : i32
        %dma_start3A_328 = tpu.memref_slice %arg3[%add3A_324, %dma_start3A_327] : memref<320000x128xf32, #tpu.memory_space<hbm>> -> memref<64x128xf32, #tpu.memory_space<hbm>>
        tpu.enqueue_dma source(%dma_start3A_328 : memref<64x128xf32, #tpu.memory_space<hbm>>) target(%arg21 : memref<64x128xf32, #tpu.memory_space<vmem>>) target_semaphore(%arg37 : memref<!tpu.dma_semaphore, #tpu.memory_space<semaphore_mem>>)
        %add3A_329 = arith.constant 2 : i32
        %add3A_330 = arith.addi %add3A_162, %add3A_329 : i32
        %mul3A_331 = arith.constant 160000 : i32
        %mul3A_332 = arith.muli %arg0, %mul3A_331 : i32
        %add3A_333 = arith.addi %mul3A_332, %mul3A_10 : i32
        %mul3A_334 = arith.constant 64 : i32
        %mul3A_335 = arith.muli %add3A_330, %mul3A_334 : i32
        %add3A_336 = arith.addi %add3A_333, %mul3A_335 : i32
        %dma_start3A_337 = tpu.memref_slice %arg4[%add3A_336] : memref<320000xi32, #tpu.memory_space<hbm>> -> memref<64xi32, #tpu.memory_space<hbm>>
        %dma_start3A_338 = tpu.memref_slice %arg4[%add3A_336] : memref<320000xi32, #tpu.memory_space<hbm>> -> memref<64xi32, #tpu.memory_space<hbm>>
        tpu.enqueue_dma source(%dma_start3A_338 : memref<64xi32, #tpu.memory_space<hbm>>) target(%arg11 : memref<64xi32, #tpu.memory_space<vmem>>) target_semaphore(%arg25 : memref<!tpu.dma_semaphore, #tpu.memory_space<semaphore_mem>>)
        %dma_start3A_339 = tpu.memref_slice %arg5[%add3A_336] : memref<320000xi32, #tpu.memory_space<hbm>> -> memref<64xi32, #tpu.memory_space<hbm>>
        %dma_start3A_340 = tpu.memref_slice %arg5[%add3A_336] : memref<320000xi32, #tpu.memory_space<hbm>> -> memref<64xi32, #tpu.memory_space<hbm>>
        tpu.enqueue_dma source(%dma_start3A_340 : memref<64xi32, #tpu.memory_space<hbm>>) target(%arg15 : memref<64xi32, #tpu.memory_space<vmem>>) target_semaphore(%arg29 : memref<!tpu.dma_semaphore, #tpu.memory_space<semaphore_mem>>)
      } else {
      }
      %mul3A_197 = arith.constant 4 : i32
      %mul3A_198 = arith.muli %scan3A_158, %mul3A_197 : i32
      %add3A_199 = arith.constant 1 : i32
      %add3A_200 = arith.addi %mul3A_198, %add3A_199 : i32
      %add3A_201 = arith.constant 1 : i32
      %add3A_202 = arith.addi %add3A_200, %add3A_201 : i32
      %lt3A_203 = arith.constant 156 : i32
      %lt3A_204 = arith.cmpi slt, %add3A_202, %lt3A_203 : i32
      %convert_element_type3A_205 = arith.extui %lt3A_204 : i1 to i32
      %cond3A_206 = arith.constant 0 : i32
      %cond3A_207 = arith.cmpi ne, %convert_element_type3A_205, %cond3A_206 : i32
      scf.if %cond3A_207 {
        %dma_wait3A_317 = arith.constant 0 : i32
        %dma_wait3A_318 = tpu.memref_slice %arg4[%dma_wait3A_317] : memref<320000xi32, #tpu.memory_space<hbm>> -> memref<64xi32, #tpu.memory_space<hbm>>
        %dma_wait3A_319 = arith.constant 0 : i32
        %dma_wait3A_320 = tpu.memref_slice %arg4[%dma_wait3A_319] : memref<320000xi32, #tpu.memory_space<hbm>> -> memref<64xi32, #tpu.memory_space<hbm>>
        tpu.wait_dma2 semaphore(%arg25 : memref<!tpu.dma_semaphore, #tpu.memory_space<semaphore_mem>>) src(%dma_wait3A_320 : memref<64xi32, #tpu.memory_space<hbm>>) dst(%arg11 : memref<64xi32, #tpu.memory_space<vmem>>)
        %dma_wait3A_321 = arith.constant 0 : i32
        %dma_wait3A_322 = tpu.memref_slice %arg5[%dma_wait3A_321] : memref<320000xi32, #tpu.memory_space<hbm>> -> memref<64xi32, #tpu.memory_space<hbm>>
        %dma_wait3A_323 = arith.constant 0 : i32
        %dma_wait3A_324 = tpu.memref_slice %arg5[%dma_wait3A_323] : memref<320000xi32, #tpu.memory_space<hbm>> -> memref<64xi32, #tpu.memory_space<hbm>>
        tpu.wait_dma2 semaphore(%arg29 : memref<!tpu.dma_semaphore, #tpu.memory_space<semaphore_mem>>) src(%dma_wait3A_324 : memref<64xi32, #tpu.memory_space<hbm>>) dst(%arg15 : memref<64xi32, #tpu.memory_space<vmem>>)
        %get3A_325 = arith.constant 0 : index
        %get3A_326 = tpu.vector_load %arg11[%get3A_325] {strides = array<i32>} : memref<64xi32, #tpu.memory_space<vmem>>, vector<16xi32>,
        %get3A_327 = vector.shape_cast %get3A_326 : vector<16xi32> to vector<16xi32>
        %add3A_328 = vector.broadcast %mul3A_0 : i32 to vector<16xi32>
        %add3A_329 = arith.addi %get3A_327, %add3A_328 : vector<16xi32>
        %swap3A_330 = arith.constant 0 : index
        %swap3A_331 = tpu.vector_load %arg11[%swap3A_330] {strides = array<i32>} : memref<64xi32, #tpu.memory_space<vmem>>, vector<16xi32>,
        %swap3A_332 = vector.shape_cast %swap3A_331 : vector<16xi32> to vector<16xi32>
        %swap3A_333 = vector.shape_cast %add3A_329 : vector<16xi32> to vector<16xi32>
        tpu.vector_store %arg11[%swap3A_330], %swap3A_333 {strides = array<i32>} : memref<64xi32, #tpu.memory_space<vmem>>, vector<16xi32>,
        %get3A_334 = arith.constant 16 : index
        %get3A_335 = tpu.vector_load %arg11[%get3A_334] {strides = array<i32>} : memref<64xi32, #tpu.memory_space<vmem>>, vector<16xi32>,
        %get3A_336 = vector.shape_cast %get3A_335 : vector<16xi32> to vector<16xi32>
        %add3A_337 = vector.broadcast %mul3A_0 : i32 to vector<16xi32>
        %add3A_338 = arith.addi %get3A_336, %add3A_337 : vector<16xi32>
        %swap3A_339 = arith.constant 16 : index
        %swap3A_340 = tpu.vector_load %arg11[%swap3A_339] {strides = array<i32>} : memref<64xi32, #tpu.memory_space<vmem>>, vector<16xi32>,
        %swap3A_341 = vector.shape_cast %swap3A_340 : vector<16xi32> to vector<16xi32>
        %swap3A_342 = vector.shape_cast %add3A_338 : vector<16xi32> to vector<16xi32>
        tpu.vector_store %arg11[%swap3A_339], %swap3A_342 {strides = array<i32>} : memref<64xi32, #tpu.memory_space<vmem>>, vector<16xi32>,
        %get3A_343 = arith.constant 32 : index
        %get3A_344 = tpu.vector_load %arg11[%get3A_343] {strides = array<i32>} : memref<64xi32, #tpu.memory_space<vmem>>, vector<16xi32>,
        %get3A_345 = vector.shape_cast %get3A_344 : vector<16xi32> to vector<16xi32>
        %add3A_346 = vector.broadcast %mul3A_0 : i32 to vector<16xi32>
        %add3A_347 = arith.addi %get3A_345, %add3A_346 : vector<16xi32>
        %swap3A_348 = arith.constant 32 : index
        %swap3A_349 = tpu.vector_load %arg11[%swap3A_348] {strides = array<i32>} : memref<64xi32, #tpu.memory_space<vmem>>, vector<16xi32>,
        %swap3A_350 = vector.shape_cast %swap3A_349 : vector<16xi32> to vector<16xi32>
        %swap3A_351 = vector.shape_cast %add3A_347 : vector<16xi32> to vector<16xi32>
        tpu.vector_store %arg11[%swap3A_348], %swap3A_351 {strides = array<i32>} : memref<64xi32, #tpu.memory_space<vmem>>, vector<16xi32>,
        %get3A_352 = arith.constant 48 : index
        %get3A_353 = tpu.vector_load %arg11[%get3A_352] {strides = array<i32>} : memref<64xi32, #tpu.memory_space<vmem>>, vector<16xi32>,
        %get3A_354 = vector.shape_cast %get3A_353 : vector<16xi32> to vector<16xi32>
        %add3A_355 = vector.broadcast %mul3A_0 : i32 to vector<16xi32>
        %add3A_356 = arith.addi %get3A_354, %add3A_355 : vector<16xi32>
        %swap3A_357 = arith.constant 48 : index
        %swap3A_358 = tpu.vector_load %arg11[%swap3A_357] {strides = array<i32>} : memref<64xi32, #tpu.memory_space<vmem>>, vector<16xi32>,
        %swap3A_359 = vector.shape_cast %swap3A_358 : vector<16xi32> to vector<16xi32>
        %swap3A_360 = vector.shape_cast %add3A_356 : vector<16xi32> to vector<16xi32>
        tpu.vector_store %arg11[%swap3A_357], %swap3A_360 {strides = array<i32>} : memref<64xi32, #tpu.memory_space<vmem>>, vector<16xi32>,
        %dma_wait3A_361 = arith.constant 0 : i32
        %dma_wait3A_362 = arith.constant 0 : i32
        %dma_wait3A_363 = tpu.memref_slice %arg3[%dma_wait3A_361, %dma_wait3A_362] : memref<320000x128xf32, #tpu.memory_space<hbm>> -> memref<64x128xf32, #tpu.memory_space<hbm>>
        %dma_wait3A_364 = arith.constant 0 : i32
        %dma_wait3A_365 = arith.constant 0 : i32
        %dma_wait3A_366 = tpu.memref_slice %arg3[%dma_wait3A_364, %dma_wait3A_365] : memref<320000x128xf32, #tpu.memory_space<hbm>> -> memref<64x128xf32, #tpu.memory_space<hbm>>
        tpu.wait_dma2 semaphore(%arg37 : memref<!tpu.dma_semaphore, #tpu.memory_space<semaphore_mem>>) src(%dma_wait3A_366 : memref<64x128xf32, #tpu.memory_space<hbm>>) dst(%arg21 : memref<64x128xf32, #tpu.memory_space<vmem>>)
        %dma_start3A_367 = arith.constant 0 : i32
        %dma_start3A_368 = arith.constant 0 : i32
        %dma_start3A_369 = tpu.memref_slice %arg2[%dma_start3A_367, %dma_start3A_368] : memref<20000x128xf32, #tpu.memory_space<hbm>> -> memref<20000x128xf32, #tpu.memory_space<hbm>>
        tpu.enqueue_indirect_dma source(%dma_start3A_369 : memref<20000x128xf32, #tpu.memory_space<hbm>>) target(%arg21 : memref<64x128xf32, #tpu.memory_space<vmem>>) offsets(%arg11 : memref<64xi32, #tpu.memory_space<vmem>>) semaphore(%arg33 : memref<!tpu.dma_semaphore, #tpu.memory_space<semaphore_mem>>) {add = true}
      } else {
      }
      %dma_wait3A_208 = arith.constant 0 : i32
      %dma_wait3A_209 = arith.constant 0 : i32
      %dma_wait3A_210 = tpu.memref_slice %arg2[%dma_wait3A_208, %dma_wait3A_209] : memref<20000x128xf32, #tpu.memory_space<hbm>> -> memref<20000x128xf32, #tpu.memory_space<hbm>>
      tpu.wait_indirect_dma semaphore(%arg32 : memref<!tpu.dma_semaphore, #tpu.memory_space<semaphore_mem>>) src(%dma_wait3A_210 : memref<20000x128xf32, #tpu.memory_space<hbm>>) dst(%arg20 : memref<64x128xf32, #tpu.memory_space<vmem>>)
      %scan3A_211 = arith.constant 0 : i32
      %scan3A_212 = arith.constant 0 : i32
      %scan3A_213 = arith.constant 64 : i32
      %scan3A_214 = arith.addi %scan3A_212, %scan3A_213 : i32
      %scan3A_215 = arith.constant 1 : i32
      scf.for %scan3A_317 = %scan3A_212 to %scan3A_214 step %scan3A_215  : i32 {
        %get3A_318 = arith.index_cast %scan3A_317 : i32 to index
        %get3A_319 = arith.constant 0 : index
        %get3A_320 = tpu.vector_load %arg20[%get3A_318, %get3A_319] {strides = array<i32>} : memref<64x128xf32, #tpu.memory_space<vmem>>, vector<1x16xf32>,
        %get3A_321 = vector.shape_cast %get3A_320 : vector<1x16xf32> to vector<16xf32>
        %max3A = arith.constant 0.000000e+00 : f32
        %max3A_322 = vector.broadcast %max3A : f32 to vector<16xf32>
        %max3A_323 = arith.maximumf %get3A_321, %max3A_322 : vector<16xf32>
        %swap3A_324 = arith.index_cast %scan3A_317 : i32 to index
        %swap3A_325 = arith.constant 0 : index
        %swap3A_326 = tpu.vector_load %arg20[%swap3A_324, %swap3A_325] {strides = array<i32>} : memref<64x128xf32, #tpu.memory_space<vmem>>, vector<1x16xf32>,
        %swap3A_327 = vector.shape_cast %swap3A_326 : vector<1x16xf32> to vector<16xf32>
        %swap3A_328 = vector.shape_cast %max3A_323 : vector<16xf32> to vector<1x16xf32>
        tpu.vector_store %arg20[%swap3A_324, %swap3A_325], %swap3A_328 {strides = array<i32>} : memref<64x128xf32, #tpu.memory_space<vmem>>, vector<1x16xf32>,
        %get3A_329 = arith.index_cast %scan3A_317 : i32 to index
        %get3A_330 = arith.constant 16 : index
        %get3A_331 = tpu.vector_load %arg20[%get3A_329, %get3A_330] {strides = array<i32>} : memref<64x128xf32, #tpu.memory_space<vmem>>, vector<1x16xf32>,
        %get3A_332 = vector.shape_cast %get3A_331 : vector<1x16xf32> to vector<16xf32>
        %max3A_333 = arith.constant 0.000000e+00 : f32
        %max3A_334 = vector.broadcast %max3A_333 : f32 to vector<16xf32>
        %max3A_335 = arith.maximumf %get3A_332, %max3A_334 : vector<16xf32>
        %swap3A_336 = arith.index_cast %scan3A_317 : i32 to index
        %swap3A_337 = arith.constant 16 : index
        %swap3A_338 = tpu.vector_load %arg20[%swap3A_336, %swap3A_337] {strides = array<i32>} : memref<64x128xf32, #tpu.memory_space<vmem>>, vector<1x16xf32>,
        %swap3A_339 = vector.shape_cast %swap3A_338 : vector<1x16xf32> to vector<16xf32>
        %swap3A_340 = vector.shape_cast %max3A_335 : vector<16xf32> to vector<1x16xf32>
        tpu.vector_store %arg20[%swap3A_336, %swap3A_337], %swap3A_340 {strides = array<i32>} : memref<64x128xf32, #tpu.memory_space<vmem>>, vector<1x16xf32>,
        %get3A_341 = arith.index_cast %scan3A_317 : i32 to index
        %get3A_342 = arith.constant 32 : index
        %get3A_343 = tpu.vector_load %arg20[%get3A_341, %get3A_342] {strides = array<i32>} : memref<64x128xf32, #tpu.memory_space<vmem>>, vector<1x16xf32>,
        %get3A_344 = vector.shape_cast %get3A_343 : vector<1x16xf32> to vector<16xf32>
        %max3A_345 = arith.constant 0.000000e+00 : f32
        %max3A_346 = vector.broadcast %max3A_345 : f32 to vector<16xf32>
        %max3A_347 = arith.maximumf %get3A_344, %max3A_346 : vector<16xf32>
        %swap3A_348 = arith.index_cast %scan3A_317 : i32 to index
        %swap3A_349 = arith.constant 32 : index
        %swap3A_350 = tpu.vector_load %arg20[%swap3A_348, %swap3A_349] {strides = array<i32>} : memref<64x128xf32, #tpu.memory_space<vmem>>, vector<1x16xf32>,
        %swap3A_351 = vector.shape_cast %swap3A_350 : vector<1x16xf32> to vector<16xf32>
        %swap3A_352 = vector.shape_cast %max3A_347 : vector<16xf32> to vector<1x16xf32>
        tpu.vector_store %arg20[%swap3A_348, %swap3A_349], %swap3A_352 {strides = array<i32>} : memref<64x128xf32, #tpu.memory_space<vmem>>, vector<1x16xf32>,
        %get3A_353 = arith.index_cast %scan3A_317 : i32 to index
        %get3A_354 = arith.constant 48 : index
        %get3A_355 = tpu.vector_load %arg20[%get3A_353, %get3A_354] {strides = array<i32>} : memref<64x128xf32, #tpu.memory_space<vmem>>, vector<1x16xf32>,
        %get3A_356 = vector.shape_cast %get3A_355 : vector<1x16xf32> to vector<16xf32>
        %max3A_357 = arith.constant 0.000000e+00 : f32
        %max3A_358 = vector.broadcast %max3A_357 : f32 to vector<16xf32>
        %max3A_359 = arith.maximumf %get3A_356, %max3A_358 : vector<16xf32>
        %swap3A_360 = arith.index_cast %scan3A_317 : i32 to index
        %swap3A_361 = arith.constant 48 : index
        %swap3A_362 = tpu.vector_load %arg20[%swap3A_360, %swap3A_361] {strides = array<i32>} : memref<64x128xf32, #tpu.memory_space<vmem>>, vector<1x16xf32>,
        %swap3A_363 = vector.shape_cast %swap3A_362 : vector<1x16xf32> to vector<16xf32>
        %swap3A_364 = vector.shape_cast %max3A_359 : vector<16xf32> to vector<1x16xf32>
        tpu.vector_store %arg20[%swap3A_360, %swap3A_361], %swap3A_364 {strides = array<i32>} : memref<64x128xf32, #tpu.memory_space<vmem>>, vector<1x16xf32>,
        %get3A_365 = arith.index_cast %scan3A_317 : i32 to index
        %get3A_366 = arith.constant 64 : index
        %get3A_367 = tpu.vector_load %arg20[%get3A_365, %get3A_366] {strides = array<i32>} : memref<64x128xf32, #tpu.memory_space<vmem>>, vector<1x16xf32>,
        %get3A_368 = vector.shape_cast %get3A_367 : vector<1x16xf32> to vector<16xf32>
        %max3A_369 = arith.constant 0.000000e+00 : f32
        %max3A_370 = vector.broadcast %max3A_369 : f32 to vector<16xf32>
        %max3A_371 = arith.maximumf %get3A_368, %max3A_370 : vector<16xf32>
        %swap3A_372 = arith.index_cast %scan3A_317 : i32 to index
        %swap3A_373 = arith.constant 64 : index
        %swap3A_374 = tpu.vector_load %arg20[%swap3A_372, %swap3A_373] {strides = array<i32>} : memref<64x128xf32, #tpu.memory_space<vmem>>, vector<1x16xf32>,
        %swap3A_375 = vector.shape_cast %swap3A_374 : vector<1x16xf32> to vector<16xf32>
        %swap3A_376 = vector.shape_cast %max3A_371 : vector<16xf32> to vector<1x16xf32>
        tpu.vector_store %arg20[%swap3A_372, %swap3A_373], %swap3A_376 {strides = array<i32>} : memref<64x128xf32, #tpu.memory_space<vmem>>, vector<1x16xf32>,
        %get3A_377 = arith.index_cast %scan3A_317 : i32 to index
        %get3A_378 = arith.constant 80 : index
        %get3A_379 = tpu.vector_load %arg20[%get3A_377, %get3A_378] {strides = array<i32>} : memref<64x128xf32, #tpu.memory_space<vmem>>, vector<1x16xf32>,
        %get3A_380 = vector.shape_cast %get3A_379 : vector<1x16xf32> to vector<16xf32>
        %max3A_381 = arith.constant 0.000000e+00 : f32
        %max3A_382 = vector.broadcast %max3A_381 : f32 to vector<16xf32>
        %max3A_383 = arith.maximumf %get3A_380, %max3A_382 : vector<16xf32>
        %swap3A_384 = arith.index_cast %scan3A_317 : i32 to index
        %swap3A_385 = arith.constant 80 : index
        %swap3A_386 = tpu.vector_load %arg20[%swap3A_384, %swap3A_385] {strides = array<i32>} : memref<64x128xf32, #tpu.memory_space<vmem>>, vector<1x16xf32>,
        %swap3A_387 = vector.shape_cast %swap3A_386 : vector<1x16xf32> to vector<16xf32>
        %swap3A_388 = vector.shape_cast %max3A_383 : vector<16xf32> to vector<1x16xf32>
        tpu.vector_store %arg20[%swap3A_384, %swap3A_385], %swap3A_388 {strides = array<i32>} : memref<64x128xf32, #tpu.memory_space<vmem>>, vector<1x16xf32>,
        %get3A_389 = arith.index_cast %scan3A_317 : i32 to index
        %get3A_390 = arith.constant 96 : index
        %get3A_391 = tpu.vector_load %arg20[%get3A_389, %get3A_390] {strides = array<i32>} : memref<64x128xf32, #tpu.memory_space<vmem>>, vector<1x16xf32>,
        %get3A_392 = vector.shape_cast %get3A_391 : vector<1x16xf32> to vector<16xf32>
        %max3A_393 = arith.constant 0.000000e+00 : f32
        %max3A_394 = vector.broadcast %max3A_393 : f32 to vector<16xf32>
        %max3A_395 = arith.maximumf %get3A_392, %max3A_394 : vector<16xf32>
        %swap3A_396 = arith.index_cast %scan3A_317 : i32 to index
        %swap3A_397 = arith.constant 96 : index
        %swap3A_398 = tpu.vector_load %arg20[%swap3A_396, %swap3A_397] {strides = array<i32>} : memref<64x128xf32, #tpu.memory_space<vmem>>, vector<1x16xf32>,
        %swap3A_399 = vector.shape_cast %swap3A_398 : vector<1x16xf32> to vector<16xf32>
        %swap3A_400 = vector.shape_cast %max3A_395 : vector<16xf32> to vector<1x16xf32>
        tpu.vector_store %arg20[%swap3A_396, %swap3A_397], %swap3A_400 {strides = array<i32>} : memref<64x128xf32, #tpu.memory_space<vmem>>, vector<1x16xf32>,
        %get3A_401 = arith.index_cast %scan3A_317 : i32 to index
        %get3A_402 = arith.constant 112 : index
        %get3A_403 = tpu.vector_load %arg20[%get3A_401, %get3A_402] {strides = array<i32>} : memref<64x128xf32, #tpu.memory_space<vmem>>, vector<1x16xf32>,
        %get3A_404 = vector.shape_cast %get3A_403 : vector<1x16xf32> to vector<16xf32>
        %max3A_405 = arith.constant 0.000000e+00 : f32
        %max3A_406 = vector.broadcast %max3A_405 : f32 to vector<16xf32>
        %max3A_407 = arith.maximumf %get3A_404, %max3A_406 : vector<16xf32>
        %swap3A_408 = arith.index_cast %scan3A_317 : i32 to index
        %swap3A_409 = arith.constant 112 : index
        %swap3A_410 = tpu.vector_load %arg20[%swap3A_408, %swap3A_409] {strides = array<i32>} : memref<64x128xf32, #tpu.memory_space<vmem>>, vector<1x16xf32>,
        %swap3A_411 = vector.shape_cast %swap3A_410 : vector<1x16xf32> to vector<16xf32>
        %swap3A_412 = vector.shape_cast %max3A_407 : vector<16xf32> to vector<1x16xf32>
        tpu.vector_store %arg20[%swap3A_408, %swap3A_409], %swap3A_412 {strides = array<i32>} : memref<64x128xf32, #tpu.memory_space<vmem>>, vector<1x16xf32>,
      }
      %scan3A_216 = arith.constant 64 : i32
      %dma_start3A_217 = arith.constant 0 : i32
      %dma_start3A_218 = arith.constant 0 : i32
      %dma_start3A_219 = tpu.memref_slice %arg8[%dma_start3A_217, %dma_start3A_218] : memref<10112x128xf32, #tpu.memory_space<vmem_shared>> -> memref<10112x128xf32, #tpu.memory_space<vmem_shared>>
      tpu.enqueue_indirect_dma source(%arg20 : memref<64x128xf32, #tpu.memory_space<vmem>>) target(%dma_start3A_219 : memref<10112x128xf32, #tpu.memory_space<vmem_shared>>) offsets(%arg14 : memref<64xi32, #tpu.memory_space<vmem>>) semaphore(%arg40 : memref<!tpu.dma_semaphore, #tpu.memory_space<semaphore_mem>>) {add = true}
      %ge3A_220 = arith.constant 2 : i32
      %ge3A_221 = arith.cmpi sge, %add3A_200, %ge3A_220 : i32
      %add3A_222 = arith.constant 2 : i32
      %add3A_223 = arith.addi %add3A_200, %add3A_222 : i32
      %lt3A_224 = arith.constant 156 : i32
      %lt3A_225 = arith.cmpi slt, %add3A_223, %lt3A_224 : i32
      %and3A_226 = arith.andi %ge3A_221, %lt3A_225 : i1
      %convert_element_type3A_227 = arith.extui %and3A_226 : i1 to i32
      %cond3A_228 = arith.constant 0 : i32
      %cond3A_229 = arith.cmpi ne, %convert_element_type3A_227, %cond3A_228 : i32
      scf.if %cond3A_229 {
        %dma_wait3A_317 = arith.constant 0 : i32
        %dma_wait3A_318 = arith.constant 0 : i32
        %dma_wait3A_319 = tpu.memref_slice %arg8[%dma_wait3A_317, %dma_wait3A_318] : memref<10112x128xf32, #tpu.memory_space<vmem_shared>> -> memref<10112x128xf32, #tpu.memory_space<vmem_shared>>
        tpu.wait_indirect_dma semaphore(%arg42 : memref<!tpu.dma_semaphore, #tpu.memory_space<semaphore_mem>>) src(%arg22 : memref<64x128xf32, #tpu.memory_space<vmem>>) dst(%dma_wait3A_319 : memref<10112x128xf32, #tpu.memory_space<vmem_shared>>)
      } else {
      }
      %add3A_230 = arith.constant 2 : i32
      %add3A_231 = arith.addi %add3A_200, %add3A_230 : i32
      %lt3A_232 = arith.constant 156 : i32
      %lt3A_233 = arith.cmpi slt, %add3A_231, %lt3A_232 : i32
      %convert_element_type3A_234 = arith.extui %lt3A_233 : i1 to i32
      %cond3A_235 = arith.constant 0 : i32
      %cond3A_236 = arith.cmpi ne, %convert_element_type3A_234, %cond3A_235 : i32
      scf.if %cond3A_236 {
        %add3A_317 = arith.constant 2 : i32
        %add3A_318 = arith.addi %add3A_200, %add3A_317 : i32
        %mul3A_319 = arith.constant 160000 : i32
        %mul3A_320 = arith.muli %arg0, %mul3A_319 : i32
        %add3A_321 = arith.addi %mul3A_320, %mul3A_10 : i32
        %mul3A_322 = arith.constant 64 : i32
        %mul3A_323 = arith.muli %add3A_318, %mul3A_322 : i32
        %add3A_324 = arith.addi %add3A_321, %mul3A_323 : i32
        %dma_start3A_325 = arith.constant 0 : i32
        %dma_start3A_326 = tpu.memref_slice %arg3[%add3A_324, %dma_start3A_325] : memref<320000x128xf32, #tpu.memory_space<hbm>> -> memref<64x128xf32, #tpu.memory_space<hbm>>
        %dma_start3A_327 = arith.constant 0 : i32
        %dma_start3A_328 = tpu.memref_slice %arg3[%add3A_324, %dma_start3A_327] : memref<320000x128xf32, #tpu.memory_space<hbm>> -> memref<64x128xf32, #tpu.memory_space<hbm>>
        tpu.enqueue_dma source(%dma_start3A_328 : memref<64x128xf32, #tpu.memory_space<hbm>>) target(%arg22 : memref<64x128xf32, #tpu.memory_space<vmem>>) target_semaphore(%arg38 : memref<!tpu.dma_semaphore, #tpu.memory_space<semaphore_mem>>)
        %add3A_329 = arith.constant 2 : i32
        %add3A_330 = arith.addi %add3A_200, %add3A_329 : i32
        %mul3A_331 = arith.constant 160000 : i32
        %mul3A_332 = arith.muli %arg0, %mul3A_331 : i32
        %add3A_333 = arith.addi %mul3A_332, %mul3A_10 : i32
        %mul3A_334 = arith.constant 64 : i32
        %mul3A_335 = arith.muli %add3A_330, %mul3A_334 : i32
        %add3A_336 = arith.addi %add3A_333, %mul3A_335 : i32
        %dma_start3A_337 = tpu.memref_slice %arg4[%add3A_336] : memref<320000xi32, #tpu.memory_space<hbm>> -> memref<64xi32, #tpu.memory_space<hbm>>
        %dma_start3A_338 = tpu.memref_slice %arg4[%add3A_336] : memref<320000xi32, #tpu.memory_space<hbm>> -> memref<64xi32, #tpu.memory_space<hbm>>
        tpu.enqueue_dma source(%dma_start3A_338 : memref<64xi32, #tpu.memory_space<hbm>>) target(%arg12 : memref<64xi32, #tpu.memory_space<vmem>>) target_semaphore(%arg26 : memref<!tpu.dma_semaphore, #tpu.memory_space<semaphore_mem>>)
        %dma_start3A_339 = tpu.memref_slice %arg5[%add3A_336] : memref<320000xi32, #tpu.memory_space<hbm>> -> memref<64xi32, #tpu.memory_space<hbm>>
        %dma_start3A_340 = tpu.memref_slice %arg5[%add3A_336] : memref<320000xi32, #tpu.memory_space<hbm>> -> memref<64xi32, #tpu.memory_space<hbm>>
        tpu.enqueue_dma source(%dma_start3A_340 : memref<64xi32, #tpu.memory_space<hbm>>) target(%arg16 : memref<64xi32, #tpu.memory_space<vmem>>) target_semaphore(%arg30 : memref<!tpu.dma_semaphore, #tpu.memory_space<semaphore_mem>>)
      } else {
      }
      %mul3A_237 = arith.constant 4 : i32
      %mul3A_238 = arith.muli %scan3A_158, %mul3A_237 : i32
      %add3A_239 = arith.constant 2 : i32
      %add3A_240 = arith.addi %mul3A_238, %add3A_239 : i32
      %add3A_241 = arith.constant 1 : i32
      %add3A_242 = arith.addi %add3A_240, %add3A_241 : i32
      %lt3A_243 = arith.constant 156 : i32
      %lt3A_244 = arith.cmpi slt, %add3A_242, %lt3A_243 : i32
      %convert_element_type3A_245 = arith.extui %lt3A_244 : i1 to i32
      %cond3A_246 = arith.constant 0 : i32
      %cond3A_247 = arith.cmpi ne, %convert_element_type3A_245, %cond3A_246 : i32
      scf.if %cond3A_247 {
        %dma_wait3A_317 = arith.constant 0 : i32
        %dma_wait3A_318 = tpu.memref_slice %arg4[%dma_wait3A_317] : memref<320000xi32, #tpu.memory_space<hbm>> -> memref<64xi32, #tpu.memory_space<hbm>>
        %dma_wait3A_319 = arith.constant 0 : i32
        %dma_wait3A_320 = tpu.memref_slice %arg4[%dma_wait3A_319] : memref<320000xi32, #tpu.memory_space<hbm>> -> memref<64xi32, #tpu.memory_space<hbm>>
        tpu.wait_dma2 semaphore(%arg26 : memref<!tpu.dma_semaphore, #tpu.memory_space<semaphore_mem>>) src(%dma_wait3A_320 : memref<64xi32, #tpu.memory_space<hbm>>) dst(%arg12 : memref<64xi32, #tpu.memory_space<vmem>>)
        %dma_wait3A_321 = arith.constant 0 : i32
        %dma_wait3A_322 = tpu.memref_slice %arg5[%dma_wait3A_321] : memref<320000xi32, #tpu.memory_space<hbm>> -> memref<64xi32, #tpu.memory_space<hbm>>
        %dma_wait3A_323 = arith.constant 0 : i32
        %dma_wait3A_324 = tpu.memref_slice %arg5[%dma_wait3A_323] : memref<320000xi32, #tpu.memory_space<hbm>> -> memref<64xi32, #tpu.memory_space<hbm>>
        tpu.wait_dma2 semaphore(%arg30 : memref<!tpu.dma_semaphore, #tpu.memory_space<semaphore_mem>>) src(%dma_wait3A_324 : memref<64xi32, #tpu.memory_space<hbm>>) dst(%arg16 : memref<64xi32, #tpu.memory_space<vmem>>)
        %get3A_325 = arith.constant 0 : index
        %get3A_326 = tpu.vector_load %arg12[%get3A_325] {strides = array<i32>} : memref<64xi32, #tpu.memory_space<vmem>>, vector<16xi32>,
        %get3A_327 = vector.shape_cast %get3A_326 : vector<16xi32> to vector<16xi32>
        %add3A_328 = vector.broadcast %mul3A_0 : i32 to vector<16xi32>
        %add3A_329 = arith.addi %get3A_327, %add3A_328 : vector<16xi32>
        %swap3A_330 = arith.constant 0 : index
        %swap3A_331 = tpu.vector_load %arg12[%swap3A_330] {strides = array<i32>} : memref<64xi32, #tpu.memory_space<vmem>>, vector<16xi32>,
        %swap3A_332 = vector.shape_cast %swap3A_331 : vector<16xi32> to vector<16xi32>
        %swap3A_333 = vector.shape_cast %add3A_329 : vector<16xi32> to vector<16xi32>
        tpu.vector_store %arg12[%swap3A_330], %swap3A_333 {strides = array<i32>} : memref<64xi32, #tpu.memory_space<vmem>>, vector<16xi32>,
        %get3A_334 = arith.constant 16 : index
        %get3A_335 = tpu.vector_load %arg12[%get3A_334] {strides = array<i32>} : memref<64xi32, #tpu.memory_space<vmem>>, vector<16xi32>,
        %get3A_336 = vector.shape_cast %get3A_335 : vector<16xi32> to vector<16xi32>
        %add3A_337 = vector.broadcast %mul3A_0 : i32 to vector<16xi32>
        %add3A_338 = arith.addi %get3A_336, %add3A_337 : vector<16xi32>
        %swap3A_339 = arith.constant 16 : index
        %swap3A_340 = tpu.vector_load %arg12[%swap3A_339] {strides = array<i32>} : memref<64xi32, #tpu.memory_space<vmem>>, vector<16xi32>,
        %swap3A_341 = vector.shape_cast %swap3A_340 : vector<16xi32> to vector<16xi32>
        %swap3A_342 = vector.shape_cast %add3A_338 : vector<16xi32> to vector<16xi32>
        tpu.vector_store %arg12[%swap3A_339], %swap3A_342 {strides = array<i32>} : memref<64xi32, #tpu.memory_space<vmem>>, vector<16xi32>,
        %get3A_343 = arith.constant 32 : index
        %get3A_344 = tpu.vector_load %arg12[%get3A_343] {strides = array<i32>} : memref<64xi32, #tpu.memory_space<vmem>>, vector<16xi32>,
        %get3A_345 = vector.shape_cast %get3A_344 : vector<16xi32> to vector<16xi32>
        %add3A_346 = vector.broadcast %mul3A_0 : i32 to vector<16xi32>
        %add3A_347 = arith.addi %get3A_345, %add3A_346 : vector<16xi32>
        %swap3A_348 = arith.constant 32 : index
        %swap3A_349 = tpu.vector_load %arg12[%swap3A_348] {strides = array<i32>} : memref<64xi32, #tpu.memory_space<vmem>>, vector<16xi32>,
        %swap3A_350 = vector.shape_cast %swap3A_349 : vector<16xi32> to vector<16xi32>
        %swap3A_351 = vector.shape_cast %add3A_347 : vector<16xi32> to vector<16xi32>
        tpu.vector_store %arg12[%swap3A_348], %swap3A_351 {strides = array<i32>} : memref<64xi32, #tpu.memory_space<vmem>>, vector<16xi32>,
        %get3A_352 = arith.constant 48 : index
        %get3A_353 = tpu.vector_load %arg12[%get3A_352] {strides = array<i32>} : memref<64xi32, #tpu.memory_space<vmem>>, vector<16xi32>,
        %get3A_354 = vector.shape_cast %get3A_353 : vector<16xi32> to vector<16xi32>
        %add3A_355 = vector.broadcast %mul3A_0 : i32 to vector<16xi32>
        %add3A_356 = arith.addi %get3A_354, %add3A_355 : vector<16xi32>
        %swap3A_357 = arith.constant 48 : index
        %swap3A_358 = tpu.vector_load %arg12[%swap3A_357] {strides = array<i32>} : memref<64xi32, #tpu.memory_space<vmem>>, vector<16xi32>,
        %swap3A_359 = vector.shape_cast %swap3A_358 : vector<16xi32> to vector<16xi32>
        %swap3A_360 = vector.shape_cast %add3A_356 : vector<16xi32> to vector<16xi32>
        tpu.vector_store %arg12[%swap3A_357], %swap3A_360 {strides = array<i32>} : memref<64xi32, #tpu.memory_space<vmem>>, vector<16xi32>,
        %dma_wait3A_361 = arith.constant 0 : i32
        %dma_wait3A_362 = arith.constant 0 : i32
        %dma_wait3A_363 = tpu.memref_slice %arg3[%dma_wait3A_361, %dma_wait3A_362] : memref<320000x128xf32, #tpu.memory_space<hbm>> -> memref<64x128xf32, #tpu.memory_space<hbm>>
        %dma_wait3A_364 = arith.constant 0 : i32
        %dma_wait3A_365 = arith.constant 0 : i32
        %dma_wait3A_366 = tpu.memref_slice %arg3[%dma_wait3A_364, %dma_wait3A_365] : memref<320000x128xf32, #tpu.memory_space<hbm>> -> memref<64x128xf32, #tpu.memory_space<hbm>>
        tpu.wait_dma2 semaphore(%arg38 : memref<!tpu.dma_semaphore, #tpu.memory_space<semaphore_mem>>) src(%dma_wait3A_366 : memref<64x128xf32, #tpu.memory_space<hbm>>) dst(%arg22 : memref<64x128xf32, #tpu.memory_space<vmem>>)
        %dma_start3A_367 = arith.constant 0 : i32
        %dma_start3A_368 = arith.constant 0 : i32
        %dma_start3A_369 = tpu.memref_slice %arg2[%dma_start3A_367, %dma_start3A_368] : memref<20000x128xf32, #tpu.memory_space<hbm>> -> memref<20000x128xf32, #tpu.memory_space<hbm>>
        tpu.enqueue_indirect_dma source(%dma_start3A_369 : memref<20000x128xf32, #tpu.memory_space<hbm>>) target(%arg22 : memref<64x128xf32, #tpu.memory_space<vmem>>) offsets(%arg12 : memref<64xi32, #tpu.memory_space<vmem>>) semaphore(%arg34 : memref<!tpu.dma_semaphore, #tpu.memory_space<semaphore_mem>>) {add = true}
      } else {
      }
      %dma_wait3A_248 = arith.constant 0 : i32
      %dma_wait3A_249 = arith.constant 0 : i32
      %dma_wait3A_250 = tpu.memref_slice %arg2[%dma_wait3A_248, %dma_wait3A_249] : memref<20000x128xf32, #tpu.memory_space<hbm>> -> memref<20000x128xf32, #tpu.memory_space<hbm>>
      tpu.wait_indirect_dma semaphore(%arg33 : memref<!tpu.dma_semaphore, #tpu.memory_space<semaphore_mem>>) src(%dma_wait3A_250 : memref<20000x128xf32, #tpu.memory_space<hbm>>) dst(%arg21 : memref<64x128xf32, #tpu.memory_space<vmem>>)
      %scan3A_251 = arith.constant 0 : i32
      %scan3A_252 = arith.constant 0 : i32
      %scan3A_253 = arith.constant 64 : i32
      %scan3A_254 = arith.addi %scan3A_252, %scan3A_253 : i32
      %scan3A_255 = arith.constant 1 : i32
      scf.for %scan3A_317 = %scan3A_252 to %scan3A_254 step %scan3A_255  : i32 {
        %get3A_318 = arith.index_cast %scan3A_317 : i32 to index
        %get3A_319 = arith.constant 0 : index
        %get3A_320 = tpu.vector_load %arg21[%get3A_318, %get3A_319] {strides = array<i32>} : memref<64x128xf32, #tpu.memory_space<vmem>>, vector<1x16xf32>,
        %get3A_321 = vector.shape_cast %get3A_320 : vector<1x16xf32> to vector<16xf32>
        %max3A = arith.constant 0.000000e+00 : f32
        %max3A_322 = vector.broadcast %max3A : f32 to vector<16xf32>
        %max3A_323 = arith.maximumf %get3A_321, %max3A_322 : vector<16xf32>
        %swap3A_324 = arith.index_cast %scan3A_317 : i32 to index
        %swap3A_325 = arith.constant 0 : index
        %swap3A_326 = tpu.vector_load %arg21[%swap3A_324, %swap3A_325] {strides = array<i32>} : memref<64x128xf32, #tpu.memory_space<vmem>>, vector<1x16xf32>,
        %swap3A_327 = vector.shape_cast %swap3A_326 : vector<1x16xf32> to vector<16xf32>
        %swap3A_328 = vector.shape_cast %max3A_323 : vector<16xf32> to vector<1x16xf32>
        tpu.vector_store %arg21[%swap3A_324, %swap3A_325], %swap3A_328 {strides = array<i32>} : memref<64x128xf32, #tpu.memory_space<vmem>>, vector<1x16xf32>,
        %get3A_329 = arith.index_cast %scan3A_317 : i32 to index
        %get3A_330 = arith.constant 16 : index
        %get3A_331 = tpu.vector_load %arg21[%get3A_329, %get3A_330] {strides = array<i32>} : memref<64x128xf32, #tpu.memory_space<vmem>>, vector<1x16xf32>,
        %get3A_332 = vector.shape_cast %get3A_331 : vector<1x16xf32> to vector<16xf32>
        %max3A_333 = arith.constant 0.000000e+00 : f32
        %max3A_334 = vector.broadcast %max3A_333 : f32 to vector<16xf32>
        %max3A_335 = arith.maximumf %get3A_332, %max3A_334 : vector<16xf32>
        %swap3A_336 = arith.index_cast %scan3A_317 : i32 to index
        %swap3A_337 = arith.constant 16 : index
        %swap3A_338 = tpu.vector_load %arg21[%swap3A_336, %swap3A_337] {strides = array<i32>} : memref<64x128xf32, #tpu.memory_space<vmem>>, vector<1x16xf32>,
        %swap3A_339 = vector.shape_cast %swap3A_338 : vector<1x16xf32> to vector<16xf32>
        %swap3A_340 = vector.shape_cast %max3A_335 : vector<16xf32> to vector<1x16xf32>
        tpu.vector_store %arg21[%swap3A_336, %swap3A_337], %swap3A_340 {strides = array<i32>} : memref<64x128xf32, #tpu.memory_space<vmem>>, vector<1x16xf32>,
        %get3A_341 = arith.index_cast %scan3A_317 : i32 to index
        %get3A_342 = arith.constant 32 : index
        %get3A_343 = tpu.vector_load %arg21[%get3A_341, %get3A_342] {strides = array<i32>} : memref<64x128xf32, #tpu.memory_space<vmem>>, vector<1x16xf32>,
        %get3A_344 = vector.shape_cast %get3A_343 : vector<1x16xf32> to vector<16xf32>
        %max3A_345 = arith.constant 0.000000e+00 : f32
        %max3A_346 = vector.broadcast %max3A_345 : f32 to vector<16xf32>
        %max3A_347 = arith.maximumf %get3A_344, %max3A_346 : vector<16xf32>
        %swap3A_348 = arith.index_cast %scan3A_317 : i32 to index
        %swap3A_349 = arith.constant 32 : index
        %swap3A_350 = tpu.vector_load %arg21[%swap3A_348, %swap3A_349] {strides = array<i32>} : memref<64x128xf32, #tpu.memory_space<vmem>>, vector<1x16xf32>,
        %swap3A_351 = vector.shape_cast %swap3A_350 : vector<1x16xf32> to vector<16xf32>
        %swap3A_352 = vector.shape_cast %max3A_347 : vector<16xf32> to vector<1x16xf32>
        tpu.vector_store %arg21[%swap3A_348, %swap3A_349], %swap3A_352 {strides = array<i32>} : memref<64x128xf32, #tpu.memory_space<vmem>>, vector<1x16xf32>,
        %get3A_353 = arith.index_cast %scan3A_317 : i32 to index
        %get3A_354 = arith.constant 48 : index
        %get3A_355 = tpu.vector_load %arg21[%get3A_353, %get3A_354] {strides = array<i32>} : memref<64x128xf32, #tpu.memory_space<vmem>>, vector<1x16xf32>,
        %get3A_356 = vector.shape_cast %get3A_355 : vector<1x16xf32> to vector<16xf32>
        %max3A_357 = arith.constant 0.000000e+00 : f32
        %max3A_358 = vector.broadcast %max3A_357 : f32 to vector<16xf32>
        %max3A_359 = arith.maximumf %get3A_356, %max3A_358 : vector<16xf32>
        %swap3A_360 = arith.index_cast %scan3A_317 : i32 to index
        %swap3A_361 = arith.constant 48 : index
        %swap3A_362 = tpu.vector_load %arg21[%swap3A_360, %swap3A_361] {strides = array<i32>} : memref<64x128xf32, #tpu.memory_space<vmem>>, vector<1x16xf32>,
        %swap3A_363 = vector.shape_cast %swap3A_362 : vector<1x16xf32> to vector<16xf32>
        %swap3A_364 = vector.shape_cast %max3A_359 : vector<16xf32> to vector<1x16xf32>
        tpu.vector_store %arg21[%swap3A_360, %swap3A_361], %swap3A_364 {strides = array<i32>} : memref<64x128xf32, #tpu.memory_space<vmem>>, vector<1x16xf32>,
        %get3A_365 = arith.index_cast %scan3A_317 : i32 to index
        %get3A_366 = arith.constant 64 : index
        %get3A_367 = tpu.vector_load %arg21[%get3A_365, %get3A_366] {strides = array<i32>} : memref<64x128xf32, #tpu.memory_space<vmem>>, vector<1x16xf32>,
        %get3A_368 = vector.shape_cast %get3A_367 : vector<1x16xf32> to vector<16xf32>
        %max3A_369 = arith.constant 0.000000e+00 : f32
        %max3A_370 = vector.broadcast %max3A_369 : f32 to vector<16xf32>
        %max3A_371 = arith.maximumf %get3A_368, %max3A_370 : vector<16xf32>
        %swap3A_372 = arith.index_cast %scan3A_317 : i32 to index
        %swap3A_373 = arith.constant 64 : index
        %swap3A_374 = tpu.vector_load %arg21[%swap3A_372, %swap3A_373] {strides = array<i32>} : memref<64x128xf32, #tpu.memory_space<vmem>>, vector<1x16xf32>,
        %swap3A_375 = vector.shape_cast %swap3A_374 : vector<1x16xf32> to vector<16xf32>
        %swap3A_376 = vector.shape_cast %max3A_371 : vector<16xf32> to vector<1x16xf32>
        tpu.vector_store %arg21[%swap3A_372, %swap3A_373], %swap3A_376 {strides = array<i32>} : memref<64x128xf32, #tpu.memory_space<vmem>>, vector<1x16xf32>,
        %get3A_377 = arith.index_cast %scan3A_317 : i32 to index
        %get3A_378 = arith.constant 80 : index
        %get3A_379 = tpu.vector_load %arg21[%get3A_377, %get3A_378] {strides = array<i32>} : memref<64x128xf32, #tpu.memory_space<vmem>>, vector<1x16xf32>,
        %get3A_380 = vector.shape_cast %get3A_379 : vector<1x16xf32> to vector<16xf32>
        %max3A_381 = arith.constant 0.000000e+00 : f32
        %max3A_382 = vector.broadcast %max3A_381 : f32 to vector<16xf32>
        %max3A_383 = arith.maximumf %get3A_380, %max3A_382 : vector<16xf32>
        %swap3A_384 = arith.index_cast %scan3A_317 : i32 to index
        %swap3A_385 = arith.constant 80 : index
        %swap3A_386 = tpu.vector_load %arg21[%swap3A_384, %swap3A_385] {strides = array<i32>} : memref<64x128xf32, #tpu.memory_space<vmem>>, vector<1x16xf32>,
        %swap3A_387 = vector.shape_cast %swap3A_386 : vector<1x16xf32> to vector<16xf32>
        %swap3A_388 = vector.shape_cast %max3A_383 : vector<16xf32> to vector<1x16xf32>
        tpu.vector_store %arg21[%swap3A_384, %swap3A_385], %swap3A_388 {strides = array<i32>} : memref<64x128xf32, #tpu.memory_space<vmem>>, vector<1x16xf32>,
        %get3A_389 = arith.index_cast %scan3A_317 : i32 to index
        %get3A_390 = arith.constant 96 : index
        %get3A_391 = tpu.vector_load %arg21[%get3A_389, %get3A_390] {strides = array<i32>} : memref<64x128xf32, #tpu.memory_space<vmem>>, vector<1x16xf32>,
        %get3A_392 = vector.shape_cast %get3A_391 : vector<1x16xf32> to vector<16xf32>
        %max3A_393 = arith.constant 0.000000e+00 : f32
        %max3A_394 = vector.broadcast %max3A_393 : f32 to vector<16xf32>
        %max3A_395 = arith.maximumf %get3A_392, %max3A_394 : vector<16xf32>
        %swap3A_396 = arith.index_cast %scan3A_317 : i32 to index
        %swap3A_397 = arith.constant 96 : index
        %swap3A_398 = tpu.vector_load %arg21[%swap3A_396, %swap3A_397] {strides = array<i32>} : memref<64x128xf32, #tpu.memory_space<vmem>>, vector<1x16xf32>,
        %swap3A_399 = vector.shape_cast %swap3A_398 : vector<1x16xf32> to vector<16xf32>
        %swap3A_400 = vector.shape_cast %max3A_395 : vector<16xf32> to vector<1x16xf32>
        tpu.vector_store %arg21[%swap3A_396, %swap3A_397], %swap3A_400 {strides = array<i32>} : memref<64x128xf32, #tpu.memory_space<vmem>>, vector<1x16xf32>,
        %get3A_401 = arith.index_cast %scan3A_317 : i32 to index
        %get3A_402 = arith.constant 112 : index
        %get3A_403 = tpu.vector_load %arg21[%get3A_401, %get3A_402] {strides = array<i32>} : memref<64x128xf32, #tpu.memory_space<vmem>>, vector<1x16xf32>,
        %get3A_404 = vector.shape_cast %get3A_403 : vector<1x16xf32> to vector<16xf32>
        %max3A_405 = arith.constant 0.000000e+00 : f32
        %max3A_406 = vector.broadcast %max3A_405 : f32 to vector<16xf32>
        %max3A_407 = arith.maximumf %get3A_404, %max3A_406 : vector<16xf32>
        %swap3A_408 = arith.index_cast %scan3A_317 : i32 to index
        %swap3A_409 = arith.constant 112 : index
        %swap3A_410 = tpu.vector_load %arg21[%swap3A_408, %swap3A_409] {strides = array<i32>} : memref<64x128xf32, #tpu.memory_space<vmem>>, vector<1x16xf32>,
        %swap3A_411 = vector.shape_cast %swap3A_410 : vector<1x16xf32> to vector<16xf32>
        %swap3A_412 = vector.shape_cast %max3A_407 : vector<16xf32> to vector<1x16xf32>
        tpu.vector_store %arg21[%swap3A_408, %swap3A_409], %swap3A_412 {strides = array<i32>} : memref<64x128xf32, #tpu.memory_space<vmem>>, vector<1x16xf32>,
      }
      %scan3A_256 = arith.constant 64 : i32
      %dma_start3A_257 = arith.constant 0 : i32
      %dma_start3A_258 = arith.constant 0 : i32
      %dma_start3A_259 = tpu.memref_slice %arg8[%dma_start3A_257, %dma_start3A_258] : memref<10112x128xf32, #tpu.memory_space<vmem_shared>> -> memref<10112x128xf32, #tpu.memory_space<vmem_shared>>
      tpu.enqueue_indirect_dma source(%arg21 : memref<64x128xf32, #tpu.memory_space<vmem>>) target(%dma_start3A_259 : memref<10112x128xf32, #tpu.memory_space<vmem_shared>>) offsets(%arg15 : memref<64xi32, #tpu.memory_space<vmem>>) semaphore(%arg41 : memref<!tpu.dma_semaphore, #tpu.memory_space<semaphore_mem>>) {add = true}
      %ge3A_260 = arith.constant 2 : i32
      %ge3A_261 = arith.cmpi sge, %add3A_240, %ge3A_260 : i32
      %add3A_262 = arith.constant 2 : i32
      %add3A_263 = arith.addi %add3A_240, %add3A_262 : i32
      %lt3A_264 = arith.constant 156 : i32
      %lt3A_265 = arith.cmpi slt, %add3A_263, %lt3A_264 : i32
      %and3A_266 = arith.andi %ge3A_261, %lt3A_265 : i1
      %convert_element_type3A_267 = arith.extui %and3A_266 : i1 to i32
      %cond3A_268 = arith.constant 0 : i32
      %cond3A_269 = arith.cmpi ne, %convert_element_type3A_267, %cond3A_268 : i32
      scf.if %cond3A_269 {
        %dma_wait3A_317 = arith.constant 0 : i32
        %dma_wait3A_318 = arith.constant 0 : i32
        %dma_wait3A_319 = tpu.memref_slice %arg8[%dma_wait3A_317, %dma_wait3A_318] : memref<10112x128xf32, #tpu.memory_space<vmem_shared>> -> memref<10112x128xf32, #tpu.memory_space<vmem_shared>>
        tpu.wait_indirect_dma semaphore(%arg39 : memref<!tpu.dma_semaphore, #tpu.memory_space<semaphore_mem>>) src(%arg19 : memref<64x128xf32, #tpu.memory_space<vmem>>) dst(%dma_wait3A_319 : memref<10112x128xf32, #tpu.memory_space<vmem_shared>>)
      } else {
      }
      %add3A_270 = arith.constant 2 : i32
      %add3A_271 = arith.addi %add3A_240, %add3A_270 : i32
      %lt3A_272 = arith.constant 156 : i32
      %lt3A_273 = arith.cmpi slt, %add3A_271, %lt3A_272 : i32
      %convert_element_type3A_274 = arith.extui %lt3A_273 : i1 to i32
      %cond3A_275 = arith.constant 0 : i32
      %cond3A_276 = arith.cmpi ne, %convert_element_type3A_274, %cond3A_275 : i32
      scf.if %cond3A_276 {
        %add3A_317 = arith.constant 2 : i32
        %add3A_318 = arith.addi %add3A_240, %add3A_317 : i32
        %mul3A_319 = arith.constant 160000 : i32
        %mul3A_320 = arith.muli %arg0, %mul3A_319 : i32
        %add3A_321 = arith.addi %mul3A_320, %mul3A_10 : i32
        %mul3A_322 = arith.constant 64 : i32
        %mul3A_323 = arith.muli %add3A_318, %mul3A_322 : i32
        %add3A_324 = arith.addi %add3A_321, %mul3A_323 : i32
        %dma_start3A_325 = arith.constant 0 : i32
        %dma_start3A_326 = tpu.memref_slice %arg3[%add3A_324, %dma_start3A_325] : memref<320000x128xf32, #tpu.memory_space<hbm>> -> memref<64x128xf32, #tpu.memory_space<hbm>>
        %dma_start3A_327 = arith.constant 0 : i32
        %dma_start3A_328 = tpu.memref_slice %arg3[%add3A_324, %dma_start3A_327] : memref<320000x128xf32, #tpu.memory_space<hbm>> -> memref<64x128xf32, #tpu.memory_space<hbm>>
        tpu.enqueue_dma source(%dma_start3A_328 : memref<64x128xf32, #tpu.memory_space<hbm>>) target(%arg19 : memref<64x128xf32, #tpu.memory_space<vmem>>) target_semaphore(%arg35 : memref<!tpu.dma_semaphore, #tpu.memory_space<semaphore_mem>>)
        %add3A_329 = arith.constant 2 : i32
        %add3A_330 = arith.addi %add3A_240, %add3A_329 : i32
        %mul3A_331 = arith.constant 160000 : i32
        %mul3A_332 = arith.muli %arg0, %mul3A_331 : i32
        %add3A_333 = arith.addi %mul3A_332, %mul3A_10 : i32
        %mul3A_334 = arith.constant 64 : i32
        %mul3A_335 = arith.muli %add3A_330, %mul3A_334 : i32
        %add3A_336 = arith.addi %add3A_333, %mul3A_335 : i32
        %dma_start3A_337 = tpu.memref_slice %arg4[%add3A_336] : memref<320000xi32, #tpu.memory_space<hbm>> -> memref<64xi32, #tpu.memory_space<hbm>>
        %dma_start3A_338 = tpu.memref_slice %arg4[%add3A_336] : memref<320000xi32, #tpu.memory_space<hbm>> -> memref<64xi32, #tpu.memory_space<hbm>>
        tpu.enqueue_dma source(%dma_start3A_338 : memref<64xi32, #tpu.memory_space<hbm>>) target(%arg9 : memref<64xi32, #tpu.memory_space<vmem>>) target_semaphore(%arg23 : memref<!tpu.dma_semaphore, #tpu.memory_space<semaphore_mem>>)
        %dma_start3A_339 = tpu.memref_slice %arg5[%add3A_336] : memref<320000xi32, #tpu.memory_space<hbm>> -> memref<64xi32, #tpu.memory_space<hbm>>
        %dma_start3A_340 = tpu.memref_slice %arg5[%add3A_336] : memref<320000xi32, #tpu.memory_space<hbm>> -> memref<64xi32, #tpu.memory_space<hbm>>
        tpu.enqueue_dma source(%dma_start3A_340 : memref<64xi32, #tpu.memory_space<hbm>>) target(%arg13 : memref<64xi32, #tpu.memory_space<vmem>>) target_semaphore(%arg27 : memref<!tpu.dma_semaphore, #tpu.memory_space<semaphore_mem>>)
      } else {
      }
      %mul3A_277 = arith.constant 4 : i32
      %mul3A_278 = arith.muli %scan3A_158, %mul3A_277 : i32
      %add3A_279 = arith.constant 3 : i32
      %add3A_280 = arith.addi %mul3A_278, %add3A_279 : i32
      %add3A_281 = arith.constant 1 : i32
      %add3A_282 = arith.addi %add3A_280, %add3A_281 : i32
      %lt3A_283 = arith.constant 156 : i32
      %lt3A_284 = arith.cmpi slt, %add3A_282, %lt3A_283 : i32
      %convert_element_type3A_285 = arith.extui %lt3A_284 : i1 to i32
      %cond3A_286 = arith.constant 0 : i32
      %cond3A_287 = arith.cmpi ne, %convert_element_type3A_285, %cond3A_286 : i32
      scf.if %cond3A_287 {
        %dma_wait3A_317 = arith.constant 0 : i32
        %dma_wait3A_318 = tpu.memref_slice %arg4[%dma_wait3A_317] : memref<320000xi32, #tpu.memory_space<hbm>> -> memref<64xi32, #tpu.memory_space<hbm>>
        %dma_wait3A_319 = arith.constant 0 : i32
        %dma_wait3A_320 = tpu.memref_slice %arg4[%dma_wait3A_319] : memref<320000xi32, #tpu.memory_space<hbm>> -> memref<64xi32, #tpu.memory_space<hbm>>
        tpu.wait_dma2 semaphore(%arg23 : memref<!tpu.dma_semaphore, #tpu.memory_space<semaphore_mem>>) src(%dma_wait3A_320 : memref<64xi32, #tpu.memory_space<hbm>>) dst(%arg9 : memref<64xi32, #tpu.memory_space<vmem>>)
        %dma_wait3A_321 = arith.constant 0 : i32
        %dma_wait3A_322 = tpu.memref_slice %arg5[%dma_wait3A_321] : memref<320000xi32, #tpu.memory_space<hbm>> -> memref<64xi32, #tpu.memory_space<hbm>>
        %dma_wait3A_323 = arith.constant 0 : i32
        %dma_wait3A_324 = tpu.memref_slice %arg5[%dma_wait3A_323] : memref<320000xi32, #tpu.memory_space<hbm>> -> memref<64xi32, #tpu.memory_space<hbm>>
        tpu.wait_dma2 semaphore(%arg27 : memref<!tpu.dma_semaphore, #tpu.memory_space<semaphore_mem>>) src(%dma_wait3A_324 : memref<64xi32, #tpu.memory_space<hbm>>) dst(%arg13 : memref<64xi32, #tpu.memory_space<vmem>>)
        %get3A_325 = arith.constant 0 : index
        %get3A_326 = tpu.vector_load %arg9[%get3A_325] {strides = array<i32>} : memref<64xi32, #tpu.memory_space<vmem>>, vector<16xi32>,
        %get3A_327 = vector.shape_cast %get3A_326 : vector<16xi32> to vector<16xi32>
        %add3A_328 = vector.broadcast %mul3A_0 : i32 to vector<16xi32>
        %add3A_329 = arith.addi %get3A_327, %add3A_328 : vector<16xi32>
        %swap3A_330 = arith.constant 0 : index
        %swap3A_331 = tpu.vector_load %arg9[%swap3A_330] {strides = array<i32>} : memref<64xi32, #tpu.memory_space<vmem>>, vector<16xi32>,
        %swap3A_332 = vector.shape_cast %swap3A_331 : vector<16xi32> to vector<16xi32>
        %swap3A_333 = vector.shape_cast %add3A_329 : vector<16xi32> to vector<16xi32>
        tpu.vector_store %arg9[%swap3A_330], %swap3A_333 {strides = array<i32>} : memref<64xi32, #tpu.memory_space<vmem>>, vector<16xi32>,
        %get3A_334 = arith.constant 16 : index
        %get3A_335 = tpu.vector_load %arg9[%get3A_334] {strides = array<i32>} : memref<64xi32, #tpu.memory_space<vmem>>, vector<16xi32>,
        %get3A_336 = vector.shape_cast %get3A_335 : vector<16xi32> to vector<16xi32>
        %add3A_337 = vector.broadcast %mul3A_0 : i32 to vector<16xi32>
        %add3A_338 = arith.addi %get3A_336, %add3A_337 : vector<16xi32>
        %swap3A_339 = arith.constant 16 : index
        %swap3A_340 = tpu.vector_load %arg9[%swap3A_339] {strides = array<i32>} : memref<64xi32, #tpu.memory_space<vmem>>, vector<16xi32>,
        %swap3A_341 = vector.shape_cast %swap3A_340 : vector<16xi32> to vector<16xi32>
        %swap3A_342 = vector.shape_cast %add3A_338 : vector<16xi32> to vector<16xi32>
        tpu.vector_store %arg9[%swap3A_339], %swap3A_342 {strides = array<i32>} : memref<64xi32, #tpu.memory_space<vmem>>, vector<16xi32>,
        %get3A_343 = arith.constant 32 : index
        %get3A_344 = tpu.vector_load %arg9[%get3A_343] {strides = array<i32>} : memref<64xi32, #tpu.memory_space<vmem>>, vector<16xi32>,
        %get3A_345 = vector.shape_cast %get3A_344 : vector<16xi32> to vector<16xi32>
        %add3A_346 = vector.broadcast %mul3A_0 : i32 to vector<16xi32>
        %add3A_347 = arith.addi %get3A_345, %add3A_346 : vector<16xi32>
        %swap3A_348 = arith.constant 32 : index
        %swap3A_349 = tpu.vector_load %arg9[%swap3A_348] {strides = array<i32>} : memref<64xi32, #tpu.memory_space<vmem>>, vector<16xi32>,
        %swap3A_350 = vector.shape_cast %swap3A_349 : vector<16xi32> to vector<16xi32>
        %swap3A_351 = vector.shape_cast %add3A_347 : vector<16xi32> to vector<16xi32>
        tpu.vector_store %arg9[%swap3A_348], %swap3A_351 {strides = array<i32>} : memref<64xi32, #tpu.memory_space<vmem>>, vector<16xi32>,
        %get3A_352 = arith.constant 48 : index
        %get3A_353 = tpu.vector_load %arg9[%get3A_352] {strides = array<i32>} : memref<64xi32, #tpu.memory_space<vmem>>, vector<16xi32>,
        %get3A_354 = vector.shape_cast %get3A_353 : vector<16xi32> to vector<16xi32>
        %add3A_355 = vector.broadcast %mul3A_0 : i32 to vector<16xi32>
        %add3A_356 = arith.addi %get3A_354, %add3A_355 : vector<16xi32>
        %swap3A_357 = arith.constant 48 : index
        %swap3A_358 = tpu.vector_load %arg9[%swap3A_357] {strides = array<i32>} : memref<64xi32, #tpu.memory_space<vmem>>, vector<16xi32>,
        %swap3A_359 = vector.shape_cast %swap3A_358 : vector<16xi32> to vector<16xi32>
        %swap3A_360 = vector.shape_cast %add3A_356 : vector<16xi32> to vector<16xi32>
        tpu.vector_store %arg9[%swap3A_357], %swap3A_360 {strides = array<i32>} : memref<64xi32, #tpu.memory_space<vmem>>, vector<16xi32>,
        %dma_wait3A_361 = arith.constant 0 : i32
        %dma_wait3A_362 = arith.constant 0 : i32
        %dma_wait3A_363 = tpu.memref_slice %arg3[%dma_wait3A_361, %dma_wait3A_362] : memref<320000x128xf32, #tpu.memory_space<hbm>> -> memref<64x128xf32, #tpu.memory_space<hbm>>
        %dma_wait3A_364 = arith.constant 0 : i32
        %dma_wait3A_365 = arith.constant 0 : i32
        %dma_wait3A_366 = tpu.memref_slice %arg3[%dma_wait3A_364, %dma_wait3A_365] : memref<320000x128xf32, #tpu.memory_space<hbm>> -> memref<64x128xf32, #tpu.memory_space<hbm>>
        tpu.wait_dma2 semaphore(%arg35 : memref<!tpu.dma_semaphore, #tpu.memory_space<semaphore_mem>>) src(%dma_wait3A_366 : memref<64x128xf32, #tpu.memory_space<hbm>>) dst(%arg19 : memref<64x128xf32, #tpu.memory_space<vmem>>)
        %dma_start3A_367 = arith.constant 0 : i32
        %dma_start3A_368 = arith.constant 0 : i32
        %dma_start3A_369 = tpu.memref_slice %arg2[%dma_start3A_367, %dma_start3A_368] : memref<20000x128xf32, #tpu.memory_space<hbm>> -> memref<20000x128xf32, #tpu.memory_space<hbm>>
        tpu.enqueue_indirect_dma source(%dma_start3A_369 : memref<20000x128xf32, #tpu.memory_space<hbm>>) target(%arg19 : memref<64x128xf32, #tpu.memory_space<vmem>>) offsets(%arg9 : memref<64xi32, #tpu.memory_space<vmem>>) semaphore(%arg31 : memref<!tpu.dma_semaphore, #tpu.memory_space<semaphore_mem>>) {add = true}
      } else {
      }
      %dma_wait3A_288 = arith.constant 0 : i32
      %dma_wait3A_289 = arith.constant 0 : i32
      %dma_wait3A_290 = tpu.memref_slice %arg2[%dma_wait3A_288, %dma_wait3A_289] : memref<20000x128xf32, #tpu.memory_space<hbm>> -> memref<20000x128xf32, #tpu.memory_space<hbm>>
      tpu.wait_indirect_dma semaphore(%arg34 : memref<!tpu.dma_semaphore, #tpu.memory_space<semaphore_mem>>) src(%dma_wait3A_290 : memref<20000x128xf32, #tpu.memory_space<hbm>>) dst(%arg22 : memref<64x128xf32, #tpu.memory_space<vmem>>)
      %scan3A_291 = arith.constant 0 : i32
      %scan3A_292 = arith.constant 0 : i32
      %scan3A_293 = arith.constant 64 : i32
      %scan3A_294 = arith.addi %scan3A_292, %scan3A_293 : i32
      %scan3A_295 = arith.constant 1 : i32
      scf.for %scan3A_317 = %scan3A_292 to %scan3A_294 step %scan3A_295  : i32 {
        %get3A_318 = arith.index_cast %scan3A_317 : i32 to index
        %get3A_319 = arith.constant 0 : index
        %get3A_320 = tpu.vector_load %arg22[%get3A_318, %get3A_319] {strides = array<i32>} : memref<64x128xf32, #tpu.memory_space<vmem>>, vector<1x16xf32>,
        %get3A_321 = vector.shape_cast %get3A_320 : vector<1x16xf32> to vector<16xf32>
        %max3A = arith.constant 0.000000e+00 : f32
        %max3A_322 = vector.broadcast %max3A : f32 to vector<16xf32>
        %max3A_323 = arith.maximumf %get3A_321, %max3A_322 : vector<16xf32>
        %swap3A_324 = arith.index_cast %scan3A_317 : i32 to index
        %swap3A_325 = arith.constant 0 : index
        %swap3A_326 = tpu.vector_load %arg22[%swap3A_324, %swap3A_325] {strides = array<i32>} : memref<64x128xf32, #tpu.memory_space<vmem>>, vector<1x16xf32>,
        %swap3A_327 = vector.shape_cast %swap3A_326 : vector<1x16xf32> to vector<16xf32>
        %swap3A_328 = vector.shape_cast %max3A_323 : vector<16xf32> to vector<1x16xf32>
        tpu.vector_store %arg22[%swap3A_324, %swap3A_325], %swap3A_328 {strides = array<i32>} : memref<64x128xf32, #tpu.memory_space<vmem>>, vector<1x16xf32>,
        %get3A_329 = arith.index_cast %scan3A_317 : i32 to index
        %get3A_330 = arith.constant 16 : index
        %get3A_331 = tpu.vector_load %arg22[%get3A_329, %get3A_330] {strides = array<i32>} : memref<64x128xf32, #tpu.memory_space<vmem>>, vector<1x16xf32>,
        %get3A_332 = vector.shape_cast %get3A_331 : vector<1x16xf32> to vector<16xf32>
        %max3A_333 = arith.constant 0.000000e+00 : f32
        %max3A_334 = vector.broadcast %max3A_333 : f32 to vector<16xf32>
        %max3A_335 = arith.maximumf %get3A_332, %max3A_334 : vector<16xf32>
        %swap3A_336 = arith.index_cast %scan3A_317 : i32 to index
        %swap3A_337 = arith.constant 16 : index
        %swap3A_338 = tpu.vector_load %arg22[%swap3A_336, %swap3A_337] {strides = array<i32>} : memref<64x128xf32, #tpu.memory_space<vmem>>, vector<1x16xf32>,
        %swap3A_339 = vector.shape_cast %swap3A_338 : vector<1x16xf32> to vector<16xf32>
        %swap3A_340 = vector.shape_cast %max3A_335 : vector<16xf32> to vector<1x16xf32>
        tpu.vector_store %arg22[%swap3A_336, %swap3A_337], %swap3A_340 {strides = array<i32>} : memref<64x128xf32, #tpu.memory_space<vmem>>, vector<1x16xf32>,
        %get3A_341 = arith.index_cast %scan3A_317 : i32 to index
        %get3A_342 = arith.constant 32 : index
        %get3A_343 = tpu.vector_load %arg22[%get3A_341, %get3A_342] {strides = array<i32>} : memref<64x128xf32, #tpu.memory_space<vmem>>, vector<1x16xf32>,
        %get3A_344 = vector.shape_cast %get3A_343 : vector<1x16xf32> to vector<16xf32>
        %max3A_345 = arith.constant 0.000000e+00 : f32
        %max3A_346 = vector.broadcast %max3A_345 : f32 to vector<16xf32>
        %max3A_347 = arith.maximumf %get3A_344, %max3A_346 : vector<16xf32>
        %swap3A_348 = arith.index_cast %scan3A_317 : i32 to index
        %swap3A_349 = arith.constant 32 : index
        %swap3A_350 = tpu.vector_load %arg22[%swap3A_348, %swap3A_349] {strides = array<i32>} : memref<64x128xf32, #tpu.memory_space<vmem>>, vector<1x16xf32>,
        %swap3A_351 = vector.shape_cast %swap3A_350 : vector<1x16xf32> to vector<16xf32>
        %swap3A_352 = vector.shape_cast %max3A_347 : vector<16xf32> to vector<1x16xf32>
        tpu.vector_store %arg22[%swap3A_348, %swap3A_349], %swap3A_352 {strides = array<i32>} : memref<64x128xf32, #tpu.memory_space<vmem>>, vector<1x16xf32>,
        %get3A_353 = arith.index_cast %scan3A_317 : i32 to index
        %get3A_354 = arith.constant 48 : index
        %get3A_355 = tpu.vector_load %arg22[%get3A_353, %get3A_354] {strides = array<i32>} : memref<64x128xf32, #tpu.memory_space<vmem>>, vector<1x16xf32>,
        %get3A_356 = vector.shape_cast %get3A_355 : vector<1x16xf32> to vector<16xf32>
        %max3A_357 = arith.constant 0.000000e+00 : f32
        %max3A_358 = vector.broadcast %max3A_357 : f32 to vector<16xf32>
        %max3A_359 = arith.maximumf %get3A_356, %max3A_358 : vector<16xf32>
        %swap3A_360 = arith.index_cast %scan3A_317 : i32 to index
        %swap3A_361 = arith.constant 48 : index
        %swap3A_362 = tpu.vector_load %arg22[%swap3A_360, %swap3A_361] {strides = array<i32>} : memref<64x128xf32, #tpu.memory_space<vmem>>, vector<1x16xf32>,
        %swap3A_363 = vector.shape_cast %swap3A_362 : vector<1x16xf32> to vector<16xf32>
        %swap3A_364 = vector.shape_cast %max3A_359 : vector<16xf32> to vector<1x16xf32>
        tpu.vector_store %arg22[%swap3A_360, %swap3A_361], %swap3A_364 {strides = array<i32>} : memref<64x128xf32, #tpu.memory_space<vmem>>, vector<1x16xf32>,
        %get3A_365 = arith.index_cast %scan3A_317 : i32 to index
        %get3A_366 = arith.constant 64 : index
        %get3A_367 = tpu.vector_load %arg22[%get3A_365, %get3A_366] {strides = array<i32>} : memref<64x128xf32, #tpu.memory_space<vmem>>, vector<1x16xf32>,
        %get3A_368 = vector.shape_cast %get3A_367 : vector<1x16xf32> to vector<16xf32>
        %max3A_369 = arith.constant 0.000000e+00 : f32
        %max3A_370 = vector.broadcast %max3A_369 : f32 to vector<16xf32>
        %max3A_371 = arith.maximumf %get3A_368, %max3A_370 : vector<16xf32>
        %swap3A_372 = arith.index_cast %scan3A_317 : i32 to index
        %swap3A_373 = arith.constant 64 : index
        %swap3A_374 = tpu.vector_load %arg22[%swap3A_372, %swap3A_373] {strides = array<i32>} : memref<64x128xf32, #tpu.memory_space<vmem>>, vector<1x16xf32>,
        %swap3A_375 = vector.shape_cast %swap3A_374 : vector<1x16xf32> to vector<16xf32>
        %swap3A_376 = vector.shape_cast %max3A_371 : vector<16xf32> to vector<1x16xf32>
        tpu.vector_store %arg22[%swap3A_372, %swap3A_373], %swap3A_376 {strides = array<i32>} : memref<64x128xf32, #tpu.memory_space<vmem>>, vector<1x16xf32>,
        %get3A_377 = arith.index_cast %scan3A_317 : i32 to index
        %get3A_378 = arith.constant 80 : index
        %get3A_379 = tpu.vector_load %arg22[%get3A_377, %get3A_378] {strides = array<i32>} : memref<64x128xf32, #tpu.memory_space<vmem>>, vector<1x16xf32>,
        %get3A_380 = vector.shape_cast %get3A_379 : vector<1x16xf32> to vector<16xf32>
        %max3A_381 = arith.constant 0.000000e+00 : f32
        %max3A_382 = vector.broadcast %max3A_381 : f32 to vector<16xf32>
        %max3A_383 = arith.maximumf %get3A_380, %max3A_382 : vector<16xf32>
        %swap3A_384 = arith.index_cast %scan3A_317 : i32 to index
        %swap3A_385 = arith.constant 80 : index
        %swap3A_386 = tpu.vector_load %arg22[%swap3A_384, %swap3A_385] {strides = array<i32>} : memref<64x128xf32, #tpu.memory_space<vmem>>, vector<1x16xf32>,
        %swap3A_387 = vector.shape_cast %swap3A_386 : vector<1x16xf32> to vector<16xf32>
        %swap3A_388 = vector.shape_cast %max3A_383 : vector<16xf32> to vector<1x16xf32>
        tpu.vector_store %arg22[%swap3A_384, %swap3A_385], %swap3A_388 {strides = array<i32>} : memref<64x128xf32, #tpu.memory_space<vmem>>, vector<1x16xf32>,
        %get3A_389 = arith.index_cast %scan3A_317 : i32 to index
        %get3A_390 = arith.constant 96 : index
        %get3A_391 = tpu.vector_load %arg22[%get3A_389, %get3A_390] {strides = array<i32>} : memref<64x128xf32, #tpu.memory_space<vmem>>, vector<1x16xf32>,
        %get3A_392 = vector.shape_cast %get3A_391 : vector<1x16xf32> to vector<16xf32>
        %max3A_393 = arith.constant 0.000000e+00 : f32
        %max3A_394 = vector.broadcast %max3A_393 : f32 to vector<16xf32>
        %max3A_395 = arith.maximumf %get3A_392, %max3A_394 : vector<16xf32>
        %swap3A_396 = arith.index_cast %scan3A_317 : i32 to index
        %swap3A_397 = arith.constant 96 : index
        %swap3A_398 = tpu.vector_load %arg22[%swap3A_396, %swap3A_397] {strides = array<i32>} : memref<64x128xf32, #tpu.memory_space<vmem>>, vector<1x16xf32>,
        %swap3A_399 = vector.shape_cast %swap3A_398 : vector<1x16xf32> to vector<16xf32>
        %swap3A_400 = vector.shape_cast %max3A_395 : vector<16xf32> to vector<1x16xf32>
        tpu.vector_store %arg22[%swap3A_396, %swap3A_397], %swap3A_400 {strides = array<i32>} : memref<64x128xf32, #tpu.memory_space<vmem>>, vector<1x16xf32>,
        %get3A_401 = arith.index_cast %scan3A_317 : i32 to index
        %get3A_402 = arith.constant 112 : index
        %get3A_403 = tpu.vector_load %arg22[%get3A_401, %get3A_402] {strides = array<i32>} : memref<64x128xf32, #tpu.memory_space<vmem>>, vector<1x16xf32>,
        %get3A_404 = vector.shape_cast %get3A_403 : vector<1x16xf32> to vector<16xf32>
        %max3A_405 = arith.constant 0.000000e+00 : f32
        %max3A_406 = vector.broadcast %max3A_405 : f32 to vector<16xf32>
        %max3A_407 = arith.maximumf %get3A_404, %max3A_406 : vector<16xf32>
        %swap3A_408 = arith.index_cast %scan3A_317 : i32 to index
        %swap3A_409 = arith.constant 112 : index
        %swap3A_410 = tpu.vector_load %arg22[%swap3A_408, %swap3A_409] {strides = array<i32>} : memref<64x128xf32, #tpu.memory_space<vmem>>, vector<1x16xf32>,
        %swap3A_411 = vector.shape_cast %swap3A_410 : vector<1x16xf32> to vector<16xf32>
        %swap3A_412 = vector.shape_cast %max3A_407 : vector<16xf32> to vector<1x16xf32>
        tpu.vector_store %arg22[%swap3A_408, %swap3A_409], %swap3A_412 {strides = array<i32>} : memref<64x128xf32, #tpu.memory_space<vmem>>, vector<1x16xf32>,
      }
      %scan3A_296 = arith.constant 64 : i32
      %dma_start3A_297 = arith.constant 0 : i32
      %dma_start3A_298 = arith.constant 0 : i32
      %dma_start3A_299 = tpu.memref_slice %arg8[%dma_start3A_297, %dma_start3A_298] : memref<10112x128xf32, #tpu.memory_space<vmem_shared>> -> memref<10112x128xf32, #tpu.memory_space<vmem_shared>>
      tpu.enqueue_indirect_dma source(%arg22 : memref<64x128xf32, #tpu.memory_space<vmem>>) target(%dma_start3A_299 : memref<10112x128xf32, #tpu.memory_space<vmem_shared>>) offsets(%arg16 : memref<64xi32, #tpu.memory_space<vmem>>) semaphore(%arg42 : memref<!tpu.dma_semaphore, #tpu.memory_space<semaphore_mem>>) {add = true}
      %ge3A_300 = arith.constant 2 : i32
      %ge3A_301 = arith.cmpi sge, %add3A_280, %ge3A_300 : i32
      %add3A_302 = arith.constant 2 : i32
      %add3A_303 = arith.addi %add3A_280, %add3A_302 : i32
      %lt3A_304 = arith.constant 156 : i32
      %lt3A_305 = arith.cmpi slt, %add3A_303, %lt3A_304 : i32
      %and3A_306 = arith.andi %ge3A_301, %lt3A_305 : i1
      %convert_element_type3A_307 = arith.extui %and3A_306 : i1 to i32
      %cond3A_308 = arith.constant 0 : i32
      %cond3A_309 = arith.cmpi ne, %convert_element_type3A_307, %cond3A_308 : i32
      scf.if %cond3A_309 {
        %dma_wait3A_317 = arith.constant 0 : i32
        %dma_wait3A_318 = arith.constant 0 : i32
        %dma_wait3A_319 = tpu.memref_slice %arg8[%dma_wait3A_317, %dma_wait3A_318] : memref<10112x128xf32, #tpu.memory_space<vmem_shared>> -> memref<10112x128xf32, #tpu.memory_space<vmem_shared>>
        tpu.wait_indirect_dma semaphore(%arg40 : memref<!tpu.dma_semaphore, #tpu.memory_space<semaphore_mem>>) src(%arg20 : memref<64x128xf32, #tpu.memory_space<vmem>>) dst(%dma_wait3A_319 : memref<10112x128xf32, #tpu.memory_space<vmem_shared>>)
      } else {
      }
      %add3A_310 = arith.constant 2 : i32
      %add3A_311 = arith.addi %add3A_280, %add3A_310 : i32
      %lt3A_312 = arith.constant 156 : i32
      %lt3A_313 = arith.cmpi slt, %add3A_311, %lt3A_312 : i32
      %convert_element_type3A_314 = arith.extui %lt3A_313 : i1 to i32
      %cond3A_315 = arith.constant 0 : i32
      %cond3A_316 = arith.cmpi ne, %convert_element_type3A_314, %cond3A_315 : i32
      scf.if %cond3A_316 {
        %add3A_317 = arith.constant 2 : i32
        %add3A_318 = arith.addi %add3A_280, %add3A_317 : i32
        %mul3A_319 = arith.constant 160000 : i32
        %mul3A_320 = arith.muli %arg0, %mul3A_319 : i32
        %add3A_321 = arith.addi %mul3A_320, %mul3A_10 : i32
        %mul3A_322 = arith.constant 64 : i32
        %mul3A_323 = arith.muli %add3A_318, %mul3A_322 : i32
        %add3A_324 = arith.addi %add3A_321, %mul3A_323 : i32
        %dma_start3A_325 = arith.constant 0 : i32
        %dma_start3A_326 = tpu.memref_slice %arg3[%add3A_324, %dma_start3A_325] : memref<320000x128xf32, #tpu.memory_space<hbm>> -> memref<64x128xf32, #tpu.memory_space<hbm>>
        %dma_start3A_327 = arith.constant 0 : i32
        %dma_start3A_328 = tpu.memref_slice %arg3[%add3A_324, %dma_start3A_327] : memref<320000x128xf32, #tpu.memory_space<hbm>> -> memref<64x128xf32, #tpu.memory_space<hbm>>
        tpu.enqueue_dma source(%dma_start3A_328 : memref<64x128xf32, #tpu.memory_space<hbm>>) target(%arg20 : memref<64x128xf32, #tpu.memory_space<vmem>>) target_semaphore(%arg36 : memref<!tpu.dma_semaphore, #tpu.memory_space<semaphore_mem>>)
        %add3A_329 = arith.constant 2 : i32
        %add3A_330 = arith.addi %add3A_280, %add3A_329 : i32
        %mul3A_331 = arith.constant 160000 : i32
        %mul3A_332 = arith.muli %arg0, %mul3A_331 : i32
        %add3A_333 = arith.addi %mul3A_332, %mul3A_10 : i32
        %mul3A_334 = arith.constant 64 : i32
        %mul3A_335 = arith.muli %add3A_330, %mul3A_334 : i32
        %add3A_336 = arith.addi %add3A_333, %mul3A_335 : i32
        %dma_start3A_337 = tpu.memref_slice %arg4[%add3A_336] : memref<320000xi32, #tpu.memory_space<hbm>> -> memref<64xi32, #tpu.memory_space<hbm>>
        %dma_start3A_338 = tpu.memref_slice %arg4[%add3A_336] : memref<320000xi32, #tpu.memory_space<hbm>> -> memref<64xi32, #tpu.memory_space<hbm>>
        tpu.enqueue_dma source(%dma_start3A_338 : memref<64xi32, #tpu.memory_space<hbm>>) target(%arg10 : memref<64xi32, #tpu.memory_space<vmem>>) target_semaphore(%arg24 : memref<!tpu.dma_semaphore, #tpu.memory_space<semaphore_mem>>)
        %dma_start3A_339 = tpu.memref_slice %arg5[%add3A_336] : memref<320000xi32, #tpu.memory_space<hbm>> -> memref<64xi32, #tpu.memory_space<hbm>>
        %dma_start3A_340 = tpu.memref_slice %arg5[%add3A_336] : memref<320000xi32, #tpu.memory_space<hbm>> -> memref<64xi32, #tpu.memory_space<hbm>>
        tpu.enqueue_dma source(%dma_start3A_340 : memref<64xi32, #tpu.memory_space<hbm>>) target(%arg14 : memref<64xi32, #tpu.memory_space<vmem>>) target_semaphore(%arg28 : memref<!tpu.dma_semaphore, #tpu.memory_space<semaphore_mem>>)
      } else {
      }
    }
    %scan3A_99 = arith.constant 39 : i32
    %dma_wait3A_100 = arith.constant 0 : i32
    %dma_wait3A_101 = arith.constant 0 : i32
    %dma_wait3A_102 = tpu.memref_slice %arg8[%dma_wait3A_100, %dma_wait3A_101] : memref<10112x128xf32, #tpu.memory_space<vmem_shared>> -> memref<10112x128xf32, #tpu.memory_space<vmem_shared>>
    tpu.wait_indirect_dma semaphore(%arg39 : memref<!tpu.dma_semaphore, #tpu.memory_space<semaphore_mem>>) src(%arg19 : memref<64x128xf32, #tpu.memory_space<vmem>>) dst(%dma_wait3A_102 : memref<10112x128xf32, #tpu.memory_space<vmem_shared>>)
    %dma_wait3A_103 = arith.constant 0 : i32
    %dma_wait3A_104 = arith.constant 0 : i32
    %dma_wait3A_105 = tpu.memref_slice %arg8[%dma_wait3A_103, %dma_wait3A_104] : memref<10112x128xf32, #tpu.memory_space<vmem_shared>> -> memref<10112x128xf32, #tpu.memory_space<vmem_shared>>
    tpu.wait_indirect_dma semaphore(%arg40 : memref<!tpu.dma_semaphore, #tpu.memory_space<semaphore_mem>>) src(%arg20 : memref<64x128xf32, #tpu.memory_space<vmem>>) dst(%dma_wait3A_105 : memref<10112x128xf32, #tpu.memory_space<vmem_shared>>)
    %dma_wait3A_106 = arith.constant 0 : i32
    %dma_wait3A_107 = arith.constant 0 : i32
    %dma_wait3A_108 = tpu.memref_slice %arg8[%dma_wait3A_106, %dma_wait3A_107] : memref<10112x128xf32, #tpu.memory_space<vmem_shared>> -> memref<10112x128xf32, #tpu.memory_space<vmem_shared>>
    tpu.wait_indirect_dma semaphore(%arg41 : memref<!tpu.dma_semaphore, #tpu.memory_space<semaphore_mem>>) src(%arg21 : memref<64x128xf32, #tpu.memory_space<vmem>>) dst(%dma_wait3A_108 : memref<10112x128xf32, #tpu.memory_space<vmem_shared>>)
    %dma_wait3A_109 = arith.constant 0 : i32
    %dma_wait3A_110 = arith.constant 0 : i32
    %dma_wait3A_111 = tpu.memref_slice %arg8[%dma_wait3A_109, %dma_wait3A_110] : memref<10112x128xf32, #tpu.memory_space<vmem_shared>> -> memref<10112x128xf32, #tpu.memory_space<vmem_shared>>
    tpu.wait_indirect_dma semaphore(%arg42 : memref<!tpu.dma_semaphore, #tpu.memory_space<semaphore_mem>>) src(%arg22 : memref<64x128xf32, #tpu.memory_space<vmem>>) dst(%dma_wait3A_111 : memref<10112x128xf32, #tpu.memory_space<vmem_shared>>)
    %add3A_112 = arith.constant 9984 : i32
    %add3A_113 = arith.addi %mul3A_10, %add3A_112 : i32
    %mul3A_114 = arith.constant 160000 : i32
    %mul3A_115 = arith.muli %arg0, %mul3A_114 : i32
    %add3A_116 = arith.addi %mul3A_115, %add3A_113 : i32
    "tpu.region"() ({
      %run_scoped3A = tpu.sem_alloc : memref<!tpu.dma_semaphore, #tpu.memory_space<semaphore_mem>>
      %dma_start3A_158 = tpu.memref_slice %arg4[%add3A_116] : memref<320000xi32, #tpu.memory_space<hbm>> -> memref<16xi32, #tpu.memory_space<hbm>>
      %dma_start3A_159 = tpu.memref_slice %arg4[%add3A_116] : memref<320000xi32, #tpu.memory_space<hbm>> -> memref<16xi32, #tpu.memory_space<hbm>>
      tpu.enqueue_dma source(%dma_start3A_159 : memref<16xi32, #tpu.memory_space<hbm>>) target(%arg17 : memref<16xi32, #tpu.memory_space<vmem>>) target_semaphore(%run_scoped3A : memref<!tpu.dma_semaphore, #tpu.memory_space<semaphore_mem>>)
      %dma_wait3A_160 = tpu.memref_slice %arg4[%add3A_116] : memref<320000xi32, #tpu.memory_space<hbm>> -> memref<16xi32, #tpu.memory_space<hbm>>
      %dma_wait3A_161 = tpu.memref_slice %arg4[%add3A_116] : memref<320000xi32, #tpu.memory_space<hbm>> -> memref<16xi32, #tpu.memory_space<hbm>>
      tpu.wait_dma2 semaphore(%run_scoped3A : memref<!tpu.dma_semaphore, #tpu.memory_space<semaphore_mem>>) src(%dma_wait3A_161 : memref<16xi32, #tpu.memory_space<hbm>>) dst(%arg17 : memref<16xi32, #tpu.memory_space<vmem>>)
      tpu.yield
    }) : () -> ()
    "tpu.region"() ({
      %run_scoped3A = tpu.sem_alloc : memref<!tpu.dma_semaphore, #tpu.memory_space<semaphore_mem>>
      %dma_start3A_158 = tpu.memref_slice %arg5[%add3A_116] : memref<320000xi32, #tpu.memory_space<hbm>> -> memref<16xi32, #tpu.memory_space<hbm>>
      %dma_start3A_159 = tpu.memref_slice %arg5[%add3A_116] : memref<320000xi32, #tpu.memory_space<hbm>> -> memref<16xi32, #tpu.memory_space<hbm>>
      tpu.enqueue_dma source(%dma_start3A_159 : memref<16xi32, #tpu.memory_space<hbm>>) target(%arg18 : memref<16xi32, #tpu.memory_space<vmem>>) target_semaphore(%run_scoped3A : memref<!tpu.dma_semaphore, #tpu.memory_space<semaphore_mem>>)
      %dma_wait3A_160 = tpu.memref_slice %arg5[%add3A_116] : memref<320000xi32, #tpu.memory_space<hbm>> -> memref<16xi32, #tpu.memory_space<hbm>>
      %dma_wait3A_161 = tpu.memref_slice %arg5[%add3A_116] : memref<320000xi32, #tpu.memory_space<hbm>> -> memref<16xi32, #tpu.memory_space<hbm>>
      tpu.wait_dma2 semaphore(%run_scoped3A : memref<!tpu.dma_semaphore, #tpu.memory_space<semaphore_mem>>) src(%dma_wait3A_161 : memref<16xi32, #tpu.memory_space<hbm>>) dst(%arg18 : memref<16xi32, #tpu.memory_space<vmem>>)
      tpu.yield
    }) : () -> ()
    %get3A_117 = arith.constant 0 : index
    %get3A_118 = tpu.vector_load %arg17[%get3A_117] {strides = array<i32>} : memref<16xi32, #tpu.memory_space<vmem>>, vector<16xi32>,
    %get3A_119 = vector.shape_cast %get3A_118 : vector<16xi32> to vector<16xi32>
    %add3A_120 = vector.broadcast %mul3A_0 : i32 to vector<16xi32>
    %add3A_121 = arith.addi %get3A_119, %add3A_120 : vector<16xi32>
    %swap3A_122 = arith.constant 0 : index
    %swap3A_123 = tpu.vector_load %arg17[%swap3A_122] {strides = array<i32>} : memref<16xi32, #tpu.memory_space<vmem>>, vector<16xi32>,
    %swap3A_124 = vector.shape_cast %swap3A_123 : vector<16xi32> to vector<16xi32>
    %swap3A_125 = vector.shape_cast %add3A_121 : vector<16xi32> to vector<16xi32>
    tpu.vector_store %arg17[%swap3A_122], %swap3A_125 {strides = array<i32>} : memref<16xi32, #tpu.memory_space<vmem>>, vector<16xi32>,
    %mul3A_126 = arith.constant 160000 : i32
    %mul3A_127 = arith.muli %arg0, %mul3A_126 : i32
    %add3A_128 = arith.addi %mul3A_127, %add3A_113 : i32
    "tpu.region"() ({
      %run_scoped3A = tpu.sem_alloc : memref<!tpu.dma_semaphore, #tpu.memory_space<semaphore_mem>>
      %dma_start3A_158 = arith.constant 0 : i32
      %dma_start3A_159 = arith.constant 0 : i32
      %dma_start3A_160 = tpu.memref_slice %arg19[%dma_start3A_158, %dma_start3A_159] : memref<64x128xf32, #tpu.memory_space<vmem>> -> memref<16x128xf32, #tpu.memory_space<vmem>>
      %dma_start3A_161 = arith.constant 0 : i32
      %dma_start3A_162 = tpu.memref_slice %arg3[%add3A_128, %dma_start3A_161] : memref<320000x128xf32, #tpu.memory_space<hbm>> -> memref<16x128xf32, #tpu.memory_space<hbm>>
      %dma_start3A_163 = arith.constant 0 : i32
      %dma_start3A_164 = arith.constant 0 : i32
      %dma_start3A_165 = tpu.memref_slice %arg19[%dma_start3A_163, %dma_start3A_164] : memref<64x128xf32, #tpu.memory_space<vmem>> -> memref<16x128xf32, #tpu.memory_space<vmem>>
      %dma_start3A_166 = arith.constant 0 : i32
      %dma_start3A_167 = tpu.memref_slice %arg3[%add3A_128, %dma_start3A_166] : memref<320000x128xf32, #tpu.memory_space<hbm>> -> memref<16x128xf32, #tpu.memory_space<hbm>>
      tpu.enqueue_dma source(%dma_start3A_167 : memref<16x128xf32, #tpu.memory_space<hbm>>) target(%dma_start3A_165 : memref<16x128xf32, #tpu.memory_space<vmem>>) target_semaphore(%run_scoped3A : memref<!tpu.dma_semaphore, #tpu.memory_space<semaphore_mem>>)
      %dma_wait3A_168 = arith.constant 0 : i32
      %dma_wait3A_169 = arith.constant 0 : i32
      %dma_wait3A_170 = tpu.memref_slice %arg19[%dma_wait3A_168, %dma_wait3A_169] : memref<64x128xf32, #tpu.memory_space<vmem>> -> memref<16x128xf32, #tpu.memory_space<vmem>>
      %dma_wait3A_171 = arith.constant 0 : i32
      %dma_wait3A_172 = tpu.memref_slice %arg3[%add3A_128, %dma_wait3A_171] : memref<320000x128xf32, #tpu.memory_space<hbm>> -> memref<16x128xf32, #tpu.memory_space<hbm>>
      %dma_wait3A_173 = arith.constant 0 : i32
      %dma_wait3A_174 = arith.constant 0 : i32
      %dma_wait3A_175 = tpu.memref_slice %arg19[%dma_wait3A_173, %dma_wait3A_174] : memref<64x128xf32, #tpu.memory_space<vmem>> -> memref<16x128xf32, #tpu.memory_space<vmem>>
      %dma_wait3A_176 = arith.constant 0 : i32
      %dma_wait3A_177 = tpu.memref_slice %arg3[%add3A_128, %dma_wait3A_176] : memref<320000x128xf32, #tpu.memory_space<hbm>> -> memref<16x128xf32, #tpu.memory_space<hbm>>
      tpu.wait_dma2 semaphore(%run_scoped3A : memref<!tpu.dma_semaphore, #tpu.memory_space<semaphore_mem>>) src(%dma_wait3A_177 : memref<16x128xf32, #tpu.memory_space<hbm>>) dst(%dma_wait3A_175 : memref<16x128xf32, #tpu.memory_space<vmem>>)
      tpu.yield
    }) : () -> ()
    %dma_start3A_129 = arith.constant 0 : i32
    %dma_start3A_130 = arith.constant 0 : i32
    %dma_start3A_131 = tpu.memref_slice %arg19[%dma_start3A_129, %dma_start3A_130] : memref<64x128xf32, #tpu.memory_space<vmem>> -> memref<16x128xf32, #tpu.memory_space<vmem>>
    %dma_start3A_132 = arith.constant 0 : i32
    %dma_start3A_133 = arith.constant 0 : i32
    %dma_start3A_134 = tpu.memref_slice %arg2[%dma_start3A_132, %dma_start3A_133] : memref<20000x128xf32, #tpu.memory_space<hbm>> -> memref<20000x128xf32, #tpu.memory_space<hbm>>
    tpu.enqueue_indirect_dma source(%dma_start3A_134 : memref<20000x128xf32, #tpu.memory_space<hbm>>) target(%dma_start3A_131 : memref<16x128xf32, #tpu.memory_space<vmem>>) offsets(%arg17 : memref<16xi32, #tpu.memory_space<vmem>>) semaphore(%arg31 : memref<!tpu.dma_semaphore, #tpu.memory_space<semaphore_mem>>) {add = true}
    %dma_wait3A_135 = arith.constant 0 : i32
    %dma_wait3A_136 = arith.constant 0 : i32
    %dma_wait3A_137 = tpu.memref_slice %arg19[%dma_wait3A_135, %dma_wait3A_136] : memref<64x128xf32, #tpu.memory_space<vmem>> -> memref<16x128xf32, #tpu.memory_space<vmem>>
    %dma_wait3A_138 = arith.constant 0 : i32
    %dma_wait3A_139 = arith.constant 0 : i32
    %dma_wait3A_140 = tpu.memref_slice %arg2[%dma_wait3A_138, %dma_wait3A_139] : memref<20000x128xf32, #tpu.memory_space<hbm>> -> memref<20000x128xf32, #tpu.memory_space<hbm>>
    tpu.wait_indirect_dma semaphore(%arg31 : memref<!tpu.dma_semaphore, #tpu.memory_space<semaphore_mem>>) src(%dma_wait3A_140 : memref<20000x128xf32, #tpu.memory_space<hbm>>) dst(%dma_wait3A_137 : memref<16x128xf32, #tpu.memory_space<vmem>>)
    %scan3A_141 = arith.constant 0 : i32
    %scan3A_142 = arith.constant 0 : i32
    %scan3A_143 = arith.constant 16 : i32
    %scan3A_144 = arith.addi %scan3A_142, %scan3A_143 : i32
    %scan3A_145 = arith.constant 1 : i32
    scf.for %scan3A_158 = %scan3A_142 to %scan3A_144 step %scan3A_145  : i32 {
      %get3A_159 = arith.index_cast %scan3A_158 : i32 to index
      %get3A_160 = arith.constant 0 : index
      %get3A_161 = tpu.vector_load %arg19[%get3A_159, %get3A_160] {strides = array<i32>} : memref<64x128xf32, #tpu.memory_space<vmem>>, vector<1x16xf32>,
      %get3A_162 = vector.shape_cast %get3A_161 : vector<1x16xf32> to vector<16xf32>
      %max3A = arith.constant 0.000000e+00 : f32
      %max3A_163 = vector.broadcast %max3A : f32 to vector<16xf32>
      %max3A_164 = arith.maximumf %get3A_162, %max3A_163 : vector<16xf32>
      %swap3A_165 = arith.index_cast %scan3A_158 : i32 to index
      %swap3A_166 = arith.constant 0 : index
      %swap3A_167 = tpu.vector_load %arg19[%swap3A_165, %swap3A_166] {strides = array<i32>} : memref<64x128xf32, #tpu.memory_space<vmem>>, vector<1x16xf32>,
      %swap3A_168 = vector.shape_cast %swap3A_167 : vector<1x16xf32> to vector<16xf32>
      %swap3A_169 = vector.shape_cast %max3A_164 : vector<16xf32> to vector<1x16xf32>
      tpu.vector_store %arg19[%swap3A_165, %swap3A_166], %swap3A_169 {strides = array<i32>} : memref<64x128xf32, #tpu.memory_space<vmem>>, vector<1x16xf32>,
      %get3A_170 = arith.index_cast %scan3A_158 : i32 to index
      %get3A_171 = arith.constant 16 : index
      %get3A_172 = tpu.vector_load %arg19[%get3A_170, %get3A_171] {strides = array<i32>} : memref<64x128xf32, #tpu.memory_space<vmem>>, vector<1x16xf32>,
      %get3A_173 = vector.shape_cast %get3A_172 : vector<1x16xf32> to vector<16xf32>
      %max3A_174 = arith.constant 0.000000e+00 : f32
      %max3A_175 = vector.broadcast %max3A_174 : f32 to vector<16xf32>
      %max3A_176 = arith.maximumf %get3A_173, %max3A_175 : vector<16xf32>
      %swap3A_177 = arith.index_cast %scan3A_158 : i32 to index
      %swap3A_178 = arith.constant 16 : index
      %swap3A_179 = tpu.vector_load %arg19[%swap3A_177, %swap3A_178] {strides = array<i32>} : memref<64x128xf32, #tpu.memory_space<vmem>>, vector<1x16xf32>,
      %swap3A_180 = vector.shape_cast %swap3A_179 : vector<1x16xf32> to vector<16xf32>
      %swap3A_181 = vector.shape_cast %max3A_176 : vector<16xf32> to vector<1x16xf32>
      tpu.vector_store %arg19[%swap3A_177, %swap3A_178], %swap3A_181 {strides = array<i32>} : memref<64x128xf32, #tpu.memory_space<vmem>>, vector<1x16xf32>,
      %get3A_182 = arith.index_cast %scan3A_158 : i32 to index
      %get3A_183 = arith.constant 32 : index
      %get3A_184 = tpu.vector_load %arg19[%get3A_182, %get3A_183] {strides = array<i32>} : memref<64x128xf32, #tpu.memory_space<vmem>>, vector<1x16xf32>,
      %get3A_185 = vector.shape_cast %get3A_184 : vector<1x16xf32> to vector<16xf32>
      %max3A_186 = arith.constant 0.000000e+00 : f32
      %max3A_187 = vector.broadcast %max3A_186 : f32 to vector<16xf32>
      %max3A_188 = arith.maximumf %get3A_185, %max3A_187 : vector<16xf32>
      %swap3A_189 = arith.index_cast %scan3A_158 : i32 to index
      %swap3A_190 = arith.constant 32 : index
      %swap3A_191 = tpu.vector_load %arg19[%swap3A_189, %swap3A_190] {strides = array<i32>} : memref<64x128xf32, #tpu.memory_space<vmem>>, vector<1x16xf32>,
      %swap3A_192 = vector.shape_cast %swap3A_191 : vector<1x16xf32> to vector<16xf32>
      %swap3A_193 = vector.shape_cast %max3A_188 : vector<16xf32> to vector<1x16xf32>
      tpu.vector_store %arg19[%swap3A_189, %swap3A_190], %swap3A_193 {strides = array<i32>} : memref<64x128xf32, #tpu.memory_space<vmem>>, vector<1x16xf32>,
      %get3A_194 = arith.index_cast %scan3A_158 : i32 to index
      %get3A_195 = arith.constant 48 : index
      %get3A_196 = tpu.vector_load %arg19[%get3A_194, %get3A_195] {strides = array<i32>} : memref<64x128xf32, #tpu.memory_space<vmem>>, vector<1x16xf32>,
      %get3A_197 = vector.shape_cast %get3A_196 : vector<1x16xf32> to vector<16xf32>
      %max3A_198 = arith.constant 0.000000e+00 : f32
      %max3A_199 = vector.broadcast %max3A_198 : f32 to vector<16xf32>
      %max3A_200 = arith.maximumf %get3A_197, %max3A_199 : vector<16xf32>
      %swap3A_201 = arith.index_cast %scan3A_158 : i32 to index
      %swap3A_202 = arith.constant 48 : index
      %swap3A_203 = tpu.vector_load %arg19[%swap3A_201, %swap3A_202] {strides = array<i32>} : memref<64x128xf32, #tpu.memory_space<vmem>>, vector<1x16xf32>,
      %swap3A_204 = vector.shape_cast %swap3A_203 : vector<1x16xf32> to vector<16xf32>
      %swap3A_205 = vector.shape_cast %max3A_200 : vector<16xf32> to vector<1x16xf32>
      tpu.vector_store %arg19[%swap3A_201, %swap3A_202], %swap3A_205 {strides = array<i32>} : memref<64x128xf32, #tpu.memory_space<vmem>>, vector<1x16xf32>,
      %get3A_206 = arith.index_cast %scan3A_158 : i32 to index
      %get3A_207 = arith.constant 64 : index
      %get3A_208 = tpu.vector_load %arg19[%get3A_206, %get3A_207] {strides = array<i32>} : memref<64x128xf32, #tpu.memory_space<vmem>>, vector<1x16xf32>,
      %get3A_209 = vector.shape_cast %get3A_208 : vector<1x16xf32> to vector<16xf32>
      %max3A_210 = arith.constant 0.000000e+00 : f32
      %max3A_211 = vector.broadcast %max3A_210 : f32 to vector<16xf32>
      %max3A_212 = arith.maximumf %get3A_209, %max3A_211 : vector<16xf32>
      %swap3A_213 = arith.index_cast %scan3A_158 : i32 to index
      %swap3A_214 = arith.constant 64 : index
      %swap3A_215 = tpu.vector_load %arg19[%swap3A_213, %swap3A_214] {strides = array<i32>} : memref<64x128xf32, #tpu.memory_space<vmem>>, vector<1x16xf32>,
      %swap3A_216 = vector.shape_cast %swap3A_215 : vector<1x16xf32> to vector<16xf32>
      %swap3A_217 = vector.shape_cast %max3A_212 : vector<16xf32> to vector<1x16xf32>
      tpu.vector_store %arg19[%swap3A_213, %swap3A_214], %swap3A_217 {strides = array<i32>} : memref<64x128xf32, #tpu.memory_space<vmem>>, vector<1x16xf32>,
      %get3A_218 = arith.index_cast %scan3A_158 : i32 to index
      %get3A_219 = arith.constant 80 : index
      %get3A_220 = tpu.vector_load %arg19[%get3A_218, %get3A_219] {strides = array<i32>} : memref<64x128xf32, #tpu.memory_space<vmem>>, vector<1x16xf32>,
      %get3A_221 = vector.shape_cast %get3A_220 : vector<1x16xf32> to vector<16xf32>
      %max3A_222 = arith.constant 0.000000e+00 : f32
      %max3A_223 = vector.broadcast %max3A_222 : f32 to vector<16xf32>
      %max3A_224 = arith.maximumf %get3A_221, %max3A_223 : vector<16xf32>
      %swap3A_225 = arith.index_cast %scan3A_158 : i32 to index
      %swap3A_226 = arith.constant 80 : index
      %swap3A_227 = tpu.vector_load %arg19[%swap3A_225, %swap3A_226] {strides = array<i32>} : memref<64x128xf32, #tpu.memory_space<vmem>>, vector<1x16xf32>,
      %swap3A_228 = vector.shape_cast %swap3A_227 : vector<1x16xf32> to vector<16xf32>
      %swap3A_229 = vector.shape_cast %max3A_224 : vector<16xf32> to vector<1x16xf32>
      tpu.vector_store %arg19[%swap3A_225, %swap3A_226], %swap3A_229 {strides = array<i32>} : memref<64x128xf32, #tpu.memory_space<vmem>>, vector<1x16xf32>,
      %get3A_230 = arith.index_cast %scan3A_158 : i32 to index
      %get3A_231 = arith.constant 96 : index
      %get3A_232 = tpu.vector_load %arg19[%get3A_230, %get3A_231] {strides = array<i32>} : memref<64x128xf32, #tpu.memory_space<vmem>>, vector<1x16xf32>,
      %get3A_233 = vector.shape_cast %get3A_232 : vector<1x16xf32> to vector<16xf32>
      %max3A_234 = arith.constant 0.000000e+00 : f32
      %max3A_235 = vector.broadcast %max3A_234 : f32 to vector<16xf32>
      %max3A_236 = arith.maximumf %get3A_233, %max3A_235 : vector<16xf32>
      %swap3A_237 = arith.index_cast %scan3A_158 : i32 to index
      %swap3A_238 = arith.constant 96 : index
      %swap3A_239 = tpu.vector_load %arg19[%swap3A_237, %swap3A_238] {strides = array<i32>} : memref<64x128xf32, #tpu.memory_space<vmem>>, vector<1x16xf32>,
      %swap3A_240 = vector.shape_cast %swap3A_239 : vector<1x16xf32> to vector<16xf32>
      %swap3A_241 = vector.shape_cast %max3A_236 : vector<16xf32> to vector<1x16xf32>
      tpu.vector_store %arg19[%swap3A_237, %swap3A_238], %swap3A_241 {strides = array<i32>} : memref<64x128xf32, #tpu.memory_space<vmem>>, vector<1x16xf32>,
      %get3A_242 = arith.index_cast %scan3A_158 : i32 to index
      %get3A_243 = arith.constant 112 : index
      %get3A_244 = tpu.vector_load %arg19[%get3A_242, %get3A_243] {strides = array<i32>} : memref<64x128xf32, #tpu.memory_space<vmem>>, vector<1x16xf32>,
      %get3A_245 = vector.shape_cast %get3A_244 : vector<1x16xf32> to vector<16xf32>
      %max3A_246 = arith.constant 0.000000e+00 : f32
      %max3A_247 = vector.broadcast %max3A_246 : f32 to vector<16xf32>
      %max3A_248 = arith.maximumf %get3A_245, %max3A_247 : vector<16xf32>
      %swap3A_249 = arith.index_cast %scan3A_158 : i32 to index
      %swap3A_250 = arith.constant 112 : index
      %swap3A_251 = tpu.vector_load %arg19[%swap3A_249, %swap3A_250] {strides = array<i32>} : memref<64x128xf32, #tpu.memory_space<vmem>>, vector<1x16xf32>,
      %swap3A_252 = vector.shape_cast %swap3A_251 : vector<1x16xf32> to vector<16xf32>
      %swap3A_253 = vector.shape_cast %max3A_248 : vector<16xf32> to vector<1x16xf32>
      tpu.vector_store %arg19[%swap3A_249, %swap3A_250], %swap3A_253 {strides = array<i32>} : memref<64x128xf32, #tpu.memory_space<vmem>>, vector<1x16xf32>,
    }
    %scan3A_146 = arith.constant 16 : i32
    "tpu.region"() ({
      %run_scoped3A = tpu.sem_alloc : memref<!tpu.dma_semaphore, #tpu.memory_space<semaphore_mem>>
      %dma_start3A_158 = arith.constant 0 : i32
      %dma_start3A_159 = arith.constant 0 : i32
      %dma_start3A_160 = tpu.memref_slice %arg19[%dma_start3A_158, %dma_start3A_159] : memref<64x128xf32, #tpu.memory_space<vmem>> -> memref<16x128xf32, #tpu.memory_space<vmem>>
      %dma_start3A_161 = arith.constant 0 : i32
      %dma_start3A_162 = arith.constant 0 : i32
      %dma_start3A_163 = tpu.memref_slice %arg8[%dma_start3A_161, %dma_start3A_162] : memref<10112x128xf32, #tpu.memory_space<vmem_shared>> -> memref<10112x128xf32, #tpu.memory_space<vmem_shared>>
      tpu.enqueue_indirect_dma source(%dma_start3A_160 : memref<16x128xf32, #tpu.memory_space<vmem>>) target(%dma_start3A_163 : memref<10112x128xf32, #tpu.memory_space<vmem_shared>>) offsets(%arg18 : memref<16xi32, #tpu.memory_space<vmem>>) semaphore(%run_scoped3A : memref<!tpu.dma_semaphore, #tpu.memory_space<semaphore_mem>>) {add = true}
      %dma_wait3A_164 = arith.constant 0 : i32
      %dma_wait3A_165 = arith.constant 0 : i32
      %dma_wait3A_166 = tpu.memref_slice %arg19[%dma_wait3A_164, %dma_wait3A_165] : memref<64x128xf32, #tpu.memory_space<vmem>> -> memref<16x128xf32, #tpu.memory_space<vmem>>
      %dma_wait3A_167 = arith.constant 0 : i32
      %dma_wait3A_168 = arith.constant 0 : i32
      %dma_wait3A_169 = tpu.memref_slice %arg8[%dma_wait3A_167, %dma_wait3A_168] : memref<10112x128xf32, #tpu.memory_space<vmem_shared>> -> memref<10112x128xf32, #tpu.memory_space<vmem_shared>>
      tpu.wait_indirect_dma semaphore(%run_scoped3A : memref<!tpu.dma_semaphore, #tpu.memory_space<semaphore_mem>>) src(%dma_wait3A_166 : memref<16x128xf32, #tpu.memory_space<vmem>>) dst(%dma_wait3A_169 : memref<10112x128xf32, #tpu.memory_space<vmem_shared>>)
      tpu.yield
    }) : () -> ()
    %barrier3A_147 = arith.constant 0 : index
    tpu.barrier barrier_id(%barrier3A_147)
    %lt3A_148 = arith.constant 15 : i32
    %lt3A_149 = arith.cmpi slt, %arg1, %lt3A_148 : i32
    %convert_element_type3A_150 = arith.extui %lt3A_149 : i1 to i32
    %cond3A_151 = arith.constant 0 : i32
    %cond3A_152 = arith.cmpi ne, %convert_element_type3A_150, %cond3A_151 : i32
    scf.if %cond3A_152 {
      "tpu.region"() ({
        %run_scoped3A = tpu.sem_alloc : memref<!tpu.dma_semaphore, #tpu.memory_space<semaphore_mem>>
        %dma_start3A_158 = arith.constant 0 : i32
        %dma_start3A_159 = tpu.memref_slice %arg7[%arg0, %mul3A_2, %dma_start3A_158] : memref<2x10000x128xf32, #tpu.memory_space<hbm>> -> memref<1x632x128xf32, #tpu.memory_space<hbm>>
        %dma_start3A_160 = tpu.memref_squeeze %dma_start3A_159 : memref<1x632x128xf32, #tpu.memory_space<hbm>> -> memref<632x128xf32, #tpu.memory_space<hbm>>
        %dma_start3A_161 = arith.constant 0 : i32
        %dma_start3A_162 = tpu.memref_slice %arg8[%mul3A_2, %dma_start3A_161] : memref<10112x128xf32, #tpu.memory_space<vmem_shared>> -> memref<632x128xf32, #tpu.memory_space<vmem_shared>>
        tpu.enqueue_dma source(%dma_start3A_162 : memref<632x128xf32, #tpu.memory_space<vmem_shared>>) target(%dma_start3A_160 : memref<632x128xf32, #tpu.memory_space<hbm>>) target_semaphore(%run_scoped3A : memref<!tpu.dma_semaphore, #tpu.memory_space<semaphore_mem>>)
        %dma_wait3A_163 = arith.constant 0 : i32
        %dma_wait3A_164 = tpu.memref_slice %arg7[%arg0, %mul3A_2, %dma_wait3A_163] : memref<2x10000x128xf32, #tpu.memory_space<hbm>> -> memref<1x632x128xf32, #tpu.memory_space<hbm>>
        %dma_wait3A_165 = tpu.memref_squeeze %dma_wait3A_164 : memref<1x632x128xf32, #tpu.memory_space<hbm>> -> memref<632x128xf32, #tpu.memory_space<hbm>>
        %dma_wait3A_166 = arith.constant 0 : i32
        %dma_wait3A_167 = tpu.memref_slice %arg8[%mul3A_2, %dma_wait3A_166] : memref<10112x128xf32, #tpu.memory_space<vmem_shared>> -> memref<632x128xf32, #tpu.memory_space<vmem_shared>>
        tpu.wait_dma2 semaphore(%run_scoped3A : memref<!tpu.dma_semaphore, #tpu.memory_space<semaphore_mem>>) src(%dma_wait3A_167 : memref<632x128xf32, #tpu.memory_space<vmem_shared>>) dst(%dma_wait3A_165 : memref<632x128xf32, #tpu.memory_space<hbm>>)
        tpu.yield
      }) : () -> ()
    } else {
    }
    %eq3A_153 = arith.constant 15 : i32
    %eq3A_154 = arith.cmpi eq, %arg1, %eq3A_153 : i32
    %convert_element_type3A_155 = arith.extui %eq3A_154 : i1 to i32
    %cond3A_156 = arith.constant 0 : i32
    %cond3A_157 = arith.cmpi ne, %convert_element_type3A_155, %cond3A_156 : i32
    scf.if %cond3A_157 {
      "tpu.region"() ({
        %run_scoped3A = tpu.sem_alloc : memref<!tpu.dma_semaphore, #tpu.memory_space<semaphore_mem>>
        %dma_start3A_158 = arith.constant 9480 : i32
        %dma_start3A_159 = arith.constant 0 : i32
        %dma_start3A_160 = tpu.memref_slice %arg7[%arg0, %dma_start3A_158, %dma_start3A_159] : memref<2x10000x128xf32, #tpu.memory_space<hbm>> -> memref<1x520x128xf32, #tpu.memory_space<hbm>>
        %dma_start3A_161 = tpu.memref_squeeze %dma_start3A_160 : memref<1x520x128xf32, #tpu.memory_space<hbm>> -> memref<520x128xf32, #tpu.memory_space<hbm>>
        %dma_start3A_162 = arith.constant 9480 : i32
        %dma_start3A_163 = arith.constant 0 : i32
        %dma_start3A_164 = tpu.memref_slice %arg8[%dma_start3A_162, %dma_start3A_163] : memref<10112x128xf32, #tpu.memory_space<vmem_shared>> -> memref<520x128xf32, #tpu.memory_space<vmem_shared>>
        tpu.enqueue_dma source(%dma_start3A_164 : memref<520x128xf32, #tpu.memory_space<vmem_shared>>) target(%dma_start3A_161 : memref<520x128xf32, #tpu.memory_space<hbm>>) target_semaphore(%run_scoped3A : memref<!tpu.dma_semaphore, #tpu.memory_space<semaphore_mem>>)
        %dma_wait3A_165 = arith.constant 9480 : i32
        %dma_wait3A_166 = arith.constant 0 : i32
        %dma_wait3A_167 = tpu.memref_slice %arg7[%arg0, %dma_wait3A_165, %dma_wait3A_166] : memref<2x10000x128xf32, #tpu.memory_space<hbm>> -> memref<1x520x128xf32, #tpu.memory_space<hbm>>
        %dma_wait3A_168 = tpu.memref_squeeze %dma_wait3A_167 : memref<1x520x128xf32, #tpu.memory_space<hbm>> -> memref<520x128xf32, #tpu.memory_space<hbm>>
        %dma_wait3A_169 = arith.constant 9480 : i32
        %dma_wait3A_170 = arith.constant 0 : i32
        %dma_wait3A_171 = tpu.memref_slice %arg8[%dma_wait3A_169, %dma_wait3A_170] : memref<10112x128xf32, #tpu.memory_space<vmem_shared>> -> memref<520x128xf32, #tpu.memory_space<vmem_shared>>
        tpu.wait_dma2 semaphore(%run_scoped3A : memref<!tpu.dma_semaphore, #tpu.memory_space<semaphore_mem>>) src(%dma_wait3A_171 : memref<520x128xf32, #tpu.memory_space<vmem_shared>>) dst(%dma_wait3A_168 : memref<520x128xf32, #tpu.memory_space<hbm>>)
        tpu.yield
      }) : () -> ()
    } else {
    }
    return
  }
}

#map = affine_map<(d0, d1) -> (0, 0)>
#map1 = affine_map<(d0, d1) -> (0)>
#map2 = affine_map<(d0, d1) -> (0, 0, 0)>
module attributes {stable_mosaic.version = 14 : i64} {
  func.func @k(%arg0: i32, %arg1: i32, %arg2: memref<20000x128xf32, #tpu.memory_space<hbm>>, %arg3: memref<320000x128xf32, #tpu.memory_space<hbm>>, %arg4: memref<320000xi32, #tpu.memory_space<hbm>>, %arg5: memref<320000xi32, #tpu.memory_space<hbm>>, %arg6: memref<2x10000x128xf32, #tpu.memory_space<hbm>>, %arg7: memref<10112x128xf32, #tpu.memory_space<vmem_shared>>, %arg8: memref<64xi32, #tpu.memory_space<vmem>>, %arg9: memref<64xi32, #tpu.memory_space<vmem>>, %arg10: memref<64xi32, #tpu.memory_space<vmem>>, %arg11: memref<64xi32, #tpu.memory_space<vmem>>, %arg12: memref<64xi32, #tpu.memory_space<vmem>>, %arg13: memref<64xi32, #tpu.memory_space<vmem>>, %arg14: memref<64xi32, #tpu.memory_space<vmem>>, %arg15: memref<64xi32, #tpu.memory_space<vmem>>, %arg16: memref<16xi32, #tpu.memory_space<vmem>>, %arg17: memref<16xi32, #tpu.memory_space<vmem>>, %arg18: memref<64x128xf32, #tpu.memory_space<vmem>>, %arg19: memref<64x128xf32, #tpu.memory_space<vmem>>, %arg20: memref<64x128xf32, #tpu.memory_space<vmem>>, %arg21: memref<64x128xf32, #tpu.memory_space<vmem>>, %arg22: memref<!tpu.dma_semaphore, #tpu.memory_space<semaphore_mem>>, %arg23: memref<!tpu.dma_semaphore, #tpu.memory_space<semaphore_mem>>, %arg24: memref<!tpu.dma_semaphore, #tpu.memory_space<semaphore_mem>>, %arg25: memref<!tpu.dma_semaphore, #tpu.memory_space<semaphore_mem>>, %arg26: memref<!tpu.dma_semaphore, #tpu.memory_space<semaphore_mem>>, %arg27: memref<!tpu.dma_semaphore, #tpu.memory_space<semaphore_mem>>, %arg28: memref<!tpu.dma_semaphore, #tpu.memory_space<semaphore_mem>>, %arg29: memref<!tpu.dma_semaphore, #tpu.memory_space<semaphore_mem>>, %arg30: memref<!tpu.dma_semaphore, #tpu.memory_space<semaphore_mem>>, %arg31: memref<!tpu.dma_semaphore, #tpu.memory_space<semaphore_mem>>, %arg32: memref<!tpu.dma_semaphore, #tpu.memory_space<semaphore_mem>>, %arg33: memref<!tpu.dma_semaphore, #tpu.memory_space<semaphore_mem>>, %arg34: memref<!tpu.dma_semaphore, #tpu.memory_space<semaphore_mem>>, %arg35: memref<!tpu.dma_semaphore, #tpu.memory_space<semaphore_mem>>, %arg36: memref<!tpu.dma_semaphore, #tpu.memory_space<semaphore_mem>>, %arg37: memref<!tpu.dma_semaphore, #tpu.memory_space<semaphore_mem>>, %arg38: memref<!tpu.dma_semaphore, #tpu.memory_space<semaphore_mem>>, %arg39: memref<!tpu.dma_semaphore, #tpu.memory_space<semaphore_mem>>, %arg40: memref<!tpu.dma_semaphore, #tpu.memory_space<semaphore_mem>>, %arg41: memref<!tpu.dma_semaphore, #tpu.memory_space<semaphore_mem>>) attributes {dimension_semantics = [#tpu.dimension_semantics<core_parallel>, #tpu.dimension_semantics<subcore_parallel>], iteration_bounds = array<i64: 2, 16>, scalar_prefetch = 0 : i64, scratch_operands = 35 : i64, tpu.core_type = #tpu.core_type<sc_vector_subcore>, window_params = [{transform_indices = #map}, {transform_indices = #map}, {transform_indices = #map1}, {transform_indices = #map1}, {transform_indices = #map2}]} {
    %mul3A = arith.constant 10000 : i32
    %mul3A_0 = arith.muli %arg0, %mul3A : i32
    %mul3A_1 = arith.constant 632 : i32
    %mul3A_2 = arith.muli %arg1, %mul3A_1 : i32
    %scan3A = arith.constant 0 : i32
    %scan3A_3 = arith.constant 0 : i32
    %scan3A_4 = arith.constant 64 : i32
    %scan3A_5 = arith.addi %scan3A_3, %scan3A_4 : i32
    %scan3A_6 = arith.constant 1 : i32
    scf.for %scan3A_174 = %scan3A_3 to %scan3A_5 step %scan3A_6  : i32 {
      %broadcast_in_dim3A = arith.constant 0.000000e+00 : f32
      %broadcast_in_dim3A_175 = vector.broadcast %broadcast_in_dim3A : f32 to vector<16xf32>
      %swap3A_176 = arith.index_cast %scan3A_174 : i32 to index
      %swap3A_177 = arith.constant 0 : index
      %swap3A_178 = tpu.vector_load %arg19[%swap3A_176, %swap3A_177] {strides = array<i32>} : memref<64x128xf32, #tpu.memory_space<vmem>>, vector<1x16xf32>,
      %swap3A_179 = vector.shape_cast %swap3A_178 : vector<1x16xf32> to vector<16xf32>
      %swap3A_180 = vector.shape_cast %broadcast_in_dim3A_175 : vector<16xf32> to vector<1x16xf32>
      tpu.vector_store %arg19[%swap3A_176, %swap3A_177], %swap3A_180 {strides = array<i32>} : memref<64x128xf32, #tpu.memory_space<vmem>>, vector<1x16xf32>,
      %swap3A_181 = arith.index_cast %scan3A_174 : i32 to index
      %swap3A_182 = arith.constant 16 : index
      %swap3A_183 = tpu.vector_load %arg19[%swap3A_181, %swap3A_182] {strides = array<i32>} : memref<64x128xf32, #tpu.memory_space<vmem>>, vector<1x16xf32>,
      %swap3A_184 = vector.shape_cast %swap3A_183 : vector<1x16xf32> to vector<16xf32>
      %swap3A_185 = vector.shape_cast %broadcast_in_dim3A_175 : vector<16xf32> to vector<1x16xf32>
      tpu.vector_store %arg19[%swap3A_181, %swap3A_182], %swap3A_185 {strides = array<i32>} : memref<64x128xf32, #tpu.memory_space<vmem>>, vector<1x16xf32>,
      %swap3A_186 = arith.index_cast %scan3A_174 : i32 to index
      %swap3A_187 = arith.constant 32 : index
      %swap3A_188 = tpu.vector_load %arg19[%swap3A_186, %swap3A_187] {strides = array<i32>} : memref<64x128xf32, #tpu.memory_space<vmem>>, vector<1x16xf32>,
      %swap3A_189 = vector.shape_cast %swap3A_188 : vector<1x16xf32> to vector<16xf32>
      %swap3A_190 = vector.shape_cast %broadcast_in_dim3A_175 : vector<16xf32> to vector<1x16xf32>
      tpu.vector_store %arg19[%swap3A_186, %swap3A_187], %swap3A_190 {strides = array<i32>} : memref<64x128xf32, #tpu.memory_space<vmem>>, vector<1x16xf32>,
      %swap3A_191 = arith.index_cast %scan3A_174 : i32 to index
      %swap3A_192 = arith.constant 48 : index
      %swap3A_193 = tpu.vector_load %arg19[%swap3A_191, %swap3A_192] {strides = array<i32>} : memref<64x128xf32, #tpu.memory_space<vmem>>, vector<1x16xf32>,
      %swap3A_194 = vector.shape_cast %swap3A_193 : vector<1x16xf32> to vector<16xf32>
      %swap3A_195 = vector.shape_cast %broadcast_in_dim3A_175 : vector<16xf32> to vector<1x16xf32>
      tpu.vector_store %arg19[%swap3A_191, %swap3A_192], %swap3A_195 {strides = array<i32>} : memref<64x128xf32, #tpu.memory_space<vmem>>, vector<1x16xf32>,
      %swap3A_196 = arith.index_cast %scan3A_174 : i32 to index
      %swap3A_197 = arith.constant 64 : index
      %swap3A_198 = tpu.vector_load %arg19[%swap3A_196, %swap3A_197] {strides = array<i32>} : memref<64x128xf32, #tpu.memory_space<vmem>>, vector<1x16xf32>,
      %swap3A_199 = vector.shape_cast %swap3A_198 : vector<1x16xf32> to vector<16xf32>
      %swap3A_200 = vector.shape_cast %broadcast_in_dim3A_175 : vector<16xf32> to vector<1x16xf32>
      tpu.vector_store %arg19[%swap3A_196, %swap3A_197], %swap3A_200 {strides = array<i32>} : memref<64x128xf32, #tpu.memory_space<vmem>>, vector<1x16xf32>,
      %swap3A_201 = arith.index_cast %scan3A_174 : i32 to index
      %swap3A_202 = arith.constant 80 : index
      %swap3A_203 = tpu.vector_load %arg19[%swap3A_201, %swap3A_202] {strides = array<i32>} : memref<64x128xf32, #tpu.memory_space<vmem>>, vector<1x16xf32>,
      %swap3A_204 = vector.shape_cast %swap3A_203 : vector<1x16xf32> to vector<16xf32>
      %swap3A_205 = vector.shape_cast %broadcast_in_dim3A_175 : vector<16xf32> to vector<1x16xf32>
      tpu.vector_store %arg19[%swap3A_201, %swap3A_202], %swap3A_205 {strides = array<i32>} : memref<64x128xf32, #tpu.memory_space<vmem>>, vector<1x16xf32>,
      %swap3A_206 = arith.index_cast %scan3A_174 : i32 to index
      %swap3A_207 = arith.constant 96 : index
      %swap3A_208 = tpu.vector_load %arg19[%swap3A_206, %swap3A_207] {strides = array<i32>} : memref<64x128xf32, #tpu.memory_space<vmem>>, vector<1x16xf32>,
      %swap3A_209 = vector.shape_cast %swap3A_208 : vector<1x16xf32> to vector<16xf32>
      %swap3A_210 = vector.shape_cast %broadcast_in_dim3A_175 : vector<16xf32> to vector<1x16xf32>
      tpu.vector_store %arg19[%swap3A_206, %swap3A_207], %swap3A_210 {strides = array<i32>} : memref<64x128xf32, #tpu.memory_space<vmem>>, vector<1x16xf32>,
      %swap3A_211 = arith.index_cast %scan3A_174 : i32 to index
      %swap3A_212 = arith.constant 112 : index
      %swap3A_213 = tpu.vector_load %arg19[%swap3A_211, %swap3A_212] {strides = array<i32>} : memref<64x128xf32, #tpu.memory_space<vmem>>, vector<1x16xf32>,
      %swap3A_214 = vector.shape_cast %swap3A_213 : vector<1x16xf32> to vector<16xf32>
      %swap3A_215 = vector.shape_cast %broadcast_in_dim3A_175 : vector<16xf32> to vector<1x16xf32>
      tpu.vector_store %arg19[%swap3A_211, %swap3A_212], %swap3A_215 {strides = array<i32>} : memref<64x128xf32, #tpu.memory_space<vmem>>, vector<1x16xf32>,
    }
    %scan3A_7 = arith.constant 64 : i32
    %add3A = arith.constant 0 : i32
    %add3A_8 = arith.addi %mul3A_2, %add3A : i32
    "tpu.region"() ({
      %run_scoped3A = tpu.sem_alloc : memref<!tpu.dma_semaphore, #tpu.memory_space<semaphore_mem>>
      %dma_start3A_174 = arith.constant 0 : i32
      %dma_start3A_175 = tpu.memref_slice %arg7[%add3A_8, %dma_start3A_174] : memref<10112x128xf32, #tpu.memory_space<vmem_shared>> -> memref<64x128xf32, #tpu.memory_space<vmem_shared>>
      %dma_start3A_176 = arith.constant 0 : i32
      %dma_start3A_177 = tpu.memref_slice %arg7[%add3A_8, %dma_start3A_176] : memref<10112x128xf32, #tpu.memory_space<vmem_shared>> -> memref<64x128xf32, #tpu.memory_space<vmem_shared>>
      tpu.enqueue_dma source(%arg19 : memref<64x128xf32, #tpu.memory_space<vmem>>) target(%dma_start3A_177 : memref<64x128xf32, #tpu.memory_space<vmem_shared>>) target_semaphore(%run_scoped3A : memref<!tpu.dma_semaphore, #tpu.memory_space<semaphore_mem>>)
      %dma_wait3A_178 = arith.constant 0 : i32
      %dma_wait3A_179 = tpu.memref_slice %arg7[%add3A_8, %dma_wait3A_178] : memref<10112x128xf32, #tpu.memory_space<vmem_shared>> -> memref<64x128xf32, #tpu.memory_space<vmem_shared>>
      %dma_wait3A_180 = arith.constant 0 : i32
      %dma_wait3A_181 = tpu.memref_slice %arg7[%add3A_8, %dma_wait3A_180] : memref<10112x128xf32, #tpu.memory_space<vmem_shared>> -> memref<64x128xf32, #tpu.memory_space<vmem_shared>>
      tpu.wait_dma2 semaphore(%run_scoped3A : memref<!tpu.dma_semaphore, #tpu.memory_space<semaphore_mem>>) src(%arg19 : memref<64x128xf32, #tpu.memory_space<vmem>>) dst(%dma_wait3A_181 : memref<64x128xf32, #tpu.memory_space<vmem_shared>>)
      tpu.yield
    }) : () -> ()
    %add3A_9 = arith.constant 64 : i32
    %add3A_10 = arith.addi %mul3A_2, %add3A_9 : i32
    "tpu.region"() ({
      %run_scoped3A = tpu.sem_alloc : memref<!tpu.dma_semaphore, #tpu.memory_space<semaphore_mem>>
      %dma_start3A_174 = arith.constant 0 : i32
      %dma_start3A_175 = tpu.memref_slice %arg7[%add3A_10, %dma_start3A_174] : memref<10112x128xf32, #tpu.memory_space<vmem_shared>> -> memref<64x128xf32, #tpu.memory_space<vmem_shared>>
      %dma_start3A_176 = arith.constant 0 : i32
      %dma_start3A_177 = tpu.memref_slice %arg7[%add3A_10, %dma_start3A_176] : memref<10112x128xf32, #tpu.memory_space<vmem_shared>> -> memref<64x128xf32, #tpu.memory_space<vmem_shared>>
      tpu.enqueue_dma source(%arg19 : memref<64x128xf32, #tpu.memory_space<vmem>>) target(%dma_start3A_177 : memref<64x128xf32, #tpu.memory_space<vmem_shared>>) target_semaphore(%run_scoped3A : memref<!tpu.dma_semaphore, #tpu.memory_space<semaphore_mem>>)
      %dma_wait3A_178 = arith.constant 0 : i32
      %dma_wait3A_179 = tpu.memref_slice %arg7[%add3A_10, %dma_wait3A_178] : memref<10112x128xf32, #tpu.memory_space<vmem_shared>> -> memref<64x128xf32, #tpu.memory_space<vmem_shared>>
      %dma_wait3A_180 = arith.constant 0 : i32
      %dma_wait3A_181 = tpu.memref_slice %arg7[%add3A_10, %dma_wait3A_180] : memref<10112x128xf32, #tpu.memory_space<vmem_shared>> -> memref<64x128xf32, #tpu.memory_space<vmem_shared>>
      tpu.wait_dma2 semaphore(%run_scoped3A : memref<!tpu.dma_semaphore, #tpu.memory_space<semaphore_mem>>) src(%arg19 : memref<64x128xf32, #tpu.memory_space<vmem>>) dst(%dma_wait3A_181 : memref<64x128xf32, #tpu.memory_space<vmem_shared>>)
      tpu.yield
    }) : () -> ()
    %add3A_11 = arith.constant 128 : i32
    %add3A_12 = arith.addi %mul3A_2, %add3A_11 : i32
    "tpu.region"() ({
      %run_scoped3A = tpu.sem_alloc : memref<!tpu.dma_semaphore, #tpu.memory_space<semaphore_mem>>
      %dma_start3A_174 = arith.constant 0 : i32
      %dma_start3A_175 = tpu.memref_slice %arg7[%add3A_12, %dma_start3A_174] : memref<10112x128xf32, #tpu.memory_space<vmem_shared>> -> memref<64x128xf32, #tpu.memory_space<vmem_shared>>
      %dma_start3A_176 = arith.constant 0 : i32
      %dma_start3A_177 = tpu.memref_slice %arg7[%add3A_12, %dma_start3A_176] : memref<10112x128xf32, #tpu.memory_space<vmem_shared>> -> memref<64x128xf32, #tpu.memory_space<vmem_shared>>
      tpu.enqueue_dma source(%arg19 : memref<64x128xf32, #tpu.memory_space<vmem>>) target(%dma_start3A_177 : memref<64x128xf32, #tpu.memory_space<vmem_shared>>) target_semaphore(%run_scoped3A : memref<!tpu.dma_semaphore, #tpu.memory_space<semaphore_mem>>)
      %dma_wait3A_178 = arith.constant 0 : i32
      %dma_wait3A_179 = tpu.memref_slice %arg7[%add3A_12, %dma_wait3A_178] : memref<10112x128xf32, #tpu.memory_space<vmem_shared>> -> memref<64x128xf32, #tpu.memory_space<vmem_shared>>
      %dma_wait3A_180 = arith.constant 0 : i32
      %dma_wait3A_181 = tpu.memref_slice %arg7[%add3A_12, %dma_wait3A_180] : memref<10112x128xf32, #tpu.memory_space<vmem_shared>> -> memref<64x128xf32, #tpu.memory_space<vmem_shared>>
      tpu.wait_dma2 semaphore(%run_scoped3A : memref<!tpu.dma_semaphore, #tpu.memory_space<semaphore_mem>>) src(%arg19 : memref<64x128xf32, #tpu.memory_space<vmem>>) dst(%dma_wait3A_181 : memref<64x128xf32, #tpu.memory_space<vmem_shared>>)
      tpu.yield
    }) : () -> ()
    %add3A_13 = arith.constant 192 : i32
    %add3A_14 = arith.addi %mul3A_2, %add3A_13 : i32
    "tpu.region"() ({
      %run_scoped3A = tpu.sem_alloc : memref<!tpu.dma_semaphore, #tpu.memory_space<semaphore_mem>>
      %dma_start3A_174 = arith.constant 0 : i32
      %dma_start3A_175 = tpu.memref_slice %arg7[%add3A_14, %dma_start3A_174] : memref<10112x128xf32, #tpu.memory_space<vmem_shared>> -> memref<64x128xf32, #tpu.memory_space<vmem_shared>>
      %dma_start3A_176 = arith.constant 0 : i32
      %dma_start3A_177 = tpu.memref_slice %arg7[%add3A_14, %dma_start3A_176] : memref<10112x128xf32, #tpu.memory_space<vmem_shared>> -> memref<64x128xf32, #tpu.memory_space<vmem_shared>>
      tpu.enqueue_dma source(%arg19 : memref<64x128xf32, #tpu.memory_space<vmem>>) target(%dma_start3A_177 : memref<64x128xf32, #tpu.memory_space<vmem_shared>>) target_semaphore(%run_scoped3A : memref<!tpu.dma_semaphore, #tpu.memory_space<semaphore_mem>>)
      %dma_wait3A_178 = arith.constant 0 : i32
      %dma_wait3A_179 = tpu.memref_slice %arg7[%add3A_14, %dma_wait3A_178] : memref<10112x128xf32, #tpu.memory_space<vmem_shared>> -> memref<64x128xf32, #tpu.memory_space<vmem_shared>>
      %dma_wait3A_180 = arith.constant 0 : i32
      %dma_wait3A_181 = tpu.memref_slice %arg7[%add3A_14, %dma_wait3A_180] : memref<10112x128xf32, #tpu.memory_space<vmem_shared>> -> memref<64x128xf32, #tpu.memory_space<vmem_shared>>
      tpu.wait_dma2 semaphore(%run_scoped3A : memref<!tpu.dma_semaphore, #tpu.memory_space<semaphore_mem>>) src(%arg19 : memref<64x128xf32, #tpu.memory_space<vmem>>) dst(%dma_wait3A_181 : memref<64x128xf32, #tpu.memory_space<vmem_shared>>)
      tpu.yield
    }) : () -> ()
    %add3A_15 = arith.constant 256 : i32
    %add3A_16 = arith.addi %mul3A_2, %add3A_15 : i32
    "tpu.region"() ({
      %run_scoped3A = tpu.sem_alloc : memref<!tpu.dma_semaphore, #tpu.memory_space<semaphore_mem>>
      %dma_start3A_174 = arith.constant 0 : i32
      %dma_start3A_175 = tpu.memref_slice %arg7[%add3A_16, %dma_start3A_174] : memref<10112x128xf32, #tpu.memory_space<vmem_shared>> -> memref<64x128xf32, #tpu.memory_space<vmem_shared>>
      %dma_start3A_176 = arith.constant 0 : i32
      %dma_start3A_177 = tpu.memref_slice %arg7[%add3A_16, %dma_start3A_176] : memref<10112x128xf32, #tpu.memory_space<vmem_shared>> -> memref<64x128xf32, #tpu.memory_space<vmem_shared>>
      tpu.enqueue_dma source(%arg19 : memref<64x128xf32, #tpu.memory_space<vmem>>) target(%dma_start3A_177 : memref<64x128xf32, #tpu.memory_space<vmem_shared>>) target_semaphore(%run_scoped3A : memref<!tpu.dma_semaphore, #tpu.memory_space<semaphore_mem>>)
      %dma_wait3A_178 = arith.constant 0 : i32
      %dma_wait3A_179 = tpu.memref_slice %arg7[%add3A_16, %dma_wait3A_178] : memref<10112x128xf32, #tpu.memory_space<vmem_shared>> -> memref<64x128xf32, #tpu.memory_space<vmem_shared>>
      %dma_wait3A_180 = arith.constant 0 : i32
      %dma_wait3A_181 = tpu.memref_slice %arg7[%add3A_16, %dma_wait3A_180] : memref<10112x128xf32, #tpu.memory_space<vmem_shared>> -> memref<64x128xf32, #tpu.memory_space<vmem_shared>>
      tpu.wait_dma2 semaphore(%run_scoped3A : memref<!tpu.dma_semaphore, #tpu.memory_space<semaphore_mem>>) src(%arg19 : memref<64x128xf32, #tpu.memory_space<vmem>>) dst(%dma_wait3A_181 : memref<64x128xf32, #tpu.memory_space<vmem_shared>>)
      tpu.yield
    }) : () -> ()
    %add3A_17 = arith.constant 320 : i32
    %add3A_18 = arith.addi %mul3A_2, %add3A_17 : i32
    "tpu.region"() ({
      %run_scoped3A = tpu.sem_alloc : memref<!tpu.dma_semaphore, #tpu.memory_space<semaphore_mem>>
      %dma_start3A_174 = arith.constant 0 : i32
      %dma_start3A_175 = tpu.memref_slice %arg7[%add3A_18, %dma_start3A_174] : memref<10112x128xf32, #tpu.memory_space<vmem_shared>> -> memref<64x128xf32, #tpu.memory_space<vmem_shared>>
      %dma_start3A_176 = arith.constant 0 : i32
      %dma_start3A_177 = tpu.memref_slice %arg7[%add3A_18, %dma_start3A_176] : memref<10112x128xf32, #tpu.memory_space<vmem_shared>> -> memref<64x128xf32, #tpu.memory_space<vmem_shared>>
      tpu.enqueue_dma source(%arg19 : memref<64x128xf32, #tpu.memory_space<vmem>>) target(%dma_start3A_177 : memref<64x128xf32, #tpu.memory_space<vmem_shared>>) target_semaphore(%run_scoped3A : memref<!tpu.dma_semaphore, #tpu.memory_space<semaphore_mem>>)
      %dma_wait3A_178 = arith.constant 0 : i32
      %dma_wait3A_179 = tpu.memref_slice %arg7[%add3A_18, %dma_wait3A_178] : memref<10112x128xf32, #tpu.memory_space<vmem_shared>> -> memref<64x128xf32, #tpu.memory_space<vmem_shared>>
      %dma_wait3A_180 = arith.constant 0 : i32
      %dma_wait3A_181 = tpu.memref_slice %arg7[%add3A_18, %dma_wait3A_180] : memref<10112x128xf32, #tpu.memory_space<vmem_shared>> -> memref<64x128xf32, #tpu.memory_space<vmem_shared>>
      tpu.wait_dma2 semaphore(%run_scoped3A : memref<!tpu.dma_semaphore, #tpu.memory_space<semaphore_mem>>) src(%arg19 : memref<64x128xf32, #tpu.memory_space<vmem>>) dst(%dma_wait3A_181 : memref<64x128xf32, #tpu.memory_space<vmem_shared>>)
      tpu.yield
    }) : () -> ()
    %add3A_19 = arith.constant 384 : i32
    %add3A_20 = arith.addi %mul3A_2, %add3A_19 : i32
    "tpu.region"() ({
      %run_scoped3A = tpu.sem_alloc : memref<!tpu.dma_semaphore, #tpu.memory_space<semaphore_mem>>
      %dma_start3A_174 = arith.constant 0 : i32
      %dma_start3A_175 = tpu.memref_slice %arg7[%add3A_20, %dma_start3A_174] : memref<10112x128xf32, #tpu.memory_space<vmem_shared>> -> memref<64x128xf32, #tpu.memory_space<vmem_shared>>
      %dma_start3A_176 = arith.constant 0 : i32
      %dma_start3A_177 = tpu.memref_slice %arg7[%add3A_20, %dma_start3A_176] : memref<10112x128xf32, #tpu.memory_space<vmem_shared>> -> memref<64x128xf32, #tpu.memory_space<vmem_shared>>
      tpu.enqueue_dma source(%arg19 : memref<64x128xf32, #tpu.memory_space<vmem>>) target(%dma_start3A_177 : memref<64x128xf32, #tpu.memory_space<vmem_shared>>) target_semaphore(%run_scoped3A : memref<!tpu.dma_semaphore, #tpu.memory_space<semaphore_mem>>)
      %dma_wait3A_178 = arith.constant 0 : i32
      %dma_wait3A_179 = tpu.memref_slice %arg7[%add3A_20, %dma_wait3A_178] : memref<10112x128xf32, #tpu.memory_space<vmem_shared>> -> memref<64x128xf32, #tpu.memory_space<vmem_shared>>
      %dma_wait3A_180 = arith.constant 0 : i32
      %dma_wait3A_181 = tpu.memref_slice %arg7[%add3A_20, %dma_wait3A_180] : memref<10112x128xf32, #tpu.memory_space<vmem_shared>> -> memref<64x128xf32, #tpu.memory_space<vmem_shared>>
      tpu.wait_dma2 semaphore(%run_scoped3A : memref<!tpu.dma_semaphore, #tpu.memory_space<semaphore_mem>>) src(%arg19 : memref<64x128xf32, #tpu.memory_space<vmem>>) dst(%dma_wait3A_181 : memref<64x128xf32, #tpu.memory_space<vmem_shared>>)
      tpu.yield
    }) : () -> ()
    %add3A_21 = arith.constant 448 : i32
    %add3A_22 = arith.addi %mul3A_2, %add3A_21 : i32
    "tpu.region"() ({
      %run_scoped3A = tpu.sem_alloc : memref<!tpu.dma_semaphore, #tpu.memory_space<semaphore_mem>>
      %dma_start3A_174 = arith.constant 0 : i32
      %dma_start3A_175 = tpu.memref_slice %arg7[%add3A_22, %dma_start3A_174] : memref<10112x128xf32, #tpu.memory_space<vmem_shared>> -> memref<64x128xf32, #tpu.memory_space<vmem_shared>>
      %dma_start3A_176 = arith.constant 0 : i32
      %dma_start3A_177 = tpu.memref_slice %arg7[%add3A_22, %dma_start3A_176] : memref<10112x128xf32, #tpu.memory_space<vmem_shared>> -> memref<64x128xf32, #tpu.memory_space<vmem_shared>>
      tpu.enqueue_dma source(%arg19 : memref<64x128xf32, #tpu.memory_space<vmem>>) target(%dma_start3A_177 : memref<64x128xf32, #tpu.memory_space<vmem_shared>>) target_semaphore(%run_scoped3A : memref<!tpu.dma_semaphore, #tpu.memory_space<semaphore_mem>>)
      %dma_wait3A_178 = arith.constant 0 : i32
      %dma_wait3A_179 = tpu.memref_slice %arg7[%add3A_22, %dma_wait3A_178] : memref<10112x128xf32, #tpu.memory_space<vmem_shared>> -> memref<64x128xf32, #tpu.memory_space<vmem_shared>>
      %dma_wait3A_180 = arith.constant 0 : i32
      %dma_wait3A_181 = tpu.memref_slice %arg7[%add3A_22, %dma_wait3A_180] : memref<10112x128xf32, #tpu.memory_space<vmem_shared>> -> memref<64x128xf32, #tpu.memory_space<vmem_shared>>
      tpu.wait_dma2 semaphore(%run_scoped3A : memref<!tpu.dma_semaphore, #tpu.memory_space<semaphore_mem>>) src(%arg19 : memref<64x128xf32, #tpu.memory_space<vmem>>) dst(%dma_wait3A_181 : memref<64x128xf32, #tpu.memory_space<vmem_shared>>)
      tpu.yield
    }) : () -> ()
    %add3A_23 = arith.constant 512 : i32
    %add3A_24 = arith.addi %mul3A_2, %add3A_23 : i32
    "tpu.region"() ({
      %run_scoped3A = tpu.sem_alloc : memref<!tpu.dma_semaphore, #tpu.memory_space<semaphore_mem>>
      %dma_start3A_174 = arith.constant 0 : i32
      %dma_start3A_175 = tpu.memref_slice %arg7[%add3A_24, %dma_start3A_174] : memref<10112x128xf32, #tpu.memory_space<vmem_shared>> -> memref<64x128xf32, #tpu.memory_space<vmem_shared>>
      %dma_start3A_176 = arith.constant 0 : i32
      %dma_start3A_177 = tpu.memref_slice %arg7[%add3A_24, %dma_start3A_176] : memref<10112x128xf32, #tpu.memory_space<vmem_shared>> -> memref<64x128xf32, #tpu.memory_space<vmem_shared>>
      tpu.enqueue_dma source(%arg19 : memref<64x128xf32, #tpu.memory_space<vmem>>) target(%dma_start3A_177 : memref<64x128xf32, #tpu.memory_space<vmem_shared>>) target_semaphore(%run_scoped3A : memref<!tpu.dma_semaphore, #tpu.memory_space<semaphore_mem>>)
      %dma_wait3A_178 = arith.constant 0 : i32
      %dma_wait3A_179 = tpu.memref_slice %arg7[%add3A_24, %dma_wait3A_178] : memref<10112x128xf32, #tpu.memory_space<vmem_shared>> -> memref<64x128xf32, #tpu.memory_space<vmem_shared>>
      %dma_wait3A_180 = arith.constant 0 : i32
      %dma_wait3A_181 = tpu.memref_slice %arg7[%add3A_24, %dma_wait3A_180] : memref<10112x128xf32, #tpu.memory_space<vmem_shared>> -> memref<64x128xf32, #tpu.memory_space<vmem_shared>>
      tpu.wait_dma2 semaphore(%run_scoped3A : memref<!tpu.dma_semaphore, #tpu.memory_space<semaphore_mem>>) src(%arg19 : memref<64x128xf32, #tpu.memory_space<vmem>>) dst(%dma_wait3A_181 : memref<64x128xf32, #tpu.memory_space<vmem_shared>>)
      tpu.yield
    }) : () -> ()
    %add3A_25 = arith.constant 576 : i32
    %add3A_26 = arith.addi %mul3A_2, %add3A_25 : i32
    "tpu.region"() ({
      %run_scoped3A = tpu.sem_alloc : memref<!tpu.dma_semaphore, #tpu.memory_space<semaphore_mem>>
      %dma_start3A_174 = arith.constant 0 : i32
      %dma_start3A_175 = arith.constant 0 : i32
      %dma_start3A_176 = tpu.memref_slice %arg19[%dma_start3A_174, %dma_start3A_175] : memref<64x128xf32, #tpu.memory_space<vmem>> -> memref<56x128xf32, #tpu.memory_space<vmem>>
      %dma_start3A_177 = arith.constant 0 : i32
      %dma_start3A_178 = tpu.memref_slice %arg7[%add3A_26, %dma_start3A_177] : memref<10112x128xf32, #tpu.memory_space<vmem_shared>> -> memref<56x128xf32, #tpu.memory_space<vmem_shared>>
      %dma_start3A_179 = arith.constant 0 : i32
      %dma_start3A_180 = tpu.memref_slice %arg7[%add3A_26, %dma_start3A_179] : memref<10112x128xf32, #tpu.memory_space<vmem_shared>> -> memref<56x128xf32, #tpu.memory_space<vmem_shared>>
      %dma_start3A_181 = arith.constant 0 : i32
      %dma_start3A_182 = arith.constant 0 : i32
      %dma_start3A_183 = tpu.memref_slice %arg19[%dma_start3A_181, %dma_start3A_182] : memref<64x128xf32, #tpu.memory_space<vmem>> -> memref<56x128xf32, #tpu.memory_space<vmem>>
      tpu.enqueue_dma source(%dma_start3A_183 : memref<56x128xf32, #tpu.memory_space<vmem>>) target(%dma_start3A_180 : memref<56x128xf32, #tpu.memory_space<vmem_shared>>) target_semaphore(%run_scoped3A : memref<!tpu.dma_semaphore, #tpu.memory_space<semaphore_mem>>)
      %dma_wait3A_184 = arith.constant 0 : i32
      %dma_wait3A_185 = arith.constant 0 : i32
      %dma_wait3A_186 = tpu.memref_slice %arg19[%dma_wait3A_184, %dma_wait3A_185] : memref<64x128xf32, #tpu.memory_space<vmem>> -> memref<56x128xf32, #tpu.memory_space<vmem>>
      %dma_wait3A_187 = arith.constant 0 : i32
      %dma_wait3A_188 = tpu.memref_slice %arg7[%add3A_26, %dma_wait3A_187] : memref<10112x128xf32, #tpu.memory_space<vmem_shared>> -> memref<56x128xf32, #tpu.memory_space<vmem_shared>>
      %dma_wait3A_189 = arith.constant 0 : i32
      %dma_wait3A_190 = tpu.memref_slice %arg7[%add3A_26, %dma_wait3A_189] : memref<10112x128xf32, #tpu.memory_space<vmem_shared>> -> memref<56x128xf32, #tpu.memory_space<vmem_shared>>
      %dma_wait3A_191 = arith.constant 0 : i32
      %dma_wait3A_192 = arith.constant 0 : i32
      %dma_wait3A_193 = tpu.memref_slice %arg19[%dma_wait3A_191, %dma_wait3A_192] : memref<64x128xf32, #tpu.memory_space<vmem>> -> memref<56x128xf32, #tpu.memory_space<vmem>>
      tpu.wait_dma2 semaphore(%run_scoped3A : memref<!tpu.dma_semaphore, #tpu.memory_space<semaphore_mem>>) src(%dma_wait3A_193 : memref<56x128xf32, #tpu.memory_space<vmem>>) dst(%dma_wait3A_190 : memref<56x128xf32, #tpu.memory_space<vmem_shared>>)
      tpu.yield
    }) : () -> ()
    %barrier3A = arith.constant 0 : index
    tpu.barrier barrier_id(%barrier3A)
    %mul3A_27 = arith.constant 10000 : i32
    %mul3A_28 = arith.muli %arg1, %mul3A_27 : i32
    %mul3A_29 = arith.constant 160000 : i32
    %mul3A_30 = arith.muli %arg0, %mul3A_29 : i32
    %add3A_31 = arith.addi %mul3A_30, %mul3A_28 : i32
    %add3A_32 = arith.constant 0 : i32
    %add3A_33 = arith.addi %add3A_31, %add3A_32 : i32
    %dma_start3A = tpu.memref_slice %arg4[%add3A_33] : memref<320000xi32, #tpu.memory_space<hbm>> -> memref<64xi32, #tpu.memory_space<hbm>>
    %dma_start3A_34 = tpu.memref_slice %arg4[%add3A_33] : memref<320000xi32, #tpu.memory_space<hbm>> -> memref<64xi32, #tpu.memory_space<hbm>>
    tpu.enqueue_dma source(%dma_start3A_34 : memref<64xi32, #tpu.memory_space<hbm>>) target(%arg8 : memref<64xi32, #tpu.memory_space<vmem>>) target_semaphore(%arg22 : memref<!tpu.dma_semaphore, #tpu.memory_space<semaphore_mem>>)
    %dma_start3A_35 = tpu.memref_slice %arg5[%add3A_33] : memref<320000xi32, #tpu.memory_space<hbm>> -> memref<64xi32, #tpu.memory_space<hbm>>
    %dma_start3A_36 = tpu.memref_slice %arg5[%add3A_33] : memref<320000xi32, #tpu.memory_space<hbm>> -> memref<64xi32, #tpu.memory_space<hbm>>
    tpu.enqueue_dma source(%dma_start3A_36 : memref<64xi32, #tpu.memory_space<hbm>>) target(%arg12 : memref<64xi32, #tpu.memory_space<vmem>>) target_semaphore(%arg26 : memref<!tpu.dma_semaphore, #tpu.memory_space<semaphore_mem>>)
    %mul3A_37 = arith.constant 160000 : i32
    %mul3A_38 = arith.muli %arg0, %mul3A_37 : i32
    %add3A_39 = arith.addi %mul3A_38, %mul3A_28 : i32
    %add3A_40 = arith.constant 64 : i32
    %add3A_41 = arith.addi %add3A_39, %add3A_40 : i32
    %dma_start3A_42 = tpu.memref_slice %arg4[%add3A_41] : memref<320000xi32, #tpu.memory_space<hbm>> -> memref<64xi32, #tpu.memory_space<hbm>>
    %dma_start3A_43 = tpu.memref_slice %arg4[%add3A_41] : memref<320000xi32, #tpu.memory_space<hbm>> -> memref<64xi32, #tpu.memory_space<hbm>>
    tpu.enqueue_dma source(%dma_start3A_43 : memref<64xi32, #tpu.memory_space<hbm>>) target(%arg9 : memref<64xi32, #tpu.memory_space<vmem>>) target_semaphore(%arg23 : memref<!tpu.dma_semaphore, #tpu.memory_space<semaphore_mem>>)
    %dma_start3A_44 = tpu.memref_slice %arg5[%add3A_41] : memref<320000xi32, #tpu.memory_space<hbm>> -> memref<64xi32, #tpu.memory_space<hbm>>
    %dma_start3A_45 = tpu.memref_slice %arg5[%add3A_41] : memref<320000xi32, #tpu.memory_space<hbm>> -> memref<64xi32, #tpu.memory_space<hbm>>
    tpu.enqueue_dma source(%dma_start3A_45 : memref<64xi32, #tpu.memory_space<hbm>>) target(%arg13 : memref<64xi32, #tpu.memory_space<vmem>>) target_semaphore(%arg27 : memref<!tpu.dma_semaphore, #tpu.memory_space<semaphore_mem>>)
    %mul3A_46 = arith.constant 160000 : i32
    %mul3A_47 = arith.muli %arg0, %mul3A_46 : i32
    %add3A_48 = arith.addi %mul3A_47, %mul3A_28 : i32
    %add3A_49 = arith.constant 0 : i32
    %add3A_50 = arith.addi %add3A_48, %add3A_49 : i32
    %dma_start3A_51 = arith.constant 0 : i32
    %dma_start3A_52 = tpu.memref_slice %arg3[%add3A_50, %dma_start3A_51] : memref<320000x128xf32, #tpu.memory_space<hbm>> -> memref<64x128xf32, #tpu.memory_space<hbm>>
    %dma_start3A_53 = arith.constant 0 : i32
    %dma_start3A_54 = tpu.memref_slice %arg3[%add3A_50, %dma_start3A_53] : memref<320000x128xf32, #tpu.memory_space<hbm>> -> memref<64x128xf32, #tpu.memory_space<hbm>>
    tpu.enqueue_dma source(%dma_start3A_54 : memref<64x128xf32, #tpu.memory_space<hbm>>) target(%arg18 : memref<64x128xf32, #tpu.memory_space<vmem>>) target_semaphore(%arg34 : memref<!tpu.dma_semaphore, #tpu.memory_space<semaphore_mem>>)
    %mul3A_55 = arith.constant 160000 : i32
    %mul3A_56 = arith.muli %arg0, %mul3A_55 : i32
    %add3A_57 = arith.addi %mul3A_56, %mul3A_28 : i32
    %add3A_58 = arith.constant 64 : i32
    %add3A_59 = arith.addi %add3A_57, %add3A_58 : i32
    %dma_start3A_60 = arith.constant 0 : i32
    %dma_start3A_61 = tpu.memref_slice %arg3[%add3A_59, %dma_start3A_60] : memref<320000x128xf32, #tpu.memory_space<hbm>> -> memref<64x128xf32, #tpu.memory_space<hbm>>
    %dma_start3A_62 = arith.constant 0 : i32
    %dma_start3A_63 = tpu.memref_slice %arg3[%add3A_59, %dma_start3A_62] : memref<320000x128xf32, #tpu.memory_space<hbm>> -> memref<64x128xf32, #tpu.memory_space<hbm>>
    tpu.enqueue_dma source(%dma_start3A_63 : memref<64x128xf32, #tpu.memory_space<hbm>>) target(%arg19 : memref<64x128xf32, #tpu.memory_space<vmem>>) target_semaphore(%arg35 : memref<!tpu.dma_semaphore, #tpu.memory_space<semaphore_mem>>)
    %dma_wait3A = arith.constant 0 : i32
    %dma_wait3A_64 = tpu.memref_slice %arg4[%dma_wait3A] : memref<320000xi32, #tpu.memory_space<hbm>> -> memref<64xi32, #tpu.memory_space<hbm>>
    %dma_wait3A_65 = arith.constant 0 : i32
    %dma_wait3A_66 = tpu.memref_slice %arg4[%dma_wait3A_65] : memref<320000xi32, #tpu.memory_space<hbm>> -> memref<64xi32, #tpu.memory_space<hbm>>
    tpu.wait_dma2 semaphore(%arg22 : memref<!tpu.dma_semaphore, #tpu.memory_space<semaphore_mem>>) src(%dma_wait3A_66 : memref<64xi32, #tpu.memory_space<hbm>>) dst(%arg8 : memref<64xi32, #tpu.memory_space<vmem>>)
    %dma_wait3A_67 = arith.constant 0 : i32
    %dma_wait3A_68 = tpu.memref_slice %arg5[%dma_wait3A_67] : memref<320000xi32, #tpu.memory_space<hbm>> -> memref<64xi32, #tpu.memory_space<hbm>>
    %dma_wait3A_69 = arith.constant 0 : i32
    %dma_wait3A_70 = tpu.memref_slice %arg5[%dma_wait3A_69] : memref<320000xi32, #tpu.memory_space<hbm>> -> memref<64xi32, #tpu.memory_space<hbm>>
    tpu.wait_dma2 semaphore(%arg26 : memref<!tpu.dma_semaphore, #tpu.memory_space<semaphore_mem>>) src(%dma_wait3A_70 : memref<64xi32, #tpu.memory_space<hbm>>) dst(%arg12 : memref<64xi32, #tpu.memory_space<vmem>>)
    %get3A = arith.constant 0 : index
    %get3A_71 = tpu.vector_load %arg8[%get3A] {strides = array<i32>} : memref<64xi32, #tpu.memory_space<vmem>>, vector<16xi32>,
    %get3A_72 = vector.shape_cast %get3A_71 : vector<16xi32> to vector<16xi32>
    %add3A_73 = vector.broadcast %mul3A_0 : i32 to vector<16xi32>
    %add3A_74 = arith.addi %get3A_72, %add3A_73 : vector<16xi32>
    %swap3A = arith.constant 0 : index
    %swap3A_75 = tpu.vector_load %arg8[%swap3A] {strides = array<i32>} : memref<64xi32, #tpu.memory_space<vmem>>, vector<16xi32>,
    %swap3A_76 = vector.shape_cast %swap3A_75 : vector<16xi32> to vector<16xi32>
    %swap3A_77 = vector.shape_cast %add3A_74 : vector<16xi32> to vector<16xi32>
    tpu.vector_store %arg8[%swap3A], %swap3A_77 {strides = array<i32>} : memref<64xi32, #tpu.memory_space<vmem>>, vector<16xi32>,
    %get3A_78 = arith.constant 16 : index
    %get3A_79 = tpu.vector_load %arg8[%get3A_78] {strides = array<i32>} : memref<64xi32, #tpu.memory_space<vmem>>, vector<16xi32>,
    %get3A_80 = vector.shape_cast %get3A_79 : vector<16xi32> to vector<16xi32>
    %add3A_81 = vector.broadcast %mul3A_0 : i32 to vector<16xi32>
    %add3A_82 = arith.addi %get3A_80, %add3A_81 : vector<16xi32>
    %swap3A_83 = arith.constant 16 : index
    %swap3A_84 = tpu.vector_load %arg8[%swap3A_83] {strides = array<i32>} : memref<64xi32, #tpu.memory_space<vmem>>, vector<16xi32>,
    %swap3A_85 = vector.shape_cast %swap3A_84 : vector<16xi32> to vector<16xi32>
    %swap3A_86 = vector.shape_cast %add3A_82 : vector<16xi32> to vector<16xi32>
    tpu.vector_store %arg8[%swap3A_83], %swap3A_86 {strides = array<i32>} : memref<64xi32, #tpu.memory_space<vmem>>, vector<16xi32>,
    %get3A_87 = arith.constant 32 : index
    %get3A_88 = tpu.vector_load %arg8[%get3A_87] {strides = array<i32>} : memref<64xi32, #tpu.memory_space<vmem>>, vector<16xi32>,
    %get3A_89 = vector.shape_cast %get3A_88 : vector<16xi32> to vector<16xi32>
    %add3A_90 = vector.broadcast %mul3A_0 : i32 to vector<16xi32>
    %add3A_91 = arith.addi %get3A_89, %add3A_90 : vector<16xi32>
    %swap3A_92 = arith.constant 32 : index
    %swap3A_93 = tpu.vector_load %arg8[%swap3A_92] {strides = array<i32>} : memref<64xi32, #tpu.memory_space<vmem>>, vector<16xi32>,
    %swap3A_94 = vector.shape_cast %swap3A_93 : vector<16xi32> to vector<16xi32>
    %swap3A_95 = vector.shape_cast %add3A_91 : vector<16xi32> to vector<16xi32>
    tpu.vector_store %arg8[%swap3A_92], %swap3A_95 {strides = array<i32>} : memref<64xi32, #tpu.memory_space<vmem>>, vector<16xi32>,
    %get3A_96 = arith.constant 48 : index
    %get3A_97 = tpu.vector_load %arg8[%get3A_96] {strides = array<i32>} : memref<64xi32, #tpu.memory_space<vmem>>, vector<16xi32>,
    %get3A_98 = vector.shape_cast %get3A_97 : vector<16xi32> to vector<16xi32>
    %add3A_99 = vector.broadcast %mul3A_0 : i32 to vector<16xi32>
    %add3A_100 = arith.addi %get3A_98, %add3A_99 : vector<16xi32>
    %swap3A_101 = arith.constant 48 : index
    %swap3A_102 = tpu.vector_load %arg8[%swap3A_101] {strides = array<i32>} : memref<64xi32, #tpu.memory_space<vmem>>, vector<16xi32>,
    %swap3A_103 = vector.shape_cast %swap3A_102 : vector<16xi32> to vector<16xi32>
    %swap3A_104 = vector.shape_cast %add3A_100 : vector<16xi32> to vector<16xi32>
    tpu.vector_store %arg8[%swap3A_101], %swap3A_104 {strides = array<i32>} : memref<64xi32, #tpu.memory_space<vmem>>, vector<16xi32>,
    %dma_wait3A_105 = arith.constant 0 : i32
    %dma_wait3A_106 = arith.constant 0 : i32
    %dma_wait3A_107 = tpu.memref_slice %arg3[%dma_wait3A_105, %dma_wait3A_106] : memref<320000x128xf32, #tpu.memory_space<hbm>> -> memref<64x128xf32, #tpu.memory_space<hbm>>
    %dma_wait3A_108 = arith.constant 0 : i32
    %dma_wait3A_109 = arith.constant 0 : i32
    %dma_wait3A_110 = tpu.memref_slice %arg3[%dma_wait3A_108, %dma_wait3A_109] : memref<320000x128xf32, #tpu.memory_space<hbm>> -> memref<64x128xf32, #tpu.memory_space<hbm>>
    tpu.wait_dma2 semaphore(%arg34 : memref<!tpu.dma_semaphore, #tpu.memory_space<semaphore_mem>>) src(%dma_wait3A_110 : memref<64x128xf32, #tpu.memory_space<hbm>>) dst(%arg18 : memref<64x128xf32, #tpu.memory_space<vmem>>)
    %dma_start3A_111 = arith.constant 0 : i32
    %dma_start3A_112 = arith.constant 0 : i32
    %dma_start3A_113 = tpu.memref_slice %arg2[%dma_start3A_111, %dma_start3A_112] : memref<20000x128xf32, #tpu.memory_space<hbm>> -> memref<20000x128xf32, #tpu.memory_space<hbm>>
    tpu.enqueue_indirect_dma source(%dma_start3A_113 : memref<20000x128xf32, #tpu.memory_space<hbm>>) target(%arg18 : memref<64x128xf32, #tpu.memory_space<vmem>>) offsets(%arg8 : memref<64xi32, #tpu.memory_space<vmem>>) semaphore(%arg30 : memref<!tpu.dma_semaphore, #tpu.memory_space<semaphore_mem>>) {add = true}
    %scan3A_114 = arith.constant 0 : i32
    %scan3A_115 = arith.constant 0 : i32
    %scan3A_116 = arith.constant 39 : i32
    %scan3A_117 = arith.addi %scan3A_115, %scan3A_116 : i32
    %scan3A_118 = arith.constant 1 : i32
    scf.for %scan3A_174 = %scan3A_115 to %scan3A_117 step %scan3A_118  : i32 {
      %mul3A_175 = arith.constant 4 : i32
      %mul3A_176 = arith.muli %scan3A_174, %mul3A_175 : i32
      %add3A_177 = arith.constant 0 : i32
      %add3A_178 = arith.addi %mul3A_176, %add3A_177 : i32
      %add3A_179 = arith.constant 1 : i32
      %add3A_180 = arith.addi %add3A_178, %add3A_179 : i32
      %lt3A_181 = arith.constant 156 : i32
      %lt3A_182 = arith.cmpi slt, %add3A_180, %lt3A_181 : i32
      %convert_element_type3A_183 = arith.extui %lt3A_182 : i1 to i32
      %cond3A_184 = arith.constant 0 : i32
      %cond3A_185 = arith.cmpi ne, %convert_element_type3A_183, %cond3A_184 : i32
      scf.if %cond3A_185 {
        %dma_wait3A_333 = arith.constant 0 : i32
        %dma_wait3A_334 = tpu.memref_slice %arg4[%dma_wait3A_333] : memref<320000xi32, #tpu.memory_space<hbm>> -> memref<64xi32, #tpu.memory_space<hbm>>
        %dma_wait3A_335 = arith.constant 0 : i32
        %dma_wait3A_336 = tpu.memref_slice %arg4[%dma_wait3A_335] : memref<320000xi32, #tpu.memory_space<hbm>> -> memref<64xi32, #tpu.memory_space<hbm>>
        tpu.wait_dma2 semaphore(%arg23 : memref<!tpu.dma_semaphore, #tpu.memory_space<semaphore_mem>>) src(%dma_wait3A_336 : memref<64xi32, #tpu.memory_space<hbm>>) dst(%arg9 : memref<64xi32, #tpu.memory_space<vmem>>)
        %dma_wait3A_337 = arith.constant 0 : i32
        %dma_wait3A_338 = tpu.memref_slice %arg5[%dma_wait3A_337] : memref<320000xi32, #tpu.memory_space<hbm>> -> memref<64xi32, #tpu.memory_space<hbm>>
        %dma_wait3A_339 = arith.constant 0 : i32
        %dma_wait3A_340 = tpu.memref_slice %arg5[%dma_wait3A_339] : memref<320000xi32, #tpu.memory_space<hbm>> -> memref<64xi32, #tpu.memory_space<hbm>>
        tpu.wait_dma2 semaphore(%arg27 : memref<!tpu.dma_semaphore, #tpu.memory_space<semaphore_mem>>) src(%dma_wait3A_340 : memref<64xi32, #tpu.memory_space<hbm>>) dst(%arg13 : memref<64xi32, #tpu.memory_space<vmem>>)
        %get3A_341 = arith.constant 0 : index
        %get3A_342 = tpu.vector_load %arg9[%get3A_341] {strides = array<i32>} : memref<64xi32, #tpu.memory_space<vmem>>, vector<16xi32>,
        %get3A_343 = vector.shape_cast %get3A_342 : vector<16xi32> to vector<16xi32>
        %add3A_344 = vector.broadcast %mul3A_0 : i32 to vector<16xi32>
        %add3A_345 = arith.addi %get3A_343, %add3A_344 : vector<16xi32>
        %swap3A_346 = arith.constant 0 : index
        %swap3A_347 = tpu.vector_load %arg9[%swap3A_346] {strides = array<i32>} : memref<64xi32, #tpu.memory_space<vmem>>, vector<16xi32>,
        %swap3A_348 = vector.shape_cast %swap3A_347 : vector<16xi32> to vector<16xi32>
        %swap3A_349 = vector.shape_cast %add3A_345 : vector<16xi32> to vector<16xi32>
        tpu.vector_store %arg9[%swap3A_346], %swap3A_349 {strides = array<i32>} : memref<64xi32, #tpu.memory_space<vmem>>, vector<16xi32>,
        %get3A_350 = arith.constant 16 : index
        %get3A_351 = tpu.vector_load %arg9[%get3A_350] {strides = array<i32>} : memref<64xi32, #tpu.memory_space<vmem>>, vector<16xi32>,
        %get3A_352 = vector.shape_cast %get3A_351 : vector<16xi32> to vector<16xi32>
        %add3A_353 = vector.broadcast %mul3A_0 : i32 to vector<16xi32>
        %add3A_354 = arith.addi %get3A_352, %add3A_353 : vector<16xi32>
        %swap3A_355 = arith.constant 16 : index
        %swap3A_356 = tpu.vector_load %arg9[%swap3A_355] {strides = array<i32>} : memref<64xi32, #tpu.memory_space<vmem>>, vector<16xi32>,
        %swap3A_357 = vector.shape_cast %swap3A_356 : vector<16xi32> to vector<16xi32>
        %swap3A_358 = vector.shape_cast %add3A_354 : vector<16xi32> to vector<16xi32>
        tpu.vector_store %arg9[%swap3A_355], %swap3A_358 {strides = array<i32>} : memref<64xi32, #tpu.memory_space<vmem>>, vector<16xi32>,
        %get3A_359 = arith.constant 32 : index
        %get3A_360 = tpu.vector_load %arg9[%get3A_359] {strides = array<i32>} : memref<64xi32, #tpu.memory_space<vmem>>, vector<16xi32>,
        %get3A_361 = vector.shape_cast %get3A_360 : vector<16xi32> to vector<16xi32>
        %add3A_362 = vector.broadcast %mul3A_0 : i32 to vector<16xi32>
        %add3A_363 = arith.addi %get3A_361, %add3A_362 : vector<16xi32>
        %swap3A_364 = arith.constant 32 : index
        %swap3A_365 = tpu.vector_load %arg9[%swap3A_364] {strides = array<i32>} : memref<64xi32, #tpu.memory_space<vmem>>, vector<16xi32>,
        %swap3A_366 = vector.shape_cast %swap3A_365 : vector<16xi32> to vector<16xi32>
        %swap3A_367 = vector.shape_cast %add3A_363 : vector<16xi32> to vector<16xi32>
        tpu.vector_store %arg9[%swap3A_364], %swap3A_367 {strides = array<i32>} : memref<64xi32, #tpu.memory_space<vmem>>, vector<16xi32>,
        %get3A_368 = arith.constant 48 : index
        %get3A_369 = tpu.vector_load %arg9[%get3A_368] {strides = array<i32>} : memref<64xi32, #tpu.memory_space<vmem>>, vector<16xi32>,
        %get3A_370 = vector.shape_cast %get3A_369 : vector<16xi32> to vector<16xi32>
        %add3A_371 = vector.broadcast %mul3A_0 : i32 to vector<16xi32>
        %add3A_372 = arith.addi %get3A_370, %add3A_371 : vector<16xi32>
        %swap3A_373 = arith.constant 48 : index
        %swap3A_374 = tpu.vector_load %arg9[%swap3A_373] {strides = array<i32>} : memref<64xi32, #tpu.memory_space<vmem>>, vector<16xi32>,
        %swap3A_375 = vector.shape_cast %swap3A_374 : vector<16xi32> to vector<16xi32>
        %swap3A_376 = vector.shape_cast %add3A_372 : vector<16xi32> to vector<16xi32>
        tpu.vector_store %arg9[%swap3A_373], %swap3A_376 {strides = array<i32>} : memref<64xi32, #tpu.memory_space<vmem>>, vector<16xi32>,
        %dma_wait3A_377 = arith.constant 0 : i32
        %dma_wait3A_378 = arith.constant 0 : i32
        %dma_wait3A_379 = tpu.memref_slice %arg3[%dma_wait3A_377, %dma_wait3A_378] : memref<320000x128xf32, #tpu.memory_space<hbm>> -> memref<64x128xf32, #tpu.memory_space<hbm>>
        %dma_wait3A_380 = arith.constant 0 : i32
        %dma_wait3A_381 = arith.constant 0 : i32
        %dma_wait3A_382 = tpu.memref_slice %arg3[%dma_wait3A_380, %dma_wait3A_381] : memref<320000x128xf32, #tpu.memory_space<hbm>> -> memref<64x128xf32, #tpu.memory_space<hbm>>
        tpu.wait_dma2 semaphore(%arg35 : memref<!tpu.dma_semaphore, #tpu.memory_space<semaphore_mem>>) src(%dma_wait3A_382 : memref<64x128xf32, #tpu.memory_space<hbm>>) dst(%arg19 : memref<64x128xf32, #tpu.memory_space<vmem>>)
        %dma_start3A_383 = arith.constant 0 : i32
        %dma_start3A_384 = arith.constant 0 : i32
        %dma_start3A_385 = tpu.memref_slice %arg2[%dma_start3A_383, %dma_start3A_384] : memref<20000x128xf32, #tpu.memory_space<hbm>> -> memref<20000x128xf32, #tpu.memory_space<hbm>>
        tpu.enqueue_indirect_dma source(%dma_start3A_385 : memref<20000x128xf32, #tpu.memory_space<hbm>>) target(%arg19 : memref<64x128xf32, #tpu.memory_space<vmem>>) offsets(%arg9 : memref<64xi32, #tpu.memory_space<vmem>>) semaphore(%arg31 : memref<!tpu.dma_semaphore, #tpu.memory_space<semaphore_mem>>) {add = true}
      } else {
      }
      %dma_wait3A_186 = arith.constant 0 : i32
      %dma_wait3A_187 = arith.constant 0 : i32
      %dma_wait3A_188 = tpu.memref_slice %arg2[%dma_wait3A_186, %dma_wait3A_187] : memref<20000x128xf32, #tpu.memory_space<hbm>> -> memref<20000x128xf32, #tpu.memory_space<hbm>>
      tpu.wait_indirect_dma semaphore(%arg30 : memref<!tpu.dma_semaphore, #tpu.memory_space<semaphore_mem>>) src(%dma_wait3A_188 : memref<20000x128xf32, #tpu.memory_space<hbm>>) dst(%arg18 : memref<64x128xf32, #tpu.memory_space<vmem>>)
      %scan3A_189 = arith.constant 0 : i32
      %scan3A_190 = arith.constant 0 : i32
      %scan3A_191 = arith.constant 64 : i32
      %scan3A_192 = arith.addi %scan3A_190, %scan3A_191 : i32
      %scan3A_193 = arith.constant 1 : i32
      scf.for %scan3A_333 = %scan3A_190 to %scan3A_192 step %scan3A_193  : i32 {
        %get3A_334 = arith.index_cast %scan3A_333 : i32 to index
        %get3A_335 = arith.constant 0 : index
        %get3A_336 = tpu.vector_load %arg18[%get3A_334, %get3A_335] {strides = array<i32>} : memref<64x128xf32, #tpu.memory_space<vmem>>, vector<1x16xf32>,
        %get3A_337 = vector.shape_cast %get3A_336 : vector<1x16xf32> to vector<16xf32>
        %max3A = arith.constant 0.000000e+00 : f32
        %max3A_338 = vector.broadcast %max3A : f32 to vector<16xf32>
        %max3A_339 = arith.maximumf %get3A_337, %max3A_338 : vector<16xf32>
        %swap3A_340 = arith.index_cast %scan3A_333 : i32 to index
        %swap3A_341 = arith.constant 0 : index
        %swap3A_342 = tpu.vector_load %arg18[%swap3A_340, %swap3A_341] {strides = array<i32>} : memref<64x128xf32, #tpu.memory_space<vmem>>, vector<1x16xf32>,
        %swap3A_343 = vector.shape_cast %swap3A_342 : vector<1x16xf32> to vector<16xf32>
        %swap3A_344 = vector.shape_cast %max3A_339 : vector<16xf32> to vector<1x16xf32>
        tpu.vector_store %arg18[%swap3A_340, %swap3A_341], %swap3A_344 {strides = array<i32>} : memref<64x128xf32, #tpu.memory_space<vmem>>, vector<1x16xf32>,
        %get3A_345 = arith.index_cast %scan3A_333 : i32 to index
        %get3A_346 = arith.constant 16 : index
        %get3A_347 = tpu.vector_load %arg18[%get3A_345, %get3A_346] {strides = array<i32>} : memref<64x128xf32, #tpu.memory_space<vmem>>, vector<1x16xf32>,
        %get3A_348 = vector.shape_cast %get3A_347 : vector<1x16xf32> to vector<16xf32>
        %max3A_349 = arith.constant 0.000000e+00 : f32
        %max3A_350 = vector.broadcast %max3A_349 : f32 to vector<16xf32>
        %max3A_351 = arith.maximumf %get3A_348, %max3A_350 : vector<16xf32>
        %swap3A_352 = arith.index_cast %scan3A_333 : i32 to index
        %swap3A_353 = arith.constant 16 : index
        %swap3A_354 = tpu.vector_load %arg18[%swap3A_352, %swap3A_353] {strides = array<i32>} : memref<64x128xf32, #tpu.memory_space<vmem>>, vector<1x16xf32>,
        %swap3A_355 = vector.shape_cast %swap3A_354 : vector<1x16xf32> to vector<16xf32>
        %swap3A_356 = vector.shape_cast %max3A_351 : vector<16xf32> to vector<1x16xf32>
        tpu.vector_store %arg18[%swap3A_352, %swap3A_353], %swap3A_356 {strides = array<i32>} : memref<64x128xf32, #tpu.memory_space<vmem>>, vector<1x16xf32>,
        %get3A_357 = arith.index_cast %scan3A_333 : i32 to index
        %get3A_358 = arith.constant 32 : index
        %get3A_359 = tpu.vector_load %arg18[%get3A_357, %get3A_358] {strides = array<i32>} : memref<64x128xf32, #tpu.memory_space<vmem>>, vector<1x16xf32>,
        %get3A_360 = vector.shape_cast %get3A_359 : vector<1x16xf32> to vector<16xf32>
        %max3A_361 = arith.constant 0.000000e+00 : f32
        %max3A_362 = vector.broadcast %max3A_361 : f32 to vector<16xf32>
        %max3A_363 = arith.maximumf %get3A_360, %max3A_362 : vector<16xf32>
        %swap3A_364 = arith.index_cast %scan3A_333 : i32 to index
        %swap3A_365 = arith.constant 32 : index
        %swap3A_366 = tpu.vector_load %arg18[%swap3A_364, %swap3A_365] {strides = array<i32>} : memref<64x128xf32, #tpu.memory_space<vmem>>, vector<1x16xf32>,
        %swap3A_367 = vector.shape_cast %swap3A_366 : vector<1x16xf32> to vector<16xf32>
        %swap3A_368 = vector.shape_cast %max3A_363 : vector<16xf32> to vector<1x16xf32>
        tpu.vector_store %arg18[%swap3A_364, %swap3A_365], %swap3A_368 {strides = array<i32>} : memref<64x128xf32, #tpu.memory_space<vmem>>, vector<1x16xf32>,
        %get3A_369 = arith.index_cast %scan3A_333 : i32 to index
        %get3A_370 = arith.constant 48 : index
        %get3A_371 = tpu.vector_load %arg18[%get3A_369, %get3A_370] {strides = array<i32>} : memref<64x128xf32, #tpu.memory_space<vmem>>, vector<1x16xf32>,
        %get3A_372 = vector.shape_cast %get3A_371 : vector<1x16xf32> to vector<16xf32>
        %max3A_373 = arith.constant 0.000000e+00 : f32
        %max3A_374 = vector.broadcast %max3A_373 : f32 to vector<16xf32>
        %max3A_375 = arith.maximumf %get3A_372, %max3A_374 : vector<16xf32>
        %swap3A_376 = arith.index_cast %scan3A_333 : i32 to index
        %swap3A_377 = arith.constant 48 : index
        %swap3A_378 = tpu.vector_load %arg18[%swap3A_376, %swap3A_377] {strides = array<i32>} : memref<64x128xf32, #tpu.memory_space<vmem>>, vector<1x16xf32>,
        %swap3A_379 = vector.shape_cast %swap3A_378 : vector<1x16xf32> to vector<16xf32>
        %swap3A_380 = vector.shape_cast %max3A_375 : vector<16xf32> to vector<1x16xf32>
        tpu.vector_store %arg18[%swap3A_376, %swap3A_377], %swap3A_380 {strides = array<i32>} : memref<64x128xf32, #tpu.memory_space<vmem>>, vector<1x16xf32>,
        %get3A_381 = arith.index_cast %scan3A_333 : i32 to index
        %get3A_382 = arith.constant 64 : index
        %get3A_383 = tpu.vector_load %arg18[%get3A_381, %get3A_382] {strides = array<i32>} : memref<64x128xf32, #tpu.memory_space<vmem>>, vector<1x16xf32>,
        %get3A_384 = vector.shape_cast %get3A_383 : vector<1x16xf32> to vector<16xf32>
        %max3A_385 = arith.constant 0.000000e+00 : f32
        %max3A_386 = vector.broadcast %max3A_385 : f32 to vector<16xf32>
        %max3A_387 = arith.maximumf %get3A_384, %max3A_386 : vector<16xf32>
        %swap3A_388 = arith.index_cast %scan3A_333 : i32 to index
        %swap3A_389 = arith.constant 64 : index
        %swap3A_390 = tpu.vector_load %arg18[%swap3A_388, %swap3A_389] {strides = array<i32>} : memref<64x128xf32, #tpu.memory_space<vmem>>, vector<1x16xf32>,
        %swap3A_391 = vector.shape_cast %swap3A_390 : vector<1x16xf32> to vector<16xf32>
        %swap3A_392 = vector.shape_cast %max3A_387 : vector<16xf32> to vector<1x16xf32>
        tpu.vector_store %arg18[%swap3A_388, %swap3A_389], %swap3A_392 {strides = array<i32>} : memref<64x128xf32, #tpu.memory_space<vmem>>, vector<1x16xf32>,
        %get3A_393 = arith.index_cast %scan3A_333 : i32 to index
        %get3A_394 = arith.constant 80 : index
        %get3A_395 = tpu.vector_load %arg18[%get3A_393, %get3A_394] {strides = array<i32>} : memref<64x128xf32, #tpu.memory_space<vmem>>, vector<1x16xf32>,
        %get3A_396 = vector.shape_cast %get3A_395 : vector<1x16xf32> to vector<16xf32>
        %max3A_397 = arith.constant 0.000000e+00 : f32
        %max3A_398 = vector.broadcast %max3A_397 : f32 to vector<16xf32>
        %max3A_399 = arith.maximumf %get3A_396, %max3A_398 : vector<16xf32>
        %swap3A_400 = arith.index_cast %scan3A_333 : i32 to index
        %swap3A_401 = arith.constant 80 : index
        %swap3A_402 = tpu.vector_load %arg18[%swap3A_400, %swap3A_401] {strides = array<i32>} : memref<64x128xf32, #tpu.memory_space<vmem>>, vector<1x16xf32>,
        %swap3A_403 = vector.shape_cast %swap3A_402 : vector<1x16xf32> to vector<16xf32>
        %swap3A_404 = vector.shape_cast %max3A_399 : vector<16xf32> to vector<1x16xf32>
        tpu.vector_store %arg18[%swap3A_400, %swap3A_401], %swap3A_404 {strides = array<i32>} : memref<64x128xf32, #tpu.memory_space<vmem>>, vector<1x16xf32>,
        %get3A_405 = arith.index_cast %scan3A_333 : i32 to index
        %get3A_406 = arith.constant 96 : index
        %get3A_407 = tpu.vector_load %arg18[%get3A_405, %get3A_406] {strides = array<i32>} : memref<64x128xf32, #tpu.memory_space<vmem>>, vector<1x16xf32>,
        %get3A_408 = vector.shape_cast %get3A_407 : vector<1x16xf32> to vector<16xf32>
        %max3A_409 = arith.constant 0.000000e+00 : f32
        %max3A_410 = vector.broadcast %max3A_409 : f32 to vector<16xf32>
        %max3A_411 = arith.maximumf %get3A_408, %max3A_410 : vector<16xf32>
        %swap3A_412 = arith.index_cast %scan3A_333 : i32 to index
        %swap3A_413 = arith.constant 96 : index
        %swap3A_414 = tpu.vector_load %arg18[%swap3A_412, %swap3A_413] {strides = array<i32>} : memref<64x128xf32, #tpu.memory_space<vmem>>, vector<1x16xf32>,
        %swap3A_415 = vector.shape_cast %swap3A_414 : vector<1x16xf32> to vector<16xf32>
        %swap3A_416 = vector.shape_cast %max3A_411 : vector<16xf32> to vector<1x16xf32>
        tpu.vector_store %arg18[%swap3A_412, %swap3A_413], %swap3A_416 {strides = array<i32>} : memref<64x128xf32, #tpu.memory_space<vmem>>, vector<1x16xf32>,
        %get3A_417 = arith.index_cast %scan3A_333 : i32 to index
        %get3A_418 = arith.constant 112 : index
        %get3A_419 = tpu.vector_load %arg18[%get3A_417, %get3A_418] {strides = array<i32>} : memref<64x128xf32, #tpu.memory_space<vmem>>, vector<1x16xf32>,
        %get3A_420 = vector.shape_cast %get3A_419 : vector<1x16xf32> to vector<16xf32>
        %max3A_421 = arith.constant 0.000000e+00 : f32
        %max3A_422 = vector.broadcast %max3A_421 : f32 to vector<16xf32>
        %max3A_423 = arith.maximumf %get3A_420, %max3A_422 : vector<16xf32>
        %swap3A_424 = arith.index_cast %scan3A_333 : i32 to index
        %swap3A_425 = arith.constant 112 : index
        %swap3A_426 = tpu.vector_load %arg18[%swap3A_424, %swap3A_425] {strides = array<i32>} : memref<64x128xf32, #tpu.memory_space<vmem>>, vector<1x16xf32>,
        %swap3A_427 = vector.shape_cast %swap3A_426 : vector<1x16xf32> to vector<16xf32>
        %swap3A_428 = vector.shape_cast %max3A_423 : vector<16xf32> to vector<1x16xf32>
        tpu.vector_store %arg18[%swap3A_424, %swap3A_425], %swap3A_428 {strides = array<i32>} : memref<64x128xf32, #tpu.memory_space<vmem>>, vector<1x16xf32>,
      }
      %scan3A_194 = arith.constant 64 : i32
      %dma_start3A_195 = arith.constant 0 : i32
      %dma_start3A_196 = arith.constant 0 : i32
      %dma_start3A_197 = tpu.memref_slice %arg7[%dma_start3A_195, %dma_start3A_196] : memref<10112x128xf32, #tpu.memory_space<vmem_shared>> -> memref<10112x128xf32, #tpu.memory_space<vmem_shared>>
      tpu.enqueue_indirect_dma source(%arg18 : memref<64x128xf32, #tpu.memory_space<vmem>>) target(%dma_start3A_197 : memref<10112x128xf32, #tpu.memory_space<vmem_shared>>) offsets(%arg12 : memref<64xi32, #tpu.memory_space<vmem>>) semaphore(%arg38 : memref<!tpu.dma_semaphore, #tpu.memory_space<semaphore_mem>>) {add = true}
      %ge3A = arith.constant 2 : i32
      %ge3A_198 = arith.cmpi sge, %add3A_178, %ge3A : i32
      %add3A_199 = arith.constant 2 : i32
      %add3A_200 = arith.addi %add3A_178, %add3A_199 : i32
      %lt3A_201 = arith.constant 156 : i32
      %lt3A_202 = arith.cmpi slt, %add3A_200, %lt3A_201 : i32
      %and3A = arith.andi %ge3A_198, %lt3A_202 : i1
      %convert_element_type3A_203 = arith.extui %and3A : i1 to i32
      %cond3A_204 = arith.constant 0 : i32
      %cond3A_205 = arith.cmpi ne, %convert_element_type3A_203, %cond3A_204 : i32
      scf.if %cond3A_205 {
        %dma_wait3A_333 = arith.constant 0 : i32
        %dma_wait3A_334 = arith.constant 0 : i32
        %dma_wait3A_335 = tpu.memref_slice %arg7[%dma_wait3A_333, %dma_wait3A_334] : memref<10112x128xf32, #tpu.memory_space<vmem_shared>> -> memref<10112x128xf32, #tpu.memory_space<vmem_shared>>
        tpu.wait_indirect_dma semaphore(%arg40 : memref<!tpu.dma_semaphore, #tpu.memory_space<semaphore_mem>>) src(%arg20 : memref<64x128xf32, #tpu.memory_space<vmem>>) dst(%dma_wait3A_335 : memref<10112x128xf32, #tpu.memory_space<vmem_shared>>)
      } else {
      }
      %add3A_206 = arith.constant 2 : i32
      %add3A_207 = arith.addi %add3A_178, %add3A_206 : i32
      %lt3A_208 = arith.constant 156 : i32
      %lt3A_209 = arith.cmpi slt, %add3A_207, %lt3A_208 : i32
      %convert_element_type3A_210 = arith.extui %lt3A_209 : i1 to i32
      %cond3A_211 = arith.constant 0 : i32
      %cond3A_212 = arith.cmpi ne, %convert_element_type3A_210, %cond3A_211 : i32
      scf.if %cond3A_212 {
        %add3A_333 = arith.constant 2 : i32
        %add3A_334 = arith.addi %add3A_178, %add3A_333 : i32
        %mul3A_335 = arith.constant 160000 : i32
        %mul3A_336 = arith.muli %arg0, %mul3A_335 : i32
        %add3A_337 = arith.addi %mul3A_336, %mul3A_28 : i32
        %mul3A_338 = arith.constant 64 : i32
        %mul3A_339 = arith.muli %add3A_334, %mul3A_338 : i32
        %add3A_340 = arith.addi %add3A_337, %mul3A_339 : i32
        %dma_start3A_341 = arith.constant 0 : i32
        %dma_start3A_342 = tpu.memref_slice %arg3[%add3A_340, %dma_start3A_341] : memref<320000x128xf32, #tpu.memory_space<hbm>> -> memref<64x128xf32, #tpu.memory_space<hbm>>
        %dma_start3A_343 = arith.constant 0 : i32
        %dma_start3A_344 = tpu.memref_slice %arg3[%add3A_340, %dma_start3A_343] : memref<320000x128xf32, #tpu.memory_space<hbm>> -> memref<64x128xf32, #tpu.memory_space<hbm>>
        tpu.enqueue_dma source(%dma_start3A_344 : memref<64x128xf32, #tpu.memory_space<hbm>>) target(%arg20 : memref<64x128xf32, #tpu.memory_space<vmem>>) target_semaphore(%arg36 : memref<!tpu.dma_semaphore, #tpu.memory_space<semaphore_mem>>)
        %add3A_345 = arith.constant 2 : i32
        %add3A_346 = arith.addi %add3A_178, %add3A_345 : i32
        %mul3A_347 = arith.constant 160000 : i32
        %mul3A_348 = arith.muli %arg0, %mul3A_347 : i32
        %add3A_349 = arith.addi %mul3A_348, %mul3A_28 : i32
        %mul3A_350 = arith.constant 64 : i32
        %mul3A_351 = arith.muli %add3A_346, %mul3A_350 : i32
        %add3A_352 = arith.addi %add3A_349, %mul3A_351 : i32
        %dma_start3A_353 = tpu.memref_slice %arg4[%add3A_352] : memref<320000xi32, #tpu.memory_space<hbm>> -> memref<64xi32, #tpu.memory_space<hbm>>
        %dma_start3A_354 = tpu.memref_slice %arg4[%add3A_352] : memref<320000xi32, #tpu.memory_space<hbm>> -> memref<64xi32, #tpu.memory_space<hbm>>
        tpu.enqueue_dma source(%dma_start3A_354 : memref<64xi32, #tpu.memory_space<hbm>>) target(%arg10 : memref<64xi32, #tpu.memory_space<vmem>>) target_semaphore(%arg24 : memref<!tpu.dma_semaphore, #tpu.memory_space<semaphore_mem>>)
        %dma_start3A_355 = tpu.memref_slice %arg5[%add3A_352] : memref<320000xi32, #tpu.memory_space<hbm>> -> memref<64xi32, #tpu.memory_space<hbm>>
        %dma_start3A_356 = tpu.memref_slice %arg5[%add3A_352] : memref<320000xi32, #tpu.memory_space<hbm>> -> memref<64xi32, #tpu.memory_space<hbm>>
        tpu.enqueue_dma source(%dma_start3A_356 : memref<64xi32, #tpu.memory_space<hbm>>) target(%arg14 : memref<64xi32, #tpu.memory_space<vmem>>) target_semaphore(%arg28 : memref<!tpu.dma_semaphore, #tpu.memory_space<semaphore_mem>>)
      } else {
      }
      %mul3A_213 = arith.constant 4 : i32
      %mul3A_214 = arith.muli %scan3A_174, %mul3A_213 : i32
      %add3A_215 = arith.constant 1 : i32
      %add3A_216 = arith.addi %mul3A_214, %add3A_215 : i32
      %add3A_217 = arith.constant 1 : i32
      %add3A_218 = arith.addi %add3A_216, %add3A_217 : i32
      %lt3A_219 = arith.constant 156 : i32
      %lt3A_220 = arith.cmpi slt, %add3A_218, %lt3A_219 : i32
      %convert_element_type3A_221 = arith.extui %lt3A_220 : i1 to i32
      %cond3A_222 = arith.constant 0 : i32
      %cond3A_223 = arith.cmpi ne, %convert_element_type3A_221, %cond3A_222 : i32
      scf.if %cond3A_223 {
        %dma_wait3A_333 = arith.constant 0 : i32
        %dma_wait3A_334 = tpu.memref_slice %arg4[%dma_wait3A_333] : memref<320000xi32, #tpu.memory_space<hbm>> -> memref<64xi32, #tpu.memory_space<hbm>>
        %dma_wait3A_335 = arith.constant 0 : i32
        %dma_wait3A_336 = tpu.memref_slice %arg4[%dma_wait3A_335] : memref<320000xi32, #tpu.memory_space<hbm>> -> memref<64xi32, #tpu.memory_space<hbm>>
        tpu.wait_dma2 semaphore(%arg24 : memref<!tpu.dma_semaphore, #tpu.memory_space<semaphore_mem>>) src(%dma_wait3A_336 : memref<64xi32, #tpu.memory_space<hbm>>) dst(%arg10 : memref<64xi32, #tpu.memory_space<vmem>>)
        %dma_wait3A_337 = arith.constant 0 : i32
        %dma_wait3A_338 = tpu.memref_slice %arg5[%dma_wait3A_337] : memref<320000xi32, #tpu.memory_space<hbm>> -> memref<64xi32, #tpu.memory_space<hbm>>
        %dma_wait3A_339 = arith.constant 0 : i32
        %dma_wait3A_340 = tpu.memref_slice %arg5[%dma_wait3A_339] : memref<320000xi32, #tpu.memory_space<hbm>> -> memref<64xi32, #tpu.memory_space<hbm>>
        tpu.wait_dma2 semaphore(%arg28 : memref<!tpu.dma_semaphore, #tpu.memory_space<semaphore_mem>>) src(%dma_wait3A_340 : memref<64xi32, #tpu.memory_space<hbm>>) dst(%arg14 : memref<64xi32, #tpu.memory_space<vmem>>)
        %get3A_341 = arith.constant 0 : index
        %get3A_342 = tpu.vector_load %arg10[%get3A_341] {strides = array<i32>} : memref<64xi32, #tpu.memory_space<vmem>>, vector<16xi32>,
        %get3A_343 = vector.shape_cast %get3A_342 : vector<16xi32> to vector<16xi32>
        %add3A_344 = vector.broadcast %mul3A_0 : i32 to vector<16xi32>
        %add3A_345 = arith.addi %get3A_343, %add3A_344 : vector<16xi32>
        %swap3A_346 = arith.constant 0 : index
        %swap3A_347 = tpu.vector_load %arg10[%swap3A_346] {strides = array<i32>} : memref<64xi32, #tpu.memory_space<vmem>>, vector<16xi32>,
        %swap3A_348 = vector.shape_cast %swap3A_347 : vector<16xi32> to vector<16xi32>
        %swap3A_349 = vector.shape_cast %add3A_345 : vector<16xi32> to vector<16xi32>
        tpu.vector_store %arg10[%swap3A_346], %swap3A_349 {strides = array<i32>} : memref<64xi32, #tpu.memory_space<vmem>>, vector<16xi32>,
        %get3A_350 = arith.constant 16 : index
        %get3A_351 = tpu.vector_load %arg10[%get3A_350] {strides = array<i32>} : memref<64xi32, #tpu.memory_space<vmem>>, vector<16xi32>,
        %get3A_352 = vector.shape_cast %get3A_351 : vector<16xi32> to vector<16xi32>
        %add3A_353 = vector.broadcast %mul3A_0 : i32 to vector<16xi32>
        %add3A_354 = arith.addi %get3A_352, %add3A_353 : vector<16xi32>
        %swap3A_355 = arith.constant 16 : index
        %swap3A_356 = tpu.vector_load %arg10[%swap3A_355] {strides = array<i32>} : memref<64xi32, #tpu.memory_space<vmem>>, vector<16xi32>,
        %swap3A_357 = vector.shape_cast %swap3A_356 : vector<16xi32> to vector<16xi32>
        %swap3A_358 = vector.shape_cast %add3A_354 : vector<16xi32> to vector<16xi32>
        tpu.vector_store %arg10[%swap3A_355], %swap3A_358 {strides = array<i32>} : memref<64xi32, #tpu.memory_space<vmem>>, vector<16xi32>,
        %get3A_359 = arith.constant 32 : index
        %get3A_360 = tpu.vector_load %arg10[%get3A_359] {strides = array<i32>} : memref<64xi32, #tpu.memory_space<vmem>>, vector<16xi32>,
        %get3A_361 = vector.shape_cast %get3A_360 : vector<16xi32> to vector<16xi32>
        %add3A_362 = vector.broadcast %mul3A_0 : i32 to vector<16xi32>
        %add3A_363 = arith.addi %get3A_361, %add3A_362 : vector<16xi32>
        %swap3A_364 = arith.constant 32 : index
        %swap3A_365 = tpu.vector_load %arg10[%swap3A_364] {strides = array<i32>} : memref<64xi32, #tpu.memory_space<vmem>>, vector<16xi32>,
        %swap3A_366 = vector.shape_cast %swap3A_365 : vector<16xi32> to vector<16xi32>
        %swap3A_367 = vector.shape_cast %add3A_363 : vector<16xi32> to vector<16xi32>
        tpu.vector_store %arg10[%swap3A_364], %swap3A_367 {strides = array<i32>} : memref<64xi32, #tpu.memory_space<vmem>>, vector<16xi32>,
        %get3A_368 = arith.constant 48 : index
        %get3A_369 = tpu.vector_load %arg10[%get3A_368] {strides = array<i32>} : memref<64xi32, #tpu.memory_space<vmem>>, vector<16xi32>,
        %get3A_370 = vector.shape_cast %get3A_369 : vector<16xi32> to vector<16xi32>
        %add3A_371 = vector.broadcast %mul3A_0 : i32 to vector<16xi32>
        %add3A_372 = arith.addi %get3A_370, %add3A_371 : vector<16xi32>
        %swap3A_373 = arith.constant 48 : index
        %swap3A_374 = tpu.vector_load %arg10[%swap3A_373] {strides = array<i32>} : memref<64xi32, #tpu.memory_space<vmem>>, vector<16xi32>,
        %swap3A_375 = vector.shape_cast %swap3A_374 : vector<16xi32> to vector<16xi32>
        %swap3A_376 = vector.shape_cast %add3A_372 : vector<16xi32> to vector<16xi32>
        tpu.vector_store %arg10[%swap3A_373], %swap3A_376 {strides = array<i32>} : memref<64xi32, #tpu.memory_space<vmem>>, vector<16xi32>,
        %dma_wait3A_377 = arith.constant 0 : i32
        %dma_wait3A_378 = arith.constant 0 : i32
        %dma_wait3A_379 = tpu.memref_slice %arg3[%dma_wait3A_377, %dma_wait3A_378] : memref<320000x128xf32, #tpu.memory_space<hbm>> -> memref<64x128xf32, #tpu.memory_space<hbm>>
        %dma_wait3A_380 = arith.constant 0 : i32
        %dma_wait3A_381 = arith.constant 0 : i32
        %dma_wait3A_382 = tpu.memref_slice %arg3[%dma_wait3A_380, %dma_wait3A_381] : memref<320000x128xf32, #tpu.memory_space<hbm>> -> memref<64x128xf32, #tpu.memory_space<hbm>>
        tpu.wait_dma2 semaphore(%arg36 : memref<!tpu.dma_semaphore, #tpu.memory_space<semaphore_mem>>) src(%dma_wait3A_382 : memref<64x128xf32, #tpu.memory_space<hbm>>) dst(%arg20 : memref<64x128xf32, #tpu.memory_space<vmem>>)
        %dma_start3A_383 = arith.constant 0 : i32
        %dma_start3A_384 = arith.constant 0 : i32
        %dma_start3A_385 = tpu.memref_slice %arg2[%dma_start3A_383, %dma_start3A_384] : memref<20000x128xf32, #tpu.memory_space<hbm>> -> memref<20000x128xf32, #tpu.memory_space<hbm>>
        tpu.enqueue_indirect_dma source(%dma_start3A_385 : memref<20000x128xf32, #tpu.memory_space<hbm>>) target(%arg20 : memref<64x128xf32, #tpu.memory_space<vmem>>) offsets(%arg10 : memref<64xi32, #tpu.memory_space<vmem>>) semaphore(%arg32 : memref<!tpu.dma_semaphore, #tpu.memory_space<semaphore_mem>>) {add = true}
      } else {
      }
      %dma_wait3A_224 = arith.constant 0 : i32
      %dma_wait3A_225 = arith.constant 0 : i32
      %dma_wait3A_226 = tpu.memref_slice %arg2[%dma_wait3A_224, %dma_wait3A_225] : memref<20000x128xf32, #tpu.memory_space<hbm>> -> memref<20000x128xf32, #tpu.memory_space<hbm>>
      tpu.wait_indirect_dma semaphore(%arg31 : memref<!tpu.dma_semaphore, #tpu.memory_space<semaphore_mem>>) src(%dma_wait3A_226 : memref<20000x128xf32, #tpu.memory_space<hbm>>) dst(%arg19 : memref<64x128xf32, #tpu.memory_space<vmem>>)
      %scan3A_227 = arith.constant 0 : i32
      %scan3A_228 = arith.constant 0 : i32
      %scan3A_229 = arith.constant 64 : i32
      %scan3A_230 = arith.addi %scan3A_228, %scan3A_229 : i32
      %scan3A_231 = arith.constant 1 : i32
      scf.for %scan3A_333 = %scan3A_228 to %scan3A_230 step %scan3A_231  : i32 {
        %get3A_334 = arith.index_cast %scan3A_333 : i32 to index
        %get3A_335 = arith.constant 0 : index
        %get3A_336 = tpu.vector_load %arg19[%get3A_334, %get3A_335] {strides = array<i32>} : memref<64x128xf32, #tpu.memory_space<vmem>>, vector<1x16xf32>,
        %get3A_337 = vector.shape_cast %get3A_336 : vector<1x16xf32> to vector<16xf32>
        %max3A = arith.constant 0.000000e+00 : f32
        %max3A_338 = vector.broadcast %max3A : f32 to vector<16xf32>
        %max3A_339 = arith.maximumf %get3A_337, %max3A_338 : vector<16xf32>
        %swap3A_340 = arith.index_cast %scan3A_333 : i32 to index
        %swap3A_341 = arith.constant 0 : index
        %swap3A_342 = tpu.vector_load %arg19[%swap3A_340, %swap3A_341] {strides = array<i32>} : memref<64x128xf32, #tpu.memory_space<vmem>>, vector<1x16xf32>,
        %swap3A_343 = vector.shape_cast %swap3A_342 : vector<1x16xf32> to vector<16xf32>
        %swap3A_344 = vector.shape_cast %max3A_339 : vector<16xf32> to vector<1x16xf32>
        tpu.vector_store %arg19[%swap3A_340, %swap3A_341], %swap3A_344 {strides = array<i32>} : memref<64x128xf32, #tpu.memory_space<vmem>>, vector<1x16xf32>,
        %get3A_345 = arith.index_cast %scan3A_333 : i32 to index
        %get3A_346 = arith.constant 16 : index
        %get3A_347 = tpu.vector_load %arg19[%get3A_345, %get3A_346] {strides = array<i32>} : memref<64x128xf32, #tpu.memory_space<vmem>>, vector<1x16xf32>,
        %get3A_348 = vector.shape_cast %get3A_347 : vector<1x16xf32> to vector<16xf32>
        %max3A_349 = arith.constant 0.000000e+00 : f32
        %max3A_350 = vector.broadcast %max3A_349 : f32 to vector<16xf32>
        %max3A_351 = arith.maximumf %get3A_348, %max3A_350 : vector<16xf32>
        %swap3A_352 = arith.index_cast %scan3A_333 : i32 to index
        %swap3A_353 = arith.constant 16 : index
        %swap3A_354 = tpu.vector_load %arg19[%swap3A_352, %swap3A_353] {strides = array<i32>} : memref<64x128xf32, #tpu.memory_space<vmem>>, vector<1x16xf32>,
        %swap3A_355 = vector.shape_cast %swap3A_354 : vector<1x16xf32> to vector<16xf32>
        %swap3A_356 = vector.shape_cast %max3A_351 : vector<16xf32> to vector<1x16xf32>
        tpu.vector_store %arg19[%swap3A_352, %swap3A_353], %swap3A_356 {strides = array<i32>} : memref<64x128xf32, #tpu.memory_space<vmem>>, vector<1x16xf32>,
        %get3A_357 = arith.index_cast %scan3A_333 : i32 to index
        %get3A_358 = arith.constant 32 : index
        %get3A_359 = tpu.vector_load %arg19[%get3A_357, %get3A_358] {strides = array<i32>} : memref<64x128xf32, #tpu.memory_space<vmem>>, vector<1x16xf32>,
        %get3A_360 = vector.shape_cast %get3A_359 : vector<1x16xf32> to vector<16xf32>
        %max3A_361 = arith.constant 0.000000e+00 : f32
        %max3A_362 = vector.broadcast %max3A_361 : f32 to vector<16xf32>
        %max3A_363 = arith.maximumf %get3A_360, %max3A_362 : vector<16xf32>
        %swap3A_364 = arith.index_cast %scan3A_333 : i32 to index
        %swap3A_365 = arith.constant 32 : index
        %swap3A_366 = tpu.vector_load %arg19[%swap3A_364, %swap3A_365] {strides = array<i32>} : memref<64x128xf32, #tpu.memory_space<vmem>>, vector<1x16xf32>,
        %swap3A_367 = vector.shape_cast %swap3A_366 : vector<1x16xf32> to vector<16xf32>
        %swap3A_368 = vector.shape_cast %max3A_363 : vector<16xf32> to vector<1x16xf32>
        tpu.vector_store %arg19[%swap3A_364, %swap3A_365], %swap3A_368 {strides = array<i32>} : memref<64x128xf32, #tpu.memory_space<vmem>>, vector<1x16xf32>,
        %get3A_369 = arith.index_cast %scan3A_333 : i32 to index
        %get3A_370 = arith.constant 48 : index
        %get3A_371 = tpu.vector_load %arg19[%get3A_369, %get3A_370] {strides = array<i32>} : memref<64x128xf32, #tpu.memory_space<vmem>>, vector<1x16xf32>,
        %get3A_372 = vector.shape_cast %get3A_371 : vector<1x16xf32> to vector<16xf32>
        %max3A_373 = arith.constant 0.000000e+00 : f32
        %max3A_374 = vector.broadcast %max3A_373 : f32 to vector<16xf32>
        %max3A_375 = arith.maximumf %get3A_372, %max3A_374 : vector<16xf32>
        %swap3A_376 = arith.index_cast %scan3A_333 : i32 to index
        %swap3A_377 = arith.constant 48 : index
        %swap3A_378 = tpu.vector_load %arg19[%swap3A_376, %swap3A_377] {strides = array<i32>} : memref<64x128xf32, #tpu.memory_space<vmem>>, vector<1x16xf32>,
        %swap3A_379 = vector.shape_cast %swap3A_378 : vector<1x16xf32> to vector<16xf32>
        %swap3A_380 = vector.shape_cast %max3A_375 : vector<16xf32> to vector<1x16xf32>
        tpu.vector_store %arg19[%swap3A_376, %swap3A_377], %swap3A_380 {strides = array<i32>} : memref<64x128xf32, #tpu.memory_space<vmem>>, vector<1x16xf32>,
        %get3A_381 = arith.index_cast %scan3A_333 : i32 to index
        %get3A_382 = arith.constant 64 : index
        %get3A_383 = tpu.vector_load %arg19[%get3A_381, %get3A_382] {strides = array<i32>} : memref<64x128xf32, #tpu.memory_space<vmem>>, vector<1x16xf32>,
        %get3A_384 = vector.shape_cast %get3A_383 : vector<1x16xf32> to vector<16xf32>
        %max3A_385 = arith.constant 0.000000e+00 : f32
        %max3A_386 = vector.broadcast %max3A_385 : f32 to vector<16xf32>
        %max3A_387 = arith.maximumf %get3A_384, %max3A_386 : vector<16xf32>
        %swap3A_388 = arith.index_cast %scan3A_333 : i32 to index
        %swap3A_389 = arith.constant 64 : index
        %swap3A_390 = tpu.vector_load %arg19[%swap3A_388, %swap3A_389] {strides = array<i32>} : memref<64x128xf32, #tpu.memory_space<vmem>>, vector<1x16xf32>,
        %swap3A_391 = vector.shape_cast %swap3A_390 : vector<1x16xf32> to vector<16xf32>
        %swap3A_392 = vector.shape_cast %max3A_387 : vector<16xf32> to vector<1x16xf32>
        tpu.vector_store %arg19[%swap3A_388, %swap3A_389], %swap3A_392 {strides = array<i32>} : memref<64x128xf32, #tpu.memory_space<vmem>>, vector<1x16xf32>,
        %get3A_393 = arith.index_cast %scan3A_333 : i32 to index
        %get3A_394 = arith.constant 80 : index
        %get3A_395 = tpu.vector_load %arg19[%get3A_393, %get3A_394] {strides = array<i32>} : memref<64x128xf32, #tpu.memory_space<vmem>>, vector<1x16xf32>,
        %get3A_396 = vector.shape_cast %get3A_395 : vector<1x16xf32> to vector<16xf32>
        %max3A_397 = arith.constant 0.000000e+00 : f32
        %max3A_398 = vector.broadcast %max3A_397 : f32 to vector<16xf32>
        %max3A_399 = arith.maximumf %get3A_396, %max3A_398 : vector<16xf32>
        %swap3A_400 = arith.index_cast %scan3A_333 : i32 to index
        %swap3A_401 = arith.constant 80 : index
        %swap3A_402 = tpu.vector_load %arg19[%swap3A_400, %swap3A_401] {strides = array<i32>} : memref<64x128xf32, #tpu.memory_space<vmem>>, vector<1x16xf32>,
        %swap3A_403 = vector.shape_cast %swap3A_402 : vector<1x16xf32> to vector<16xf32>
        %swap3A_404 = vector.shape_cast %max3A_399 : vector<16xf32> to vector<1x16xf32>
        tpu.vector_store %arg19[%swap3A_400, %swap3A_401], %swap3A_404 {strides = array<i32>} : memref<64x128xf32, #tpu.memory_space<vmem>>, vector<1x16xf32>,
        %get3A_405 = arith.index_cast %scan3A_333 : i32 to index
        %get3A_406 = arith.constant 96 : index
        %get3A_407 = tpu.vector_load %arg19[%get3A_405, %get3A_406] {strides = array<i32>} : memref<64x128xf32, #tpu.memory_space<vmem>>, vector<1x16xf32>,
        %get3A_408 = vector.shape_cast %get3A_407 : vector<1x16xf32> to vector<16xf32>
        %max3A_409 = arith.constant 0.000000e+00 : f32
        %max3A_410 = vector.broadcast %max3A_409 : f32 to vector<16xf32>
        %max3A_411 = arith.maximumf %get3A_408, %max3A_410 : vector<16xf32>
        %swap3A_412 = arith.index_cast %scan3A_333 : i32 to index
        %swap3A_413 = arith.constant 96 : index
        %swap3A_414 = tpu.vector_load %arg19[%swap3A_412, %swap3A_413] {strides = array<i32>} : memref<64x128xf32, #tpu.memory_space<vmem>>, vector<1x16xf32>,
        %swap3A_415 = vector.shape_cast %swap3A_414 : vector<1x16xf32> to vector<16xf32>
        %swap3A_416 = vector.shape_cast %max3A_411 : vector<16xf32> to vector<1x16xf32>
        tpu.vector_store %arg19[%swap3A_412, %swap3A_413], %swap3A_416 {strides = array<i32>} : memref<64x128xf32, #tpu.memory_space<vmem>>, vector<1x16xf32>,
        %get3A_417 = arith.index_cast %scan3A_333 : i32 to index
        %get3A_418 = arith.constant 112 : index
        %get3A_419 = tpu.vector_load %arg19[%get3A_417, %get3A_418] {strides = array<i32>} : memref<64x128xf32, #tpu.memory_space<vmem>>, vector<1x16xf32>,
        %get3A_420 = vector.shape_cast %get3A_419 : vector<1x16xf32> to vector<16xf32>
        %max3A_421 = arith.constant 0.000000e+00 : f32
        %max3A_422 = vector.broadcast %max3A_421 : f32 to vector<16xf32>
        %max3A_423 = arith.maximumf %get3A_420, %max3A_422 : vector<16xf32>
        %swap3A_424 = arith.index_cast %scan3A_333 : i32 to index
        %swap3A_425 = arith.constant 112 : index
        %swap3A_426 = tpu.vector_load %arg19[%swap3A_424, %swap3A_425] {strides = array<i32>} : memref<64x128xf32, #tpu.memory_space<vmem>>, vector<1x16xf32>,
        %swap3A_427 = vector.shape_cast %swap3A_426 : vector<1x16xf32> to vector<16xf32>
        %swap3A_428 = vector.shape_cast %max3A_423 : vector<16xf32> to vector<1x16xf32>
        tpu.vector_store %arg19[%swap3A_424, %swap3A_425], %swap3A_428 {strides = array<i32>} : memref<64x128xf32, #tpu.memory_space<vmem>>, vector<1x16xf32>,
      }
      %scan3A_232 = arith.constant 64 : i32
      %dma_start3A_233 = arith.constant 0 : i32
      %dma_start3A_234 = arith.constant 0 : i32
      %dma_start3A_235 = tpu.memref_slice %arg7[%dma_start3A_233, %dma_start3A_234] : memref<10112x128xf32, #tpu.memory_space<vmem_shared>> -> memref<10112x128xf32, #tpu.memory_space<vmem_shared>>
      tpu.enqueue_indirect_dma source(%arg19 : memref<64x128xf32, #tpu.memory_space<vmem>>) target(%dma_start3A_235 : memref<10112x128xf32, #tpu.memory_space<vmem_shared>>) offsets(%arg13 : memref<64xi32, #tpu.memory_space<vmem>>) semaphore(%arg39 : memref<!tpu.dma_semaphore, #tpu.memory_space<semaphore_mem>>) {add = true}
      %ge3A_236 = arith.constant 2 : i32
      %ge3A_237 = arith.cmpi sge, %add3A_216, %ge3A_236 : i32
      %add3A_238 = arith.constant 2 : i32
      %add3A_239 = arith.addi %add3A_216, %add3A_238 : i32
      %lt3A_240 = arith.constant 156 : i32
      %lt3A_241 = arith.cmpi slt, %add3A_239, %lt3A_240 : i32
      %and3A_242 = arith.andi %ge3A_237, %lt3A_241 : i1
      %convert_element_type3A_243 = arith.extui %and3A_242 : i1 to i32
      %cond3A_244 = arith.constant 0 : i32
      %cond3A_245 = arith.cmpi ne, %convert_element_type3A_243, %cond3A_244 : i32
      scf.if %cond3A_245 {
        %dma_wait3A_333 = arith.constant 0 : i32
        %dma_wait3A_334 = arith.constant 0 : i32
        %dma_wait3A_335 = tpu.memref_slice %arg7[%dma_wait3A_333, %dma_wait3A_334] : memref<10112x128xf32, #tpu.memory_space<vmem_shared>> -> memref<10112x128xf32, #tpu.memory_space<vmem_shared>>
        tpu.wait_indirect_dma semaphore(%arg41 : memref<!tpu.dma_semaphore, #tpu.memory_space<semaphore_mem>>) src(%arg21 : memref<64x128xf32, #tpu.memory_space<vmem>>) dst(%dma_wait3A_335 : memref<10112x128xf32, #tpu.memory_space<vmem_shared>>)
      } else {
      }
      %add3A_246 = arith.constant 2 : i32
      %add3A_247 = arith.addi %add3A_216, %add3A_246 : i32
      %lt3A_248 = arith.constant 156 : i32
      %lt3A_249 = arith.cmpi slt, %add3A_247, %lt3A_248 : i32
      %convert_element_type3A_250 = arith.extui %lt3A_249 : i1 to i32
      %cond3A_251 = arith.constant 0 : i32
      %cond3A_252 = arith.cmpi ne, %convert_element_type3A_250, %cond3A_251 : i32
      scf.if %cond3A_252 {
        %add3A_333 = arith.constant 2 : i32
        %add3A_334 = arith.addi %add3A_216, %add3A_333 : i32
        %mul3A_335 = arith.constant 160000 : i32
        %mul3A_336 = arith.muli %arg0, %mul3A_335 : i32
        %add3A_337 = arith.addi %mul3A_336, %mul3A_28 : i32
        %mul3A_338 = arith.constant 64 : i32
        %mul3A_339 = arith.muli %add3A_334, %mul3A_338 : i32
        %add3A_340 = arith.addi %add3A_337, %mul3A_339 : i32
        %dma_start3A_341 = arith.constant 0 : i32
        %dma_start3A_342 = tpu.memref_slice %arg3[%add3A_340, %dma_start3A_341] : memref<320000x128xf32, #tpu.memory_space<hbm>> -> memref<64x128xf32, #tpu.memory_space<hbm>>
        %dma_start3A_343 = arith.constant 0 : i32
        %dma_start3A_344 = tpu.memref_slice %arg3[%add3A_340, %dma_start3A_343] : memref<320000x128xf32, #tpu.memory_space<hbm>> -> memref<64x128xf32, #tpu.memory_space<hbm>>
        tpu.enqueue_dma source(%dma_start3A_344 : memref<64x128xf32, #tpu.memory_space<hbm>>) target(%arg21 : memref<64x128xf32, #tpu.memory_space<vmem>>) target_semaphore(%arg37 : memref<!tpu.dma_semaphore, #tpu.memory_space<semaphore_mem>>)
        %add3A_345 = arith.constant 2 : i32
        %add3A_346 = arith.addi %add3A_216, %add3A_345 : i32
        %mul3A_347 = arith.constant 160000 : i32
        %mul3A_348 = arith.muli %arg0, %mul3A_347 : i32
        %add3A_349 = arith.addi %mul3A_348, %mul3A_28 : i32
        %mul3A_350 = arith.constant 64 : i32
        %mul3A_351 = arith.muli %add3A_346, %mul3A_350 : i32
        %add3A_352 = arith.addi %add3A_349, %mul3A_351 : i32
        %dma_start3A_353 = tpu.memref_slice %arg4[%add3A_352] : memref<320000xi32, #tpu.memory_space<hbm>> -> memref<64xi32, #tpu.memory_space<hbm>>
        %dma_start3A_354 = tpu.memref_slice %arg4[%add3A_352] : memref<320000xi32, #tpu.memory_space<hbm>> -> memref<64xi32, #tpu.memory_space<hbm>>
        tpu.enqueue_dma source(%dma_start3A_354 : memref<64xi32, #tpu.memory_space<hbm>>) target(%arg11 : memref<64xi32, #tpu.memory_space<vmem>>) target_semaphore(%arg25 : memref<!tpu.dma_semaphore, #tpu.memory_space<semaphore_mem>>)
        %dma_start3A_355 = tpu.memref_slice %arg5[%add3A_352] : memref<320000xi32, #tpu.memory_space<hbm>> -> memref<64xi32, #tpu.memory_space<hbm>>
        %dma_start3A_356 = tpu.memref_slice %arg5[%add3A_352] : memref<320000xi32, #tpu.memory_space<hbm>> -> memref<64xi32, #tpu.memory_space<hbm>>
        tpu.enqueue_dma source(%dma_start3A_356 : memref<64xi32, #tpu.memory_space<hbm>>) target(%arg15 : memref<64xi32, #tpu.memory_space<vmem>>) target_semaphore(%arg29 : memref<!tpu.dma_semaphore, #tpu.memory_space<semaphore_mem>>)
      } else {
      }
      %mul3A_253 = arith.constant 4 : i32
      %mul3A_254 = arith.muli %scan3A_174, %mul3A_253 : i32
      %add3A_255 = arith.constant 2 : i32
      %add3A_256 = arith.addi %mul3A_254, %add3A_255 : i32
      %add3A_257 = arith.constant 1 : i32
      %add3A_258 = arith.addi %add3A_256, %add3A_257 : i32
      %lt3A_259 = arith.constant 156 : i32
      %lt3A_260 = arith.cmpi slt, %add3A_258, %lt3A_259 : i32
      %convert_element_type3A_261 = arith.extui %lt3A_260 : i1 to i32
      %cond3A_262 = arith.constant 0 : i32
      %cond3A_263 = arith.cmpi ne, %convert_element_type3A_261, %cond3A_262 : i32
      scf.if %cond3A_263 {
        %dma_wait3A_333 = arith.constant 0 : i32
        %dma_wait3A_334 = tpu.memref_slice %arg4[%dma_wait3A_333] : memref<320000xi32, #tpu.memory_space<hbm>> -> memref<64xi32, #tpu.memory_space<hbm>>
        %dma_wait3A_335 = arith.constant 0 : i32
        %dma_wait3A_336 = tpu.memref_slice %arg4[%dma_wait3A_335] : memref<320000xi32, #tpu.memory_space<hbm>> -> memref<64xi32, #tpu.memory_space<hbm>>
        tpu.wait_dma2 semaphore(%arg25 : memref<!tpu.dma_semaphore, #tpu.memory_space<semaphore_mem>>) src(%dma_wait3A_336 : memref<64xi32, #tpu.memory_space<hbm>>) dst(%arg11 : memref<64xi32, #tpu.memory_space<vmem>>)
        %dma_wait3A_337 = arith.constant 0 : i32
        %dma_wait3A_338 = tpu.memref_slice %arg5[%dma_wait3A_337] : memref<320000xi32, #tpu.memory_space<hbm>> -> memref<64xi32, #tpu.memory_space<hbm>>
        %dma_wait3A_339 = arith.constant 0 : i32
        %dma_wait3A_340 = tpu.memref_slice %arg5[%dma_wait3A_339] : memref<320000xi32, #tpu.memory_space<hbm>> -> memref<64xi32, #tpu.memory_space<hbm>>
        tpu.wait_dma2 semaphore(%arg29 : memref<!tpu.dma_semaphore, #tpu.memory_space<semaphore_mem>>) src(%dma_wait3A_340 : memref<64xi32, #tpu.memory_space<hbm>>) dst(%arg15 : memref<64xi32, #tpu.memory_space<vmem>>)
        %get3A_341 = arith.constant 0 : index
        %get3A_342 = tpu.vector_load %arg11[%get3A_341] {strides = array<i32>} : memref<64xi32, #tpu.memory_space<vmem>>, vector<16xi32>,
        %get3A_343 = vector.shape_cast %get3A_342 : vector<16xi32> to vector<16xi32>
        %add3A_344 = vector.broadcast %mul3A_0 : i32 to vector<16xi32>
        %add3A_345 = arith.addi %get3A_343, %add3A_344 : vector<16xi32>
        %swap3A_346 = arith.constant 0 : index
        %swap3A_347 = tpu.vector_load %arg11[%swap3A_346] {strides = array<i32>} : memref<64xi32, #tpu.memory_space<vmem>>, vector<16xi32>,
        %swap3A_348 = vector.shape_cast %swap3A_347 : vector<16xi32> to vector<16xi32>
        %swap3A_349 = vector.shape_cast %add3A_345 : vector<16xi32> to vector<16xi32>
        tpu.vector_store %arg11[%swap3A_346], %swap3A_349 {strides = array<i32>} : memref<64xi32, #tpu.memory_space<vmem>>, vector<16xi32>,
        %get3A_350 = arith.constant 16 : index
        %get3A_351 = tpu.vector_load %arg11[%get3A_350] {strides = array<i32>} : memref<64xi32, #tpu.memory_space<vmem>>, vector<16xi32>,
        %get3A_352 = vector.shape_cast %get3A_351 : vector<16xi32> to vector<16xi32>
        %add3A_353 = vector.broadcast %mul3A_0 : i32 to vector<16xi32>
        %add3A_354 = arith.addi %get3A_352, %add3A_353 : vector<16xi32>
        %swap3A_355 = arith.constant 16 : index
        %swap3A_356 = tpu.vector_load %arg11[%swap3A_355] {strides = array<i32>} : memref<64xi32, #tpu.memory_space<vmem>>, vector<16xi32>,
        %swap3A_357 = vector.shape_cast %swap3A_356 : vector<16xi32> to vector<16xi32>
        %swap3A_358 = vector.shape_cast %add3A_354 : vector<16xi32> to vector<16xi32>
        tpu.vector_store %arg11[%swap3A_355], %swap3A_358 {strides = array<i32>} : memref<64xi32, #tpu.memory_space<vmem>>, vector<16xi32>,
        %get3A_359 = arith.constant 32 : index
        %get3A_360 = tpu.vector_load %arg11[%get3A_359] {strides = array<i32>} : memref<64xi32, #tpu.memory_space<vmem>>, vector<16xi32>,
        %get3A_361 = vector.shape_cast %get3A_360 : vector<16xi32> to vector<16xi32>
        %add3A_362 = vector.broadcast %mul3A_0 : i32 to vector<16xi32>
        %add3A_363 = arith.addi %get3A_361, %add3A_362 : vector<16xi32>
        %swap3A_364 = arith.constant 32 : index
        %swap3A_365 = tpu.vector_load %arg11[%swap3A_364] {strides = array<i32>} : memref<64xi32, #tpu.memory_space<vmem>>, vector<16xi32>,
        %swap3A_366 = vector.shape_cast %swap3A_365 : vector<16xi32> to vector<16xi32>
        %swap3A_367 = vector.shape_cast %add3A_363 : vector<16xi32> to vector<16xi32>
        tpu.vector_store %arg11[%swap3A_364], %swap3A_367 {strides = array<i32>} : memref<64xi32, #tpu.memory_space<vmem>>, vector<16xi32>,
        %get3A_368 = arith.constant 48 : index
        %get3A_369 = tpu.vector_load %arg11[%get3A_368] {strides = array<i32>} : memref<64xi32, #tpu.memory_space<vmem>>, vector<16xi32>,
        %get3A_370 = vector.shape_cast %get3A_369 : vector<16xi32> to vector<16xi32>
        %add3A_371 = vector.broadcast %mul3A_0 : i32 to vector<16xi32>
        %add3A_372 = arith.addi %get3A_370, %add3A_371 : vector<16xi32>
        %swap3A_373 = arith.constant 48 : index
        %swap3A_374 = tpu.vector_load %arg11[%swap3A_373] {strides = array<i32>} : memref<64xi32, #tpu.memory_space<vmem>>, vector<16xi32>,
        %swap3A_375 = vector.shape_cast %swap3A_374 : vector<16xi32> to vector<16xi32>
        %swap3A_376 = vector.shape_cast %add3A_372 : vector<16xi32> to vector<16xi32>
        tpu.vector_store %arg11[%swap3A_373], %swap3A_376 {strides = array<i32>} : memref<64xi32, #tpu.memory_space<vmem>>, vector<16xi32>,
        %dma_wait3A_377 = arith.constant 0 : i32
        %dma_wait3A_378 = arith.constant 0 : i32
        %dma_wait3A_379 = tpu.memref_slice %arg3[%dma_wait3A_377, %dma_wait3A_378] : memref<320000x128xf32, #tpu.memory_space<hbm>> -> memref<64x128xf32, #tpu.memory_space<hbm>>
        %dma_wait3A_380 = arith.constant 0 : i32
        %dma_wait3A_381 = arith.constant 0 : i32
        %dma_wait3A_382 = tpu.memref_slice %arg3[%dma_wait3A_380, %dma_wait3A_381] : memref<320000x128xf32, #tpu.memory_space<hbm>> -> memref<64x128xf32, #tpu.memory_space<hbm>>
        tpu.wait_dma2 semaphore(%arg37 : memref<!tpu.dma_semaphore, #tpu.memory_space<semaphore_mem>>) src(%dma_wait3A_382 : memref<64x128xf32, #tpu.memory_space<hbm>>) dst(%arg21 : memref<64x128xf32, #tpu.memory_space<vmem>>)
        %dma_start3A_383 = arith.constant 0 : i32
        %dma_start3A_384 = arith.constant 0 : i32
        %dma_start3A_385 = tpu.memref_slice %arg2[%dma_start3A_383, %dma_start3A_384] : memref<20000x128xf32, #tpu.memory_space<hbm>> -> memref<20000x128xf32, #tpu.memory_space<hbm>>
        tpu.enqueue_indirect_dma source(%dma_start3A_385 : memref<20000x128xf32, #tpu.memory_space<hbm>>) target(%arg21 : memref<64x128xf32, #tpu.memory_space<vmem>>) offsets(%arg11 : memref<64xi32, #tpu.memory_space<vmem>>) semaphore(%arg33 : memref<!tpu.dma_semaphore, #tpu.memory_space<semaphore_mem>>) {add = true}
      } else {
      }
      %dma_wait3A_264 = arith.constant 0 : i32
      %dma_wait3A_265 = arith.constant 0 : i32
      %dma_wait3A_266 = tpu.memref_slice %arg2[%dma_wait3A_264, %dma_wait3A_265] : memref<20000x128xf32, #tpu.memory_space<hbm>> -> memref<20000x128xf32, #tpu.memory_space<hbm>>
      tpu.wait_indirect_dma semaphore(%arg32 : memref<!tpu.dma_semaphore, #tpu.memory_space<semaphore_mem>>) src(%dma_wait3A_266 : memref<20000x128xf32, #tpu.memory_space<hbm>>) dst(%arg20 : memref<64x128xf32, #tpu.memory_space<vmem>>)
      %scan3A_267 = arith.constant 0 : i32
      %scan3A_268 = arith.constant 0 : i32
      %scan3A_269 = arith.constant 64 : i32
      %scan3A_270 = arith.addi %scan3A_268, %scan3A_269 : i32
      %scan3A_271 = arith.constant 1 : i32
      scf.for %scan3A_333 = %scan3A_268 to %scan3A_270 step %scan3A_271  : i32 {
        %get3A_334 = arith.index_cast %scan3A_333 : i32 to index
        %get3A_335 = arith.constant 0 : index
        %get3A_336 = tpu.vector_load %arg20[%get3A_334, %get3A_335] {strides = array<i32>} : memref<64x128xf32, #tpu.memory_space<vmem>>, vector<1x16xf32>,
        %get3A_337 = vector.shape_cast %get3A_336 : vector<1x16xf32> to vector<16xf32>
        %max3A = arith.constant 0.000000e+00 : f32
        %max3A_338 = vector.broadcast %max3A : f32 to vector<16xf32>
        %max3A_339 = arith.maximumf %get3A_337, %max3A_338 : vector<16xf32>
        %swap3A_340 = arith.index_cast %scan3A_333 : i32 to index
        %swap3A_341 = arith.constant 0 : index
        %swap3A_342 = tpu.vector_load %arg20[%swap3A_340, %swap3A_341] {strides = array<i32>} : memref<64x128xf32, #tpu.memory_space<vmem>>, vector<1x16xf32>,
        %swap3A_343 = vector.shape_cast %swap3A_342 : vector<1x16xf32> to vector<16xf32>
        %swap3A_344 = vector.shape_cast %max3A_339 : vector<16xf32> to vector<1x16xf32>
        tpu.vector_store %arg20[%swap3A_340, %swap3A_341], %swap3A_344 {strides = array<i32>} : memref<64x128xf32, #tpu.memory_space<vmem>>, vector<1x16xf32>,
        %get3A_345 = arith.index_cast %scan3A_333 : i32 to index
        %get3A_346 = arith.constant 16 : index
        %get3A_347 = tpu.vector_load %arg20[%get3A_345, %get3A_346] {strides = array<i32>} : memref<64x128xf32, #tpu.memory_space<vmem>>, vector<1x16xf32>,
        %get3A_348 = vector.shape_cast %get3A_347 : vector<1x16xf32> to vector<16xf32>
        %max3A_349 = arith.constant 0.000000e+00 : f32
        %max3A_350 = vector.broadcast %max3A_349 : f32 to vector<16xf32>
        %max3A_351 = arith.maximumf %get3A_348, %max3A_350 : vector<16xf32>
        %swap3A_352 = arith.index_cast %scan3A_333 : i32 to index
        %swap3A_353 = arith.constant 16 : index
        %swap3A_354 = tpu.vector_load %arg20[%swap3A_352, %swap3A_353] {strides = array<i32>} : memref<64x128xf32, #tpu.memory_space<vmem>>, vector<1x16xf32>,
        %swap3A_355 = vector.shape_cast %swap3A_354 : vector<1x16xf32> to vector<16xf32>
        %swap3A_356 = vector.shape_cast %max3A_351 : vector<16xf32> to vector<1x16xf32>
        tpu.vector_store %arg20[%swap3A_352, %swap3A_353], %swap3A_356 {strides = array<i32>} : memref<64x128xf32, #tpu.memory_space<vmem>>, vector<1x16xf32>,
        %get3A_357 = arith.index_cast %scan3A_333 : i32 to index
        %get3A_358 = arith.constant 32 : index
        %get3A_359 = tpu.vector_load %arg20[%get3A_357, %get3A_358] {strides = array<i32>} : memref<64x128xf32, #tpu.memory_space<vmem>>, vector<1x16xf32>,
        %get3A_360 = vector.shape_cast %get3A_359 : vector<1x16xf32> to vector<16xf32>
        %max3A_361 = arith.constant 0.000000e+00 : f32
        %max3A_362 = vector.broadcast %max3A_361 : f32 to vector<16xf32>
        %max3A_363 = arith.maximumf %get3A_360, %max3A_362 : vector<16xf32>
        %swap3A_364 = arith.index_cast %scan3A_333 : i32 to index
        %swap3A_365 = arith.constant 32 : index
        %swap3A_366 = tpu.vector_load %arg20[%swap3A_364, %swap3A_365] {strides = array<i32>} : memref<64x128xf32, #tpu.memory_space<vmem>>, vector<1x16xf32>,
        %swap3A_367 = vector.shape_cast %swap3A_366 : vector<1x16xf32> to vector<16xf32>
        %swap3A_368 = vector.shape_cast %max3A_363 : vector<16xf32> to vector<1x16xf32>
        tpu.vector_store %arg20[%swap3A_364, %swap3A_365], %swap3A_368 {strides = array<i32>} : memref<64x128xf32, #tpu.memory_space<vmem>>, vector<1x16xf32>,
        %get3A_369 = arith.index_cast %scan3A_333 : i32 to index
        %get3A_370 = arith.constant 48 : index
        %get3A_371 = tpu.vector_load %arg20[%get3A_369, %get3A_370] {strides = array<i32>} : memref<64x128xf32, #tpu.memory_space<vmem>>, vector<1x16xf32>,
        %get3A_372 = vector.shape_cast %get3A_371 : vector<1x16xf32> to vector<16xf32>
        %max3A_373 = arith.constant 0.000000e+00 : f32
        %max3A_374 = vector.broadcast %max3A_373 : f32 to vector<16xf32>
        %max3A_375 = arith.maximumf %get3A_372, %max3A_374 : vector<16xf32>
        %swap3A_376 = arith.index_cast %scan3A_333 : i32 to index
        %swap3A_377 = arith.constant 48 : index
        %swap3A_378 = tpu.vector_load %arg20[%swap3A_376, %swap3A_377] {strides = array<i32>} : memref<64x128xf32, #tpu.memory_space<vmem>>, vector<1x16xf32>,
        %swap3A_379 = vector.shape_cast %swap3A_378 : vector<1x16xf32> to vector<16xf32>
        %swap3A_380 = vector.shape_cast %max3A_375 : vector<16xf32> to vector<1x16xf32>
        tpu.vector_store %arg20[%swap3A_376, %swap3A_377], %swap3A_380 {strides = array<i32>} : memref<64x128xf32, #tpu.memory_space<vmem>>, vector<1x16xf32>,
        %get3A_381 = arith.index_cast %scan3A_333 : i32 to index
        %get3A_382 = arith.constant 64 : index
        %get3A_383 = tpu.vector_load %arg20[%get3A_381, %get3A_382] {strides = array<i32>} : memref<64x128xf32, #tpu.memory_space<vmem>>, vector<1x16xf32>,
        %get3A_384 = vector.shape_cast %get3A_383 : vector<1x16xf32> to vector<16xf32>
        %max3A_385 = arith.constant 0.000000e+00 : f32
        %max3A_386 = vector.broadcast %max3A_385 : f32 to vector<16xf32>
        %max3A_387 = arith.maximumf %get3A_384, %max3A_386 : vector<16xf32>
        %swap3A_388 = arith.index_cast %scan3A_333 : i32 to index
        %swap3A_389 = arith.constant 64 : index
        %swap3A_390 = tpu.vector_load %arg20[%swap3A_388, %swap3A_389] {strides = array<i32>} : memref<64x128xf32, #tpu.memory_space<vmem>>, vector<1x16xf32>,
        %swap3A_391 = vector.shape_cast %swap3A_390 : vector<1x16xf32> to vector<16xf32>
        %swap3A_392 = vector.shape_cast %max3A_387 : vector<16xf32> to vector<1x16xf32>
        tpu.vector_store %arg20[%swap3A_388, %swap3A_389], %swap3A_392 {strides = array<i32>} : memref<64x128xf32, #tpu.memory_space<vmem>>, vector<1x16xf32>,
        %get3A_393 = arith.index_cast %scan3A_333 : i32 to index
        %get3A_394 = arith.constant 80 : index
        %get3A_395 = tpu.vector_load %arg20[%get3A_393, %get3A_394] {strides = array<i32>} : memref<64x128xf32, #tpu.memory_space<vmem>>, vector<1x16xf32>,
        %get3A_396 = vector.shape_cast %get3A_395 : vector<1x16xf32> to vector<16xf32>
        %max3A_397 = arith.constant 0.000000e+00 : f32
        %max3A_398 = vector.broadcast %max3A_397 : f32 to vector<16xf32>
        %max3A_399 = arith.maximumf %get3A_396, %max3A_398 : vector<16xf32>
        %swap3A_400 = arith.index_cast %scan3A_333 : i32 to index
        %swap3A_401 = arith.constant 80 : index
        %swap3A_402 = tpu.vector_load %arg20[%swap3A_400, %swap3A_401] {strides = array<i32>} : memref<64x128xf32, #tpu.memory_space<vmem>>, vector<1x16xf32>,
        %swap3A_403 = vector.shape_cast %swap3A_402 : vector<1x16xf32> to vector<16xf32>
        %swap3A_404 = vector.shape_cast %max3A_399 : vector<16xf32> to vector<1x16xf32>
        tpu.vector_store %arg20[%swap3A_400, %swap3A_401], %swap3A_404 {strides = array<i32>} : memref<64x128xf32, #tpu.memory_space<vmem>>, vector<1x16xf32>,
        %get3A_405 = arith.index_cast %scan3A_333 : i32 to index
        %get3A_406 = arith.constant 96 : index
        %get3A_407 = tpu.vector_load %arg20[%get3A_405, %get3A_406] {strides = array<i32>} : memref<64x128xf32, #tpu.memory_space<vmem>>, vector<1x16xf32>,
        %get3A_408 = vector.shape_cast %get3A_407 : vector<1x16xf32> to vector<16xf32>
        %max3A_409 = arith.constant 0.000000e+00 : f32
        %max3A_410 = vector.broadcast %max3A_409 : f32 to vector<16xf32>
        %max3A_411 = arith.maximumf %get3A_408, %max3A_410 : vector<16xf32>
        %swap3A_412 = arith.index_cast %scan3A_333 : i32 to index
        %swap3A_413 = arith.constant 96 : index
        %swap3A_414 = tpu.vector_load %arg20[%swap3A_412, %swap3A_413] {strides = array<i32>} : memref<64x128xf32, #tpu.memory_space<vmem>>, vector<1x16xf32>,
        %swap3A_415 = vector.shape_cast %swap3A_414 : vector<1x16xf32> to vector<16xf32>
        %swap3A_416 = vector.shape_cast %max3A_411 : vector<16xf32> to vector<1x16xf32>
        tpu.vector_store %arg20[%swap3A_412, %swap3A_413], %swap3A_416 {strides = array<i32>} : memref<64x128xf32, #tpu.memory_space<vmem>>, vector<1x16xf32>,
        %get3A_417 = arith.index_cast %scan3A_333 : i32 to index
        %get3A_418 = arith.constant 112 : index
        %get3A_419 = tpu.vector_load %arg20[%get3A_417, %get3A_418] {strides = array<i32>} : memref<64x128xf32, #tpu.memory_space<vmem>>, vector<1x16xf32>,
        %get3A_420 = vector.shape_cast %get3A_419 : vector<1x16xf32> to vector<16xf32>
        %max3A_421 = arith.constant 0.000000e+00 : f32
        %max3A_422 = vector.broadcast %max3A_421 : f32 to vector<16xf32>
        %max3A_423 = arith.maximumf %get3A_420, %max3A_422 : vector<16xf32>
        %swap3A_424 = arith.index_cast %scan3A_333 : i32 to index
        %swap3A_425 = arith.constant 112 : index
        %swap3A_426 = tpu.vector_load %arg20[%swap3A_424, %swap3A_425] {strides = array<i32>} : memref<64x128xf32, #tpu.memory_space<vmem>>, vector<1x16xf32>,
        %swap3A_427 = vector.shape_cast %swap3A_426 : vector<1x16xf32> to vector<16xf32>
        %swap3A_428 = vector.shape_cast %max3A_423 : vector<16xf32> to vector<1x16xf32>
        tpu.vector_store %arg20[%swap3A_424, %swap3A_425], %swap3A_428 {strides = array<i32>} : memref<64x128xf32, #tpu.memory_space<vmem>>, vector<1x16xf32>,
      }
      %scan3A_272 = arith.constant 64 : i32
      %dma_start3A_273 = arith.constant 0 : i32
      %dma_start3A_274 = arith.constant 0 : i32
      %dma_start3A_275 = tpu.memref_slice %arg7[%dma_start3A_273, %dma_start3A_274] : memref<10112x128xf32, #tpu.memory_space<vmem_shared>> -> memref<10112x128xf32, #tpu.memory_space<vmem_shared>>
      tpu.enqueue_indirect_dma source(%arg20 : memref<64x128xf32, #tpu.memory_space<vmem>>) target(%dma_start3A_275 : memref<10112x128xf32, #tpu.memory_space<vmem_shared>>) offsets(%arg14 : memref<64xi32, #tpu.memory_space<vmem>>) semaphore(%arg40 : memref<!tpu.dma_semaphore, #tpu.memory_space<semaphore_mem>>) {add = true}
      %ge3A_276 = arith.constant 2 : i32
      %ge3A_277 = arith.cmpi sge, %add3A_256, %ge3A_276 : i32
      %add3A_278 = arith.constant 2 : i32
      %add3A_279 = arith.addi %add3A_256, %add3A_278 : i32
      %lt3A_280 = arith.constant 156 : i32
      %lt3A_281 = arith.cmpi slt, %add3A_279, %lt3A_280 : i32
      %and3A_282 = arith.andi %ge3A_277, %lt3A_281 : i1
      %convert_element_type3A_283 = arith.extui %and3A_282 : i1 to i32
      %cond3A_284 = arith.constant 0 : i32
      %cond3A_285 = arith.cmpi ne, %convert_element_type3A_283, %cond3A_284 : i32
      scf.if %cond3A_285 {
        %dma_wait3A_333 = arith.constant 0 : i32
        %dma_wait3A_334 = arith.constant 0 : i32
        %dma_wait3A_335 = tpu.memref_slice %arg7[%dma_wait3A_333, %dma_wait3A_334] : memref<10112x128xf32, #tpu.memory_space<vmem_shared>> -> memref<10112x128xf32, #tpu.memory_space<vmem_shared>>
        tpu.wait_indirect_dma semaphore(%arg38 : memref<!tpu.dma_semaphore, #tpu.memory_space<semaphore_mem>>) src(%arg18 : memref<64x128xf32, #tpu.memory_space<vmem>>) dst(%dma_wait3A_335 : memref<10112x128xf32, #tpu.memory_space<vmem_shared>>)
      } else {
      }
      %add3A_286 = arith.constant 2 : i32
      %add3A_287 = arith.addi %add3A_256, %add3A_286 : i32
      %lt3A_288 = arith.constant 156 : i32
      %lt3A_289 = arith.cmpi slt, %add3A_287, %lt3A_288 : i32
      %convert_element_type3A_290 = arith.extui %lt3A_289 : i1 to i32
      %cond3A_291 = arith.constant 0 : i32
      %cond3A_292 = arith.cmpi ne, %convert_element_type3A_290, %cond3A_291 : i32
      scf.if %cond3A_292 {
        %add3A_333 = arith.constant 2 : i32
        %add3A_334 = arith.addi %add3A_256, %add3A_333 : i32
        %mul3A_335 = arith.constant 160000 : i32
        %mul3A_336 = arith.muli %arg0, %mul3A_335 : i32
        %add3A_337 = arith.addi %mul3A_336, %mul3A_28 : i32
        %mul3A_338 = arith.constant 64 : i32
        %mul3A_339 = arith.muli %add3A_334, %mul3A_338 : i32
        %add3A_340 = arith.addi %add3A_337, %mul3A_339 : i32
        %dma_start3A_341 = arith.constant 0 : i32
        %dma_start3A_342 = tpu.memref_slice %arg3[%add3A_340, %dma_start3A_341] : memref<320000x128xf32, #tpu.memory_space<hbm>> -> memref<64x128xf32, #tpu.memory_space<hbm>>
        %dma_start3A_343 = arith.constant 0 : i32
        %dma_start3A_344 = tpu.memref_slice %arg3[%add3A_340, %dma_start3A_343] : memref<320000x128xf32, #tpu.memory_space<hbm>> -> memref<64x128xf32, #tpu.memory_space<hbm>>
        tpu.enqueue_dma source(%dma_start3A_344 : memref<64x128xf32, #tpu.memory_space<hbm>>) target(%arg18 : memref<64x128xf32, #tpu.memory_space<vmem>>) target_semaphore(%arg34 : memref<!tpu.dma_semaphore, #tpu.memory_space<semaphore_mem>>)
        %add3A_345 = arith.constant 2 : i32
        %add3A_346 = arith.addi %add3A_256, %add3A_345 : i32
        %mul3A_347 = arith.constant 160000 : i32
        %mul3A_348 = arith.muli %arg0, %mul3A_347 : i32
        %add3A_349 = arith.addi %mul3A_348, %mul3A_28 : i32
        %mul3A_350 = arith.constant 64 : i32
        %mul3A_351 = arith.muli %add3A_346, %mul3A_350 : i32
        %add3A_352 = arith.addi %add3A_349, %mul3A_351 : i32
        %dma_start3A_353 = tpu.memref_slice %arg4[%add3A_352] : memref<320000xi32, #tpu.memory_space<hbm>> -> memref<64xi32, #tpu.memory_space<hbm>>
        %dma_start3A_354 = tpu.memref_slice %arg4[%add3A_352] : memref<320000xi32, #tpu.memory_space<hbm>> -> memref<64xi32, #tpu.memory_space<hbm>>
        tpu.enqueue_dma source(%dma_start3A_354 : memref<64xi32, #tpu.memory_space<hbm>>) target(%arg8 : memref<64xi32, #tpu.memory_space<vmem>>) target_semaphore(%arg22 : memref<!tpu.dma_semaphore, #tpu.memory_space<semaphore_mem>>)
        %dma_start3A_355 = tpu.memref_slice %arg5[%add3A_352] : memref<320000xi32, #tpu.memory_space<hbm>> -> memref<64xi32, #tpu.memory_space<hbm>>
        %dma_start3A_356 = tpu.memref_slice %arg5[%add3A_352] : memref<320000xi32, #tpu.memory_space<hbm>> -> memref<64xi32, #tpu.memory_space<hbm>>
        tpu.enqueue_dma source(%dma_start3A_356 : memref<64xi32, #tpu.memory_space<hbm>>) target(%arg12 : memref<64xi32, #tpu.memory_space<vmem>>) target_semaphore(%arg26 : memref<!tpu.dma_semaphore, #tpu.memory_space<semaphore_mem>>)
      } else {
      }
      %mul3A_293 = arith.constant 4 : i32
      %mul3A_294 = arith.muli %scan3A_174, %mul3A_293 : i32
      %add3A_295 = arith.constant 3 : i32
      %add3A_296 = arith.addi %mul3A_294, %add3A_295 : i32
      %add3A_297 = arith.constant 1 : i32
      %add3A_298 = arith.addi %add3A_296, %add3A_297 : i32
      %lt3A_299 = arith.constant 156 : i32
      %lt3A_300 = arith.cmpi slt, %add3A_298, %lt3A_299 : i32
      %convert_element_type3A_301 = arith.extui %lt3A_300 : i1 to i32
      %cond3A_302 = arith.constant 0 : i32
      %cond3A_303 = arith.cmpi ne, %convert_element_type3A_301, %cond3A_302 : i32
      scf.if %cond3A_303 {
        %dma_wait3A_333 = arith.constant 0 : i32
        %dma_wait3A_334 = tpu.memref_slice %arg4[%dma_wait3A_333] : memref<320000xi32, #tpu.memory_space<hbm>> -> memref<64xi32, #tpu.memory_space<hbm>>
        %dma_wait3A_335 = arith.constant 0 : i32
        %dma_wait3A_336 = tpu.memref_slice %arg4[%dma_wait3A_335] : memref<320000xi32, #tpu.memory_space<hbm>> -> memref<64xi32, #tpu.memory_space<hbm>>
        tpu.wait_dma2 semaphore(%arg22 : memref<!tpu.dma_semaphore, #tpu.memory_space<semaphore_mem>>) src(%dma_wait3A_336 : memref<64xi32, #tpu.memory_space<hbm>>) dst(%arg8 : memref<64xi32, #tpu.memory_space<vmem>>)
        %dma_wait3A_337 = arith.constant 0 : i32
        %dma_wait3A_338 = tpu.memref_slice %arg5[%dma_wait3A_337] : memref<320000xi32, #tpu.memory_space<hbm>> -> memref<64xi32, #tpu.memory_space<hbm>>
        %dma_wait3A_339 = arith.constant 0 : i32
        %dma_wait3A_340 = tpu.memref_slice %arg5[%dma_wait3A_339] : memref<320000xi32, #tpu.memory_space<hbm>> -> memref<64xi32, #tpu.memory_space<hbm>>
        tpu.wait_dma2 semaphore(%arg26 : memref<!tpu.dma_semaphore, #tpu.memory_space<semaphore_mem>>) src(%dma_wait3A_340 : memref<64xi32, #tpu.memory_space<hbm>>) dst(%arg12 : memref<64xi32, #tpu.memory_space<vmem>>)
        %get3A_341 = arith.constant 0 : index
        %get3A_342 = tpu.vector_load %arg8[%get3A_341] {strides = array<i32>} : memref<64xi32, #tpu.memory_space<vmem>>, vector<16xi32>,
        %get3A_343 = vector.shape_cast %get3A_342 : vector<16xi32> to vector<16xi32>
        %add3A_344 = vector.broadcast %mul3A_0 : i32 to vector<16xi32>
        %add3A_345 = arith.addi %get3A_343, %add3A_344 : vector<16xi32>
        %swap3A_346 = arith.constant 0 : index
        %swap3A_347 = tpu.vector_load %arg8[%swap3A_346] {strides = array<i32>} : memref<64xi32, #tpu.memory_space<vmem>>, vector<16xi32>,
        %swap3A_348 = vector.shape_cast %swap3A_347 : vector<16xi32> to vector<16xi32>
        %swap3A_349 = vector.shape_cast %add3A_345 : vector<16xi32> to vector<16xi32>
        tpu.vector_store %arg8[%swap3A_346], %swap3A_349 {strides = array<i32>} : memref<64xi32, #tpu.memory_space<vmem>>, vector<16xi32>,
        %get3A_350 = arith.constant 16 : index
        %get3A_351 = tpu.vector_load %arg8[%get3A_350] {strides = array<i32>} : memref<64xi32, #tpu.memory_space<vmem>>, vector<16xi32>,
        %get3A_352 = vector.shape_cast %get3A_351 : vector<16xi32> to vector<16xi32>
        %add3A_353 = vector.broadcast %mul3A_0 : i32 to vector<16xi32>
        %add3A_354 = arith.addi %get3A_352, %add3A_353 : vector<16xi32>
        %swap3A_355 = arith.constant 16 : index
        %swap3A_356 = tpu.vector_load %arg8[%swap3A_355] {strides = array<i32>} : memref<64xi32, #tpu.memory_space<vmem>>, vector<16xi32>,
        %swap3A_357 = vector.shape_cast %swap3A_356 : vector<16xi32> to vector<16xi32>
        %swap3A_358 = vector.shape_cast %add3A_354 : vector<16xi32> to vector<16xi32>
        tpu.vector_store %arg8[%swap3A_355], %swap3A_358 {strides = array<i32>} : memref<64xi32, #tpu.memory_space<vmem>>, vector<16xi32>,
        %get3A_359 = arith.constant 32 : index
        %get3A_360 = tpu.vector_load %arg8[%get3A_359] {strides = array<i32>} : memref<64xi32, #tpu.memory_space<vmem>>, vector<16xi32>,
        %get3A_361 = vector.shape_cast %get3A_360 : vector<16xi32> to vector<16xi32>
        %add3A_362 = vector.broadcast %mul3A_0 : i32 to vector<16xi32>
        %add3A_363 = arith.addi %get3A_361, %add3A_362 : vector<16xi32>
        %swap3A_364 = arith.constant 32 : index
        %swap3A_365 = tpu.vector_load %arg8[%swap3A_364] {strides = array<i32>} : memref<64xi32, #tpu.memory_space<vmem>>, vector<16xi32>,
        %swap3A_366 = vector.shape_cast %swap3A_365 : vector<16xi32> to vector<16xi32>
        %swap3A_367 = vector.shape_cast %add3A_363 : vector<16xi32> to vector<16xi32>
        tpu.vector_store %arg8[%swap3A_364], %swap3A_367 {strides = array<i32>} : memref<64xi32, #tpu.memory_space<vmem>>, vector<16xi32>,
        %get3A_368 = arith.constant 48 : index
        %get3A_369 = tpu.vector_load %arg8[%get3A_368] {strides = array<i32>} : memref<64xi32, #tpu.memory_space<vmem>>, vector<16xi32>,
        %get3A_370 = vector.shape_cast %get3A_369 : vector<16xi32> to vector<16xi32>
        %add3A_371 = vector.broadcast %mul3A_0 : i32 to vector<16xi32>
        %add3A_372 = arith.addi %get3A_370, %add3A_371 : vector<16xi32>
        %swap3A_373 = arith.constant 48 : index
        %swap3A_374 = tpu.vector_load %arg8[%swap3A_373] {strides = array<i32>} : memref<64xi32, #tpu.memory_space<vmem>>, vector<16xi32>,
        %swap3A_375 = vector.shape_cast %swap3A_374 : vector<16xi32> to vector<16xi32>
        %swap3A_376 = vector.shape_cast %add3A_372 : vector<16xi32> to vector<16xi32>
        tpu.vector_store %arg8[%swap3A_373], %swap3A_376 {strides = array<i32>} : memref<64xi32, #tpu.memory_space<vmem>>, vector<16xi32>,
        %dma_wait3A_377 = arith.constant 0 : i32
        %dma_wait3A_378 = arith.constant 0 : i32
        %dma_wait3A_379 = tpu.memref_slice %arg3[%dma_wait3A_377, %dma_wait3A_378] : memref<320000x128xf32, #tpu.memory_space<hbm>> -> memref<64x128xf32, #tpu.memory_space<hbm>>
        %dma_wait3A_380 = arith.constant 0 : i32
        %dma_wait3A_381 = arith.constant 0 : i32
        %dma_wait3A_382 = tpu.memref_slice %arg3[%dma_wait3A_380, %dma_wait3A_381] : memref<320000x128xf32, #tpu.memory_space<hbm>> -> memref<64x128xf32, #tpu.memory_space<hbm>>
        tpu.wait_dma2 semaphore(%arg34 : memref<!tpu.dma_semaphore, #tpu.memory_space<semaphore_mem>>) src(%dma_wait3A_382 : memref<64x128xf32, #tpu.memory_space<hbm>>) dst(%arg18 : memref<64x128xf32, #tpu.memory_space<vmem>>)
        %dma_start3A_383 = arith.constant 0 : i32
        %dma_start3A_384 = arith.constant 0 : i32
        %dma_start3A_385 = tpu.memref_slice %arg2[%dma_start3A_383, %dma_start3A_384] : memref<20000x128xf32, #tpu.memory_space<hbm>> -> memref<20000x128xf32, #tpu.memory_space<hbm>>
        tpu.enqueue_indirect_dma source(%dma_start3A_385 : memref<20000x128xf32, #tpu.memory_space<hbm>>) target(%arg18 : memref<64x128xf32, #tpu.memory_space<vmem>>) offsets(%arg8 : memref<64xi32, #tpu.memory_space<vmem>>) semaphore(%arg30 : memref<!tpu.dma_semaphore, #tpu.memory_space<semaphore_mem>>) {add = true}
      } else {
      }
      %dma_wait3A_304 = arith.constant 0 : i32
      %dma_wait3A_305 = arith.constant 0 : i32
      %dma_wait3A_306 = tpu.memref_slice %arg2[%dma_wait3A_304, %dma_wait3A_305] : memref<20000x128xf32, #tpu.memory_space<hbm>> -> memref<20000x128xf32, #tpu.memory_space<hbm>>
      tpu.wait_indirect_dma semaphore(%arg33 : memref<!tpu.dma_semaphore, #tpu.memory_space<semaphore_mem>>) src(%dma_wait3A_306 : memref<20000x128xf32, #tpu.memory_space<hbm>>) dst(%arg21 : memref<64x128xf32, #tpu.memory_space<vmem>>)
      %scan3A_307 = arith.constant 0 : i32
      %scan3A_308 = arith.constant 0 : i32
      %scan3A_309 = arith.constant 64 : i32
      %scan3A_310 = arith.addi %scan3A_308, %scan3A_309 : i32
      %scan3A_311 = arith.constant 1 : i32
      scf.for %scan3A_333 = %scan3A_308 to %scan3A_310 step %scan3A_311  : i32 {
        %get3A_334 = arith.index_cast %scan3A_333 : i32 to index
        %get3A_335 = arith.constant 0 : index
        %get3A_336 = tpu.vector_load %arg21[%get3A_334, %get3A_335] {strides = array<i32>} : memref<64x128xf32, #tpu.memory_space<vmem>>, vector<1x16xf32>,
        %get3A_337 = vector.shape_cast %get3A_336 : vector<1x16xf32> to vector<16xf32>
        %max3A = arith.constant 0.000000e+00 : f32
        %max3A_338 = vector.broadcast %max3A : f32 to vector<16xf32>
        %max3A_339 = arith.maximumf %get3A_337, %max3A_338 : vector<16xf32>
        %swap3A_340 = arith.index_cast %scan3A_333 : i32 to index
        %swap3A_341 = arith.constant 0 : index
        %swap3A_342 = tpu.vector_load %arg21[%swap3A_340, %swap3A_341] {strides = array<i32>} : memref<64x128xf32, #tpu.memory_space<vmem>>, vector<1x16xf32>,
        %swap3A_343 = vector.shape_cast %swap3A_342 : vector<1x16xf32> to vector<16xf32>
        %swap3A_344 = vector.shape_cast %max3A_339 : vector<16xf32> to vector<1x16xf32>
        tpu.vector_store %arg21[%swap3A_340, %swap3A_341], %swap3A_344 {strides = array<i32>} : memref<64x128xf32, #tpu.memory_space<vmem>>, vector<1x16xf32>,
        %get3A_345 = arith.index_cast %scan3A_333 : i32 to index
        %get3A_346 = arith.constant 16 : index
        %get3A_347 = tpu.vector_load %arg21[%get3A_345, %get3A_346] {strides = array<i32>} : memref<64x128xf32, #tpu.memory_space<vmem>>, vector<1x16xf32>,
        %get3A_348 = vector.shape_cast %get3A_347 : vector<1x16xf32> to vector<16xf32>
        %max3A_349 = arith.constant 0.000000e+00 : f32
        %max3A_350 = vector.broadcast %max3A_349 : f32 to vector<16xf32>
        %max3A_351 = arith.maximumf %get3A_348, %max3A_350 : vector<16xf32>
        %swap3A_352 = arith.index_cast %scan3A_333 : i32 to index
        %swap3A_353 = arith.constant 16 : index
        %swap3A_354 = tpu.vector_load %arg21[%swap3A_352, %swap3A_353] {strides = array<i32>} : memref<64x128xf32, #tpu.memory_space<vmem>>, vector<1x16xf32>,
        %swap3A_355 = vector.shape_cast %swap3A_354 : vector<1x16xf32> to vector<16xf32>
        %swap3A_356 = vector.shape_cast %max3A_351 : vector<16xf32> to vector<1x16xf32>
        tpu.vector_store %arg21[%swap3A_352, %swap3A_353], %swap3A_356 {strides = array<i32>} : memref<64x128xf32, #tpu.memory_space<vmem>>, vector<1x16xf32>,
        %get3A_357 = arith.index_cast %scan3A_333 : i32 to index
        %get3A_358 = arith.constant 32 : index
        %get3A_359 = tpu.vector_load %arg21[%get3A_357, %get3A_358] {strides = array<i32>} : memref<64x128xf32, #tpu.memory_space<vmem>>, vector<1x16xf32>,
        %get3A_360 = vector.shape_cast %get3A_359 : vector<1x16xf32> to vector<16xf32>
        %max3A_361 = arith.constant 0.000000e+00 : f32
        %max3A_362 = vector.broadcast %max3A_361 : f32 to vector<16xf32>
        %max3A_363 = arith.maximumf %get3A_360, %max3A_362 : vector<16xf32>
        %swap3A_364 = arith.index_cast %scan3A_333 : i32 to index
        %swap3A_365 = arith.constant 32 : index
        %swap3A_366 = tpu.vector_load %arg21[%swap3A_364, %swap3A_365] {strides = array<i32>} : memref<64x128xf32, #tpu.memory_space<vmem>>, vector<1x16xf32>,
        %swap3A_367 = vector.shape_cast %swap3A_366 : vector<1x16xf32> to vector<16xf32>
        %swap3A_368 = vector.shape_cast %max3A_363 : vector<16xf32> to vector<1x16xf32>
        tpu.vector_store %arg21[%swap3A_364, %swap3A_365], %swap3A_368 {strides = array<i32>} : memref<64x128xf32, #tpu.memory_space<vmem>>, vector<1x16xf32>,
        %get3A_369 = arith.index_cast %scan3A_333 : i32 to index
        %get3A_370 = arith.constant 48 : index
        %get3A_371 = tpu.vector_load %arg21[%get3A_369, %get3A_370] {strides = array<i32>} : memref<64x128xf32, #tpu.memory_space<vmem>>, vector<1x16xf32>,
        %get3A_372 = vector.shape_cast %get3A_371 : vector<1x16xf32> to vector<16xf32>
        %max3A_373 = arith.constant 0.000000e+00 : f32
        %max3A_374 = vector.broadcast %max3A_373 : f32 to vector<16xf32>
        %max3A_375 = arith.maximumf %get3A_372, %max3A_374 : vector<16xf32>
        %swap3A_376 = arith.index_cast %scan3A_333 : i32 to index
        %swap3A_377 = arith.constant 48 : index
        %swap3A_378 = tpu.vector_load %arg21[%swap3A_376, %swap3A_377] {strides = array<i32>} : memref<64x128xf32, #tpu.memory_space<vmem>>, vector<1x16xf32>,
        %swap3A_379 = vector.shape_cast %swap3A_378 : vector<1x16xf32> to vector<16xf32>
        %swap3A_380 = vector.shape_cast %max3A_375 : vector<16xf32> to vector<1x16xf32>
        tpu.vector_store %arg21[%swap3A_376, %swap3A_377], %swap3A_380 {strides = array<i32>} : memref<64x128xf32, #tpu.memory_space<vmem>>, vector<1x16xf32>,
        %get3A_381 = arith.index_cast %scan3A_333 : i32 to index
        %get3A_382 = arith.constant 64 : index
        %get3A_383 = tpu.vector_load %arg21[%get3A_381, %get3A_382] {strides = array<i32>} : memref<64x128xf32, #tpu.memory_space<vmem>>, vector<1x16xf32>,
        %get3A_384 = vector.shape_cast %get3A_383 : vector<1x16xf32> to vector<16xf32>
        %max3A_385 = arith.constant 0.000000e+00 : f32
        %max3A_386 = vector.broadcast %max3A_385 : f32 to vector<16xf32>
        %max3A_387 = arith.maximumf %get3A_384, %max3A_386 : vector<16xf32>
        %swap3A_388 = arith.index_cast %scan3A_333 : i32 to index
        %swap3A_389 = arith.constant 64 : index
        %swap3A_390 = tpu.vector_load %arg21[%swap3A_388, %swap3A_389] {strides = array<i32>} : memref<64x128xf32, #tpu.memory_space<vmem>>, vector<1x16xf32>,
        %swap3A_391 = vector.shape_cast %swap3A_390 : vector<1x16xf32> to vector<16xf32>
        %swap3A_392 = vector.shape_cast %max3A_387 : vector<16xf32> to vector<1x16xf32>
        tpu.vector_store %arg21[%swap3A_388, %swap3A_389], %swap3A_392 {strides = array<i32>} : memref<64x128xf32, #tpu.memory_space<vmem>>, vector<1x16xf32>,
        %get3A_393 = arith.index_cast %scan3A_333 : i32 to index
        %get3A_394 = arith.constant 80 : index
        %get3A_395 = tpu.vector_load %arg21[%get3A_393, %get3A_394] {strides = array<i32>} : memref<64x128xf32, #tpu.memory_space<vmem>>, vector<1x16xf32>,
        %get3A_396 = vector.shape_cast %get3A_395 : vector<1x16xf32> to vector<16xf32>
        %max3A_397 = arith.constant 0.000000e+00 : f32
        %max3A_398 = vector.broadcast %max3A_397 : f32 to vector<16xf32>
        %max3A_399 = arith.maximumf %get3A_396, %max3A_398 : vector<16xf32>
        %swap3A_400 = arith.index_cast %scan3A_333 : i32 to index
        %swap3A_401 = arith.constant 80 : index
        %swap3A_402 = tpu.vector_load %arg21[%swap3A_400, %swap3A_401] {strides = array<i32>} : memref<64x128xf32, #tpu.memory_space<vmem>>, vector<1x16xf32>,
        %swap3A_403 = vector.shape_cast %swap3A_402 : vector<1x16xf32> to vector<16xf32>
        %swap3A_404 = vector.shape_cast %max3A_399 : vector<16xf32> to vector<1x16xf32>
        tpu.vector_store %arg21[%swap3A_400, %swap3A_401], %swap3A_404 {strides = array<i32>} : memref<64x128xf32, #tpu.memory_space<vmem>>, vector<1x16xf32>,
        %get3A_405 = arith.index_cast %scan3A_333 : i32 to index
        %get3A_406 = arith.constant 96 : index
        %get3A_407 = tpu.vector_load %arg21[%get3A_405, %get3A_406] {strides = array<i32>} : memref<64x128xf32, #tpu.memory_space<vmem>>, vector<1x16xf32>,
        %get3A_408 = vector.shape_cast %get3A_407 : vector<1x16xf32> to vector<16xf32>
        %max3A_409 = arith.constant 0.000000e+00 : f32
        %max3A_410 = vector.broadcast %max3A_409 : f32 to vector<16xf32>
        %max3A_411 = arith.maximumf %get3A_408, %max3A_410 : vector<16xf32>
        %swap3A_412 = arith.index_cast %scan3A_333 : i32 to index
        %swap3A_413 = arith.constant 96 : index
        %swap3A_414 = tpu.vector_load %arg21[%swap3A_412, %swap3A_413] {strides = array<i32>} : memref<64x128xf32, #tpu.memory_space<vmem>>, vector<1x16xf32>,
        %swap3A_415 = vector.shape_cast %swap3A_414 : vector<1x16xf32> to vector<16xf32>
        %swap3A_416 = vector.shape_cast %max3A_411 : vector<16xf32> to vector<1x16xf32>
        tpu.vector_store %arg21[%swap3A_412, %swap3A_413], %swap3A_416 {strides = array<i32>} : memref<64x128xf32, #tpu.memory_space<vmem>>, vector<1x16xf32>,
        %get3A_417 = arith.index_cast %scan3A_333 : i32 to index
        %get3A_418 = arith.constant 112 : index
        %get3A_419 = tpu.vector_load %arg21[%get3A_417, %get3A_418] {strides = array<i32>} : memref<64x128xf32, #tpu.memory_space<vmem>>, vector<1x16xf32>,
        %get3A_420 = vector.shape_cast %get3A_419 : vector<1x16xf32> to vector<16xf32>
        %max3A_421 = arith.constant 0.000000e+00 : f32
        %max3A_422 = vector.broadcast %max3A_421 : f32 to vector<16xf32>
        %max3A_423 = arith.maximumf %get3A_420, %max3A_422 : vector<16xf32>
        %swap3A_424 = arith.index_cast %scan3A_333 : i32 to index
        %swap3A_425 = arith.constant 112 : index
        %swap3A_426 = tpu.vector_load %arg21[%swap3A_424, %swap3A_425] {strides = array<i32>} : memref<64x128xf32, #tpu.memory_space<vmem>>, vector<1x16xf32>,
        %swap3A_427 = vector.shape_cast %swap3A_426 : vector<1x16xf32> to vector<16xf32>
        %swap3A_428 = vector.shape_cast %max3A_423 : vector<16xf32> to vector<1x16xf32>
        tpu.vector_store %arg21[%swap3A_424, %swap3A_425], %swap3A_428 {strides = array<i32>} : memref<64x128xf32, #tpu.memory_space<vmem>>, vector<1x16xf32>,
      }
      %scan3A_312 = arith.constant 64 : i32
      %dma_start3A_313 = arith.constant 0 : i32
      %dma_start3A_314 = arith.constant 0 : i32
      %dma_start3A_315 = tpu.memref_slice %arg7[%dma_start3A_313, %dma_start3A_314] : memref<10112x128xf32, #tpu.memory_space<vmem_shared>> -> memref<10112x128xf32, #tpu.memory_space<vmem_shared>>
      tpu.enqueue_indirect_dma source(%arg21 : memref<64x128xf32, #tpu.memory_space<vmem>>) target(%dma_start3A_315 : memref<10112x128xf32, #tpu.memory_space<vmem_shared>>) offsets(%arg15 : memref<64xi32, #tpu.memory_space<vmem>>) semaphore(%arg41 : memref<!tpu.dma_semaphore, #tpu.memory_space<semaphore_mem>>) {add = true}
      %ge3A_316 = arith.constant 2 : i32
      %ge3A_317 = arith.cmpi sge, %add3A_296, %ge3A_316 : i32
      %add3A_318 = arith.constant 2 : i32
      %add3A_319 = arith.addi %add3A_296, %add3A_318 : i32
      %lt3A_320 = arith.constant 156 : i32
      %lt3A_321 = arith.cmpi slt, %add3A_319, %lt3A_320 : i32
      %and3A_322 = arith.andi %ge3A_317, %lt3A_321 : i1
      %convert_element_type3A_323 = arith.extui %and3A_322 : i1 to i32
      %cond3A_324 = arith.constant 0 : i32
      %cond3A_325 = arith.cmpi ne, %convert_element_type3A_323, %cond3A_324 : i32
      scf.if %cond3A_325 {
        %dma_wait3A_333 = arith.constant 0 : i32
        %dma_wait3A_334 = arith.constant 0 : i32
        %dma_wait3A_335 = tpu.memref_slice %arg7[%dma_wait3A_333, %dma_wait3A_334] : memref<10112x128xf32, #tpu.memory_space<vmem_shared>> -> memref<10112x128xf32, #tpu.memory_space<vmem_shared>>
        tpu.wait_indirect_dma semaphore(%arg39 : memref<!tpu.dma_semaphore, #tpu.memory_space<semaphore_mem>>) src(%arg19 : memref<64x128xf32, #tpu.memory_space<vmem>>) dst(%dma_wait3A_335 : memref<10112x128xf32, #tpu.memory_space<vmem_shared>>)
      } else {
      }
      %add3A_326 = arith.constant 2 : i32
      %add3A_327 = arith.addi %add3A_296, %add3A_326 : i32
      %lt3A_328 = arith.constant 156 : i32
      %lt3A_329 = arith.cmpi slt, %add3A_327, %lt3A_328 : i32
      %convert_element_type3A_330 = arith.extui %lt3A_329 : i1 to i32
      %cond3A_331 = arith.constant 0 : i32
      %cond3A_332 = arith.cmpi ne, %convert_element_type3A_330, %cond3A_331 : i32
      scf.if %cond3A_332 {
        %add3A_333 = arith.constant 2 : i32
        %add3A_334 = arith.addi %add3A_296, %add3A_333 : i32
        %mul3A_335 = arith.constant 160000 : i32
        %mul3A_336 = arith.muli %arg0, %mul3A_335 : i32
        %add3A_337 = arith.addi %mul3A_336, %mul3A_28 : i32
        %mul3A_338 = arith.constant 64 : i32
        %mul3A_339 = arith.muli %add3A_334, %mul3A_338 : i32
        %add3A_340 = arith.addi %add3A_337, %mul3A_339 : i32
        %dma_start3A_341 = arith.constant 0 : i32
        %dma_start3A_342 = tpu.memref_slice %arg3[%add3A_340, %dma_start3A_341] : memref<320000x128xf32, #tpu.memory_space<hbm>> -> memref<64x128xf32, #tpu.memory_space<hbm>>
        %dma_start3A_343 = arith.constant 0 : i32
        %dma_start3A_344 = tpu.memref_slice %arg3[%add3A_340, %dma_start3A_343] : memref<320000x128xf32, #tpu.memory_space<hbm>> -> memref<64x128xf32, #tpu.memory_space<hbm>>
        tpu.enqueue_dma source(%dma_start3A_344 : memref<64x128xf32, #tpu.memory_space<hbm>>) target(%arg19 : memref<64x128xf32, #tpu.memory_space<vmem>>) target_semaphore(%arg35 : memref<!tpu.dma_semaphore, #tpu.memory_space<semaphore_mem>>)
        %add3A_345 = arith.constant 2 : i32
        %add3A_346 = arith.addi %add3A_296, %add3A_345 : i32
        %mul3A_347 = arith.constant 160000 : i32
        %mul3A_348 = arith.muli %arg0, %mul3A_347 : i32
        %add3A_349 = arith.addi %mul3A_348, %mul3A_28 : i32
        %mul3A_350 = arith.constant 64 : i32
        %mul3A_351 = arith.muli %add3A_346, %mul3A_350 : i32
        %add3A_352 = arith.addi %add3A_349, %mul3A_351 : i32
        %dma_start3A_353 = tpu.memref_slice %arg4[%add3A_352] : memref<320000xi32, #tpu.memory_space<hbm>> -> memref<64xi32, #tpu.memory_space<hbm>>
        %dma_start3A_354 = tpu.memref_slice %arg4[%add3A_352] : memref<320000xi32, #tpu.memory_space<hbm>> -> memref<64xi32, #tpu.memory_space<hbm>>
        tpu.enqueue_dma source(%dma_start3A_354 : memref<64xi32, #tpu.memory_space<hbm>>) target(%arg9 : memref<64xi32, #tpu.memory_space<vmem>>) target_semaphore(%arg23 : memref<!tpu.dma_semaphore, #tpu.memory_space<semaphore_mem>>)
        %dma_start3A_355 = tpu.memref_slice %arg5[%add3A_352] : memref<320000xi32, #tpu.memory_space<hbm>> -> memref<64xi32, #tpu.memory_space<hbm>>
        %dma_start3A_356 = tpu.memref_slice %arg5[%add3A_352] : memref<320000xi32, #tpu.memory_space<hbm>> -> memref<64xi32, #tpu.memory_space<hbm>>
        tpu.enqueue_dma source(%dma_start3A_356 : memref<64xi32, #tpu.memory_space<hbm>>) target(%arg13 : memref<64xi32, #tpu.memory_space<vmem>>) target_semaphore(%arg27 : memref<!tpu.dma_semaphore, #tpu.memory_space<semaphore_mem>>)
      } else {
      }
    }
    %scan3A_119 = arith.constant 39 : i32
    %dma_wait3A_120 = arith.constant 0 : i32
    %dma_wait3A_121 = arith.constant 0 : i32
    %dma_wait3A_122 = tpu.memref_slice %arg7[%dma_wait3A_120, %dma_wait3A_121] : memref<10112x128xf32, #tpu.memory_space<vmem_shared>> -> memref<10112x128xf32, #tpu.memory_space<vmem_shared>>
    tpu.wait_indirect_dma semaphore(%arg38 : memref<!tpu.dma_semaphore, #tpu.memory_space<semaphore_mem>>) src(%arg18 : memref<64x128xf32, #tpu.memory_space<vmem>>) dst(%dma_wait3A_122 : memref<10112x128xf32, #tpu.memory_space<vmem_shared>>)
    %dma_wait3A_123 = arith.constant 0 : i32
    %dma_wait3A_124 = arith.constant 0 : i32
    %dma_wait3A_125 = tpu.memref_slice %arg7[%dma_wait3A_123, %dma_wait3A_124] : memref<10112x128xf32, #tpu.memory_space<vmem_shared>> -> memref<10112x128xf32, #tpu.memory_space<vmem_shared>>
    tpu.wait_indirect_dma semaphore(%arg39 : memref<!tpu.dma_semaphore, #tpu.memory_space<semaphore_mem>>) src(%arg19 : memref<64x128xf32, #tpu.memory_space<vmem>>) dst(%dma_wait3A_125 : memref<10112x128xf32, #tpu.memory_space<vmem_shared>>)
    %dma_wait3A_126 = arith.constant 0 : i32
    %dma_wait3A_127 = arith.constant 0 : i32
    %dma_wait3A_128 = tpu.memref_slice %arg7[%dma_wait3A_126, %dma_wait3A_127] : memref<10112x128xf32, #tpu.memory_space<vmem_shared>> -> memref<10112x128xf32, #tpu.memory_space<vmem_shared>>
    tpu.wait_indirect_dma semaphore(%arg40 : memref<!tpu.dma_semaphore, #tpu.memory_space<semaphore_mem>>) src(%arg20 : memref<64x128xf32, #tpu.memory_space<vmem>>) dst(%dma_wait3A_128 : memref<10112x128xf32, #tpu.memory_space<vmem_shared>>)
    %dma_wait3A_129 = arith.constant 0 : i32
    %dma_wait3A_130 = arith.constant 0 : i32
    %dma_wait3A_131 = tpu.memref_slice %arg7[%dma_wait3A_129, %dma_wait3A_130] : memref<10112x128xf32, #tpu.memory_space<vmem_shared>> -> memref<10112x128xf32, #tpu.memory_space<vmem_shared>>
    tpu.wait_indirect_dma semaphore(%arg41 : memref<!tpu.dma_semaphore, #tpu.memory_space<semaphore_mem>>) src(%arg21 : memref<64x128xf32, #tpu.memory_space<vmem>>) dst(%dma_wait3A_131 : memref<10112x128xf32, #tpu.memory_space<vmem_shared>>)
    %add3A_132 = arith.constant 9984 : i32
    %add3A_133 = arith.addi %mul3A_28, %add3A_132 : i32
    %mul3A_134 = arith.constant 160000 : i32
    %mul3A_135 = arith.muli %arg0, %mul3A_134 : i32
    %add3A_136 = arith.addi %mul3A_135, %add3A_133 : i32
    "tpu.region"() ({
      %run_scoped3A = tpu.sem_alloc : memref<!tpu.dma_semaphore, #tpu.memory_space<semaphore_mem>>
      %dma_start3A_174 = tpu.memref_slice %arg4[%add3A_136] : memref<320000xi32, #tpu.memory_space<hbm>> -> memref<16xi32, #tpu.memory_space<hbm>>
      %dma_start3A_175 = tpu.memref_slice %arg4[%add3A_136] : memref<320000xi32, #tpu.memory_space<hbm>> -> memref<16xi32, #tpu.memory_space<hbm>>
      tpu.enqueue_dma source(%dma_start3A_175 : memref<16xi32, #tpu.memory_space<hbm>>) target(%arg16 : memref<16xi32, #tpu.memory_space<vmem>>) target_semaphore(%run_scoped3A : memref<!tpu.dma_semaphore, #tpu.memory_space<semaphore_mem>>)
      %dma_wait3A_176 = tpu.memref_slice %arg4[%add3A_136] : memref<320000xi32, #tpu.memory_space<hbm>> -> memref<16xi32, #tpu.memory_space<hbm>>
      %dma_wait3A_177 = tpu.memref_slice %arg4[%add3A_136] : memref<320000xi32, #tpu.memory_space<hbm>> -> memref<16xi32, #tpu.memory_space<hbm>>
      tpu.wait_dma2 semaphore(%run_scoped3A : memref<!tpu.dma_semaphore, #tpu.memory_space<semaphore_mem>>) src(%dma_wait3A_177 : memref<16xi32, #tpu.memory_space<hbm>>) dst(%arg16 : memref<16xi32, #tpu.memory_space<vmem>>)
      tpu.yield
    }) : () -> ()
    "tpu.region"() ({
      %run_scoped3A = tpu.sem_alloc : memref<!tpu.dma_semaphore, #tpu.memory_space<semaphore_mem>>
      %dma_start3A_174 = tpu.memref_slice %arg5[%add3A_136] : memref<320000xi32, #tpu.memory_space<hbm>> -> memref<16xi32, #tpu.memory_space<hbm>>
      %dma_start3A_175 = tpu.memref_slice %arg5[%add3A_136] : memref<320000xi32, #tpu.memory_space<hbm>> -> memref<16xi32, #tpu.memory_space<hbm>>
      tpu.enqueue_dma source(%dma_start3A_175 : memref<16xi32, #tpu.memory_space<hbm>>) target(%arg17 : memref<16xi32, #tpu.memory_space<vmem>>) target_semaphore(%run_scoped3A : memref<!tpu.dma_semaphore, #tpu.memory_space<semaphore_mem>>)
      %dma_wait3A_176 = tpu.memref_slice %arg5[%add3A_136] : memref<320000xi32, #tpu.memory_space<hbm>> -> memref<16xi32, #tpu.memory_space<hbm>>
      %dma_wait3A_177 = tpu.memref_slice %arg5[%add3A_136] : memref<320000xi32, #tpu.memory_space<hbm>> -> memref<16xi32, #tpu.memory_space<hbm>>
      tpu.wait_dma2 semaphore(%run_scoped3A : memref<!tpu.dma_semaphore, #tpu.memory_space<semaphore_mem>>) src(%dma_wait3A_177 : memref<16xi32, #tpu.memory_space<hbm>>) dst(%arg17 : memref<16xi32, #tpu.memory_space<vmem>>)
      tpu.yield
    }) : () -> ()
    %get3A_137 = arith.constant 0 : index
    %get3A_138 = tpu.vector_load %arg16[%get3A_137] {strides = array<i32>} : memref<16xi32, #tpu.memory_space<vmem>>, vector<16xi32>,
    %get3A_139 = vector.shape_cast %get3A_138 : vector<16xi32> to vector<16xi32>
    %add3A_140 = vector.broadcast %mul3A_0 : i32 to vector<16xi32>
    %add3A_141 = arith.addi %get3A_139, %add3A_140 : vector<16xi32>
    %swap3A_142 = arith.constant 0 : index
    %swap3A_143 = tpu.vector_load %arg16[%swap3A_142] {strides = array<i32>} : memref<16xi32, #tpu.memory_space<vmem>>, vector<16xi32>,
    %swap3A_144 = vector.shape_cast %swap3A_143 : vector<16xi32> to vector<16xi32>
    %swap3A_145 = vector.shape_cast %add3A_141 : vector<16xi32> to vector<16xi32>
    tpu.vector_store %arg16[%swap3A_142], %swap3A_145 {strides = array<i32>} : memref<16xi32, #tpu.memory_space<vmem>>, vector<16xi32>,
    %mul3A_146 = arith.constant 160000 : i32
    %mul3A_147 = arith.muli %arg0, %mul3A_146 : i32
    %add3A_148 = arith.addi %mul3A_147, %add3A_133 : i32
    "tpu.region"() ({
      %run_scoped3A = tpu.sem_alloc : memref<!tpu.dma_semaphore, #tpu.memory_space<semaphore_mem>>
      %dma_start3A_174 = arith.constant 0 : i32
      %dma_start3A_175 = arith.constant 0 : i32
      %dma_start3A_176 = tpu.memref_slice %arg18[%dma_start3A_174, %dma_start3A_175] : memref<64x128xf32, #tpu.memory_space<vmem>> -> memref<16x128xf32, #tpu.memory_space<vmem>>
      %dma_start3A_177 = arith.constant 0 : i32
      %dma_start3A_178 = tpu.memref_slice %arg3[%add3A_148, %dma_start3A_177] : memref<320000x128xf32, #tpu.memory_space<hbm>> -> memref<16x128xf32, #tpu.memory_space<hbm>>
      %dma_start3A_179 = arith.constant 0 : i32
      %dma_start3A_180 = arith.constant 0 : i32
      %dma_start3A_181 = tpu.memref_slice %arg18[%dma_start3A_179, %dma_start3A_180] : memref<64x128xf32, #tpu.memory_space<vmem>> -> memref<16x128xf32, #tpu.memory_space<vmem>>
      %dma_start3A_182 = arith.constant 0 : i32
      %dma_start3A_183 = tpu.memref_slice %arg3[%add3A_148, %dma_start3A_182] : memref<320000x128xf32, #tpu.memory_space<hbm>> -> memref<16x128xf32, #tpu.memory_space<hbm>>
      tpu.enqueue_dma source(%dma_start3A_183 : memref<16x128xf32, #tpu.memory_space<hbm>>) target(%dma_start3A_181 : memref<16x128xf32, #tpu.memory_space<vmem>>) target_semaphore(%run_scoped3A : memref<!tpu.dma_semaphore, #tpu.memory_space<semaphore_mem>>)
      %dma_wait3A_184 = arith.constant 0 : i32
      %dma_wait3A_185 = arith.constant 0 : i32
      %dma_wait3A_186 = tpu.memref_slice %arg18[%dma_wait3A_184, %dma_wait3A_185] : memref<64x128xf32, #tpu.memory_space<vmem>> -> memref<16x128xf32, #tpu.memory_space<vmem>>
      %dma_wait3A_187 = arith.constant 0 : i32
      %dma_wait3A_188 = tpu.memref_slice %arg3[%add3A_148, %dma_wait3A_187] : memref<320000x128xf32, #tpu.memory_space<hbm>> -> memref<16x128xf32, #tpu.memory_space<hbm>>
      %dma_wait3A_189 = arith.constant 0 : i32
      %dma_wait3A_190 = arith.constant 0 : i32
      %dma_wait3A_191 = tpu.memref_slice %arg18[%dma_wait3A_189, %dma_wait3A_190] : memref<64x128xf32, #tpu.memory_space<vmem>> -> memref<16x128xf32, #tpu.memory_space<vmem>>
      %dma_wait3A_192 = arith.constant 0 : i32
      %dma_wait3A_193 = tpu.memref_slice %arg3[%add3A_148, %dma_wait3A_192] : memref<320000x128xf32, #tpu.memory_space<hbm>> -> memref<16x128xf32, #tpu.memory_space<hbm>>
      tpu.wait_dma2 semaphore(%run_scoped3A : memref<!tpu.dma_semaphore, #tpu.memory_space<semaphore_mem>>) src(%dma_wait3A_193 : memref<16x128xf32, #tpu.memory_space<hbm>>) dst(%dma_wait3A_191 : memref<16x128xf32, #tpu.memory_space<vmem>>)
      tpu.yield
    }) : () -> ()
    %dma_start3A_149 = arith.constant 0 : i32
    %dma_start3A_150 = arith.constant 0 : i32
    %dma_start3A_151 = tpu.memref_slice %arg18[%dma_start3A_149, %dma_start3A_150] : memref<64x128xf32, #tpu.memory_space<vmem>> -> memref<16x128xf32, #tpu.memory_space<vmem>>
    %dma_start3A_152 = arith.constant 0 : i32
    %dma_start3A_153 = arith.constant 0 : i32
    %dma_start3A_154 = tpu.memref_slice %arg2[%dma_start3A_152, %dma_start3A_153] : memref<20000x128xf32, #tpu.memory_space<hbm>> -> memref<20000x128xf32, #tpu.memory_space<hbm>>
    tpu.enqueue_indirect_dma source(%dma_start3A_154 : memref<20000x128xf32, #tpu.memory_space<hbm>>) target(%dma_start3A_151 : memref<16x128xf32, #tpu.memory_space<vmem>>) offsets(%arg16 : memref<16xi32, #tpu.memory_space<vmem>>) semaphore(%arg30 : memref<!tpu.dma_semaphore, #tpu.memory_space<semaphore_mem>>) {add = true}
    %dma_wait3A_155 = arith.constant 0 : i32
    %dma_wait3A_156 = arith.constant 0 : i32
    %dma_wait3A_157 = tpu.memref_slice %arg18[%dma_wait3A_155, %dma_wait3A_156] : memref<64x128xf32, #tpu.memory_space<vmem>> -> memref<16x128xf32, #tpu.memory_space<vmem>>
    %dma_wait3A_158 = arith.constant 0 : i32
    %dma_wait3A_159 = arith.constant 0 : i32
    %dma_wait3A_160 = tpu.memref_slice %arg2[%dma_wait3A_158, %dma_wait3A_159] : memref<20000x128xf32, #tpu.memory_space<hbm>> -> memref<20000x128xf32, #tpu.memory_space<hbm>>
    tpu.wait_indirect_dma semaphore(%arg30 : memref<!tpu.dma_semaphore, #tpu.memory_space<semaphore_mem>>) src(%dma_wait3A_160 : memref<20000x128xf32, #tpu.memory_space<hbm>>) dst(%dma_wait3A_157 : memref<16x128xf32, #tpu.memory_space<vmem>>)
    %scan3A_161 = arith.constant 0 : i32
    %scan3A_162 = arith.constant 0 : i32
    %scan3A_163 = arith.constant 16 : i32
    %scan3A_164 = arith.addi %scan3A_162, %scan3A_163 : i32
    %scan3A_165 = arith.constant 1 : i32
    scf.for %scan3A_174 = %scan3A_162 to %scan3A_164 step %scan3A_165  : i32 {
      %get3A_175 = arith.index_cast %scan3A_174 : i32 to index
      %get3A_176 = arith.constant 0 : index
      %get3A_177 = tpu.vector_load %arg18[%get3A_175, %get3A_176] {strides = array<i32>} : memref<64x128xf32, #tpu.memory_space<vmem>>, vector<1x16xf32>,
      %get3A_178 = vector.shape_cast %get3A_177 : vector<1x16xf32> to vector<16xf32>
      %max3A = arith.constant 0.000000e+00 : f32
      %max3A_179 = vector.broadcast %max3A : f32 to vector<16xf32>
      %max3A_180 = arith.maximumf %get3A_178, %max3A_179 : vector<16xf32>
      %swap3A_181 = arith.index_cast %scan3A_174 : i32 to index
      %swap3A_182 = arith.constant 0 : index
      %swap3A_183 = tpu.vector_load %arg18[%swap3A_181, %swap3A_182] {strides = array<i32>} : memref<64x128xf32, #tpu.memory_space<vmem>>, vector<1x16xf32>,
      %swap3A_184 = vector.shape_cast %swap3A_183 : vector<1x16xf32> to vector<16xf32>
      %swap3A_185 = vector.shape_cast %max3A_180 : vector<16xf32> to vector<1x16xf32>
      tpu.vector_store %arg18[%swap3A_181, %swap3A_182], %swap3A_185 {strides = array<i32>} : memref<64x128xf32, #tpu.memory_space<vmem>>, vector<1x16xf32>,
      %get3A_186 = arith.index_cast %scan3A_174 : i32 to index
      %get3A_187 = arith.constant 16 : index
      %get3A_188 = tpu.vector_load %arg18[%get3A_186, %get3A_187] {strides = array<i32>} : memref<64x128xf32, #tpu.memory_space<vmem>>, vector<1x16xf32>,
      %get3A_189 = vector.shape_cast %get3A_188 : vector<1x16xf32> to vector<16xf32>
      %max3A_190 = arith.constant 0.000000e+00 : f32
      %max3A_191 = vector.broadcast %max3A_190 : f32 to vector<16xf32>
      %max3A_192 = arith.maximumf %get3A_189, %max3A_191 : vector<16xf32>
      %swap3A_193 = arith.index_cast %scan3A_174 : i32 to index
      %swap3A_194 = arith.constant 16 : index
      %swap3A_195 = tpu.vector_load %arg18[%swap3A_193, %swap3A_194] {strides = array<i32>} : memref<64x128xf32, #tpu.memory_space<vmem>>, vector<1x16xf32>,
      %swap3A_196 = vector.shape_cast %swap3A_195 : vector<1x16xf32> to vector<16xf32>
      %swap3A_197 = vector.shape_cast %max3A_192 : vector<16xf32> to vector<1x16xf32>
      tpu.vector_store %arg18[%swap3A_193, %swap3A_194], %swap3A_197 {strides = array<i32>} : memref<64x128xf32, #tpu.memory_space<vmem>>, vector<1x16xf32>,
      %get3A_198 = arith.index_cast %scan3A_174 : i32 to index
      %get3A_199 = arith.constant 32 : index
      %get3A_200 = tpu.vector_load %arg18[%get3A_198, %get3A_199] {strides = array<i32>} : memref<64x128xf32, #tpu.memory_space<vmem>>, vector<1x16xf32>,
      %get3A_201 = vector.shape_cast %get3A_200 : vector<1x16xf32> to vector<16xf32>
      %max3A_202 = arith.constant 0.000000e+00 : f32
      %max3A_203 = vector.broadcast %max3A_202 : f32 to vector<16xf32>
      %max3A_204 = arith.maximumf %get3A_201, %max3A_203 : vector<16xf32>
      %swap3A_205 = arith.index_cast %scan3A_174 : i32 to index
      %swap3A_206 = arith.constant 32 : index
      %swap3A_207 = tpu.vector_load %arg18[%swap3A_205, %swap3A_206] {strides = array<i32>} : memref<64x128xf32, #tpu.memory_space<vmem>>, vector<1x16xf32>,
      %swap3A_208 = vector.shape_cast %swap3A_207 : vector<1x16xf32> to vector<16xf32>
      %swap3A_209 = vector.shape_cast %max3A_204 : vector<16xf32> to vector<1x16xf32>
      tpu.vector_store %arg18[%swap3A_205, %swap3A_206], %swap3A_209 {strides = array<i32>} : memref<64x128xf32, #tpu.memory_space<vmem>>, vector<1x16xf32>,
      %get3A_210 = arith.index_cast %scan3A_174 : i32 to index
      %get3A_211 = arith.constant 48 : index
      %get3A_212 = tpu.vector_load %arg18[%get3A_210, %get3A_211] {strides = array<i32>} : memref<64x128xf32, #tpu.memory_space<vmem>>, vector<1x16xf32>,
      %get3A_213 = vector.shape_cast %get3A_212 : vector<1x16xf32> to vector<16xf32>
      %max3A_214 = arith.constant 0.000000e+00 : f32
      %max3A_215 = vector.broadcast %max3A_214 : f32 to vector<16xf32>
      %max3A_216 = arith.maximumf %get3A_213, %max3A_215 : vector<16xf32>
      %swap3A_217 = arith.index_cast %scan3A_174 : i32 to index
      %swap3A_218 = arith.constant 48 : index
      %swap3A_219 = tpu.vector_load %arg18[%swap3A_217, %swap3A_218] {strides = array<i32>} : memref<64x128xf32, #tpu.memory_space<vmem>>, vector<1x16xf32>,
      %swap3A_220 = vector.shape_cast %swap3A_219 : vector<1x16xf32> to vector<16xf32>
      %swap3A_221 = vector.shape_cast %max3A_216 : vector<16xf32> to vector<1x16xf32>
      tpu.vector_store %arg18[%swap3A_217, %swap3A_218], %swap3A_221 {strides = array<i32>} : memref<64x128xf32, #tpu.memory_space<vmem>>, vector<1x16xf32>,
      %get3A_222 = arith.index_cast %scan3A_174 : i32 to index
      %get3A_223 = arith.constant 64 : index
      %get3A_224 = tpu.vector_load %arg18[%get3A_222, %get3A_223] {strides = array<i32>} : memref<64x128xf32, #tpu.memory_space<vmem>>, vector<1x16xf32>,
      %get3A_225 = vector.shape_cast %get3A_224 : vector<1x16xf32> to vector<16xf32>
      %max3A_226 = arith.constant 0.000000e+00 : f32
      %max3A_227 = vector.broadcast %max3A_226 : f32 to vector<16xf32>
      %max3A_228 = arith.maximumf %get3A_225, %max3A_227 : vector<16xf32>
      %swap3A_229 = arith.index_cast %scan3A_174 : i32 to index
      %swap3A_230 = arith.constant 64 : index
      %swap3A_231 = tpu.vector_load %arg18[%swap3A_229, %swap3A_230] {strides = array<i32>} : memref<64x128xf32, #tpu.memory_space<vmem>>, vector<1x16xf32>,
      %swap3A_232 = vector.shape_cast %swap3A_231 : vector<1x16xf32> to vector<16xf32>
      %swap3A_233 = vector.shape_cast %max3A_228 : vector<16xf32> to vector<1x16xf32>
      tpu.vector_store %arg18[%swap3A_229, %swap3A_230], %swap3A_233 {strides = array<i32>} : memref<64x128xf32, #tpu.memory_space<vmem>>, vector<1x16xf32>,
      %get3A_234 = arith.index_cast %scan3A_174 : i32 to index
      %get3A_235 = arith.constant 80 : index
      %get3A_236 = tpu.vector_load %arg18[%get3A_234, %get3A_235] {strides = array<i32>} : memref<64x128xf32, #tpu.memory_space<vmem>>, vector<1x16xf32>,
      %get3A_237 = vector.shape_cast %get3A_236 : vector<1x16xf32> to vector<16xf32>
      %max3A_238 = arith.constant 0.000000e+00 : f32
      %max3A_239 = vector.broadcast %max3A_238 : f32 to vector<16xf32>
      %max3A_240 = arith.maximumf %get3A_237, %max3A_239 : vector<16xf32>
      %swap3A_241 = arith.index_cast %scan3A_174 : i32 to index
      %swap3A_242 = arith.constant 80 : index
      %swap3A_243 = tpu.vector_load %arg18[%swap3A_241, %swap3A_242] {strides = array<i32>} : memref<64x128xf32, #tpu.memory_space<vmem>>, vector<1x16xf32>,
      %swap3A_244 = vector.shape_cast %swap3A_243 : vector<1x16xf32> to vector<16xf32>
      %swap3A_245 = vector.shape_cast %max3A_240 : vector<16xf32> to vector<1x16xf32>
      tpu.vector_store %arg18[%swap3A_241, %swap3A_242], %swap3A_245 {strides = array<i32>} : memref<64x128xf32, #tpu.memory_space<vmem>>, vector<1x16xf32>,
      %get3A_246 = arith.index_cast %scan3A_174 : i32 to index
      %get3A_247 = arith.constant 96 : index
      %get3A_248 = tpu.vector_load %arg18[%get3A_246, %get3A_247] {strides = array<i32>} : memref<64x128xf32, #tpu.memory_space<vmem>>, vector<1x16xf32>,
      %get3A_249 = vector.shape_cast %get3A_248 : vector<1x16xf32> to vector<16xf32>
      %max3A_250 = arith.constant 0.000000e+00 : f32
      %max3A_251 = vector.broadcast %max3A_250 : f32 to vector<16xf32>
      %max3A_252 = arith.maximumf %get3A_249, %max3A_251 : vector<16xf32>
      %swap3A_253 = arith.index_cast %scan3A_174 : i32 to index
      %swap3A_254 = arith.constant 96 : index
      %swap3A_255 = tpu.vector_load %arg18[%swap3A_253, %swap3A_254] {strides = array<i32>} : memref<64x128xf32, #tpu.memory_space<vmem>>, vector<1x16xf32>,
      %swap3A_256 = vector.shape_cast %swap3A_255 : vector<1x16xf32> to vector<16xf32>
      %swap3A_257 = vector.shape_cast %max3A_252 : vector<16xf32> to vector<1x16xf32>
      tpu.vector_store %arg18[%swap3A_253, %swap3A_254], %swap3A_257 {strides = array<i32>} : memref<64x128xf32, #tpu.memory_space<vmem>>, vector<1x16xf32>,
      %get3A_258 = arith.index_cast %scan3A_174 : i32 to index
      %get3A_259 = arith.constant 112 : index
      %get3A_260 = tpu.vector_load %arg18[%get3A_258, %get3A_259] {strides = array<i32>} : memref<64x128xf32, #tpu.memory_space<vmem>>, vector<1x16xf32>,
      %get3A_261 = vector.shape_cast %get3A_260 : vector<1x16xf32> to vector<16xf32>
      %max3A_262 = arith.constant 0.000000e+00 : f32
      %max3A_263 = vector.broadcast %max3A_262 : f32 to vector<16xf32>
      %max3A_264 = arith.maximumf %get3A_261, %max3A_263 : vector<16xf32>
      %swap3A_265 = arith.index_cast %scan3A_174 : i32 to index
      %swap3A_266 = arith.constant 112 : index
      %swap3A_267 = tpu.vector_load %arg18[%swap3A_265, %swap3A_266] {strides = array<i32>} : memref<64x128xf32, #tpu.memory_space<vmem>>, vector<1x16xf32>,
      %swap3A_268 = vector.shape_cast %swap3A_267 : vector<1x16xf32> to vector<16xf32>
      %swap3A_269 = vector.shape_cast %max3A_264 : vector<16xf32> to vector<1x16xf32>
      tpu.vector_store %arg18[%swap3A_265, %swap3A_266], %swap3A_269 {strides = array<i32>} : memref<64x128xf32, #tpu.memory_space<vmem>>, vector<1x16xf32>,
    }
    %scan3A_166 = arith.constant 16 : i32
    "tpu.region"() ({
      %run_scoped3A = tpu.sem_alloc : memref<!tpu.dma_semaphore, #tpu.memory_space<semaphore_mem>>
      %dma_start3A_174 = arith.constant 0 : i32
      %dma_start3A_175 = arith.constant 0 : i32
      %dma_start3A_176 = tpu.memref_slice %arg18[%dma_start3A_174, %dma_start3A_175] : memref<64x128xf32, #tpu.memory_space<vmem>> -> memref<16x128xf32, #tpu.memory_space<vmem>>
      %dma_start3A_177 = arith.constant 0 : i32
      %dma_start3A_178 = arith.constant 0 : i32
      %dma_start3A_179 = tpu.memref_slice %arg7[%dma_start3A_177, %dma_start3A_178] : memref<10112x128xf32, #tpu.memory_space<vmem_shared>> -> memref<10112x128xf32, #tpu.memory_space<vmem_shared>>
      tpu.enqueue_indirect_dma source(%dma_start3A_176 : memref<16x128xf32, #tpu.memory_space<vmem>>) target(%dma_start3A_179 : memref<10112x128xf32, #tpu.memory_space<vmem_shared>>) offsets(%arg17 : memref<16xi32, #tpu.memory_space<vmem>>) semaphore(%run_scoped3A : memref<!tpu.dma_semaphore, #tpu.memory_space<semaphore_mem>>) {add = true}
      %dma_wait3A_180 = arith.constant 0 : i32
      %dma_wait3A_181 = arith.constant 0 : i32
      %dma_wait3A_182 = tpu.memref_slice %arg18[%dma_wait3A_180, %dma_wait3A_181] : memref<64x128xf32, #tpu.memory_space<vmem>> -> memref<16x128xf32, #tpu.memory_space<vmem>>
      %dma_wait3A_183 = arith.constant 0 : i32
      %dma_wait3A_184 = arith.constant 0 : i32
      %dma_wait3A_185 = tpu.memref_slice %arg7[%dma_wait3A_183, %dma_wait3A_184] : memref<10112x128xf32, #tpu.memory_space<vmem_shared>> -> memref<10112x128xf32, #tpu.memory_space<vmem_shared>>
      tpu.wait_indirect_dma semaphore(%run_scoped3A : memref<!tpu.dma_semaphore, #tpu.memory_space<semaphore_mem>>) src(%dma_wait3A_182 : memref<16x128xf32, #tpu.memory_space<vmem>>) dst(%dma_wait3A_185 : memref<10112x128xf32, #tpu.memory_space<vmem_shared>>)
      tpu.yield
    }) : () -> ()
    %barrier3A_167 = arith.constant 0 : index
    tpu.barrier barrier_id(%barrier3A_167)
    %lt3A = arith.constant 15 : i32
    %lt3A_168 = arith.cmpi slt, %arg1, %lt3A : i32
    %convert_element_type3A = arith.extui %lt3A_168 : i1 to i32
    %cond3A = arith.constant 0 : i32
    %cond3A_169 = arith.cmpi ne, %convert_element_type3A, %cond3A : i32
    scf.if %cond3A_169 {
      "tpu.region"() ({
        %run_scoped3A = tpu.sem_alloc : memref<!tpu.dma_semaphore, #tpu.memory_space<semaphore_mem>>
        %dma_start3A_174 = arith.constant 0 : i32
        %dma_start3A_175 = tpu.memref_slice %arg6[%arg0, %mul3A_2, %dma_start3A_174] : memref<2x10000x128xf32, #tpu.memory_space<hbm>> -> memref<1x632x128xf32, #tpu.memory_space<hbm>>
        %dma_start3A_176 = tpu.memref_squeeze %dma_start3A_175 : memref<1x632x128xf32, #tpu.memory_space<hbm>> -> memref<632x128xf32, #tpu.memory_space<hbm>>
        %dma_start3A_177 = arith.constant 0 : i32
        %dma_start3A_178 = tpu.memref_slice %arg7[%mul3A_2, %dma_start3A_177] : memref<10112x128xf32, #tpu.memory_space<vmem_shared>> -> memref<632x128xf32, #tpu.memory_space<vmem_shared>>
        tpu.enqueue_dma source(%dma_start3A_178 : memref<632x128xf32, #tpu.memory_space<vmem_shared>>) target(%dma_start3A_176 : memref<632x128xf32, #tpu.memory_space<hbm>>) target_semaphore(%run_scoped3A : memref<!tpu.dma_semaphore, #tpu.memory_space<semaphore_mem>>)
        %dma_wait3A_179 = arith.constant 0 : i32
        %dma_wait3A_180 = tpu.memref_slice %arg6[%arg0, %mul3A_2, %dma_wait3A_179] : memref<2x10000x128xf32, #tpu.memory_space<hbm>> -> memref<1x632x128xf32, #tpu.memory_space<hbm>>
        %dma_wait3A_181 = tpu.memref_squeeze %dma_wait3A_180 : memref<1x632x128xf32, #tpu.memory_space<hbm>> -> memref<632x128xf32, #tpu.memory_space<hbm>>
        %dma_wait3A_182 = arith.constant 0 : i32
        %dma_wait3A_183 = tpu.memref_slice %arg7[%mul3A_2, %dma_wait3A_182] : memref<10112x128xf32, #tpu.memory_space<vmem_shared>> -> memref<632x128xf32, #tpu.memory_space<vmem_shared>>
        tpu.wait_dma2 semaphore(%run_scoped3A : memref<!tpu.dma_semaphore, #tpu.memory_space<semaphore_mem>>) src(%dma_wait3A_183 : memref<632x128xf32, #tpu.memory_space<vmem_shared>>) dst(%dma_wait3A_181 : memref<632x128xf32, #tpu.memory_space<hbm>>)
        tpu.yield
      }) : () -> ()
    } else {
    }
    %eq3A = arith.constant 15 : i32
    %eq3A_170 = arith.cmpi eq, %arg1, %eq3A : i32
    %convert_element_type3A_171 = arith.extui %eq3A_170 : i1 to i32
    %cond3A_172 = arith.constant 0 : i32
    %cond3A_173 = arith.cmpi ne, %convert_element_type3A_171, %cond3A_172 : i32
    scf.if %cond3A_173 {
      "tpu.region"() ({
        %run_scoped3A = tpu.sem_alloc : memref<!tpu.dma_semaphore, #tpu.memory_space<semaphore_mem>>
        %dma_start3A_174 = arith.constant 9480 : i32
        %dma_start3A_175 = arith.constant 0 : i32
        %dma_start3A_176 = tpu.memref_slice %arg6[%arg0, %dma_start3A_174, %dma_start3A_175] : memref<2x10000x128xf32, #tpu.memory_space<hbm>> -> memref<1x520x128xf32, #tpu.memory_space<hbm>>
        %dma_start3A_177 = tpu.memref_squeeze %dma_start3A_176 : memref<1x520x128xf32, #tpu.memory_space<hbm>> -> memref<520x128xf32, #tpu.memory_space<hbm>>
        %dma_start3A_178 = arith.constant 9480 : i32
        %dma_start3A_179 = arith.constant 0 : i32
        %dma_start3A_180 = tpu.memref_slice %arg7[%dma_start3A_178, %dma_start3A_179] : memref<10112x128xf32, #tpu.memory_space<vmem_shared>> -> memref<520x128xf32, #tpu.memory_space<vmem_shared>>
        tpu.enqueue_dma source(%dma_start3A_180 : memref<520x128xf32, #tpu.memory_space<vmem_shared>>) target(%dma_start3A_177 : memref<520x128xf32, #tpu.memory_space<hbm>>) target_semaphore(%run_scoped3A : memref<!tpu.dma_semaphore, #tpu.memory_space<semaphore_mem>>)
        %dma_wait3A_181 = arith.constant 9480 : i32
        %dma_wait3A_182 = arith.constant 0 : i32
        %dma_wait3A_183 = tpu.memref_slice %arg6[%arg0, %dma_wait3A_181, %dma_wait3A_182] : memref<2x10000x128xf32, #tpu.memory_space<hbm>> -> memref<1x520x128xf32, #tpu.memory_space<hbm>>
        %dma_wait3A_184 = tpu.memref_squeeze %dma_wait3A_183 : memref<1x520x128xf32, #tpu.memory_space<hbm>> -> memref<520x128xf32, #tpu.memory_space<hbm>>
        %dma_wait3A_185 = arith.constant 9480 : i32
        %dma_wait3A_186 = arith.constant 0 : i32
        %dma_wait3A_187 = tpu.memref_slice %arg7[%dma_wait3A_185, %dma_wait3A_186] : memref<10112x128xf32, #tpu.memory_space<vmem_shared>> -> memref<520x128xf32, #tpu.memory_space<vmem_shared>>
        tpu.wait_dma2 semaphore(%run_scoped3A : memref<!tpu.dma_semaphore, #tpu.memory_space<semaphore_mem>>) src(%dma_wait3A_187 : memref<520x128xf32, #tpu.memory_space<vmem_shared>>) dst(%dma_wait3A_184 : memref<520x128xf32, #tpu.memory_space<hbm>>)
        tpu.yield
      }) : () -> ()
    } else {
    }
    return
  }
}

module attributes {stable_mosaic.version = 14 : i64} {
  func.func @_edge_proj_kernel(%arg0: i32, %arg1: memref<3200x16xf32, #tpu.memory_space<vmem>>, %arg2: memref<16x128xf32, #tpu.memory_space<vmem>>, %arg3: memref<1x128xf32, #tpu.memory_space<vmem>>, %arg4: memref<2x3200xi32, #tpu.memory_space<vmem>>, %arg5: memref<2x3200xi32, #tpu.memory_space<vmem>>, %arg6: memref<3200x128xf32, #tpu.memory_space<vmem>>, %arg7: memref<1x3200xi32, #tpu.memory_space<vmem>>, %arg8: memref<1x3200xi32, #tpu.memory_space<vmem>>) attributes {dimension_semantics = [#tpu.dimension_semantics<arbitrary>], iteration_bounds = array<i64: 100>, scalar_prefetch = 0 : i64, scratch_operands = 0 : i64, tpu.core_type = #tpu.core_type<tc>, window_params = [{transform_indices = @transform_0, window_bounds = array<i64: 3200, 16>}, {pipeline_mode = #tpu.pipeline_mode<synchronous>, transform_indices = @transform_1, window_bounds = array<i64: 16, 128>}, {pipeline_mode = #tpu.pipeline_mode<synchronous>, transform_indices = @transform_2, window_bounds = array<i64: 1, 128>}, {transform_indices = @transform_3, window_bounds = array<i64: 2, 3200>}, {transform_indices = @transform_4, window_bounds = array<i64: 2, 3200>}, {transform_indices = @transform_5, window_bounds = array<i64: 3200, 128>}, {transform_indices = @transform_6, window_bounds = array<i64: 1, 3200>}, {transform_indices = @transform_7, window_bounds = array<i64: 1, 3200>}]} {
    %get3A = arith.constant 0 : index
    %get3A_0 = arith.constant 0 : index
    %get3A_1 = vector.load %arg1[%get3A, %get3A_0] : memref<3200x16xf32, #tpu.memory_space<vmem>>, vector<3200x16xf32>
    %get3A_2 = arith.constant 0 : index
    %get3A_3 = arith.constant 0 : index
    %get3A_4 = vector.load %arg2[%get3A_2, %get3A_3] : memref<16x128xf32, #tpu.memory_space<vmem>>, vector<16x128xf32>
    %dot_general3A = arith.constant dense<0.000000e+00> : vector<3200x128xf32>
    %dot_general3A_5 = tpu.matmul %get3A_1, %get3A_4, %dot_general3A {dimension_numbers = #tpu.dot_dimension_numbers<[1], [0], [0], [1], [0, 0, 1, 1], [], []>, transpose_lhs_hint = false} : vector<3200x16xf32>, vector<16x128xf32>, vector<3200x128xf32> -> vector<3200x128xf32>
    %get3A_6 = arith.constant 0 : index
    %get3A_7 = arith.constant 0 : index
    %get3A_8 = vector.load %arg3[%get3A_6, %get3A_7] : memref<1x128xf32, #tpu.memory_space<vmem>>, vector<1x128xf32>
    %add3A = vector.broadcast %get3A_8 : vector<1x128xf32> to vector<3200x128xf32>
    %add3A_9 = arith.addf %dot_general3A_5, %add3A : vector<3200x128xf32>
    %swap3A = arith.constant 0 : index
    %swap3A_10 = arith.constant 0 : index
    %swap3A_11 = vector.load %arg6[%swap3A, %swap3A_10] : memref<3200x128xf32, #tpu.memory_space<vmem>>, vector<3200x128xf32>
    tpu.vector_store %arg6[%swap3A, %swap3A_10], %add3A_9 {strides = array<i32>} : memref<3200x128xf32, #tpu.memory_space<vmem>>, vector<3200x128xf32>,
    %jit3A = arith.constant 50 : i32
    %div3A = arith.divsi %arg0, %jit3A : i32
    %sign3A = arith.constant 0 : i32
    %sign3A_12 = arith.cmpi sgt, %arg0, %sign3A : i32
    %sign3A_13 = arith.extui %sign3A_12 : i1 to i32
    %sign3A_14 = arith.constant 0 : i32
    %sign3A_15 = arith.cmpi slt, %arg0, %sign3A_14 : i32
    %sign3A_16 = arith.extui %sign3A_15 : i1 to i32
    %sign3A_17 = arith.subi %sign3A_13, %sign3A_16 : i32
    %sign3A_18 = arith.constant 0 : i32
    %sign3A_19 = arith.cmpi sgt, %jit3A, %sign3A_18 : i32
    %sign3A_20 = arith.extui %sign3A_19 : i1 to i32
    %sign3A_21 = arith.constant 0 : i32
    %sign3A_22 = arith.cmpi slt, %jit3A, %sign3A_21 : i32
    %sign3A_23 = arith.extui %sign3A_22 : i1 to i32
    %sign3A_24 = arith.subi %sign3A_20, %sign3A_23 : i32
    %ne3A = arith.cmpi ne, %sign3A_17, %sign3A_24 : i32
    %rem3A = arith.remsi %arg0, %jit3A : i32
    %ne3A_25 = arith.constant 0 : i32
    %ne3A_26 = arith.cmpi ne, %rem3A, %ne3A_25 : i32
    %and3A = arith.andi %ne3A, %ne3A_26 : i1
    %sub3A = arith.constant 1 : i32
    %sub3A_27 = arith.subi %div3A, %sub3A : i32
    %select_n3A = arith.select %and3A, %sub3A_27, %div3A : i32
    %get3A_28 = arith.constant 0 : index
    %get3A_29 = arith.constant 0 : index
    %get3A_30 = vector.load %arg4[%get3A_28, %get3A_29] : memref<2x3200xi32, #tpu.memory_space<vmem>>, vector<2x3200xi32>
    %slice3A = vector.extract_strided_slice %get3A_30 {offsets = [0, 0], sizes = [1, 3200], strides = [1, 1]} : vector<2x3200xi32> to vector<1x3200xi32>
    %squeeze3A = vector.shape_cast %slice3A : vector<1x3200xi32> to vector<3200xi32>
    %eq3A = arith.constant 1 : i32
    %eq3A_31 = arith.cmpi eq, %select_n3A, %eq3A : i32
    %slice3A_32 = vector.extract_strided_slice %get3A_30 {offsets = [1, 0], sizes = [1, 3200], strides = [1, 1]} : vector<2x3200xi32> to vector<1x3200xi32>
    %squeeze3A_33 = vector.shape_cast %slice3A_32 : vector<1x3200xi32> to vector<3200xi32>
    %select_n3A_34 = arith.select %eq3A_31, %squeeze3A_33, %squeeze3A : vector<3200xi32>
    %broadcast_in_dim3A = vector.shape_cast %select_n3A_34 : vector<3200xi32> to vector<1x3200xi32>
    %swap3A_35 = arith.constant 0 : index
    %swap3A_36 = arith.constant 0 : index
    %swap3A_37 = vector.load %arg7[%swap3A_35, %swap3A_36] : memref<1x3200xi32, #tpu.memory_space<vmem>>, vector<1x3200xi32>
    tpu.vector_store %arg7[%swap3A_35, %swap3A_36], %broadcast_in_dim3A {strides = array<i32>} : memref<1x3200xi32, #tpu.memory_space<vmem>>, vector<1x3200xi32>,
    %get3A_38 = arith.constant 0 : index
    %get3A_39 = arith.constant 0 : index
    %get3A_40 = vector.load %arg5[%get3A_38, %get3A_39] : memref<2x3200xi32, #tpu.memory_space<vmem>>, vector<2x3200xi32>
    %slice3A_41 = vector.extract_strided_slice %get3A_40 {offsets = [0, 0], sizes = [1, 3200], strides = [1, 1]} : vector<2x3200xi32> to vector<1x3200xi32>
    %squeeze3A_42 = vector.shape_cast %slice3A_41 : vector<1x3200xi32> to vector<3200xi32>
    %eq3A_43 = arith.constant 1 : i32
    %eq3A_44 = arith.cmpi eq, %select_n3A, %eq3A_43 : i32
    %slice3A_45 = vector.extract_strided_slice %get3A_40 {offsets = [1, 0], sizes = [1, 3200], strides = [1, 1]} : vector<2x3200xi32> to vector<1x3200xi32>
    %squeeze3A_46 = vector.shape_cast %slice3A_45 : vector<1x3200xi32> to vector<3200xi32>
    %select_n3A_47 = arith.select %eq3A_44, %squeeze3A_46, %squeeze3A_42 : vector<3200xi32>
    %broadcast_in_dim3A_48 = vector.shape_cast %select_n3A_47 : vector<3200xi32> to vector<1x3200xi32>
    %swap3A_49 = arith.constant 0 : index
    %swap3A_50 = arith.constant 0 : index
    %swap3A_51 = vector.load %arg8[%swap3A_49, %swap3A_50] : memref<1x3200xi32, #tpu.memory_space<vmem>>, vector<1x3200xi32>
    tpu.vector_store %arg8[%swap3A_49, %swap3A_50], %broadcast_in_dim3A_48 {strides = array<i32>} : memref<1x3200xi32, #tpu.memory_space<vmem>>, vector<1x3200xi32>,
    return
  }
  func.func @transform_0(%arg0: i32) -> (i32, i32) {
    %jit3A = arith.constant 50 : i32
    %div3A = arith.divsi %arg0, %jit3A : i32
    %sign3A = arith.constant 0 : i32
    %sign3A_0 = arith.cmpi sgt, %arg0, %sign3A : i32
    %sign3A_1 = arith.extui %sign3A_0 : i1 to i32
    %sign3A_2 = arith.constant 0 : i32
    %sign3A_3 = arith.cmpi slt, %arg0, %sign3A_2 : i32
    %sign3A_4 = arith.extui %sign3A_3 : i1 to i32
    %sign3A_5 = arith.subi %sign3A_1, %sign3A_4 : i32
    %sign3A_6 = arith.constant 0 : i32
    %sign3A_7 = arith.cmpi sgt, %jit3A, %sign3A_6 : i32
    %sign3A_8 = arith.extui %sign3A_7 : i1 to i32
    %sign3A_9 = arith.constant 0 : i32
    %sign3A_10 = arith.cmpi slt, %jit3A, %sign3A_9 : i32
    %sign3A_11 = arith.extui %sign3A_10 : i1 to i32
    %sign3A_12 = arith.subi %sign3A_8, %sign3A_11 : i32
    %ne3A = arith.cmpi ne, %sign3A_5, %sign3A_12 : i32
    %rem3A = arith.remsi %arg0, %jit3A : i32
    %ne3A_13 = arith.constant 0 : i32
    %ne3A_14 = arith.cmpi ne, %rem3A, %ne3A_13 : i32
    %and3A = arith.andi %ne3A, %ne3A_14 : i1
    %sub3A = arith.constant 1 : i32
    %sub3A_15 = arith.subi %div3A, %sub3A : i32
    %select_n3A = arith.select %and3A, %sub3A_15, %div3A : i32
    %mul3A = arith.constant 100 : i32
    %mul3A_16 = arith.muli %select_n3A, %mul3A : i32
    %add3A = arith.constant 50 : i32
    %add3A_17 = arith.addi %mul3A_16, %add3A : i32
    %jit3A_18 = arith.constant 50 : i32
    %eq3A = arith.constant 0 : i32
    %eq3A_19 = arith.cmpi eq, %jit3A_18, %eq3A : i32
    %jit3A_20 = arith.constant 1 : i32
    %select_n3A_21 = arith.select %eq3A_19, %jit3A_20, %jit3A_18 : i32
    %rem3A_22 = arith.remsi %arg0, %select_n3A_21 : i32
    %ne3A_23 = arith.constant 0 : i32
    %ne3A_24 = arith.cmpi ne, %rem3A_22, %ne3A_23 : i32
    %lt3A = arith.constant 0 : i32
    %lt3A_25 = arith.cmpi slt, %rem3A_22, %lt3A : i32
    %lt3A_26 = arith.constant 0 : i32
    %lt3A_27 = arith.cmpi slt, %select_n3A_21, %lt3A_26 : i32
    %ne3A_28 = arith.xori %lt3A_25, %lt3A_27 : i1
    %and3A_29 = arith.andi %ne3A_28, %ne3A_24 : i1
    %add3A_30 = arith.addi %rem3A_22, %select_n3A_21 : i32
    %select_n3A_31 = arith.select %and3A_29, %add3A_30, %rem3A_22 : i32
    %add3A_32 = arith.addi %add3A_17, %select_n3A_31 : i32
    %c0_i32 = arith.constant 0 : i32
    %c0_i32_33 = arith.constant 0 : i32
    return %add3A_32, %c0_i32 : i32, i32
  }
  func.func @transform_1(%arg0: i32) -> (i32, i32) {
    %c0_i32 = arith.constant 0 : i32
    %c0_i32_0 = arith.constant 0 : i32
    %c0_i32_1 = arith.constant 0 : i32
    return %c0_i32, %c0_i32_0 : i32, i32
  }
  func.func @transform_2(%arg0: i32) -> (i32, i32) {
    %c0_i32 = arith.constant 0 : i32
    %c0_i32_0 = arith.constant 0 : i32
    %c0_i32_1 = arith.constant 0 : i32
    return %c0_i32, %c0_i32_0 : i32, i32
  }
  func.func @transform_3(%arg0: i32) -> (i32, i32) {
    %jit3A = arith.constant 50 : i32
    %eq3A = arith.constant 0 : i32
    %eq3A_0 = arith.cmpi eq, %jit3A, %eq3A : i32
    %jit3A_1 = arith.constant 1 : i32
    %select_n3A = arith.select %eq3A_0, %jit3A_1, %jit3A : i32
    %rem3A = arith.remsi %arg0, %select_n3A : i32
    %ne3A = arith.constant 0 : i32
    %ne3A_2 = arith.cmpi ne, %rem3A, %ne3A : i32
    %lt3A = arith.constant 0 : i32
    %lt3A_3 = arith.cmpi slt, %rem3A, %lt3A : i32
    %lt3A_4 = arith.constant 0 : i32
    %lt3A_5 = arith.cmpi slt, %select_n3A, %lt3A_4 : i32
    %ne3A_6 = arith.xori %lt3A_3, %lt3A_5 : i1
    %and3A = arith.andi %ne3A_6, %ne3A_2 : i1
    %add3A = arith.addi %rem3A, %select_n3A : i32
    %select_n3A_7 = arith.select %and3A, %add3A, %rem3A : i32
    %add3A_8 = arith.constant 50 : i32
    %add3A_9 = arith.addi %add3A_8, %select_n3A_7 : i32
    %c0_i32 = arith.constant 0 : i32
    %c0_i32_10 = arith.constant 0 : i32
    return %c0_i32, %add3A_9 : i32, i32
  }
  func.func @transform_4(%arg0: i32) -> (i32, i32) {
    %jit3A = arith.constant 50 : i32
    %eq3A = arith.constant 0 : i32
    %eq3A_0 = arith.cmpi eq, %jit3A, %eq3A : i32
    %jit3A_1 = arith.constant 1 : i32
    %select_n3A = arith.select %eq3A_0, %jit3A_1, %jit3A : i32
    %rem3A = arith.remsi %arg0, %select_n3A : i32
    %ne3A = arith.constant 0 : i32
    %ne3A_2 = arith.cmpi ne, %rem3A, %ne3A : i32
    %lt3A = arith.constant 0 : i32
    %lt3A_3 = arith.cmpi slt, %rem3A, %lt3A : i32
    %lt3A_4 = arith.constant 0 : i32
    %lt3A_5 = arith.cmpi slt, %select_n3A, %lt3A_4 : i32
    %ne3A_6 = arith.xori %lt3A_3, %lt3A_5 : i1
    %and3A = arith.andi %ne3A_6, %ne3A_2 : i1
    %add3A = arith.addi %rem3A, %select_n3A : i32
    %select_n3A_7 = arith.select %and3A, %add3A, %rem3A : i32
    %add3A_8 = arith.constant 50 : i32
    %add3A_9 = arith.addi %add3A_8, %select_n3A_7 : i32
    %c0_i32 = arith.constant 0 : i32
    %c0_i32_10 = arith.constant 0 : i32
    return %c0_i32, %add3A_9 : i32, i32
  }
  func.func @transform_5(%arg0: i32) -> (i32, i32) {
    %c0_i32 = arith.constant 0 : i32
    %c0_i32_0 = arith.constant 0 : i32
    return %arg0, %c0_i32 : i32, i32
  }
  func.func @transform_6(%arg0: i32) -> (i32, i32) {
    %c0_i32 = arith.constant 0 : i32
    %c0_i32_0 = arith.constant 0 : i32
    return %c0_i32, %arg0 : i32, i32
  }
  func.func @transform_7(%arg0: i32) -> (i32, i32) {
    %c0_i32 = arith.constant 0 : i32
    %c0_i32_0 = arith.constant 0 : i32
    return %c0_i32, %arg0 : i32, i32
  }
}

module attributes {stable_mosaic.version = 14 : i64} {
  func.func @_edge_proj_kernel(%arg0: i32, %arg1: memref<3200x16xf32, #tpu.memory_space<vmem>>, %arg2: memref<16x128xf32, #tpu.memory_space<vmem>>, %arg3: memref<1x128xf32, #tpu.memory_space<vmem>>, %arg4: memref<2x3200xi32, #tpu.memory_space<vmem>>, %arg5: memref<2x3200xi32, #tpu.memory_space<vmem>>, %arg6: memref<3200x128xf32, #tpu.memory_space<vmem>>, %arg7: memref<1x3200xi32, #tpu.memory_space<vmem>>, %arg8: memref<1x3200xi32, #tpu.memory_space<vmem>>) attributes {dimension_semantics = [#tpu.dimension_semantics<arbitrary>], iteration_bounds = array<i64: 100>, scalar_prefetch = 0 : i64, scratch_operands = 0 : i64, tpu.core_type = #tpu.core_type<tc>, window_params = [{transform_indices = @transform_0, window_bounds = array<i64: 3200, 16>}, {pipeline_mode = #tpu.pipeline_mode<synchronous>, transform_indices = @transform_1, window_bounds = array<i64: 16, 128>}, {pipeline_mode = #tpu.pipeline_mode<synchronous>, transform_indices = @transform_2, window_bounds = array<i64: 1, 128>}, {transform_indices = @transform_3, window_bounds = array<i64: 2, 3200>}, {transform_indices = @transform_4, window_bounds = array<i64: 2, 3200>}, {transform_indices = @transform_5, window_bounds = array<i64: 3200, 128>}, {transform_indices = @transform_6, window_bounds = array<i64: 1, 3200>}, {transform_indices = @transform_7, window_bounds = array<i64: 1, 3200>}]} {
    %get3A = arith.constant 0 : index
    %get3A_0 = arith.constant 0 : index
    %get3A_1 = vector.load %arg1[%get3A, %get3A_0] : memref<3200x16xf32, #tpu.memory_space<vmem>>, vector<3200x16xf32>
    %get3A_2 = arith.constant 0 : index
    %get3A_3 = arith.constant 0 : index
    %get3A_4 = vector.load %arg2[%get3A_2, %get3A_3] : memref<16x128xf32, #tpu.memory_space<vmem>>, vector<16x128xf32>
    %dot_general3A = arith.constant dense<0.000000e+00> : vector<3200x128xf32>
    %dot_general3A_5 = tpu.matmul %get3A_1, %get3A_4, %dot_general3A {dimension_numbers = #tpu.dot_dimension_numbers<[1], [0], [0], [1], [0, 0, 1, 1], [], []>, transpose_lhs_hint = false} : vector<3200x16xf32>, vector<16x128xf32>, vector<3200x128xf32> -> vector<3200x128xf32>
    %get3A_6 = arith.constant 0 : index
    %get3A_7 = arith.constant 0 : index
    %get3A_8 = vector.load %arg3[%get3A_6, %get3A_7] : memref<1x128xf32, #tpu.memory_space<vmem>>, vector<1x128xf32>
    %add3A = vector.broadcast %get3A_8 : vector<1x128xf32> to vector<3200x128xf32>
    %add3A_9 = arith.addf %dot_general3A_5, %add3A : vector<3200x128xf32>
    %swap3A = arith.constant 0 : index
    %swap3A_10 = arith.constant 0 : index
    %swap3A_11 = vector.load %arg6[%swap3A, %swap3A_10] : memref<3200x128xf32, #tpu.memory_space<vmem>>, vector<3200x128xf32>
    tpu.vector_store %arg6[%swap3A, %swap3A_10], %add3A_9 {strides = array<i32>} : memref<3200x128xf32, #tpu.memory_space<vmem>>, vector<3200x128xf32>,
    %jit3A = arith.constant 50 : i32
    %div3A = arith.divsi %arg0, %jit3A : i32
    %sign3A = arith.constant 0 : i32
    %sign3A_12 = arith.cmpi sgt, %arg0, %sign3A : i32
    %sign3A_13 = arith.extui %sign3A_12 : i1 to i32
    %sign3A_14 = arith.constant 0 : i32
    %sign3A_15 = arith.cmpi slt, %arg0, %sign3A_14 : i32
    %sign3A_16 = arith.extui %sign3A_15 : i1 to i32
    %sign3A_17 = arith.subi %sign3A_13, %sign3A_16 : i32
    %sign3A_18 = arith.constant 0 : i32
    %sign3A_19 = arith.cmpi sgt, %jit3A, %sign3A_18 : i32
    %sign3A_20 = arith.extui %sign3A_19 : i1 to i32
    %sign3A_21 = arith.constant 0 : i32
    %sign3A_22 = arith.cmpi slt, %jit3A, %sign3A_21 : i32
    %sign3A_23 = arith.extui %sign3A_22 : i1 to i32
    %sign3A_24 = arith.subi %sign3A_20, %sign3A_23 : i32
    %ne3A = arith.cmpi ne, %sign3A_17, %sign3A_24 : i32
    %rem3A = arith.remsi %arg0, %jit3A : i32
    %ne3A_25 = arith.constant 0 : i32
    %ne3A_26 = arith.cmpi ne, %rem3A, %ne3A_25 : i32
    %and3A = arith.andi %ne3A, %ne3A_26 : i1
    %sub3A = arith.constant 1 : i32
    %sub3A_27 = arith.subi %div3A, %sub3A : i32
    %select_n3A = arith.select %and3A, %sub3A_27, %div3A : i32
    %get3A_28 = arith.constant 0 : index
    %get3A_29 = arith.constant 0 : index
    %get3A_30 = vector.load %arg4[%get3A_28, %get3A_29] : memref<2x3200xi32, #tpu.memory_space<vmem>>, vector<2x3200xi32>
    %slice3A = vector.extract_strided_slice %get3A_30 {offsets = [0, 0], sizes = [1, 3200], strides = [1, 1]} : vector<2x3200xi32> to vector<1x3200xi32>
    %squeeze3A = vector.shape_cast %slice3A : vector<1x3200xi32> to vector<3200xi32>
    %eq3A = arith.constant 1 : i32
    %eq3A_31 = arith.cmpi eq, %select_n3A, %eq3A : i32
    %slice3A_32 = vector.extract_strided_slice %get3A_30 {offsets = [1, 0], sizes = [1, 3200], strides = [1, 1]} : vector<2x3200xi32> to vector<1x3200xi32>
    %squeeze3A_33 = vector.shape_cast %slice3A_32 : vector<1x3200xi32> to vector<3200xi32>
    %select_n3A_34 = arith.select %eq3A_31, %squeeze3A_33, %squeeze3A : vector<3200xi32>
    %broadcast_in_dim3A = vector.shape_cast %select_n3A_34 : vector<3200xi32> to vector<1x3200xi32>
    %swap3A_35 = arith.constant 0 : index
    %swap3A_36 = arith.constant 0 : index
    %swap3A_37 = vector.load %arg7[%swap3A_35, %swap3A_36] : memref<1x3200xi32, #tpu.memory_space<vmem>>, vector<1x3200xi32>
    tpu.vector_store %arg7[%swap3A_35, %swap3A_36], %broadcast_in_dim3A {strides = array<i32>} : memref<1x3200xi32, #tpu.memory_space<vmem>>, vector<1x3200xi32>,
    %get3A_38 = arith.constant 0 : index
    %get3A_39 = arith.constant 0 : index
    %get3A_40 = vector.load %arg5[%get3A_38, %get3A_39] : memref<2x3200xi32, #tpu.memory_space<vmem>>, vector<2x3200xi32>
    %slice3A_41 = vector.extract_strided_slice %get3A_40 {offsets = [0, 0], sizes = [1, 3200], strides = [1, 1]} : vector<2x3200xi32> to vector<1x3200xi32>
    %squeeze3A_42 = vector.shape_cast %slice3A_41 : vector<1x3200xi32> to vector<3200xi32>
    %eq3A_43 = arith.constant 1 : i32
    %eq3A_44 = arith.cmpi eq, %select_n3A, %eq3A_43 : i32
    %slice3A_45 = vector.extract_strided_slice %get3A_40 {offsets = [1, 0], sizes = [1, 3200], strides = [1, 1]} : vector<2x3200xi32> to vector<1x3200xi32>
    %squeeze3A_46 = vector.shape_cast %slice3A_45 : vector<1x3200xi32> to vector<3200xi32>
    %select_n3A_47 = arith.select %eq3A_44, %squeeze3A_46, %squeeze3A_42 : vector<3200xi32>
    %broadcast_in_dim3A_48 = vector.shape_cast %select_n3A_47 : vector<3200xi32> to vector<1x3200xi32>
    %swap3A_49 = arith.constant 0 : index
    %swap3A_50 = arith.constant 0 : index
    %swap3A_51 = vector.load %arg8[%swap3A_49, %swap3A_50] : memref<1x3200xi32, #tpu.memory_space<vmem>>, vector<1x3200xi32>
    tpu.vector_store %arg8[%swap3A_49, %swap3A_50], %broadcast_in_dim3A_48 {strides = array<i32>} : memref<1x3200xi32, #tpu.memory_space<vmem>>, vector<1x3200xi32>,
    return
  }
  func.func @transform_0(%arg0: i32) -> (i32, i32) {
    %jit3A = arith.constant 50 : i32
    %div3A = arith.divsi %arg0, %jit3A : i32
    %sign3A = arith.constant 0 : i32
    %sign3A_0 = arith.cmpi sgt, %arg0, %sign3A : i32
    %sign3A_1 = arith.extui %sign3A_0 : i1 to i32
    %sign3A_2 = arith.constant 0 : i32
    %sign3A_3 = arith.cmpi slt, %arg0, %sign3A_2 : i32
    %sign3A_4 = arith.extui %sign3A_3 : i1 to i32
    %sign3A_5 = arith.subi %sign3A_1, %sign3A_4 : i32
    %sign3A_6 = arith.constant 0 : i32
    %sign3A_7 = arith.cmpi sgt, %jit3A, %sign3A_6 : i32
    %sign3A_8 = arith.extui %sign3A_7 : i1 to i32
    %sign3A_9 = arith.constant 0 : i32
    %sign3A_10 = arith.cmpi slt, %jit3A, %sign3A_9 : i32
    %sign3A_11 = arith.extui %sign3A_10 : i1 to i32
    %sign3A_12 = arith.subi %sign3A_8, %sign3A_11 : i32
    %ne3A = arith.cmpi ne, %sign3A_5, %sign3A_12 : i32
    %rem3A = arith.remsi %arg0, %jit3A : i32
    %ne3A_13 = arith.constant 0 : i32
    %ne3A_14 = arith.cmpi ne, %rem3A, %ne3A_13 : i32
    %and3A = arith.andi %ne3A, %ne3A_14 : i1
    %sub3A = arith.constant 1 : i32
    %sub3A_15 = arith.subi %div3A, %sub3A : i32
    %select_n3A = arith.select %and3A, %sub3A_15, %div3A : i32
    %mul3A = arith.constant 100 : i32
    %mul3A_16 = arith.muli %select_n3A, %mul3A : i32
    %add3A = arith.constant 0 : i32
    %add3A_17 = arith.addi %mul3A_16, %add3A : i32
    %jit3A_18 = arith.constant 50 : i32
    %eq3A = arith.constant 0 : i32
    %eq3A_19 = arith.cmpi eq, %jit3A_18, %eq3A : i32
    %jit3A_20 = arith.constant 1 : i32
    %select_n3A_21 = arith.select %eq3A_19, %jit3A_20, %jit3A_18 : i32
    %rem3A_22 = arith.remsi %arg0, %select_n3A_21 : i32
    %ne3A_23 = arith.constant 0 : i32
    %ne3A_24 = arith.cmpi ne, %rem3A_22, %ne3A_23 : i32
    %lt3A = arith.constant 0 : i32
    %lt3A_25 = arith.cmpi slt, %rem3A_22, %lt3A : i32
    %lt3A_26 = arith.constant 0 : i32
    %lt3A_27 = arith.cmpi slt, %select_n3A_21, %lt3A_26 : i32
    %ne3A_28 = arith.xori %lt3A_25, %lt3A_27 : i1
    %and3A_29 = arith.andi %ne3A_28, %ne3A_24 : i1
    %add3A_30 = arith.addi %rem3A_22, %select_n3A_21 : i32
    %select_n3A_31 = arith.select %and3A_29, %add3A_30, %rem3A_22 : i32
    %add3A_32 = arith.addi %add3A_17, %select_n3A_31 : i32
    %c0_i32 = arith.constant 0 : i32
    %c0_i32_33 = arith.constant 0 : i32
    return %add3A_32, %c0_i32 : i32, i32
  }
  func.func @transform_1(%arg0: i32) -> (i32, i32) {
    %c0_i32 = arith.constant 0 : i32
    %c0_i32_0 = arith.constant 0 : i32
    %c0_i32_1 = arith.constant 0 : i32
    return %c0_i32, %c0_i32_0 : i32, i32
  }
  func.func @transform_2(%arg0: i32) -> (i32, i32) {
    %c0_i32 = arith.constant 0 : i32
    %c0_i32_0 = arith.constant 0 : i32
    %c0_i32_1 = arith.constant 0 : i32
    return %c0_i32, %c0_i32_0 : i32, i32
  }
  func.func @transform_3(%arg0: i32) -> (i32, i32) {
    %jit3A = arith.constant 50 : i32
    %eq3A = arith.constant 0 : i32
    %eq3A_0 = arith.cmpi eq, %jit3A, %eq3A : i32
    %jit3A_1 = arith.constant 1 : i32
    %select_n3A = arith.select %eq3A_0, %jit3A_1, %jit3A : i32
    %rem3A = arith.remsi %arg0, %select_n3A : i32
    %ne3A = arith.constant 0 : i32
    %ne3A_2 = arith.cmpi ne, %rem3A, %ne3A : i32
    %lt3A = arith.constant 0 : i32
    %lt3A_3 = arith.cmpi slt, %rem3A, %lt3A : i32
    %lt3A_4 = arith.constant 0 : i32
    %lt3A_5 = arith.cmpi slt, %select_n3A, %lt3A_4 : i32
    %ne3A_6 = arith.xori %lt3A_3, %lt3A_5 : i1
    %and3A = arith.andi %ne3A_6, %ne3A_2 : i1
    %add3A = arith.addi %rem3A, %select_n3A : i32
    %select_n3A_7 = arith.select %and3A, %add3A, %rem3A : i32
    %add3A_8 = arith.constant 0 : i32
    %add3A_9 = arith.addi %add3A_8, %select_n3A_7 : i32
    %c0_i32 = arith.constant 0 : i32
    %c0_i32_10 = arith.constant 0 : i32
    return %c0_i32, %add3A_9 : i32, i32
  }
  func.func @transform_4(%arg0: i32) -> (i32, i32) {
    %jit3A = arith.constant 50 : i32
    %eq3A = arith.constant 0 : i32
    %eq3A_0 = arith.cmpi eq, %jit3A, %eq3A : i32
    %jit3A_1 = arith.constant 1 : i32
    %select_n3A = arith.select %eq3A_0, %jit3A_1, %jit3A : i32
    %rem3A = arith.remsi %arg0, %select_n3A : i32
    %ne3A = arith.constant 0 : i32
    %ne3A_2 = arith.cmpi ne, %rem3A, %ne3A : i32
    %lt3A = arith.constant 0 : i32
    %lt3A_3 = arith.cmpi slt, %rem3A, %lt3A : i32
    %lt3A_4 = arith.constant 0 : i32
    %lt3A_5 = arith.cmpi slt, %select_n3A, %lt3A_4 : i32
    %ne3A_6 = arith.xori %lt3A_3, %lt3A_5 : i1
    %and3A = arith.andi %ne3A_6, %ne3A_2 : i1
    %add3A = arith.addi %rem3A, %select_n3A : i32
    %select_n3A_7 = arith.select %and3A, %add3A, %rem3A : i32
    %add3A_8 = arith.constant 0 : i32
    %add3A_9 = arith.addi %add3A_8, %select_n3A_7 : i32
    %c0_i32 = arith.constant 0 : i32
    %c0_i32_10 = arith.constant 0 : i32
    return %c0_i32, %add3A_9 : i32, i32
  }
  func.func @transform_5(%arg0: i32) -> (i32, i32) {
    %c0_i32 = arith.constant 0 : i32
    %c0_i32_0 = arith.constant 0 : i32
    return %arg0, %c0_i32 : i32, i32
  }
  func.func @transform_6(%arg0: i32) -> (i32, i32) {
    %c0_i32 = arith.constant 0 : i32
    %c0_i32_0 = arith.constant 0 : i32
    return %c0_i32, %arg0 : i32, i32
  }
  func.func @transform_7(%arg0: i32) -> (i32, i32) {
    %c0_i32 = arith.constant 0 : i32
    %c0_i32_0 = arith.constant 0 : i32
    return %c0_i32, %arg0 : i32, i32
  }
}

</mosaic_0001>

<sc_bundles>
// kernel: kernel.6.cloned.1.call-start
scs
__scs_entry_jumppad:
0x0: {  	(pc) =	sbr.rel $0x88, $3  }
0x1: {  	(tag) =	ssettag $0x0;
	lr =	simm.s32 $0x1  }
0x2: {  	[smem:$0x3F9B] =	sst lr;
	_ =	strace $0xD0000000  }
0x3: {  	_ = 	snop  }
0x4: {  	_ = 	snop  }
0x5: {  	_ = 	snop  }
0x6: {  	_ = 	snop  }
0x7: {  	_ = 	snop  }
__scs_overlays_trampoline_lowered:
0x8: {  	[smem:$0x3FAA] =	sst s0  }
0x9: {  	[smem:$0x3FAB] =	sst s1  }
0xa: {  	[smem:$0x3FAC] =	sst s2  }
0xb: {  	[smem:$0x3FAD] =	sst s3  }
0xc: {  	[smem:$0x3FAE] =	sst s4  }
0xd: {  	[smem:$0x3FAF] =	sst s5  }
0xe: {  	[smem:$0x3FB0] =	sst s6  }
0xf: {  	[smem:$0x3FB1] =	sst s7  }
0x10: {  	[smem:$0x3FB2] =	sst s8  }
0x11: {  	[smem:$0x3FB3] =	sst s9;
	s0 =	simm.s32 @!p0 $0x0  }
0x12: {  	s1 =	sld [smem:$0x3F99];
	s0 =	simm.s32 @p0 $0x1  }
0x13: {  	[smem:$0x3FB4] =	sst s0;
	s0 =	simm.s32 @!p1 $0x0  }
0x14: {  	s2 =	sld [smem:$0x3F98];
	s0 =	simm.s32 @p1 $0x1  }
0x15: {  	[smem:$0x3FB5] =	sst s0;
	s0 =	simm.s32 @!p2 $0x0  }
0x16: {  	s3 =	sld [smem:$0x3FDB];
	s0 =	simm.s32 @p2 $0x1  }
0x17: {  	s4 =	simm.s32 $0x1BF5;
	[smem:$0x3FB7] =	sst s0  }
0x18: {  	s0 =	sld [smem:$0x3F9A];
	_ =	swait.ge [sflag:s4], $0x0  }
0x19: {  	s7 =	sld [smem:$0x3F9B]  }
0x1a: {  	s8 =	sadd.s32 $0xFFFFE003, lr  }
0x1b: {  	s9 =	sadd.s32 $0xFFFFFEF7, lr;
	s5 =	simm.s32 $0xFFFFFFFF;
	p2 =	slt.u32 s8, $0xFFFFF086  }
0x1c: {  	p1 =	slt.u32 s9, $0xF7A;
	s5 =	simm.s32 @!p2 $0x0  }
0x1d: {  	s5 =	simm.s32 @p1 $0x1;
	p0 =	seq.s32 s7, s2  }
0x1e: {  	s7 =	smul.u32 @!p0 $0xF7A, s2;
	p2 =	seq.s32 @!p0 s5, $0x0  }
0x1f: {  	s9 =	smul.u32 $0xF7A, s1;
	s8 =	simm.s32 @!p0 $0x1BF5;
	p2 =	por !p2, p0  }
0x20: {  	[sflag:s8] =	ssyncset.s32 @!p0 $0xFFFFF086;
	s6 =	sadd.s32 @!p0 s3, s7;
	s7 =	simm.s32 @!p0 $0x108  }
0x21: {  	s3 =	sadd.s32 s3, s9;
	s6 =	sadd.s32 @!p0 $0x88, s6;
	s7 =	simm.s32 @p2 $0x1082  }
0x22: {  	[simem:s7], [sflag:s8] =	dma.local @!p0 [hbm:s6], $0xF7A  }
0x23: {  	s9 =	sor.u32 $0xD0000000, s2;
	s6 =	simm.s32 $0x108;
	_ =	swait.ge @!p0 [sflag:s8], $0x0  }
0x24: {  	s3 =	sadd.s32 $0x88, s3;
	s6 =	simm.s32 @!p1 $0x1082;
	[sflag:s4] =	ssyncset.s32 $0xFFFFF086  }
0x25: {  	[simem:s6], [sflag:s4] =	dma.local [hbm:s3], $0xF7A  }
0x26: {  	[smem:$0x3F9B] =	sst s1;
	(tag) =	ssettag s2;
	_ =	strace s9  }
0x27: {  	s1 =	sld [smem:$0x3FAB]  }
0x28: {  	s2 =	sld [smem:$0x3FAC]  }
0x29: {  	s4 =	sld [smem:$0x3FAE]  }
0x2a: {  	p0 =	seq.s32 s5, $0x0;
	s5 =	sld [smem:$0x3FAF]  }
0x2b: {  	s6 =	sld [smem:$0x3FB0]  }
0x2c: {  	s7 =	sld [smem:$0x3FB1]  }
0x2d: {  	s3 =	simm.s32 $0x108;
	s8 =	sld [smem:$0x3FB2]  }
0x2e: {  	s3 =	simm.s32 @!p0 $0x1082;
	s9 =	sld [smem:$0x3FB3]  }
0x2f: {  	lr =	sadd.s32 s0, s3;
	s0 =	sld [smem:$0x3FAA]  }
0x30: {  	s3 =	sld [smem:$0x3FAD]  }
0x31: {  	[smem:$0x3FB6] =	sst s10  }
0x32: {  	s10 =	sld [smem:$0x3FB4];
	_ =	sdelay $0x3  }
0x33: {  	p0 =	seq.s32 s10, $0x1;
	s10 =	sld [smem:$0x3FB6];
	_ =	sdelay $0x3  }
0x34: {  	[smem:$0x3FB6] =	sst s10  }
0x35: {  	s10 =	sld [smem:$0x3FB5];
	_ =	sdelay $0x3  }
0x36: {  	p1 =	seq.s32 s10, $0x1;
	s10 =	sld [smem:$0x3FB6];
	_ =	sdelay $0x3  }
0x37: {  	[smem:$0x3FB6] =	sst s10  }
0x38: {  	s10 =	sld [smem:$0x3FB7]  }
0x39: {  	_ = 	snop;
	(pc) =	sbr.ind lr, $3  }
0x3a: {  	_ = 	snop  }
0x3b: {  	_ = 	snop  }
0x3c: {  	p2 =	seq.s32 s10, $0x1;
	s10 =	sld [smem:$0x3FB6]  }
0x3d: {  	_ =	shalt  }
0x3e: {  	_ =	shalt  }
0x3f: {  	_ =	shalt  }
0x40: {  	_ =	shalt  }
0x41: {  	_ =	shalt  }
0x42: {  	_ =	shalt  }
0x43: {  	_ =	shalt  }
0x44: {  	_ =	shalt  }
0x45: {  	_ =	shalt  }
0x46: {  	_ =	shalt  }
0x47: {  	_ =	shalt  }
0x48: {  	_ =	shalt  }
0x49: {  	_ =	shalt  }
0x4a: {  	_ =	shalt  }
0x4b: {  	_ =	shalt  }
0x4c: {  	_ =	shalt  }
0x4d: {  	_ =	shalt  }
0x4e: {  	_ =	shalt  }
0x4f: {  	_ =	shalt  }
0x50: {  	_ =	shalt  }
0x51: {  	_ =	shalt  }
0x52: {  	_ =	shalt  }
0x53: {  	_ =	shalt  }
0x54: {  	_ =	shalt  }
0x55: {  	_ =	shalt  }
0x56: {  	_ =	shalt  }
0x57: {  	_ =	shalt  }
0x58: {  	_ =	shalt  }
0x59: {  	_ =	shalt  }
0x5a: {  	_ =	shalt  }
0x5b: {  	_ =	shalt  }
0x5c: {  	_ =	shalt  }
0x5d: {  	_ =	shalt  }
0x5e: {  	_ =	shalt  }
0x5f: {  	_ =	shalt  }
0x60: {  	_ =	shalt  }
0x61: {  	_ =	shalt  }
0x62: {  	_ =	shalt  }
0x63: {  	_ =	shalt  }
0x64: {  	_ =	shalt  }
0x65: {  	_ =	shalt  }
0x66: {  	_ =	shalt  }
0x67: {  	_ =	shalt  }
0x68: {  	_ =	shalt  }
0x69: {  	_ =	shalt  }
0x6a: {  	_ =	shalt  }
0x6b: {  	_ =	shalt  }
0x6c: {  	_ =	shalt  }
0x6d: {  	_ =	shalt  }
0x6e: {  	_ =	shalt  }
0x6f: {  	_ =	shalt  }
0x70: {  	_ =	shalt  }
0x71: {  	_ =	shalt  }
0x72: {  	_ =	shalt  }
0x73: {  	_ =	shalt  }
0x74: {  	_ =	shalt  }
0x75: {  	_ =	shalt  }
0x76: {  	_ =	shalt  }
0x77: {  	_ =	shalt  }
0x78: {  	_ =	shalt  }
0x79: {  	_ =	shalt  }
0x7a: {  	_ =	shalt  }
0x7b: {  	_ =	shalt  }
0x7c: {  	_ =	shalt  }
0x7d: {  	_ =	shalt  }
0x7e: {  	_ =	shalt  }
0x7f: {  	_ =	shalt  }
0x80: {  	_ =	shalt  }
0x81: {  	_ =	shalt  }
0x82: {  	_ =	shalt  }
0x83: {  	_ =	shalt  }
0x84: {  	_ =	shalt  }
0x85: {  	_ =	shalt  }
0x86: {  	_ =	shalt  }
0x87: {  	_ =	shalt  }
.Lfunc_end0:
.L_simem_size_0:
called_computation_lowered:
.L_overlay_start_0:
0x88: {  	s2 =	sld [smem:$0x3FD9]  }
0x89: {  	s3 =	sld [smem:$0x3FFE];
	_ =	sdelay $0x1  }
0x8a: {  	s1 =	srdreg.scid  }
0x8b: {  	s0 =	sand.u32 $0x1, s1  }
0x8c: {  	s17 =	sshll.u32 s0, $0xA;
	s2 =	sadd.s32 s3, s2  }
0x8d: {  	s2 =	sadd.s32 s2, s17  }
0x8e: {  	[smem:$0x3FC2] =	sst s2  }
0x8f: {  	_ = 	snop  }
0x90: {  	s2 =	sld [smem:$0x3FC9]  }
0x91: {  	s18 =	sld [smem:$0x3FD0];
	(tm) =	ssettm $0x1  }
0x92: {  	s4 =	sld [smem:$0x3FFB];
	_ =	sdelay $0x3  }
0x93: {  	_ =	strace s4  }
0x94: {  	s4 =	sld [smem:$0x3FFC];
	_ =	sdelay $0x3  }
0x95: {  	_ =	strace s4  }
0x96: {  	s4 =	sld [smem:$0x3FFD];
	_ =	sdelay $0x3  }
0x97: {  	_ =	strace s4  }
0x98: {  	_ =	strace $0x8FFFFFFF  }
0x99: {  	s19 =	sld [smem:$0x3FDB];
	_ =	sdelay $0x1  }
0x9a: {  	s5 =	simm.s32 $_scs_section_size  }
0x9b: {  	s6 =	simm.s32 $_size__tile_overlayer_lowered;
	s7 =	simm.s32 $_tile_overlayer_lowered  }
0x9c: {  	s22 =	simm.s32 $0x1BFF;
	s21 =	sshll.u32 s7, $0x1;
	s4 =	sadd.s32 s5, s19  }
0x9d: {  	s8 =	simm.s32 $0x0;
	s20 =	sshll.u32 s6, $0x1;
	s6 =	sadd.s32 s21, s4  }
0x9e: {  	[timem:s8], [sflag:s22] =	dma.local [hbm:s6], s20  }
0x9f: {  	_ =	swait.ge [sflag:s22], s20  }
0xa0: {  	s5 =	ssub.s32 $0x0, s20;
	[sflag:s22] =	ssyncset.done $0x0  }
0xa1: {  	[sflag:s22] =	ssyncadd.s32 s5;
	_ =	sdelay $0x1  }
0xa2: {  	s23 =	simm.s32 $0x1B8B  }
0xa3: {  	_ =	swait.ge [sflag:s23], $0x1  }
0xa4: {  	[sflag:s23] =	ssyncset.done $0x0  }
0xa5: {  	s25 =	simm.s32 $0x1B8E;
	s24 =	sld [smem:$0x3FFE];
	[sflag:s23] =	ssyncadd.s32 $0xFFFFFFFF  }
0xa6: {  	s26 =	simm.s32 $execute0_lowered;
	[smem:$0x3FD2] =	sst s25  }
0xa7: {  	s6 =	sshll.u32 s26, $0x1;
	_ =	strace $0x80000046;
	[dreg:$0x1] =	wrdreg $0xFFFFFFFF  }
0xa8: {  	s28 =	simm.s32 $_size_execute0_lowered;
	s4 =	sadd.s32 s4, s6;
	[dreg:$0x0] =	wrdreg $0x0  }
0xa9: {  	s6 =	sshll.u32 s28, $0x1;
	[dreg:$0x2] =	wrdreg s4  }
0xaa: {  	[dreg:$0x3] =	wrdreg s6  }
0xab: {  	[dreg:$0x4] =	wrdreg $0xC0  }
0xac: {  	_ =	task [dreg:s8], $0x5FFFF  }
0xad: {  	[dreg:$0x1] =	wrdreg $0xFFFFFFFF  }
0xae: {  	[dreg:$0x0] =	wrdreg $0x60  }
0xaf: {  	[dreg:$0x2] =	wrdreg s2  }
0xb0: {  	[dreg:$0x3] =	wrdreg s24  }
0xb1: {  	[dreg:$0x4] =	wrdreg s18  }
0xb2: {  	[dreg:$0x5] =	wrdreg $0x0  }
0xb3: {  	[dreg:$0x6] =	wrdreg $0x9  }
0xb4: {  	_ =	task.clear_ibuf [dreg:s8], $0x7FFFF;
	_ =	strace $0x90000046  }
0xb5: {  	s29 =	simm.s32 $0x9;
	_ =	strace $0x80000048  }
0xb6: {  	_ =	swait.ge [sflag:s29], $0x1  }
0xb7: {  	[sflag:s29] =	ssyncadd.s32 $0xFFFFFFFF  }
0xb8: {  	_ =	strace $0x90000048  }
0xb9: {  	_ =	sfence  }
0xba: {  	s30 =	sld [smem:$0x0];
	_ =	sdelay $0x2  }
0xbb: {  	s31 =	sshll.u32 s1, $0xD;
	s1 =	sshrl.u32 s1, $0x2  }
0xbc: {  	s3 =	sand.u32 $0x4000, s31;
	s1 =	sadd.s32 s1, s30  }
0xbd: {  	s0 =	sor.u32 s3, s0;
	s1 =	sshll.u32 s1, $0x11  }
0xbe: {  	s0 =	sor.u32 s1, s0  }
0xbf: {  	s0 =	sadd.s32 $0x8F2B, s0  }
0xc0: {  	[sflag:s0] =	ssyncadd.remote.s32 $0x1  }
0xc1: {  	_ =	sfence.sel $0xFFFF  }
0xc2: {  	[dreg:$0x0] =	wrdreg $0xFFFFFFFF;
	(pc) =	sbr.abs _section_cstart, $3  }
0xc3: {  	[dreg:$0x1] =	wrdreg $0xFFFFFFFF  }
0xc4: {  	_ =	task.clear_ibuf [dreg:s8], $0x2FFFF;
	_ =	strace $0x9FFFFFFF  }
0xc5: {  	(tm) =	ssettm $0x7FFFFFFF  }
tec
execute0_lowered:
.L_overlay_start_1:
0x0: {  	(tag) =	ssettag $0x1  }
0x1: {  	s1 =	rddreg [dreg:$0x0]  }
0x2: {  	s0 =	rddreg [dreg:$0x1]  }
0x3: {  	s2 =	rddreg [dreg:$0x2]  }
0x4: {  	s4 =	rddreg [dreg:$0x3];
	s5 =	simm.s32 $0x0  }
0x5: {  	s14 =	stileid.u32;
	s3 =	srdreg.scid;
	s29 =	simm.s32 $0x3  }
0x6: {  	s30 =	simm.s32 $0x7;
	s31 =	simm.s32 $0xF;
	s8 =	smul.u32 $0x4F000, s14  }
0x7: {  	[smem:$0x7FF] =	sst s5;
	s6 =	sadd.s32 $0x9C4600, s0;
	s15 =	smul.u32 $0x2710, s14  }
0x8: {  	s9 =	sand.u32 $0x1, s3;
	s7 =	sadd.s32 $0xEA6600, s0;
	s25 =	smul.u32 $0x13C00, s14  }
0x9: {  	s0 =	sadd.s32 $0xEB0400, s0;
	p0 =	seq.s32 s14, $0xF;
	s11 =	smul.u32 $0x27100, s9  }
0xa: {  	s14 =	simm.s32 $0x8;
	_ =	strace $0x80000047;
	s10 =	ssub.s32 $0x2, s9  }
0xb: {  	s12 =	sshrl.u32 s10, $0x1;
	s8 =	sshrl.u32 s8, $0x2;
	s15 =	sadd.s32 s15, s11  }
0xc: {  	s10 =	ssub.s32 s10, s12;
	s16 =	sadd.s32 s8, s4;
	[dreg:$0x6] =	wrdreg s15  }
0xd: {  	s8 =	sadd.s32 $0x2000, s16;
	s17 =	sadd.s32 $0x40, s15;
	[dreg:$0x5] =	wrdreg s16  }
0xe: {  	s18 =	sadd.s32 $0x4000, s16;
	s19 =	sshrl.u32 s15, $0x3;
	[dreg:$0x7] =	wrdreg s8  }
0xf: {  	s24 =	sadd.s32 $0x2700, s15;
	[dreg:$0x8] =	wrdreg s18;
	s13 =	sadd.s32 s2, s19  }
0x10: {  	s20 =	sshrl.u32 s17, $0x3;
	s11 =	sadd.s32 s7, s19;
	[dreg:$0x9] =	wrdreg s13  }
0x11: {  	s8 =	sshll.u32 s17, $0x4;
	s18 =	smax.u32 s10, $0x1;
	[dreg:$0xa] =	wrdreg s11  }
0x12: {  	s26 =	sshrl.u32 s24, $0x3;
	s19 =	sadd.s32 $0x6000, s16;
	[dreg:$0x14] =	wrdreg s18  }
0x13: {  	s17 =	sshll.u32 s24, $0x4;
	s24 =	sadd.s32 $0x10000, s16;
	[dreg:$0x16] =	wrdreg s19  }
0x14: {  	s3 =	smul.u32 $0x2710, s9;
	s21 =	sadd.s32 s2, s20;
	[dreg:$0x1b] =	wrdreg s24  }
0x15: {  	s23 =	sshll.u32 s15, $0x4;
	s22 =	sadd.s32 s7, s20;
	[dreg:$0xb] =	wrdreg s21  }
0x16: {  	s9 =	smul.u32 $0x138800, s9;
	s11 =	sadd.s32 s6, s23;
	[dreg:$0xc] =	wrdreg s22  }
0x17: {  	s12 =	simm.s32 $0xB;
	s8 =	sadd.s32 s6, s8;
	[dreg:$0xd] =	wrdreg s11  }
0x18: {  	s10 =	simm.s32 $0x12;
	s28 =	sadd.s32 s2, s26;
	[dreg:$0xe] =	wrdreg s8  }
0x19: {  	s13 =	sadd.s32 s25, s9;
	s20 =	sadd.s32 $0x8000, s16;
	[dreg:$0xf] =	wrdreg s28  }
0x1a: {  	s9 =	sshrl.u32 s9, $0x3;
	s23 =	sadd.s32 $0xE000, s16;
	[dreg:$0x17] =	wrdreg s20  }
0x1b: {  	s25 =	sadd.s32 $0x12000, s16;
	s24 =	simm.s32 $0xE;
	[dreg:$0x1a] =	wrdreg s23  }
0x1c: {  	s18 =	simm.s32 $0x1A100;
	s8 =	sadd.s32 s7, s26;
	[dreg:$0x1c] =	wrdreg s25  }
0x1d: {  	s19 =	simm.s32 $0x0;
	s11 =	sadd.s32 s6, s17;
	[dreg:$0x10] =	wrdreg s8  }
0x1e: {  	s21 =	sadd.s32 $0xA000, s16;
	s22 =	sadd.s32 $0xC000, s16;
	[dreg:$0x11] =	wrdreg s11  }
0x1f: {  	s26 =	sadd.s32 $0x100, s15;
	s28 =	sadd.s32 $0x140, s15;
	[dreg:$0x18] =	wrdreg s21  }
0x20: {  	s20 =	simm.s32 $0x15;
	s23 =	simm.s32 $0x6;
	[dreg:$0x19] =	wrdreg s22  }
0x21: {  	s25 =	simm.s32 $0x18100;
	s17 =	simm.s32 $0x10;
	[dreg:$0x1d] =	wrdreg s26  }
0x22: {  	s8 =	sshrl.u32 s13, $0x3;
	[dreg:$0x1e] =	wrdreg s28;
	s11 =	simm.s32 $0x16100  }
0x23: {  	s26 =	simm.s32 $0x13C80;
	s8 =	sadd.s32 s0, s8;
	s0 =	sadd.s32 s0, s9  }
0x24: {  	s21 =	simm.s32 $0x40;
	s22 =	simm.s32 $0x2;
	s0 =	sadd.s32 $0x25080, s0  }
0x25: {  	s13 =	simm.s32 $0x9;
	[dreg:$0x13] =	wrdreg s0;
	s0 =	sadd.s32 $0x128400, s4  }
0x26: {  	s9 =	simm.s32 $0xC;
	[dreg:$0x12] =	wrdreg s8;
	s0 =	sshrl.u32 @p0 s0, $0x3  }
0x27: {  	v1 =	vimm.f32 $0.0e+00;
	v0 =	vmov s3;
	s8 =	simm.s32 $0x4;
	[dreg:$0x15] =	wrdreg s0;
	s0 =	simm.s32 $0xA  }
.LBB2_1:
0x28: {  	[dreg:$0x1f] =	wrdreg s19;
	s3 =	simm.s32 $0x0;
	s15 =	simm.s32 $0x200  }
.LBB2_2:
0x29: {  	p1 =	sne.s32 s15, $0x7E00;
	[tilespmem:s3+$0x16170] =	vst v1  }
0x2a: {  	[tilespmem:s3+$0x16100] =	vst v1  }
0x2b: {  	[tilespmem:s3+$0x16110] =	vst v1  }
.Ltmp0:
0x2c: {  	[tilespmem:s3+$0x16120] =	vst v1;
	(pc) =	sbr.rel @p1 .LBB2_2-.Ltmp0, $4  }
0x2d: {  	[tilespmem:s3+$0x16130] =	vst v1  }
0x2e: {  	[tilespmem:s3+$0x16140] =	vst v1  }
0x2f: {  	[tilespmem:s3+$0x16150] =	vst v1  }
0x30: {  	[tilespmem:s3+$0x16160] =	vst v1;
	s3 =	sshra.s32 s15, $0x2;
	s15 =	sadd.s32 $0x200, s15  }
0x31: {  	[tilespmem:s3+$0x16170] =	vst v1  }
0x32: {  	[tilespmem:s3+$0x16100] =	vst v1  }
0x33: {  	[tilespmem:s3+$0x16110] =	vst v1  }
0x34: {  	[tilespmem:s3+$0x16120] =	vst v1  }
0x35: {  	[tilespmem:s3+$0x16130] =	vst v1  }
0x36: {  	[tilespmem:s3+$0x16140] =	vst v1  }
0x37: {  	[tilespmem:s3+$0x16150] =	vst v1  }
0x38: {  	[tilespmem:s3+$0x16160] =	vst v1  }
0x39: {  	[spmem:s16] =	stream.linear.scatter [tilespmem:s11], [sflag:$0x15], $0x2000, $0x38;
	[tilespmem:$0x1C100] =	vst v63  }
0x3a: {  	_ =	swait.ge [sflag:s20], $0x2000  }
0x3b: {  	[sflag:s20] =	ssyncset.done $0x0  }
0x3c: {  	s19 =	rddreg [dreg:$0x7];
	[sflag:s20] =	ssyncadd.s32 $0xFFFFE000  }
0x3d: {  	[spmem:s19] =	stream.linear.scatter [tilespmem:s11], [sflag:$0x15], $0x2000, $0x38;
	[tilespmem:$0x1C100] =	vst v63  }
0x3e: {  	_ =	swait.ge [sflag:s20], $0x2000  }
0x3f: {  	[sflag:s20] =	ssyncset.done $0x0  }
0x40: {  	s28 =	rddreg [dreg:$0x8];
	[sflag:s20] =	ssyncadd.s32 $0xFFFFE000  }
0x41: {  	[spmem:s28] =	stream.linear.scatter [tilespmem:s11], [sflag:$0x15], $0x2000, $0x38;
	[tilespmem:$0x1C100] =	vst v63  }
0x42: {  	_ =	swait.ge [sflag:s20], $0x2000  }
0x43: {  	[sflag:s20] =	ssyncset.done $0x0  }
0x44: {  	s15 =	rddreg [dreg:$0x16];
	[sflag:s20] =	ssyncadd.s32 $0xFFFFE000  }
0x45: {  	[spmem:s15] =	stream.linear.scatter [tilespmem:s11], [sflag:$0x15], $0x2000, $0x38;
	[tilespmem:$0x1C100] =	vst v63  }
0x46: {  	_ =	swait.ge [sflag:s20], $0x2000  }
0x47: {  	[sflag:s20] =	ssyncset.done $0x0  }
0x48: {  	s16 =	rddreg [dreg:$0x17];
	[sflag:s20] =	ssyncadd.s32 $0xFFFFE000  }
0x49: {  	[spmem:s16] =	stream.linear.scatter [tilespmem:s11], [sflag:$0x15], $0x2000, $0x38;
	[tilespmem:$0x1C100] =	vst v63  }
0x4a: {  	_ =	swait.ge [sflag:s20], $0x2000  }
0x4b: {  	[sflag:s20] =	ssyncset.done $0x0  }
0x4c: {  	s19 =	rddreg [dreg:$0x18];
	[sflag:s20] =	ssyncadd.s32 $0xFFFFE000  }
0x4d: {  	[spmem:s19] =	stream.linear.scatter [tilespmem:s11], [sflag:$0x15], $0x2000, $0x38;
	[tilespmem:$0x1C100] =	vst v63  }
0x4e: {  	_ =	swait.ge [sflag:s20], $0x2000  }
0x4f: {  	[sflag:s20] =	ssyncset.done $0x0  }
0x50: {  	s28 =	rddreg [dreg:$0x19];
	[sflag:s20] =	ssyncadd.s32 $0xFFFFE000  }
0x51: {  	[spmem:s28] =	stream.linear.scatter [tilespmem:s11], [sflag:$0x15], $0x2000, $0x38;
	[tilespmem:$0x1C100] =	vst v63  }
0x52: {  	_ =	swait.ge [sflag:s20], $0x2000  }
0x53: {  	[sflag:s20] =	ssyncset.done $0x0  }
0x54: {  	s15 =	rddreg [dreg:$0x1a];
	[sflag:s20] =	ssyncadd.s32 $0xFFFFE000  }
0x55: {  	[spmem:s15] =	stream.linear.scatter [tilespmem:s11], [sflag:$0x15], $0x2000, $0x38;
	[tilespmem:$0x1C100] =	vst v63  }
0x56: {  	_ =	swait.ge [sflag:s20], $0x2000  }
0x57: {  	[sflag:s20] =	ssyncset.done $0x0  }
0x58: {  	s16 =	rddreg [dreg:$0x1b];
	[sflag:s20] =	ssyncadd.s32 $0xFFFFE000  }
0x59: {  	[spmem:s16] =	stream.linear.scatter [tilespmem:s11], [sflag:$0x15], $0x2000, $0x38;
	[tilespmem:$0x1C100] =	vst v63  }
0x5a: {  	_ =	swait.ge [sflag:s20], $0x2000  }
0x5b: {  	[sflag:s20] =	ssyncset.done $0x0  }
0x5c: {  	s19 =	rddreg [dreg:$0x1c];
	[sflag:s20] =	ssyncadd.s32 $0xFFFFE000  }
0x5d: {  	[spmem:s19] =	stream.linear.scatter [tilespmem:s11], [sflag:$0x15], $0x1C00, $0x38;
	[tilespmem:$0x1C100] =	vst v63  }
0x5e: {  	_ =	swait.ge [sflag:s20], $0x1C00  }
0x5f: {  	[sflag:s20] =	ssyncset.done $0x0  }
0x60: {  	[sflag:s20] =	ssyncadd.s32 $0xFFFFE400  }
0x61: {  	[bflag:$0x0] =	sbarrier.arrive $0xFFFF  }
0x62: {  	s3 =	simm.s32 $0x0;
	s16 =	simm.s32 $0x13C00;
	s15 =	rddreg [dreg:$0x9]  }
0x63: {  	[tilespmem:s16], [sflag:$0x1] =	stream.linear.gather [hbm4b:s15+s3], $0x40, $0x38;
	[tilespmem:$0x1C100] =	vst v63  }
0x64: {  	s19 =	simm.s32 $0x13E00;
	s20 =	rddreg [dreg:$0xa]  }
0x65: {  	[tilespmem:s19], [sflag:$0x5] =	stream.linear.gather [hbm4b:s20+s3], $0x40, $0x38;
	[tilespmem:$0x1C100] =	vst v63  }
0x66: {  	s28 =	rddreg [dreg:$0xb]  }
0x67: {  	[tilespmem:s26], [sflag:$0x2] =	stream.linear.gather [hbm4b:s28+s3], $0x40, $0x38;
	[tilespmem:$0x1C100] =	vst v63  }
0x68: {  	s19 =	rddreg [dreg:$0xc];
	s20 =	simm.s32 $0x13E80  }
0x69: {  	[tilespmem:s20], [sflag:$0x6] =	stream.linear.gather [hbm4b:s19+s3], $0x40, $0x38;
	[tilespmem:$0x1C100] =	vst v63  }
0x6a: {  	s28 =	rddreg [dreg:$0xd];
	s19 =	simm.s32 $0x14100  }
0x6b: {  	[tilespmem:s19], [sflag:$0xD] =	stream.linear.gather [hbm4b:s28+s3], $0x2000, $0x38;
	[tilespmem:$0x1C100] =	vst v63  }
0x6c: {  	s20 =	rddreg [dreg:$0xe];
	s28 =	simm.s32 $0x1  }
0x6d: {  	[tilespmem:s11], [sflag:$0xE] =	stream.linear.gather [hbm4b:s20+s3], $0x2000, $0x38;
	[tilespmem:$0x1C100] =	vst v63  }
0x6e: {  	_ =	swait.ge [sflag:s28], $0x40  }
0x6f: {  	[sflag:s28] =	ssyncset.done $0x0  }
0x70: {  	s20 =	simm.s32 $0x5;
	[sflag:s28] =	ssyncadd.s32 $0xFFFFFFC0  }
0x71: {  	_ =	swait.ge [sflag:s20], $0x40  }
0x72: {  	[sflag:s20] =	ssyncset.done $0x0  }
0x73: {  	[sflag:s20] =	ssyncadd.s32 $0xFFFFFFC0  }
0x74: {  	v2 =	vld [tilespmem:$0x13C00]  }
0x75: {  	v3 =	vld [tilespmem:$0x13C10]  }
0x76: {  	v4 =	vld [tilespmem:$0x13C20]  }
0x77: {  	v5 =	vld [tilespmem:$0x13C30];
	_ =	sdelay $0x1  }
0x78: {  	v2 =	vadd.s32 v0, v2  }
0x79: {  	[tilespmem:$0x13C00] =	vst v2;
	v2 =	vadd.s32 v0, v3  }
0x7a: {  	[tilespmem:$0x13C10] =	vst v2;
	v2 =	vadd.s32 v0, v4  }
0x7b: {  	[tilespmem:$0x13C20] =	vst v2;
	v2 =	vadd.s32 v0, v5  }
0x7c: {  	s28 =	simm.s32 $0xD;
	[tilespmem:$0x13C30] =	vst v2  }
0x7d: {  	_ =	swait.ge [sflag:s28], $0x2000  }
0x7e: {  	[sflag:s28] =	ssyncset.done $0x0  }
0x7f: {  	[sflag:s28] =	ssyncadd.s32 $0xFFFFE000  }
0x80: {  	[tilespmem:s19], [sflag:$0x9] =	stream.indirect.gather.add.f32 [hbm:s1], $0x80, s16, s21, $0xb8;
	[tilespmem:$0x1C100] =	vst v63  }
.LBB2_4:
0x81: {  	_ =	swait.ge [sflag:s22], $0x40  }
0x82: {  	[sflag:s22] =	ssyncset.done $0x0  }
0x83: {  	[sflag:s22] =	ssyncadd.s32 $0xFFFFFFC0  }
0x84: {  	_ =	swait.ge [sflag:s23], $0x40  }
0x85: {  	[sflag:s23] =	ssyncset.done $0x0  }
0x86: {  	[sflag:s23] =	ssyncadd.s32 $0xFFFFFFC0  }
0x87: {  	v2 =	vld [tilespmem:$0x13C80]  }
0x88: {  	v3 =	vld [tilespmem:$0x13C90]  }
0x89: {  	v4 =	vld [tilespmem:$0x13CA0]  }
0x8a: {  	v5 =	vld [tilespmem:$0x13CB0];
	_ =	sdelay $0x1  }
0x8b: {  	v2 =	vadd.s32 v0, v2  }
0x8c: {  	[tilespmem:$0x13C80] =	vst v2;
	v2 =	vadd.s32 v0, v3  }
0x8d: {  	[tilespmem:$0x13C90] =	vst v2;
	v2 =	vadd.s32 v0, v4  }
0x8e: {  	[tilespmem:$0x13CA0] =	vst v2;
	v2 =	vadd.s32 v0, v5  }
0x8f: {  	[tilespmem:$0x13CB0] =	vst v2  }
0x90: {  	_ =	swait.ge [sflag:s24], $0x2000  }
0x91: {  	[sflag:s24] =	ssyncset.done $0x0  }
0x92: {  	[sflag:s24] =	ssyncadd.s32 $0xFFFFE000  }
0x93: {  	[tilespmem:s11], [sflag:$0xA] =	stream.indirect.gather.add.f32 [hbm:s1], $0x80, s26, s21, $0xb8;
	[tilespmem:$0x1C100] =	vst v63  }
0x94: {  	_ =	swait.ge [sflag:s13], $0x2000  }
0x95: {  	[sflag:s13] =	ssyncset.done $0x0  }
0x96: {  	s15 =	simm.s32 $0x0;
	[sflag:s13] =	ssyncadd.s32 $0xFFFFE000  }
0x97: {  	v4 =	vld [tilespmem:s15+$0x14100]  }
0x98: {  	v6 =	vld [tilespmem:s15+$0x14110]  }
0x99: {  	v5 =	vld [tilespmem:s15+$0x14120]  }
0x9a: {  	v3 =	vld [tilespmem:s15+$0x14130]  }
0x9b: {  	v2 =	vld [tilespmem:s15+$0x14140]  }
0x9c: {  	v7 =	vmax.f32 v4, $0.0e+00;
	v4 =	vld [tilespmem:s15+$0x14150]  }
0x9d: {  	s16 =	simm.s32 $0x200;
	[tilespmem:s15+$0x14100] =	vst v7;
	v7 =	vmax.f32 v6, $0.0e+00;
	v6 =	vld [tilespmem:s15+$0x14160]  }
.LBB2_5:
0x9e: {  	s26 =	sshra.s32 s16, $0x2;
	p1 =	sne.s32 s16, $0x7E00;
	[tilespmem:s15+$0x14110] =	vst v7;
	v5 =	vmax.f32 v5, $0.0e+00;
	v7 =	vld [tilespmem:s15+$0x14170]  }
0x9f: {  	v8 =	vld [tilespmem:s26+$0x14100];
	[tilespmem:s15+$0x14120] =	vst v5;
	v3 =	vmax.f32 v3, $0.0e+00  }
0xa0: {  	v9 =	vld [tilespmem:s26+$0x14110];
	[tilespmem:s15+$0x14130] =	vst v3;
	v2 =	vmax.f32 v2, $0.0e+00  }
.Ltmp1:
0xa1: {  	v5 =	vld [tilespmem:s26+$0x14120];
	[tilespmem:s15+$0x14140] =	vst v2;
	v2 =	vmax.f32 v4, $0.0e+00;
	(pc) =	sbr.rel @p1 .LBB2_5-.Ltmp1, $4  }
0xa2: {  	v3 =	vld [tilespmem:s26+$0x14130];
	[tilespmem:s15+$0x14150] =	vst v2;
	v4 =	vmax.f32 v6, $0.0e+00  }
0xa3: {  	v2 =	vld [tilespmem:s26+$0x14140];
	[tilespmem:s15+$0x14160] =	vst v4;
	v6 =	vmax.f32 v7, $0.0e+00  }
0xa4: {  	v7 =	vmax.f32 v8, $0.0e+00;
	v4 =	vld [tilespmem:s26+$0x14150];
	[tilespmem:s15+$0x14170] =	vst v6;
	s15 =	smov.u32 s26  }
0xa5: {  	s16 =	sadd.s32 $0x200, s16;
	[tilespmem:s15+$0x14100] =	vst v7;
	v7 =	vmax.f32 v9, $0.0e+00;
	v6 =	vld [tilespmem:s15+$0x14160]  }
0xa6: {  	[tilespmem:s15+$0x14110] =	vst v7;
	v5 =	vmax.f32 v5, $0.0e+00;
	v7 =	vld [tilespmem:s15+$0x14170]  }
0xa7: {  	[tilespmem:s15+$0x14120] =	vst v5;
	v3 =	vmax.f32 v3, $0.0e+00  }
0xa8: {  	[tilespmem:s15+$0x14130] =	vst v3;
	v2 =	vmax.f32 v2, $0.0e+00  }
0xa9: {  	[tilespmem:s15+$0x14140] =	vst v2;
	v2 =	vmax.f32 v4, $0.0e+00  }
0xaa: {  	[tilespmem:s15+$0x14150] =	vst v2;
	v2 =	vmax.f32 v6, $0.0e+00  }
0xab: {  	s19 =	simm.s32 $0x13E00;
	s16 =	simm.s32 $0x14100;
	[tilespmem:s15+$0x14160] =	vst v2;
	v2 =	vmax.f32 v7, $0.0e+00  }
0xac: {  	p1 =	seq.s32 s3, $0x0;
	s20 =	rddreg [dreg:$0x6];
	[tilespmem:s15+$0x14170] =	vst v2;
	s15 =	sshll.u32 s3, $0x8  }
0xad: {  	[spmem:s4] =	stream.indirect.scatter.add.f32 [tilespmem:s16], [sflag:$0x11], $0x80, s19, s21, $0xb8;
	[tilespmem:$0x1C100] =	vst v63  }
0xae: {  	s26 =	simm.s32 @!p1 $0x13;
	s16 =	sadd.s32 s15, s20  }
0xaf: {  	_ =	swait.ge @!p1 [sflag:s26], $0x2000;
	s28 =	sadd.s32 $0x80, s16  }
0xb0: {  	[sflag:s26] =	ssyncset.done @!p1 $0x0;
	s19 =	sshll.u32 s28, $0x4  }
0xb1: {  	[sflag:s26] =	ssyncadd.s32 @!p1 $0xFFFFE000;
	s19 =	sadd.s32 s6, s19;
	s26 =	simm.s32 $0x0  }
0xb2: {  	[tilespmem:s25], [sflag:$0xF] =	stream.linear.gather [hbm4b:s19+s26], $0x2000, $0x38;
	[tilespmem:$0x1C100] =	vst v63  }
0xb3: {  	s19 =	sshrl.u32 s28, $0x3  }
0xb4: {  	s20 =	simm.s32 $0x13D00;
	s28 =	sadd.s32 s2, s19  }
0xb5: {  	[tilespmem:s20], [sflag:$0x3] =	stream.linear.gather [hbm4b:s28+s26], $0x40, $0x38;
	[tilespmem:$0x1C100] =	vst v63  }
0xb6: {  	s19 =	sadd.s32 s7, s19;
	s28 =	simm.s32 $0x13F00  }
0xb7: {  	[tilespmem:s28], [sflag:$0x7] =	stream.linear.gather [hbm4b:s19+s26], $0x40, $0x38;
	[tilespmem:$0x1C100] =	vst v63  }
0xb8: {  	_ =	swait.ge [sflag:s29], $0x40  }
0xb9: {  	[sflag:s29] =	ssyncset.done $0x0  }
0xba: {  	[sflag:s29] =	ssyncadd.s32 $0xFFFFFFC0  }
0xbb: {  	_ =	swait.ge [sflag:s30], $0x40  }
0xbc: {  	[sflag:s30] =	ssyncset.done $0x0  }
0xbd: {  	[sflag:s30] =	ssyncadd.s32 $0xFFFFFFC0  }
0xbe: {  	v2 =	vld [tilespmem:$0x13D00]  }
0xbf: {  	v3 =	vld [tilespmem:$0x13D10]  }
0xc0: {  	v4 =	vld [tilespmem:$0x13D20]  }
0xc1: {  	v5 =	vld [tilespmem:$0x13D30];
	_ =	sdelay $0x1  }
0xc2: {  	v2 =	vadd.s32 v0, v2  }
0xc3: {  	[tilespmem:$0x13D00] =	vst v2;
	v2 =	vadd.s32 v0, v3  }
0xc4: {  	[tilespmem:$0x13D10] =	vst v2;
	v2 =	vadd.s32 v0, v4  }
0xc5: {  	[tilespmem:$0x13D20] =	vst v2;
	v2 =	vadd.s32 v0, v5  }
0xc6: {  	[tilespmem:$0x13D30] =	vst v2  }
0xc7: {  	_ =	swait.ge [sflag:s31], $0x2000  }
0xc8: {  	[sflag:s31] =	ssyncset.done $0x0  }
0xc9: {  	[sflag:s31] =	ssyncadd.s32 $0xFFFFE000  }
0xca: {  	[tilespmem:s25], [sflag:$0xB] =	stream.indirect.gather.add.f32 [hbm:s1], $0x80, s20, s21, $0xb8;
	[tilespmem:$0x1C100] =	vst v63  }
0xcb: {  	_ =	swait.ge [sflag:s0], $0x2000  }
0xcc: {  	[sflag:s0] =	ssyncset.done $0x0  }
0xcd: {  	s26 =	simm.s32 $0x0;
	[sflag:s0] =	ssyncadd.s32 $0xFFFFE000  }
0xce: {  	v4 =	vld [tilespmem:s26+$0x16100]  }
0xcf: {  	v6 =	vld [tilespmem:s26+$0x16110]  }
0xd0: {  	v5 =	vld [tilespmem:s26+$0x16120]  }
0xd1: {  	v3 =	vld [tilespmem:s26+$0x16130]  }
0xd2: {  	v2 =	vld [tilespmem:s26+$0x16140]  }
0xd3: {  	v7 =	vmax.f32 v4, $0.0e+00;
	v4 =	vld [tilespmem:s26+$0x16150]  }
0xd4: {  	s28 =	simm.s32 $0x200;
	[tilespmem:s26+$0x16100] =	vst v7;
	v7 =	vmax.f32 v6, $0.0e+00;
	v6 =	vld [tilespmem:s26+$0x16160]  }
.LBB2_7:
0xd5: {  	s19 =	sshra.s32 s28, $0x2;
	p2 =	sne.s32 s28, $0x7E00;
	[tilespmem:s26+$0x16110] =	vst v7;
	v5 =	vmax.f32 v5, $0.0e+00;
	v7 =	vld [tilespmem:s26+$0x16170]  }
0xd6: {  	v8 =	vld [tilespmem:s19+$0x16100];
	[tilespmem:s26+$0x16120] =	vst v5;
	v3 =	vmax.f32 v3, $0.0e+00  }
0xd7: {  	v9 =	vld [tilespmem:s19+$0x16110];
	[tilespmem:s26+$0x16130] =	vst v3;
	v2 =	vmax.f32 v2, $0.0e+00  }
.Ltmp2:
0xd8: {  	v5 =	vld [tilespmem:s19+$0x16120];
	[tilespmem:s26+$0x16140] =	vst v2;
	v2 =	vmax.f32 v4, $0.0e+00;
	(pc) =	sbr.rel @p2 .LBB2_7-.Ltmp2, $4  }
0xd9: {  	v3 =	vld [tilespmem:s19+$0x16130];
	[tilespmem:s26+$0x16150] =	vst v2;
	v4 =	vmax.f32 v6, $0.0e+00  }
0xda: {  	v2 =	vld [tilespmem:s19+$0x16140];
	[tilespmem:s26+$0x16160] =	vst v4;
	v6 =	vmax.f32 v7, $0.0e+00  }
0xdb: {  	v7 =	vmax.f32 v8, $0.0e+00;
	v4 =	vld [tilespmem:s19+$0x16150];
	[tilespmem:s26+$0x16170] =	vst v6;
	s26 =	smov.u32 s19  }
0xdc: {  	s28 =	sadd.s32 $0x200, s28;
	[tilespmem:s26+$0x16100] =	vst v7;
	v7 =	vmax.f32 v9, $0.0e+00;
	v6 =	vld [tilespmem:s26+$0x16160]  }
0xdd: {  	[tilespmem:s26+$0x16110] =	vst v7;
	v5 =	vmax.f32 v5, $0.0e+00;
	v7 =	vld [tilespmem:s26+$0x16170]  }
0xde: {  	[tilespmem:s26+$0x16120] =	vst v5;
	v3 =	vmax.f32 v3, $0.0e+00  }
0xdf: {  	[tilespmem:s26+$0x16130] =	vst v3;
	v2 =	vmax.f32 v2, $0.0e+00  }
0xe0: {  	[tilespmem:s26+$0x16140] =	vst v2;
	v2 =	vmax.f32 v4, $0.0e+00  }
0xe1: {  	[tilespmem:s26+$0x16150] =	vst v2;
	v2 =	vmax.f32 v6, $0.0e+00  }
0xe2: {  	[tilespmem:s26+$0x16160] =	vst v2;
	v2 =	vmax.f32 v7, $0.0e+00  }
0xe3: {  	s19 =	simm.s32 $0x13E80;
	[tilespmem:s26+$0x16170] =	vst v2  }
0xe4: {  	[spmem:s4] =	stream.indirect.scatter.add.f32 [tilespmem:s11], [sflag:$0x12], $0x80, s19, s21, $0xb8;
	[tilespmem:$0x1C100] =	vst v63  }
0xe5: {  	s19 =	simm.s32 @!p1 $0x14  }
0xe6: {  	s16 =	sadd.s32 $0xC0, s16;
	_ =	swait.ge @!p1 [sflag:s19], $0x2000  }
0xe7: {  	s28 =	sshll.u32 s16, $0x4;
	s16 =	sshrl.u32 s16, $0x3;
	[sflag:s19] =	ssyncset.done @!p1 $0x0  }
0xe8: {  	s20 =	sadd.s32 s6, s28;
	s26 =	simm.s32 $0x0;
	[sflag:s19] =	ssyncadd.s32 @!p1 $0xFFFFE000  }
0xe9: {  	[tilespmem:s18], [sflag:$0x10] =	stream.linear.gather [hbm4b:s20+s26], $0x2000, $0x38;
	[tilespmem:$0x1C100] =	vst v63  }
0xea: {  	s28 =	sadd.s32 s2, s16;
	s20 =	simm.s32 $0x13D80  }
0xeb: {  	[tilespmem:s20], [sflag:$0x4] =	stream.linear.gather [hbm4b:s28+s26], $0x40, $0x38;
	[tilespmem:$0x1C100] =	vst v63  }
0xec: {  	s16 =	sadd.s32 s7, s16;
	s28 =	simm.s32 $0x13F80  }
0xed: {  	[tilespmem:s28], [sflag:$0x8] =	stream.linear.gather [hbm4b:s16+s26], $0x40, $0x38;
	[tilespmem:$0x1C100] =	vst v63  }
0xee: {  	_ =	swait.ge [sflag:s8], $0x40  }
0xef: {  	[sflag:s8] =	ssyncset.done $0x0  }
0xf0: {  	[sflag:s8] =	ssyncadd.s32 $0xFFFFFFC0  }
0xf1: {  	_ =	swait.ge [sflag:s14], $0x40  }
0xf2: {  	[sflag:s14] =	ssyncset.done $0x0  }
0xf3: {  	[sflag:s14] =	ssyncadd.s32 $0xFFFFFFC0  }
0xf4: {  	v2 =	vld [tilespmem:$0x13D80]  }
0xf5: {  	v3 =	vld [tilespmem:$0x13D90]  }
0xf6: {  	v4 =	vld [tilespmem:$0x13DA0]  }
0xf7: {  	v5 =	vld [tilespmem:$0x13DB0];
	_ =	sdelay $0x1  }
0xf8: {  	v2 =	vadd.s32 v0, v2  }
0xf9: {  	[tilespmem:$0x13D80] =	vst v2;
	v2 =	vadd.s32 v0, v3  }
0xfa: {  	[tilespmem:$0x13D90] =	vst v2;
	v2 =	vadd.s32 v0, v4  }
0xfb: {  	[tilespmem:$0x13DA0] =	vst v2;
	v2 =	vadd.s32 v0, v5  }
0xfc: {  	[tilespmem:$0x13DB0] =	vst v2  }
0xfd: {  	_ =	swait.ge [sflag:s17], $0x2000  }
0xfe: {  	[sflag:s17] =	ssyncset.done $0x0  }
0xff: {  	[sflag:s17] =	ssyncadd.s32 $0xFFFFE000  }
0x100: {  	[tilespmem:s18], [sflag:$0xC] =	stream.indirect.gather.add.f32 [hbm:s1], $0x80, s20, s21, $0xb8;
	[tilespmem:$0x1C100] =	vst v63  }
0x101: {  	_ =	swait.ge [sflag:s12], $0x2000  }
0x102: {  	[sflag:s12] =	ssyncset.done $0x0  }
0x103: {  	s16 =	simm.s32 $0x0;
	[sflag:s12] =	ssyncadd.s32 $0xFFFFE000  }
0x104: {  	v4 =	vld [tilespmem:s16+$0x18100]  }
0x105: {  	v6 =	vld [tilespmem:s16+$0x18110]  }
0x106: {  	v5 =	vld [tilespmem:s16+$0x18120]  }
0x107: {  	v3 =	vld [tilespmem:s16+$0x18130]  }
0x108: {  	v2 =	vld [tilespmem:s16+$0x18140]  }
0x109: {  	v7 =	vmax.f32 v4, $0.0e+00;
	v4 =	vld [tilespmem:s16+$0x18150]  }
0x10a: {  	s26 =	simm.s32 $0x200;
	[tilespmem:s16+$0x18100] =	vst v7;
	v7 =	vmax.f32 v6, $0.0e+00;
	v6 =	vld [tilespmem:s16+$0x18160]  }
.LBB2_9:
0x10b: {  	s19 =	sshra.s32 s26, $0x2;
	p1 =	sne.s32 s26, $0x7E00;
	[tilespmem:s16+$0x18110] =	vst v7;
	v5 =	vmax.f32 v5, $0.0e+00;
	v7 =	vld [tilespmem:s16+$0x18170]  }
0x10c: {  	v8 =	vld [tilespmem:s19+$0x18100];
	[tilespmem:s16+$0x18120] =	vst v5;
	v3 =	vmax.f32 v3, $0.0e+00  }
0x10d: {  	v9 =	vld [tilespmem:s19+$0x18110];
	[tilespmem:s16+$0x18130] =	vst v3;
	v2 =	vmax.f32 v2, $0.0e+00  }
.Ltmp3:
0x10e: {  	v5 =	vld [tilespmem:s19+$0x18120];
	[tilespmem:s16+$0x18140] =	vst v2;
	v2 =	vmax.f32 v4, $0.0e+00;
	(pc) =	sbr.rel @p1 .LBB2_9-.Ltmp3, $4  }
0x10f: {  	v3 =	vld [tilespmem:s19+$0x18130];
	[tilespmem:s16+$0x18150] =	vst v2;
	v4 =	vmax.f32 v6, $0.0e+00  }
0x110: {  	v2 =	vld [tilespmem:s19+$0x18140];
	[tilespmem:s16+$0x18160] =	vst v4;
	v6 =	vmax.f32 v7, $0.0e+00  }
0x111: {  	v7 =	vmax.f32 v8, $0.0e+00;
	v4 =	vld [tilespmem:s19+$0x18150];
	[tilespmem:s16+$0x18170] =	vst v6;
	s16 =	smov.u32 s19  }
0x112: {  	s26 =	sadd.s32 $0x200, s26;
	[tilespmem:s16+$0x18100] =	vst v7;
	v7 =	vmax.f32 v9, $0.0e+00;
	v6 =	vld [tilespmem:s16+$0x18160]  }
0x113: {  	[tilespmem:s16+$0x18110] =	vst v7;
	v5 =	vmax.f32 v5, $0.0e+00;
	v7 =	vld [tilespmem:s16+$0x18170]  }
0x114: {  	[tilespmem:s16+$0x18120] =	vst v5;
	v3 =	vmax.f32 v3, $0.0e+00  }
0x115: {  	[tilespmem:s16+$0x18130] =	vst v3;
	v2 =	vmax.f32 v2, $0.0e+00  }
0x116: {  	[tilespmem:s16+$0x18140] =	vst v2;
	v2 =	vmax.f32 v4, $0.0e+00  }
0x117: {  	[tilespmem:s16+$0x18150] =	vst v2;
	v2 =	vmax.f32 v6, $0.0e+00  }
0x118: {  	p1 =	seq.s32 s3, $0x26;
	[tilespmem:s16+$0x18160] =	vst v2;
	v2 =	vmax.f32 v7, $0.0e+00  }
0x119: {  	s28 =	simm.s32 $0x13F00;
	[tilespmem:s16+$0x18170] =	vst v2;
	s16 =	simm.s32 @!p1 $0x11  }
0x11a: {  	[spmem:s4] =	stream.indirect.scatter.add.f32 [tilespmem:s25], [sflag:$0x13], $0x80, s28, s21, $0xb8;
	[tilespmem:$0x1C100] =	vst v63  }
0x11b: {  	_ =	swait.ge @!p1 [sflag:s16], $0x2000  }
0x11c: {  	s19 =	rddreg [dreg:$0x1d]  }
0x11d: {  	[sflag:s16] =	ssyncset.done @!p1 $0x0;
	s19 =	sadd.s32 @!p1 s15, s19  }
0x11e: {  	[sflag:s16] =	ssyncadd.s32 @!p1 $0xFFFFE000;
	s16 =	sshll.u32 @!p1 s19, $0x4  }
0x11f: {  	s26 =	simm.s32 @!p1 $0x0;
	s28 =	simm.s32 @!p1 $0x14100;
	s16 =	sadd.s32 @!p1 s6, s16  }
0x120: {  	[tilespmem:s28], [sflag:$0xD] =	stream.linear.gather @!p1 [hbm4b:s16+s26], $0x2000, $0x38;
	[tilespmem:$0x1C100] =	vst v63  }
0x121: {  	s16 =	sshrl.u32 @!p1 s19, $0x3  }
0x122: {  	s20 =	simm.s32 @!p1 $0x13C00;
	s19 =	sadd.s32 @!p1 s2, s16  }
0x123: {  	[tilespmem:s20], [sflag:$0x1] =	stream.linear.gather @!p1 [hbm4b:s19+s26], $0x40, $0x38;
	[tilespmem:$0x1C100] =	vst v63  }
0x124: {  	s16 =	sadd.s32 @!p1 s7, s16;
	s19 =	simm.s32 @!p1 $0x13E00  }
0x125: {  	[tilespmem:s19], [sflag:$0x5] =	stream.linear.gather @!p1 [hbm4b:s16+s26], $0x40, $0x38;
	[tilespmem:$0x1C100] =	vst v63  }
0x126: {  	s16 =	simm.s32 @!p1 $0x1  }
0x127: {  	_ =	swait.ge @!p1 [sflag:s16], $0x40  }
0x128: {  	[sflag:s16] =	ssyncset.done @!p1 $0x0  }
0x129: {  	[sflag:s16] =	ssyncadd.s32 @!p1 $0xFFFFFFC0;
	s16 =	simm.s32 @!p1 $0x5  }
0x12a: {  	_ =	swait.ge @!p1 [sflag:s16], $0x40  }
0x12b: {  	[sflag:s16] =	ssyncset.done @!p1 $0x0  }
0x12c: {  	[sflag:s16] =	ssyncadd.s32 @!p1 $0xFFFFFFC0  }
0x12d: {  	v2 =	vld @!p1 [tilespmem:$0x13C00]  }
0x12e: {  	v3 =	vld @!p1 [tilespmem:$0x13C10]  }
0x12f: {  	v4 =	vld @!p1 [tilespmem:$0x13C20]  }
0x130: {  	v5 =	vld @!p1 [tilespmem:$0x13C30];
	_ =	sdelay $0x1  }
0x131: {  	v2 =	vadd.s32 @!p1 v0, v2  }
0x132: {  	[tilespmem:$0x13C00] =	vst @!p1 v2;
	v2 =	vadd.s32 @!p1 v0, v3  }
0x133: {  	[tilespmem:$0x13C10] =	vst @!p1 v2;
	v2 =	vadd.s32 @!p1 v0, v4  }
0x134: {  	[tilespmem:$0x13C20] =	vst @!p1 v2;
	v2 =	vadd.s32 @!p1 v0, v5  }
0x135: {  	s16 =	simm.s32 @!p1 $0xD;
	[tilespmem:$0x13C30] =	vst @!p1 v2  }
0x136: {  	_ =	swait.ge @!p1 [sflag:s16], $0x2000  }
0x137: {  	[sflag:s16] =	ssyncset.done @!p1 $0x0  }
0x138: {  	[sflag:s16] =	ssyncadd.s32 @!p1 $0xFFFFE000;
	s16 =	simm.s32 @!p1 $0x40  }
0x139: {  	[tilespmem:s28], [sflag:$0x9] =	stream.indirect.gather.add.f32 @!p1 [hbm:s1], $0x80, s20, s16, $0xb8;
	[tilespmem:$0x1C100] =	vst v63  }
0x13a: {  	_ =	swait.ge [sflag:s9], $0x2000  }
0x13b: {  	[sflag:s9] =	ssyncset.done $0x0  }
0x13c: {  	s16 =	simm.s32 $0x0;
	[sflag:s9] =	ssyncadd.s32 $0xFFFFE000  }
0x13d: {  	v4 =	vld [tilespmem:s16+$0x1A100]  }
0x13e: {  	v6 =	vld [tilespmem:s16+$0x1A110]  }
0x13f: {  	v5 =	vld [tilespmem:s16+$0x1A120]  }
0x140: {  	v3 =	vld [tilespmem:s16+$0x1A130]  }
0x141: {  	v2 =	vld [tilespmem:s16+$0x1A140]  }
0x142: {  	v7 =	vmax.f32 v4, $0.0e+00;
	v4 =	vld [tilespmem:s16+$0x1A150]  }
0x143: {  	s26 =	simm.s32 $0x200;
	[tilespmem:s16+$0x1A100] =	vst v7;
	v7 =	vmax.f32 v6, $0.0e+00;
	v6 =	vld [tilespmem:s16+$0x1A160]  }
.LBB2_11:
0x144: {  	s19 =	sshra.s32 s26, $0x2;
	p2 =	sne.s32 s26, $0x7E00;
	[tilespmem:s16+$0x1A110] =	vst v7;
	v5 =	vmax.f32 v5, $0.0e+00;
	v7 =	vld [tilespmem:s16+$0x1A170]  }
0x145: {  	v8 =	vld [tilespmem:s19+$0x1A100];
	[tilespmem:s16+$0x1A120] =	vst v5;
	v3 =	vmax.f32 v3, $0.0e+00  }
0x146: {  	v9 =	vld [tilespmem:s19+$0x1A110];
	[tilespmem:s16+$0x1A130] =	vst v3;
	v2 =	vmax.f32 v2, $0.0e+00  }
.Ltmp4:
0x147: {  	v5 =	vld [tilespmem:s19+$0x1A120];
	[tilespmem:s16+$0x1A140] =	vst v2;
	v2 =	vmax.f32 v4, $0.0e+00;
	(pc) =	sbr.rel @p2 .LBB2_11-.Ltmp4, $4  }
0x148: {  	v3 =	vld [tilespmem:s19+$0x1A130];
	[tilespmem:s16+$0x1A150] =	vst v2;
	v4 =	vmax.f32 v6, $0.0e+00  }
0x149: {  	v2 =	vld [tilespmem:s19+$0x1A140];
	[tilespmem:s16+$0x1A160] =	vst v4;
	v6 =	vmax.f32 v7, $0.0e+00  }
0x14a: {  	v7 =	vmax.f32 v8, $0.0e+00;
	v4 =	vld [tilespmem:s19+$0x1A150];
	[tilespmem:s16+$0x1A170] =	vst v6;
	s16 =	smov.u32 s19  }
0x14b: {  	s26 =	sadd.s32 $0x200, s26;
	[tilespmem:s16+$0x1A100] =	vst v7;
	v7 =	vmax.f32 v9, $0.0e+00;
	v6 =	vld [tilespmem:s16+$0x1A160]  }
0x14c: {  	[tilespmem:s16+$0x1A110] =	vst v7;
	v5 =	vmax.f32 v5, $0.0e+00;
	v63 =	vld [tilespmem:s16+$0x1A170]  }
0x14d: {  	[tilespmem:s16+$0x1A120] =	vst v5;
	v3 =	vmax.f32 v3, $0.0e+00  }
0x14e: {  	[tilespmem:s16+$0x1A130] =	vst v3;
	v2 =	vmax.f32 v2, $0.0e+00  }
.Ltmp5:
0x14f: {  	[tilespmem:s16+$0x1A140] =	vst v2;
	v2 =	vmax.f32 v4, $0.0e+00;
	(pc) =	sbr.rel @p1 .LBB2_14-.Ltmp5, $4  }
0x150: {  	[tilespmem:s16+$0x1A150] =	vst v2;
	v2 =	vmax.f32 v6, $0.0e+00  }
0x151: {  	[tilespmem:s16+$0x1A160] =	vst v2;
	v2 =	vmax.f32 v63, $0.0e+00  }
0x152: {  	s28 =	simm.s32 $0x13F80;
	[tilespmem:s16+$0x1A170] =	vst v2  }
0x153: {  	[spmem:s4] =	stream.indirect.scatter.add.f32 [tilespmem:s18], [sflag:$0x14], $0x80, s28, s21, $0xb8;
	[tilespmem:$0x1C100] =	vst v63  }
0x154: {  	_ =	swait.ge [sflag:s10], $0x2000  }
0x155: {  	s16 =	rddreg [dreg:$0x1e]  }
0x156: {  	s15 =	sadd.s32 s15, s16  }
0x157: {  	[sflag:s10] =	ssyncset.done $0x0;
	s16 =	sshll.u32 s15, $0x4  }
0x158: {  	[sflag:s10] =	ssyncadd.s32 $0xFFFFE000;
	s16 =	sadd.s32 s6, s16  }
0x159: {  	[tilespmem:s11], [sflag:$0xE] =	stream.linear.gather [hbm4b:s16+s5], $0x2000, $0x38;
	[tilespmem:$0x1C100] =	vst v63  }
.Ltmp6:
0x15a: {  	s15 =	sshrl.u32 s15, $0x3;
	(pc) =	sbr.rel .LBB2_4-.Ltmp6, $4  }
0x15b: {  	s26 =	simm.s32 $0x13C80;
	s20 =	sadd.s32 s2, s15  }
0x15c: {  	[tilespmem:s26], [sflag:$0x2] =	stream.linear.gather [hbm4b:s20+s5], $0x40, $0x38;
	[tilespmem:$0x1C100] =	vst v63  }
0x15d: {  	s28 =	simm.s32 $0x13E80;
	s3 =	sadd.s32 $0x1, s3;
	s15 =	sadd.s32 s7, s15  }
0x15e: {  	[tilespmem:s28], [sflag:$0x6] =	stream.linear.gather [hbm4b:s15+s5], $0x40, $0x38;
	[tilespmem:$0x1C100] =	vst v63  }
.LBB2_14:
0x15f: {  	s3 =	simm.s32 $0x11  }
0x160: {  	_ =	swait.ge [sflag:s3], $0x2000  }
0x161: {  	[sflag:s3] =	ssyncset.done $0x0  }
0x162: {  	[sflag:s3] =	ssyncadd.s32 $0xFFFFE000  }
0x163: {  	_ =	swait.ge [sflag:s10], $0x2000  }
0x164: {  	[sflag:s10] =	ssyncset.done $0x0  }
0x165: {  	s20 =	simm.s32 $0x13;
	[sflag:s10] =	ssyncadd.s32 $0xFFFFE000  }
0x166: {  	_ =	swait.ge [sflag:s20], $0x2000  }
0x167: {  	[sflag:s20] =	ssyncset.done $0x0  }
0x168: {  	s26 =	simm.s32 $0x14;
	[sflag:s20] =	ssyncadd.s32 $0xFFFFE000  }
0x169: {  	_ =	swait.ge [sflag:s26], $0x2000  }
0x16a: {  	s3 =	simm.s32 $0x0;
	s20 =	simm.s32 $0x15;
	[sflag:s26] =	ssyncset.done $0x0  }
0x16b: {  	s15 =	rddreg [dreg:$0xf];
	[sflag:s26] =	ssyncadd.s32 $0xFFFFE000;
	s26 =	simm.s32 $0x14000  }
0x16c: {  	[tilespmem:s26], [sflag:$0x15] =	stream.linear.gather [hbm4b:s15+s3], $0x10, $0x38;
	[tilespmem:$0x1C100] =	vst v63  }
0x16d: {  	_ =	swait.ge [sflag:s20], $0x10  }
0x16e: {  	[sflag:s20] =	ssyncset.done $0x0  }
0x16f: {  	s16 =	simm.s32 $0x14080;
	s28 =	rddreg [dreg:$0x10];
	[sflag:s20] =	ssyncadd.s32 $0xFFFFFFF0  }
0x170: {  	[tilespmem:s16], [sflag:$0x15] =	stream.linear.gather [hbm4b:s28+s3], $0x10, $0x38;
	[tilespmem:$0x1C100] =	vst v63  }
0x171: {  	_ =	swait.ge [sflag:s20], $0x10  }
0x172: {  	[sflag:s20] =	ssyncset.done $0x0  }
0x173: {  	[sflag:s20] =	ssyncadd.s32 $0xFFFFFFF0  }
0x174: {  	v2 =	vld [tilespmem:$0x14000];
	_ =	sdelay $0x4  }
0x175: {  	v2 =	vadd.s32 v0, v2  }
0x176: {  	s28 =	simm.s32 $0x14100;
	s19 =	rddreg [dreg:$0x11];
	[tilespmem:$0x14000] =	vst v2  }
0x177: {  	[tilespmem:s28], [sflag:$0x15] =	stream.linear.gather [hbm4b:s19+s3], $0x800, $0x38;
	[tilespmem:$0x1C100] =	vst v63  }
0x178: {  	_ =	swait.ge [sflag:s20], $0x800  }
0x179: {  	[sflag:s20] =	ssyncset.done $0x0  }
0x17a: {  	[sflag:s20] =	ssyncadd.s32 $0xFFFFF800  }
0x17b: {  	[tilespmem:s28], [sflag:$0x9] =	stream.indirect.gather.add.f32 [hbm:s1], $0x80, s26, s17, $0xb8;
	[tilespmem:$0x1C100] =	vst v63  }
0x17c: {  	_ =	swait.ge [sflag:s13], $0x800  }
0x17d: {  	[sflag:s13] =	ssyncset.done $0x0  }
0x17e: {  	s3 =	simm.s32 $0x0;
	[sflag:s13] =	ssyncadd.s32 $0xFFFFF800  }
0x17f: {  	v4 =	vld [tilespmem:s3+$0x14100]  }
0x180: {  	v6 =	vld [tilespmem:s3+$0x14110]  }
0x181: {  	v5 =	vld [tilespmem:s3+$0x14120]  }
0x182: {  	v3 =	vld [tilespmem:s3+$0x14130]  }
0x183: {  	v2 =	vld [tilespmem:s3+$0x14140]  }
0x184: {  	v7 =	vmax.f32 v4, $0.0e+00;
	v4 =	vld [tilespmem:s3+$0x14150]  }
0x185: {  	s15 =	simm.s32 $0x200;
	s19 =	simm.s32 $0x14100;
	s26 =	simm.s32 $0x13C80;
	[tilespmem:s3+$0x14100] =	vst v7;
	v7 =	vmax.f32 v6, $0.0e+00;
	v6 =	vld [tilespmem:s3+$0x14160]  }
.LBB2_15:
0x186: {  	s16 =	sshra.s32 s15, $0x2;
	p1 =	sne.s32 s15, $0x1E00;
	[tilespmem:s3+$0x14110] =	vst v7;
	v5 =	vmax.f32 v5, $0.0e+00;
	v7 =	vld [tilespmem:s3+$0x14170]  }
0x187: {  	v8 =	vld [tilespmem:s16+$0x14100];
	[tilespmem:s3+$0x14120] =	vst v5;
	v3 =	vmax.f32 v3, $0.0e+00  }
0x188: {  	v9 =	vld [tilespmem:s16+$0x14110];
	[tilespmem:s3+$0x14130] =	vst v3;
	v2 =	vmax.f32 v2, $0.0e+00  }
.Ltmp7:
0x189: {  	v5 =	vld [tilespmem:s16+$0x14120];
	[tilespmem:s3+$0x14140] =	vst v2;
	v2 =	vmax.f32 v4, $0.0e+00;
	(pc) =	sbr.rel @p1 .LBB2_15-.Ltmp7, $4  }
0x18a: {  	v3 =	vld [tilespmem:s16+$0x14130];
	[tilespmem:s3+$0x14150] =	vst v2;
	v4 =	vmax.f32 v6, $0.0e+00  }
0x18b: {  	v2 =	vld [tilespmem:s16+$0x14140];
	[tilespmem:s3+$0x14160] =	vst v4;
	v6 =	vmax.f32 v7, $0.0e+00  }
0x18c: {  	v7 =	vmax.f32 v8, $0.0e+00;
	v4 =	vld [tilespmem:s16+$0x14150];
	[tilespmem:s3+$0x14170] =	vst v6;
	s3 =	smov.u32 s16  }
0x18d: {  	s15 =	sadd.s32 $0x200, s15;
	[tilespmem:s3+$0x14100] =	vst v7;
	v7 =	vmax.f32 v9, $0.0e+00;
	v6 =	vld [tilespmem:s3+$0x14160]  }
0x18e: {  	[tilespmem:s3+$0x14110] =	vst v7;
	v5 =	vmax.f32 v5, $0.0e+00;
	v63 =	vld [tilespmem:s3+$0x14170]  }
0x18f: {  	[tilespmem:s3+$0x14120] =	vst v5;
	v3 =	vmax.f32 v3, $0.0e+00  }
0x190: {  	[tilespmem:s3+$0x14130] =	vst v3;
	v2 =	vmax.f32 v2, $0.0e+00  }
0x191: {  	[tilespmem:s3+$0x14140] =	vst v2;
	v2 =	vmax.f32 v4, $0.0e+00  }
0x192: {  	[tilespmem:s3+$0x14150] =	vst v2;
	v2 =	vmax.f32 v6, $0.0e+00  }
0x193: {  	[tilespmem:s3+$0x14160] =	vst v2;
	v2 =	vmax.f32 v63, $0.0e+00  }
0x194: {  	s28 =	simm.s32 $0x14080;
	[tilespmem:s3+$0x14170] =	vst v2  }
0x195: {  	[spmem:s4] =	stream.indirect.scatter.add.f32 [tilespmem:s19], [sflag:$0x15], $0x80, s28, s17, $0xb8;
	[tilespmem:$0x1C100] =	vst v63  }
0x196: {  	_ =	swait.ge [sflag:s20], $0x800  }
0x197: {  	[sflag:s20] =	ssyncset.done $0x0  }
0x198: {  	[sflag:s20] =	ssyncadd.s32 $0xFFFFF800  }
0x199: {  	[bflag:$0x0] =	sbarrier.arrive $0xFFFF  }
0x19a: {  	s15 =	rddreg [dreg:$0x13]  }
0x19b: {  	s3 =	simm.s32 @p0 $0x1FD5;
	s16 =	rddreg [dreg:$0x15]  }
0x19c: {  	[hbm:s15], [sflag:s3] =	dma.local @p0 [spmem:s16], $0x2080  }
0x19d: {  	s3 =	simm.s32 @p0 $0x15  }
0x19e: {  	_ =	swait.ge @p0 [sflag:s3], $0x2080  }
0x19f: {  	s15 =	stileid.u32;
	s16 =	rddreg [dreg:$0x5]  }
0x1a0: {  	s15 =	sshll.u32 @!p0 s15, $0x6;
	[sflag:s3] =	ssyncset.done @p0 $0x0;
	s19 =	rddreg [dreg:$0x12]  }
0x1a1: {  	[sflag:s3] =	ssyncadd.s32 @p0 $0xFFFFDF80;
	s3 =	sor.u32 @!p0 $0x1C15, s15;
	s15 =	sshrl.u32 @!p0 s16, $0x3  }
0x1a2: {  	[hbm:s19], [sflag:s3] =	dma.local @!p0 [spmem:s15], $0x2780  }
0x1a3: {  	s3 =	simm.s32 @!p0 $0x15  }
0x1a4: {  	_ =	swait.ge @!p0 [sflag:s3], $0x2780  }
0x1a5: {  	s15 =	rddreg [dreg:$0x1f]  }
0x1a6: {  	s28 =	rddreg [dreg:$0x14];
	s19 =	sadd.s32 $0x1, s15  }
0x1a7: {  	p1 =	sne.s32 s19, s28  }
.Ltmp8:
0x1a8: {  	_ = 	snop;
	(pc) =	sbr.rel @p1 .LBB2_1-.Ltmp8, $3  }
0x1a9: {  	_ =	sdelay $0x1  }
0x1aa: {  	[sflag:s3] =	ssyncset.done @!p0 $0x0  }
0x1ab: {  	[sflag:s3] =	ssyncadd.s32 @!p0 $0xFFFFD880  }
0x1ac: {  	_ =	sfence.sel $0x180000  }
0x1ad: {  	[bflag:$0x0] =	sbarrier.arrive $0xFFFF  }
0x1ae: {  	_ =	strace $0x90000047  }
0x1af: {  	s0 =	stileid.u32;
	[bflag:$0x2] =	sbarrier.arrive $0xFFFF  }
0x1b0: {  	p0 =	sne.s32 s0, $0x0;
	s0 =	rddreg [dreg:$0x4]  }
0x1b1: {  	s0 =	sadd.s32 @!p0 $0x100000, s0  }
0x1b2: {  	[sflag:s0] =	ssyncadd.tile.s32 @!p0 $0x1;
	_ =	shalt  }
.Lfunc_end2:
_tile_overlayer_lowered:
.L_overlay_start_2:
0x1b3: {  	(tag) =	ssettag $0x2  }
0x1b4: {  	s0 =	rddreg [dreg:$0x0];
	s2 =	stileid.u32  }
0x1b5: {  	s1 =	rddreg [dreg:$0x1];
	p0 =	sne.s32 s2, $0x0  }
0x1b6: {  	s3 =	rddreg [dreg:$0x2];
	[bflag:$0x3] =	sbarrier.arrive $0xFFFF;
	s2 =	simm.s32 @!p0 $0x1C15  }
0x1b7: {  	[timem:s3], [sflag:s2] =	dma.local @!p0 [hbm:s0], s1  }
0x1b8: {  	s0 =	simm.s32 @!p0 $0x15  }
0x1b9: {  	_ =	swait.ge @!p0 [sflag:s0], s1  }
0x1ba: {  	s1 =	ssub.s32 @!p0 $0x0, s1;
	[sflag:s0] =	ssyncset.done @!p0 $0x0  }
0x1bb: {  	[sflag:s0] =	ssyncadd.s32 @!p0 s1  }
0x1bc: {  	[bflag:$0x3] =	sbarrier.arrive $0xFFFF  }
0x1bd: {  	_ =	shalt  }

// kernel: kernel.9.cloned.1.call-start
scs
__scs_entry_jumppad:
0x0: {  	(pc) =	sbr.rel $0x88, $3  }
0x1: {  	(tag) =	ssettag $0x0;
	lr =	simm.s32 $0x1  }
0x2: {  	[smem:$0x3F9B] =	sst lr;
	_ =	strace $0xD0000000  }
0x3: {  	_ = 	snop  }
0x4: {  	_ = 	snop  }
0x5: {  	_ = 	snop  }
0x6: {  	_ = 	snop  }
0x7: {  	_ = 	snop  }
__scs_overlays_trampoline_lowered:
0x8: {  	[smem:$0x3FAA] =	sst s0  }
0x9: {  	[smem:$0x3FAB] =	sst s1  }
0xa: {  	[smem:$0x3FAC] =	sst s2  }
0xb: {  	[smem:$0x3FAD] =	sst s3  }
0xc: {  	[smem:$0x3FAE] =	sst s4  }
0xd: {  	[smem:$0x3FAF] =	sst s5  }
0xe: {  	[smem:$0x3FB0] =	sst s6  }
0xf: {  	[smem:$0x3FB1] =	sst s7  }
0x10: {  	[smem:$0x3FB2] =	sst s8  }
0x11: {  	[smem:$0x3FB3] =	sst s9;
	s0 =	simm.s32 @!p0 $0x0  }
0x12: {  	s1 =	sld [smem:$0x3F99];
	s0 =	simm.s32 @p0 $0x1  }
0x13: {  	[smem:$0x3FB4] =	sst s0;
	s0 =	simm.s32 @!p1 $0x0  }
0x14: {  	s2 =	sld [smem:$0x3F98];
	s0 =	simm.s32 @p1 $0x1  }
0x15: {  	[smem:$0x3FB5] =	sst s0;
	s0 =	simm.s32 @!p2 $0x0  }
0x16: {  	s3 =	sld [smem:$0x3FDB];
	s0 =	simm.s32 @p2 $0x1  }
0x17: {  	s4 =	simm.s32 $0x1BF5;
	[smem:$0x3FB7] =	sst s0  }
0x18: {  	s0 =	sld [smem:$0x3F9A];
	_ =	swait.ge [sflag:s4], $0x0  }
0x19: {  	s7 =	sld [smem:$0x3F9B]  }
0x1a: {  	s8 =	sadd.s32 $0xFFFFE003, lr  }
0x1b: {  	s9 =	sadd.s32 $0xFFFFFEF7, lr;
	s5 =	simm.s32 $0xFFFFFFFF;
	p2 =	slt.u32 s8, $0xFFFFF086  }
0x1c: {  	p1 =	slt.u32 s9, $0xF7A;
	s5 =	simm.s32 @!p2 $0x0  }
0x1d: {  	s5 =	simm.s32 @p1 $0x1;
	p0 =	seq.s32 s7, s2  }
0x1e: {  	s7 =	smul.u32 @!p0 $0xF7A, s2;
	p2 =	seq.s32 @!p0 s5, $0x0  }
0x1f: {  	s9 =	smul.u32 $0xF7A, s1;
	s8 =	simm.s32 @!p0 $0x1BF5;
	p2 =	por !p2, p0  }
0x20: {  	[sflag:s8] =	ssyncset.s32 @!p0 $0xFFFFF086;
	s6 =	sadd.s32 @!p0 s3, s7;
	s7 =	simm.s32 @!p0 $0x108  }
0x21: {  	s3 =	sadd.s32 s3, s9;
	s6 =	sadd.s32 @!p0 $0x88, s6;
	s7 =	simm.s32 @p2 $0x1082  }
0x22: {  	[simem:s7], [sflag:s8] =	dma.local @!p0 [hbm:s6], $0xF7A  }
0x23: {  	s9 =	sor.u32 $0xD0000000, s2;
	s6 =	simm.s32 $0x108;
	_ =	swait.ge @!p0 [sflag:s8], $0x0  }
0x24: {  	s3 =	sadd.s32 $0x88, s3;
	s6 =	simm.s32 @!p1 $0x1082;
	[sflag:s4] =	ssyncset.s32 $0xFFFFF086  }
0x25: {  	[simem:s6], [sflag:s4] =	dma.local [hbm:s3], $0xF7A  }
0x26: {  	[smem:$0x3F9B] =	sst s1;
	(tag) =	ssettag s2;
	_ =	strace s9  }
0x27: {  	s1 =	sld [smem:$0x3FAB]  }
0x28: {  	s2 =	sld [smem:$0x3FAC]  }
0x29: {  	s4 =	sld [smem:$0x3FAE]  }
0x2a: {  	p0 =	seq.s32 s5, $0x0;
	s5 =	sld [smem:$0x3FAF]  }
0x2b: {  	s6 =	sld [smem:$0x3FB0]  }
0x2c: {  	s7 =	sld [smem:$0x3FB1]  }
0x2d: {  	s3 =	simm.s32 $0x108;
	s8 =	sld [smem:$0x3FB2]  }
0x2e: {  	s3 =	simm.s32 @!p0 $0x1082;
	s9 =	sld [smem:$0x3FB3]  }
0x2f: {  	lr =	sadd.s32 s0, s3;
	s0 =	sld [smem:$0x3FAA]  }
0x30: {  	s3 =	sld [smem:$0x3FAD]  }
0x31: {  	[smem:$0x3FB6] =	sst s10  }
0x32: {  	s10 =	sld [smem:$0x3FB4];
	_ =	sdelay $0x3  }
0x33: {  	p0 =	seq.s32 s10, $0x1;
	s10 =	sld [smem:$0x3FB6];
	_ =	sdelay $0x3  }
0x34: {  	[smem:$0x3FB6] =	sst s10  }
0x35: {  	s10 =	sld [smem:$0x3FB5];
	_ =	sdelay $0x3  }
0x36: {  	p1 =	seq.s32 s10, $0x1;
	s10 =	sld [smem:$0x3FB6];
	_ =	sdelay $0x3  }
0x37: {  	[smem:$0x3FB6] =	sst s10  }
0x38: {  	s10 =	sld [smem:$0x3FB7]  }
0x39: {  	_ = 	snop;
	(pc) =	sbr.ind lr, $3  }
0x3a: {  	_ = 	snop  }
0x3b: {  	_ = 	snop  }
0x3c: {  	p2 =	seq.s32 s10, $0x1;
	s10 =	sld [smem:$0x3FB6]  }
0x3d: {  	_ =	shalt  }
0x3e: {  	_ =	shalt  }
0x3f: {  	_ =	shalt  }
0x40: {  	_ =	shalt  }
0x41: {  	_ =	shalt  }
0x42: {  	_ =	shalt  }
0x43: {  	_ =	shalt  }
0x44: {  	_ =	shalt  }
0x45: {  	_ =	shalt  }
0x46: {  	_ =	shalt  }
0x47: {  	_ =	shalt  }
0x48: {  	_ =	shalt  }
0x49: {  	_ =	shalt  }
0x4a: {  	_ =	shalt  }
0x4b: {  	_ =	shalt  }
0x4c: {  	_ =	shalt  }
0x4d: {  	_ =	shalt  }
0x4e: {  	_ =	shalt  }
0x4f: {  	_ =	shalt  }
0x50: {  	_ =	shalt  }
0x51: {  	_ =	shalt  }
0x52: {  	_ =	shalt  }
0x53: {  	_ =	shalt  }
0x54: {  	_ =	shalt  }
0x55: {  	_ =	shalt  }
0x56: {  	_ =	shalt  }
0x57: {  	_ =	shalt  }
0x58: {  	_ =	shalt  }
0x59: {  	_ =	shalt  }
0x5a: {  	_ =	shalt  }
0x5b: {  	_ =	shalt  }
0x5c: {  	_ =	shalt  }
0x5d: {  	_ =	shalt  }
0x5e: {  	_ =	shalt  }
0x5f: {  	_ =	shalt  }
0x60: {  	_ =	shalt  }
0x61: {  	_ =	shalt  }
0x62: {  	_ =	shalt  }
0x63: {  	_ =	shalt  }
0x64: {  	_ =	shalt  }
0x65: {  	_ =	shalt  }
0x66: {  	_ =	shalt  }
0x67: {  	_ =	shalt  }
0x68: {  	_ =	shalt  }
0x69: {  	_ =	shalt  }
0x6a: {  	_ =	shalt  }
0x6b: {  	_ =	shalt  }
0x6c: {  	_ =	shalt  }
0x6d: {  	_ =	shalt  }
0x6e: {  	_ =	shalt  }
0x6f: {  	_ =	shalt  }
0x70: {  	_ =	shalt  }
0x71: {  	_ =	shalt  }
0x72: {  	_ =	shalt  }
0x73: {  	_ =	shalt  }
0x74: {  	_ =	shalt  }
0x75: {  	_ =	shalt  }
0x76: {  	_ =	shalt  }
0x77: {  	_ =	shalt  }
0x78: {  	_ =	shalt  }
0x79: {  	_ =	shalt  }
0x7a: {  	_ =	shalt  }
0x7b: {  	_ =	shalt  }
0x7c: {  	_ =	shalt  }
0x7d: {  	_ =	shalt  }
0x7e: {  	_ =	shalt  }
0x7f: {  	_ =	shalt  }
0x80: {  	_ =	shalt  }
0x81: {  	_ =	shalt  }
0x82: {  	_ =	shalt  }
0x83: {  	_ =	shalt  }
0x84: {  	_ =	shalt  }
0x85: {  	_ =	shalt  }
0x86: {  	_ =	shalt  }
0x87: {  	_ =	shalt  }
.Lfunc_end0:
.L_simem_size_0:
called_computation.1_lowered:
.L_overlay_start_0:
0x88: {  	s2 =	sld [smem:$0x3FD9]  }
0x89: {  	s3 =	sld [smem:$0x3FFE];
	_ =	sdelay $0x1  }
0x8a: {  	s1 =	srdreg.scid  }
0x8b: {  	s0 =	sand.u32 $0x1, s1  }
0x8c: {  	s17 =	sshll.u32 s0, $0xA;
	s2 =	sadd.s32 s3, s2  }
0x8d: {  	s2 =	sadd.s32 s2, s17  }
0x8e: {  	[smem:$0x3FC2] =	sst s2  }
0x8f: {  	_ = 	snop  }
0x90: {  	s2 =	sld [smem:$0x3FC9]  }
0x91: {  	s18 =	sld [smem:$0x3FD0];
	(tm) =	ssettm $0x1  }
0x92: {  	s4 =	sld [smem:$0x3FFB];
	_ =	sdelay $0x3  }
0x93: {  	_ =	strace s4  }
0x94: {  	s4 =	sld [smem:$0x3FFC];
	_ =	sdelay $0x3  }
0x95: {  	_ =	strace s4  }
0x96: {  	s4 =	sld [smem:$0x3FFD];
	_ =	sdelay $0x3  }
0x97: {  	_ =	strace s4  }
0x98: {  	_ =	strace $0x8FFFFFFF  }
0x99: {  	s19 =	sld [smem:$0x3FDB];
	_ =	sdelay $0x1  }
0x9a: {  	s5 =	simm.s32 $_scs_section_size  }
0x9b: {  	s6 =	simm.s32 $_size__tile_overlayer_lowered;
	s7 =	simm.s32 $_tile_overlayer_lowered  }
0x9c: {  	s22 =	simm.s32 $0x1BFF;
	s21 =	sshll.u32 s7, $0x1;
	s4 =	sadd.s32 s5, s19  }
0x9d: {  	s8 =	simm.s32 $0x0;
	s20 =	sshll.u32 s6, $0x1;
	s6 =	sadd.s32 s21, s4  }
0x9e: {  	[timem:s8], [sflag:s22] =	dma.local [hbm:s6], s20  }
0x9f: {  	_ =	swait.ge [sflag:s22], s20  }
0xa0: {  	s5 =	ssub.s32 $0x0, s20;
	[sflag:s22] =	ssyncset.done $0x0  }
0xa1: {  	[sflag:s22] =	ssyncadd.s32 s5;
	_ =	sdelay $0x1  }
0xa2: {  	s23 =	simm.s32 $0x1B8B  }
0xa3: {  	_ =	swait.ge [sflag:s23], $0x1  }
0xa4: {  	[sflag:s23] =	ssyncset.done $0x0  }
0xa5: {  	s25 =	simm.s32 $0x1B8E;
	s24 =	sld [smem:$0x3FFE];
	[sflag:s23] =	ssyncadd.s32 $0xFFFFFFFF  }
0xa6: {  	s26 =	simm.s32 $execute0_lowered;
	[smem:$0x3FD2] =	sst s25  }
0xa7: {  	s6 =	sshll.u32 s26, $0x1;
	_ =	strace $0x80000049;
	[dreg:$0x1] =	wrdreg $0xFFFFFFFF  }
0xa8: {  	s28 =	simm.s32 $_size_execute0_lowered;
	s4 =	sadd.s32 s4, s6;
	[dreg:$0x0] =	wrdreg $0x0  }
0xa9: {  	s6 =	sshll.u32 s28, $0x1;
	[dreg:$0x2] =	wrdreg s4  }
0xaa: {  	[dreg:$0x3] =	wrdreg s6  }
0xab: {  	[dreg:$0x4] =	wrdreg $0xC0  }
0xac: {  	_ =	task [dreg:s8], $0x5FFFF  }
0xad: {  	[dreg:$0x1] =	wrdreg $0xFFFFFFFF  }
0xae: {  	[dreg:$0x0] =	wrdreg $0x60  }
0xaf: {  	[dreg:$0x2] =	wrdreg s2  }
0xb0: {  	[dreg:$0x3] =	wrdreg s24  }
0xb1: {  	[dreg:$0x4] =	wrdreg s18  }
0xb2: {  	[dreg:$0x5] =	wrdreg $0x0  }
0xb3: {  	[dreg:$0x6] =	wrdreg $0x9  }
0xb4: {  	_ =	task.clear_ibuf [dreg:s8], $0x7FFFF;
	_ =	strace $0x90000049  }
0xb5: {  	s29 =	simm.s32 $0x9;
	_ =	strace $0x8000004B  }
0xb6: {  	_ =	swait.ge [sflag:s29], $0x1  }
0xb7: {  	[sflag:s29] =	ssyncadd.s32 $0xFFFFFFFF  }
0xb8: {  	_ =	strace $0x9000004B  }
0xb9: {  	_ =	sfence  }
0xba: {  	s30 =	sld [smem:$0x0];
	_ =	sdelay $0x2  }
0xbb: {  	s31 =	sshll.u32 s1, $0xD;
	s1 =	sshrl.u32 s1, $0x2  }
0xbc: {  	s3 =	sand.u32 $0x4000, s31;
	s1 =	sadd.s32 s1, s30  }
0xbd: {  	s0 =	sor.u32 s3, s0;
	s1 =	sshll.u32 s1, $0x11  }
0xbe: {  	s0 =	sor.u32 s1, s0  }
0xbf: {  	s0 =	sadd.s32 $0x8F2B, s0  }
0xc0: {  	[sflag:s0] =	ssyncadd.remote.s32 $0x1  }
0xc1: {  	_ =	sfence.sel $0xFFFF  }
0xc2: {  	[dreg:$0x0] =	wrdreg $0xFFFFFFFF;
	(pc) =	sbr.abs _section_cstart, $3  }
0xc3: {  	[dreg:$0x1] =	wrdreg $0xFFFFFFFF  }
0xc4: {  	_ =	task.clear_ibuf [dreg:s8], $0x2FFFF;
	_ =	strace $0x9FFFFFFF  }
0xc5: {  	(tm) =	ssettm $0x7FFFFFFF  }
tec
execute0_lowered:
.L_overlay_start_1:
0x0: {  	(tag) =	ssettag $0x1  }
0x1: {  	s1 =	rddreg [dreg:$0x0]  }
0x2: {  	s0 =	srdreg.scid;
	s3 =	rddreg [dreg:$0x1]  }
0x3: {  	s21 =	stileid.u32;
	s2 =	simm.s32 $0x0;
	s28 =	simm.s32 $0x3  }
0x4: {  	s4 =	sand.u32 $0x1, s0;
	s5 =	smul.u32 $0x13C00, s21;
	[smem:$0x7FF] =	sst s2  }
0x5: {  	s8 =	sadd.s32 $0xEB0400, s3;
	s25 =	smul.u32 $0x2710, s21;
	s0 =	ssub.s32 $0x2, s4  }
0x6: {  	s7 =	smul.u32 $0x138800, s4;
	s6 =	sshrl.u32 s0, $0x1;
	s11 =	sadd.s32 $0x4000, s5  }
0x7: {  	s14 =	sadd.s32 $0x8000, s5;
	s15 =	sadd.s32 $0xA000, s5;
	s16 =	sadd.s32 $0xC000, s5  }
0x8: {  	s17 =	sadd.s32 $0xE000, s5;
	s0 =	ssub.s32 s0, s6;
	s6 =	sadd.s32 $0x2000, s5  }
0x9: {  	s9 =	sadd.s32 s5, s7;
	s12 =	sadd.s32 s7, s11;
	s13 =	sadd.s32 s7, s14  }
0xa: {  	s22 =	sadd.s32 s7, s15;
	s24 =	sadd.s32 s7, s16;
	s26 =	sadd.s32 s7, s17  }
0xb: {  	s10 =	sadd.s32 s7, s6;
	s9 =	sshrl.u32 s9, $0x3;
	s18 =	sshrl.u32 s12, $0x3  }
0xc: {  	s12 =	sadd.s32 $0x6000, s5;
	s20 =	sshrl.u32 s13, $0x3;
	s10 =	sshrl.u32 s10, $0x3  }
0xd: {  	s23 =	sshrl.u32 s22, $0x3;
	s13 =	rddreg [dreg:$0x3];
	s10 =	sadd.s32 s8, s10  }
0xe: {  	s19 =	sadd.s32 s7, s12;
	[dreg:$0x5] =	wrdreg s10;
	s10 =	sadd.s32 s8, s18  }
0xf: {  	s5 =	sadd.s32 $0x10000, s5;
	[dreg:$0x6] =	wrdreg s10;
	s10 =	sshrl.u32 s19, $0x3  }
0x10: {  	s18 =	smul.u32 $0x27100, s4;
	s19 =	sadd.s32 s7, s5;
	s10 =	sadd.s32 s8, s10  }
0x11: {  	s7 =	sshrl.u32 s7, $0x3;
	[dreg:$0x7] =	wrdreg s10;
	s10 =	sadd.s32 s8, s20  }
0x12: {  	s22 =	sadd.s32 s25, s18;
	s20 =	sshrl.u32 s19, $0x3;
	[dreg:$0x8] =	wrdreg s10  }
0x13: {  	s19 =	sadd.s32 s8, s9;
	s10 =	sadd.s32 s8, s23;
	s23 =	rddreg [dreg:$0x2]  }
0x14: {  	s25 =	smul.u32 $0x4F000, s21;
	s18 =	sadd.s32 $0xEFE600, s3;
	[dreg:$0xe] =	wrdreg s19  }
0x15: {  	[dreg:$0x9] =	wrdreg s10;
	s10 =	sshrl.u32 s24, $0x3;
	s9 =	sadd.s32 s23, s9  }
0x16: {  	s24 =	sadd.s32 $0x25080, s7;
	s10 =	sadd.s32 s8, s10;
	[dreg:$0x10] =	wrdreg s9  }
0x17: {  	[dreg:$0xa] =	wrdreg s10;
	s10 =	sshrl.u32 s26, $0x3;
	s26 =	sadd.s32 s23, s24  }
0x18: {  	s19 =	sadd.s32 $0x600, s3;
	s10 =	sadd.s32 s8, s10;
	[dreg:$0x11] =	wrdreg s26  }
0x19: {  	s7 =	sadd.s32 s8, s7;
	[dreg:$0xc] =	wrdreg s10;
	s10 =	sadd.s32 s8, s20  }
0x1a: {  	s8 =	sadd.s32 s8, s24;
	s20 =	sadd.s32 $0xA400, s3;
	s3 =	smul.u32 $0x2710, s4  }
0x1b: {  	s4 =	sadd.s32 s6, s13;
	s6 =	sadd.s32 s11, s13;
	[dreg:$0xd] =	wrdreg s10  }
0x1c: {  	s11 =	sadd.s32 s16, s13;
	s16 =	sadd.s32 $0x25480, s7;
	[dreg:$0xf] =	wrdreg s8  }
0x1d: {  	s23 =	sadd.s32 $0x25C80, s7;
	_ =	strace $0x8000004A;
	[dreg:$0x13] =	wrdreg s16  }
0x1e: {  	s29 =	simm.s32 $0x7;
	s24 =	sadd.s32 $0x26080, s7;
	[dreg:$0x15] =	wrdreg s23  }
0x1f: {  	s8 =	sshrl.u32 s25, $0x2;
	s25 =	sadd.s32 $0x26480, s7;
	[dreg:$0x16] =	wrdreg s24  }
0x20: {  	s30 =	simm.s32 $0xF;
	s26 =	sadd.s32 $0x26880, s7;
	[dreg:$0x17] =	wrdreg s25  }
0x21: {  	s31 =	simm.s32 $0xA;
	s0 =	smax.u32 s0, $0x1;
	[dreg:$0x18] =	wrdreg s26  }
0x22: {  	p0 =	seq.s32 s21, $0xF;
	s5 =	sadd.s32 s5, s13;
	[smem:$0x7EA] =	sst s0  }
0x23: {  	s10 =	sadd.s32 s8, s13;
	s8 =	sadd.s32 s12, s13;
	[dreg:$0xb] =	wrdreg s22  }
0x24: {  	s12 =	sadd.s32 s17, s13;
	s17 =	sadd.s32 $0x25880, s7;
	[dreg:$0x12] =	wrdreg s10  }
0x25: {  	s10 =	sadd.s32 s15, s13;
	[dreg:$0x14] =	wrdreg s17;
	s15 =	sadd.s32 $0x26C80, s7  }
0x26: {  	s16 =	sshrl.u32 s22, $0x3;
	s7 =	sadd.s32 $0x27080, s7;
	[dreg:$0x19] =	wrdreg s15  }
0x27: {  	s0 =	sadd.s32 $0x12A400, s13;
	s23 =	sadd.s32 s19, s16;
	[dreg:$0x1a] =	wrdreg s7  }
0x28: {  	s17 =	sadd.s32 $0x40, s22;
	s0 =	sshrl.u32 @p0 s0, $0x3;
	[dreg:$0x1b] =	wrdreg s23  }
0x29: {  	s7 =	sadd.s32 s20, s16;
	s24 =	sshrl.u32 s17, $0x3;
	[smem:$0x7EB] =	sst s0  }
0x2a: {  	s9 =	sadd.s32 s14, s13;
	[dreg:$0x1c] =	wrdreg s7;
	s25 =	sadd.s32 s19, s24  }
0x2b: {  	s0 =	sadd.s32 $0x12C400, s13;
	s7 =	sadd.s32 s20, s24;
	[dreg:$0x1d] =	wrdreg s25  }
0x2c: {  	s26 =	sshll.u32 s22, $0x4;
	s0 =	sshrl.u32 @p0 s0, $0x3;
	[dreg:$0x1e] =	wrdreg s7  }
0x2d: {  	s15 =	sadd.s32 $0x2700, s22;
	s24 =	sadd.s32 $0x128400, s13;
	[smem:$0x7EC] =	sst s0  }
0x2e: {  	s16 =	sshrl.u32 s15, $0x3;
	s7 =	sadd.s32 s18, s26;
	[smem:$0x7FB] =	sst s24  }
0x2f: {  	s14 =	sshll.u32 s17, $0x4;
	s17 =	sadd.s32 s19, s16;
	[dreg:$0x1f] =	wrdreg s7  }
0x30: {  	s21 =	simm.s32 $0x2;
	s25 =	sadd.s32 $0x100, s22;
	[smem:$0x7E7] =	sst s17  }
0x31: {  	s26 =	sadd.s32 $0x140, s22;
	s7 =	sadd.s32 s18, s14;
	[smem:$0x7FC] =	sst s25  }
0x32: {  	s22 =	simm.s32 $0x6;
	[smem:$0x7E6] =	sst s7;
	s7 =	sadd.s32 s20, s16  }
0x33: {  	s24 =	simm.s32 $0x18100;
	[smem:$0x7E8] =	sst s7;
	s7 =	sadd.s32 $0x12E400, s13  }
0x34: {  	s14 =	sshll.u32 s15, $0x4;
	[smem:$0x7FD] =	sst s26;
	s0 =	sshrl.u32 @p0 s7, $0x3  }
0x35: {  	s26 =	simm.s32 $0x14100;
	[smem:$0x7ED] =	sst s0;
	s0 =	sadd.s32 $0x130400, s13  }
0x36: {  	s17 =	simm.s32 $0x40;
	s15 =	simm.s32 $0x4;
	s0 =	sshrl.u32 @p0 s0, $0x3  }
0x37: {  	s23 =	sadd.s32 s18, s14;
	[smem:$0x7EE] =	sst s0;
	s0 =	sadd.s32 $0x132400, s13  }
0x38: {  	[smem:$0x7E9] =	sst s23;
	s7 =	sadd.s32 $0x134400, s13;
	s0 =	sshrl.u32 @p0 s0, $0x3  }
0x39: {  	s7 =	sshrl.u32 @p0 s7, $0x3;
	[smem:$0x7EF] =	sst s0;
	s0 =	sadd.s32 $0x136400, s13  }
0x3a: {  	s14 =	sadd.s32 $0x138400, s13;
	[smem:$0x7F0] =	sst s7;
	s0 =	sshrl.u32 @p0 s0, $0x3  }
0x3b: {  	s16 =	simm.s32 $0x8;
	[smem:$0x7F1] =	sst s0;
	s0 =	sshrl.u32 @p0 s14, $0x3  }
0x3c: {  	s23 =	simm.s32 $0xE;
	[smem:$0x7F2] =	sst s0;
	s0 =	sshrl.u32 @!p0 s4, $0x3  }
0x3d: {  	s7 =	simm.s32 $0x0;
	[smem:$0x7F3] =	sst s0;
	s0 =	sshrl.u32 @!p0 s6, $0x3  }
0x3e: {  	s14 =	simm.s32 $0x13C80;
	[smem:$0x7F4] =	sst s0;
	s0 =	sshrl.u32 @!p0 s8, $0x3  }
0x3f: {  	s4 =	simm.s32 $0x12;
	[smem:$0x7F5] =	sst s0;
	s0 =	sshrl.u32 @!p0 s9, $0x3  }
0x40: {  	s6 =	simm.s32 $0x10;
	[smem:$0x7F6] =	sst s0;
	s0 =	sshrl.u32 @!p0 s10, $0x3  }
0x41: {  	s9 =	simm.s32 $0xC;
	[smem:$0x7F7] =	sst s0;
	s0 =	sshrl.u32 @!p0 s11, $0x3  }
0x42: {  	s10 =	simm.s32 $0xB;
	[smem:$0x7F8] =	sst s0;
	s0 =	sshrl.u32 @!p0 s12, $0x3  }
0x43: {  	s11 =	simm.s32 $0x16100;
	[smem:$0x7F9] =	sst s0;
	s0 =	sshrl.u32 @!p0 s5, $0x3  }
0x44: {  	v0 =	vmov s3;
	s12 =	simm.s32 $0x1A100;
	s5 =	simm.s32 $0x9;
	[smem:$0x7FA] =	sst s0  }
.LBB2_1:
0x45: {  	s0 =	sld [smem:$0x7FB];
	_ =	sdelay $0x1  }
0x46: {  	[smem:$0x7E2] =	sst s7  }
0x47: {  	s7 =	sshrl.u32 @p0 s0, $0x3;
	s0 =	rddreg [dreg:$0xf]  }
0x48: {  	s3 =	simm.s32 @p0 $0x1FD5;
	[smem:$0x7E3] =	sst s7  }
0x49: {  	[spmem:s7], [sflag:s3] =	dma.local @p0 [hbm:s0], $0x400  }
0x4a: {  	s7 =	simm.s32 @p0 $0x15  }
0x4b: {  	_ =	swait.ge @p0 [sflag:s7], $0x400  }
0x4c: {  	s8 =	sld [smem:$0x7EB]  }
0x4d: {  	[sflag:s7] =	ssyncset.done @p0 $0x0  }
0x4e: {  	s0 =	rddreg [dreg:$0x13];
	[sflag:s7] =	ssyncadd.s32 @p0 $0xFFFFFC00  }
0x4f: {  	[spmem:s8], [sflag:s3] =	dma.local @p0 [hbm:s0], $0x400  }
0x50: {  	_ =	swait.ge @p0 [sflag:s7], $0x400  }
0x51: {  	s8 =	sld [smem:$0x7EC]  }
0x52: {  	[sflag:s7] =	ssyncset.done @p0 $0x0  }
0x53: {  	s0 =	rddreg [dreg:$0x14];
	[sflag:s7] =	ssyncadd.s32 @p0 $0xFFFFFC00  }
0x54: {  	[spmem:s8], [sflag:s3] =	dma.local @p0 [hbm:s0], $0x400  }
0x55: {  	_ =	swait.ge @p0 [sflag:s7], $0x400  }
0x56: {  	s8 =	sld [smem:$0x7ED]  }
0x57: {  	[sflag:s7] =	ssyncset.done @p0 $0x0  }
0x58: {  	s0 =	rddreg [dreg:$0x15];
	[sflag:s7] =	ssyncadd.s32 @p0 $0xFFFFFC00  }
0x59: {  	[spmem:s8], [sflag:s3] =	dma.local @p0 [hbm:s0], $0x400  }
0x5a: {  	_ =	swait.ge @p0 [sflag:s7], $0x400  }
0x5b: {  	s8 =	sld [smem:$0x7EE]  }
0x5c: {  	[sflag:s7] =	ssyncset.done @p0 $0x0  }
0x5d: {  	s0 =	rddreg [dreg:$0x16];
	[sflag:s7] =	ssyncadd.s32 @p0 $0xFFFFFC00  }
0x5e: {  	[spmem:s8], [sflag:s3] =	dma.local @p0 [hbm:s0], $0x400  }
0x5f: {  	_ =	swait.ge @p0 [sflag:s7], $0x400  }
0x60: {  	s8 =	sld [smem:$0x7EF]  }
0x61: {  	[sflag:s7] =	ssyncset.done @p0 $0x0  }
0x62: {  	s0 =	rddreg [dreg:$0x17];
	[sflag:s7] =	ssyncadd.s32 @p0 $0xFFFFFC00  }
0x63: {  	[spmem:s8], [sflag:s3] =	dma.local @p0 [hbm:s0], $0x400  }
0x64: {  	_ =	swait.ge @p0 [sflag:s7], $0x400  }
0x65: {  	s8 =	sld [smem:$0x7F0]  }
0x66: {  	[sflag:s7] =	ssyncset.done @p0 $0x0  }
0x67: {  	s0 =	rddreg [dreg:$0x18];
	[sflag:s7] =	ssyncadd.s32 @p0 $0xFFFFFC00  }
0x68: {  	[spmem:s8], [sflag:s3] =	dma.local @p0 [hbm:s0], $0x400  }
0x69: {  	_ =	swait.ge @p0 [sflag:s7], $0x400  }
0x6a: {  	s8 =	sld [smem:$0x7F1]  }
0x6b: {  	[sflag:s7] =	ssyncset.done @p0 $0x0  }
0x6c: {  	s0 =	rddreg [dreg:$0x19];
	[sflag:s7] =	ssyncadd.s32 @p0 $0xFFFFFC00  }
0x6d: {  	[spmem:s8], [sflag:s3] =	dma.local @p0 [hbm:s0], $0x400  }
0x6e: {  	_ =	swait.ge @p0 [sflag:s7], $0x400  }
0x6f: {  	s8 =	sld [smem:$0x7F2]  }
0x70: {  	[sflag:s7] =	ssyncset.done @p0 $0x0  }
0x71: {  	s0 =	rddreg [dreg:$0x1a];
	[sflag:s7] =	ssyncadd.s32 @p0 $0xFFFFFC00  }
0x72: {  	[spmem:s8], [sflag:s3] =	dma.local @p0 [hbm:s0], $0x80  }
0x73: {  	s0 =	stileid.u32;
	_ =	swait.ge @p0 [sflag:s7], $0x80  }
0x74: {  	s3 =	sshll.u32 @!p0 s0, $0x6;
	[sflag:s7] =	ssyncset.done @p0 $0x0;
	s0 =	rddreg [dreg:$0x12]  }
0x75: {  	s8 =	sor.u32 @!p0 $0x1C15, s3;
	s3 =	sshrl.u32 @!p0 s0, $0x3;
	s0 =	rddreg [dreg:$0xe]  }
0x76: {  	[sflag:s7] =	ssyncadd.s32 @p0 $0xFFFFFF80;
	[smem:$0x7E4] =	sst s3  }
0x77: {  	[spmem:s3], [sflag:s8] =	dma.local @!p0 [hbm:s0], $0x400  }
0x78: {  	s3 =	simm.s32 @!p0 $0x15  }
0x79: {  	_ =	swait.ge @!p0 [sflag:s3], $0x400  }
0x7a: {  	s7 =	sld [smem:$0x7F3]  }
0x7b: {  	[sflag:s3] =	ssyncset.done @!p0 $0x0  }
0x7c: {  	s0 =	rddreg [dreg:$0x5];
	[sflag:s3] =	ssyncadd.s32 @!p0 $0xFFFFFC00  }
0x7d: {  	[spmem:s7], [sflag:s8] =	dma.local @!p0 [hbm:s0], $0x400  }
0x7e: {  	_ =	swait.ge @!p0 [sflag:s3], $0x400  }
0x7f: {  	s7 =	sld [smem:$0x7F4]  }
0x80: {  	[sflag:s3] =	ssyncset.done @!p0 $0x0  }
0x81: {  	s0 =	rddreg [dreg:$0x6];
	[sflag:s3] =	ssyncadd.s32 @!p0 $0xFFFFFC00  }
0x82: {  	[spmem:s7], [sflag:s8] =	dma.local @!p0 [hbm:s0], $0x400  }
0x83: {  	_ =	swait.ge @!p0 [sflag:s3], $0x400  }
0x84: {  	s7 =	sld [smem:$0x7F5]  }
0x85: {  	[sflag:s3] =	ssyncset.done @!p0 $0x0  }
0x86: {  	s0 =	rddreg [dreg:$0x7];
	[sflag:s3] =	ssyncadd.s32 @!p0 $0xFFFFFC00  }
0x87: {  	[spmem:s7], [sflag:s8] =	dma.local @!p0 [hbm:s0], $0x400  }
0x88: {  	_ =	swait.ge @!p0 [sflag:s3], $0x400  }
0x89: {  	s7 =	sld [smem:$0x7F6]  }
0x8a: {  	[sflag:s3] =	ssyncset.done @!p0 $0x0  }
0x8b: {  	s0 =	rddreg [dreg:$0x8];
	[sflag:s3] =	ssyncadd.s32 @!p0 $0xFFFFFC00  }
0x8c: {  	[spmem:s7], [sflag:s8] =	dma.local @!p0 [hbm:s0], $0x400  }
0x8d: {  	_ =	swait.ge @!p0 [sflag:s3], $0x400  }
0x8e: {  	s7 =	sld [smem:$0x7F7]  }
0x8f: {  	[sflag:s3] =	ssyncset.done @!p0 $0x0  }
0x90: {  	s0 =	rddreg [dreg:$0x9];
	[sflag:s3] =	ssyncadd.s32 @!p0 $0xFFFFFC00  }
0x91: {  	[spmem:s7], [sflag:s8] =	dma.local @!p0 [hbm:s0], $0x400  }
0x92: {  	_ =	swait.ge @!p0 [sflag:s3], $0x400  }
0x93: {  	s7 =	sld [smem:$0x7F8]  }
0x94: {  	[sflag:s3] =	ssyncset.done @!p0 $0x0  }
0x95: {  	s0 =	rddreg [dreg:$0xa];
	[sflag:s3] =	ssyncadd.s32 @!p0 $0xFFFFFC00  }
0x96: {  	[spmem:s7], [sflag:s8] =	dma.local @!p0 [hbm:s0], $0x400  }
0x97: {  	_ =	swait.ge @!p0 [sflag:s3], $0x400  }
0x98: {  	s7 =	sld [smem:$0x7F9]  }
0x99: {  	[sflag:s3] =	ssyncset.done @!p0 $0x0  }
0x9a: {  	s0 =	rddreg [dreg:$0xc];
	[sflag:s3] =	ssyncadd.s32 @!p0 $0xFFFFFC00  }
0x9b: {  	[spmem:s7], [sflag:s8] =	dma.local @!p0 [hbm:s0], $0x400  }
0x9c: {  	_ =	swait.ge @!p0 [sflag:s3], $0x400  }
0x9d: {  	s7 =	sld [smem:$0x7FA]  }
0x9e: {  	[sflag:s3] =	ssyncset.done @!p0 $0x0;
	s0 =	rddreg [dreg:$0xd]  }
0x9f: {  	[smem:$0x7E5] =	sst s8;
	[sflag:s3] =	ssyncadd.s32 @!p0 $0xFFFFFC00  }
0xa0: {  	[spmem:s7], [sflag:s8] =	dma.local @!p0 [hbm:s0], $0x400  }
0xa1: {  	_ =	swait.ge @!p0 [sflag:s3], $0x400  }
0xa2: {  	[sflag:s3] =	ssyncset.done @!p0 $0x0  }
0xa3: {  	[sflag:s3] =	ssyncadd.s32 @!p0 $0xFFFFFC00  }
0xa4: {  	[bflag:$0x0] =	sbarrier.arrive $0xFFFF  }
0xa5: {  	s3 =	simm.s32 $0x13C00;
	s7 =	rddreg [dreg:$0x1b]  }
0xa6: {  	[tilespmem:s3], [sflag:$0x1] =	stream.linear.gather [hbm4b:s7+s2], $0x40, $0x38;
	[tilespmem:$0x1C100] =	vst v63  }
0xa7: {  	s25 =	simm.s32 $0x13E00;
	s8 =	rddreg [dreg:$0x1c]  }
0xa8: {  	[tilespmem:s25], [sflag:$0x5] =	stream.linear.gather [hbm4b:s8+s2], $0x40, $0x38;
	[tilespmem:$0x1C100] =	vst v63  }
0xa9: {  	s7 =	rddreg [dreg:$0x1d]  }
0xaa: {  	[tilespmem:s14], [sflag:$0x2] =	stream.linear.gather [hbm4b:s7+s2], $0x40, $0x38;
	[tilespmem:$0x1C100] =	vst v63  }
0xab: {  	s8 =	rddreg [dreg:$0x1e];
	s25 =	simm.s32 $0x13E80  }
0xac: {  	[tilespmem:s25], [sflag:$0x6] =	stream.linear.gather [hbm4b:s8+s2], $0x40, $0x38;
	[tilespmem:$0x1C100] =	vst v63  }
0xad: {  	s8 =	rddreg [dreg:$0x1f]  }
0xae: {  	s25 =	sld [smem:$0x7E6]  }
0xaf: {  	[tilespmem:s26], [sflag:$0xD] =	stream.linear.gather [hbm4b:s8+s2], $0x2000, $0x38;
	[tilespmem:$0x1C100] =	vst v63  }
0xb0: {  	s7 =	simm.s32 $0x1  }
0xb1: {  	[tilespmem:s11], [sflag:$0xE] =	stream.linear.gather [hbm4b:s25+s2], $0x2000, $0x38;
	[tilespmem:$0x1C100] =	vst v63  }
0xb2: {  	_ =	swait.ge [sflag:s7], $0x40  }
0xb3: {  	[sflag:s7] =	ssyncset.done $0x0  }
0xb4: {  	s8 =	simm.s32 $0x5;
	[sflag:s7] =	ssyncadd.s32 $0xFFFFFFC0  }
0xb5: {  	_ =	swait.ge [sflag:s8], $0x40  }
0xb6: {  	[sflag:s8] =	ssyncset.done $0x0  }
0xb7: {  	[sflag:s8] =	ssyncadd.s32 $0xFFFFFFC0  }
0xb8: {  	v1 =	vld [tilespmem:$0x13C00]  }
0xb9: {  	v2 =	vld [tilespmem:$0x13C10]  }
0xba: {  	v3 =	vld [tilespmem:$0x13C20]  }
0xbb: {  	v4 =	vld [tilespmem:$0x13C30];
	_ =	sdelay $0x1  }
0xbc: {  	v1 =	vadd.s32 v0, v1  }
0xbd: {  	[tilespmem:$0x13C00] =	vst v1;
	v1 =	vadd.s32 v0, v2  }
0xbe: {  	[tilespmem:$0x13C10] =	vst v1;
	v1 =	vadd.s32 v0, v3  }
0xbf: {  	[tilespmem:$0x13C20] =	vst v1;
	v1 =	vadd.s32 v0, v4  }
0xc0: {  	s25 =	simm.s32 $0xD;
	[tilespmem:$0x13C30] =	vst v1  }
0xc1: {  	_ =	swait.ge [sflag:s25], $0x2000  }
0xc2: {  	[sflag:s25] =	ssyncset.done $0x0  }
0xc3: {  	[sflag:s25] =	ssyncadd.s32 $0xFFFFE000  }
0xc4: {  	[tilespmem:s26], [sflag:$0x9] =	stream.indirect.gather.add.f32 [hbm:s1], $0x80, s3, s17, $0xb8;
	[tilespmem:$0x1C100] =	vst v63  }
0xc5: {  	s3 =	simm.s32 $0x0  }
.LBB2_2:
0xc6: {  	_ =	swait.ge [sflag:s21], $0x40  }
0xc7: {  	[sflag:s21] =	ssyncset.done $0x0  }
0xc8: {  	[sflag:s21] =	ssyncadd.s32 $0xFFFFFFC0  }
0xc9: {  	_ =	swait.ge [sflag:s22], $0x40  }
0xca: {  	[sflag:s22] =	ssyncset.done $0x0  }
0xcb: {  	[sflag:s22] =	ssyncadd.s32 $0xFFFFFFC0  }
0xcc: {  	v1 =	vld [tilespmem:$0x13C80]  }
0xcd: {  	v2 =	vld [tilespmem:$0x13C90]  }
0xce: {  	v3 =	vld [tilespmem:$0x13CA0]  }
0xcf: {  	v4 =	vld [tilespmem:$0x13CB0];
	_ =	sdelay $0x1  }
0xd0: {  	v1 =	vadd.s32 v0, v1  }
0xd1: {  	[tilespmem:$0x13C80] =	vst v1;
	v1 =	vadd.s32 v0, v2  }
0xd2: {  	[tilespmem:$0x13C90] =	vst v1;
	v1 =	vadd.s32 v0, v3  }
0xd3: {  	[tilespmem:$0x13CA0] =	vst v1;
	v1 =	vadd.s32 v0, v4  }
0xd4: {  	[tilespmem:$0x13CB0] =	vst v1  }
0xd5: {  	_ =	swait.ge [sflag:s23], $0x2000  }
0xd6: {  	[sflag:s23] =	ssyncset.done $0x0  }
0xd7: {  	[sflag:s23] =	ssyncadd.s32 $0xFFFFE000  }
0xd8: {  	[tilespmem:s11], [sflag:$0xA] =	stream.indirect.gather.add.f32 [hbm:s1], $0x80, s14, s17, $0xb8;
	[tilespmem:$0x1C100] =	vst v63  }
0xd9: {  	_ =	swait.ge [sflag:s5], $0x2000  }
0xda: {  	[sflag:s5] =	ssyncset.done $0x0  }
0xdb: {  	s7 =	simm.s32 $0x0;
	[sflag:s5] =	ssyncadd.s32 $0xFFFFE000  }
0xdc: {  	v3 =	vld [tilespmem:s7+$0x14100]  }
0xdd: {  	v5 =	vld [tilespmem:s7+$0x14110]  }
0xde: {  	v4 =	vld [tilespmem:s7+$0x14120]  }
0xdf: {  	v2 =	vld [tilespmem:s7+$0x14130]  }
0xe0: {  	v1 =	vld [tilespmem:s7+$0x14140]  }
0xe1: {  	v6 =	vmax.f32 v3, $0.0e+00;
	v3 =	vld [tilespmem:s7+$0x14150]  }
0xe2: {  	s8 =	simm.s32 $0x200;
	[tilespmem:s7+$0x14100] =	vst v6;
	v6 =	vmax.f32 v5, $0.0e+00;
	v5 =	vld [tilespmem:s7+$0x14160]  }
.LBB2_3:
0xe3: {  	s25 =	sshra.s32 s8, $0x2;
	p1 =	sne.s32 s8, $0x7E00;
	[tilespmem:s7+$0x14110] =	vst v6;
	v4 =	vmax.f32 v4, $0.0e+00;
	v6 =	vld [tilespmem:s7+$0x14170]  }
0xe4: {  	v7 =	vld [tilespmem:s25+$0x14100];
	[tilespmem:s7+$0x14120] =	vst v4;
	v2 =	vmax.f32 v2, $0.0e+00  }
0xe5: {  	v8 =	vld [tilespmem:s25+$0x14110];
	[tilespmem:s7+$0x14130] =	vst v2;
	v1 =	vmax.f32 v1, $0.0e+00  }
.Ltmp0:
0xe6: {  	v4 =	vld [tilespmem:s25+$0x14120];
	[tilespmem:s7+$0x14140] =	vst v1;
	v1 =	vmax.f32 v3, $0.0e+00;
	(pc) =	sbr.rel @p1 .LBB2_3-.Ltmp0, $4  }
0xe7: {  	v2 =	vld [tilespmem:s25+$0x14130];
	[tilespmem:s7+$0x14150] =	vst v1;
	v3 =	vmax.f32 v5, $0.0e+00  }
0xe8: {  	v1 =	vld [tilespmem:s25+$0x14140];
	[tilespmem:s7+$0x14160] =	vst v3;
	v5 =	vmax.f32 v6, $0.0e+00  }
0xe9: {  	v6 =	vmax.f32 v7, $0.0e+00;
	v3 =	vld [tilespmem:s25+$0x14150];
	[tilespmem:s7+$0x14170] =	vst v5;
	s7 =	smov.u32 s25  }
0xea: {  	s8 =	sadd.s32 $0x200, s8;
	[tilespmem:s7+$0x14100] =	vst v6;
	v6 =	vmax.f32 v8, $0.0e+00;
	v5 =	vld [tilespmem:s7+$0x14160]  }
0xeb: {  	[tilespmem:s7+$0x14110] =	vst v6;
	v4 =	vmax.f32 v4, $0.0e+00;
	v6 =	vld [tilespmem:s7+$0x14170]  }
0xec: {  	[tilespmem:s7+$0x14120] =	vst v4;
	v2 =	vmax.f32 v2, $0.0e+00  }
0xed: {  	[tilespmem:s7+$0x14130] =	vst v2;
	v1 =	vmax.f32 v1, $0.0e+00  }
0xee: {  	[tilespmem:s7+$0x14140] =	vst v1;
	v1 =	vmax.f32 v3, $0.0e+00  }
0xef: {  	[tilespmem:s7+$0x14150] =	vst v1;
	v1 =	vmax.f32 v5, $0.0e+00  }
0xf0: {  	s0 =	simm.s32 $0x13E00;
	[tilespmem:s7+$0x14160] =	vst v1;
	v1 =	vmax.f32 v6, $0.0e+00  }
0xf1: {  	p1 =	seq.s32 s3, $0x0;
	s8 =	rddreg [dreg:$0xb];
	[tilespmem:s7+$0x14170] =	vst v1;
	s7 =	sshll.u32 s3, $0x8  }
0xf2: {  	[spmem:s13] =	stream.indirect.scatter.add.f32 [tilespmem:s26], [sflag:$0x11], $0x80, s0, s17, $0xb8;
	[tilespmem:$0x1C100] =	vst v63  }
0xf3: {  	s25 =	simm.s32 @!p1 $0x13;
	s8 =	sadd.s32 s7, s8  }
0xf4: {  	_ =	swait.ge @!p1 [sflag:s25], $0x2000;
	s26 =	sadd.s32 $0x80, s8  }
0xf5: {  	[sflag:s25] =	ssyncset.done @!p1 $0x0;
	s14 =	sshll.u32 s26, $0x4  }
0xf6: {  	[sflag:s25] =	ssyncadd.s32 @!p1 $0xFFFFE000;
	s0 =	sadd.s32 s18, s14;
	s25 =	simm.s32 $0x0  }
0xf7: {  	[tilespmem:s24], [sflag:$0xF] =	stream.linear.gather [hbm4b:s0+s25], $0x2000, $0x38;
	[tilespmem:$0x1C100] =	vst v63  }
0xf8: {  	s0 =	sshrl.u32 s26, $0x3  }
0xf9: {  	s14 =	simm.s32 $0x13D00;
	s26 =	sadd.s32 s19, s0  }
0xfa: {  	[tilespmem:s14], [sflag:$0x3] =	stream.linear.gather [hbm4b:s26+s25], $0x40, $0x38;
	[tilespmem:$0x1C100] =	vst v63  }
0xfb: {  	s0 =	sadd.s32 s20, s0;
	s26 =	simm.s32 $0x13F00  }
0xfc: {  	[tilespmem:s26], [sflag:$0x7] =	stream.linear.gather [hbm4b:s0+s25], $0x40, $0x38;
	[tilespmem:$0x1C100] =	vst v63  }
0xfd: {  	_ =	swait.ge [sflag:s28], $0x40  }
0xfe: {  	[sflag:s28] =	ssyncset.done $0x0  }
0xff: {  	[sflag:s28] =	ssyncadd.s32 $0xFFFFFFC0  }
0x100: {  	_ =	swait.ge [sflag:s29], $0x40  }
0x101: {  	[sflag:s29] =	ssyncset.done $0x0  }
0x102: {  	[sflag:s29] =	ssyncadd.s32 $0xFFFFFFC0  }
0x103: {  	v1 =	vld [tilespmem:$0x13D00]  }
0x104: {  	v2 =	vld [tilespmem:$0x13D10]  }
0x105: {  	v3 =	vld [tilespmem:$0x13D20]  }
0x106: {  	v4 =	vld [tilespmem:$0x13D30];
	_ =	sdelay $0x1  }
0x107: {  	v1 =	vadd.s32 v0, v1  }
0x108: {  	[tilespmem:$0x13D00] =	vst v1;
	v1 =	vadd.s32 v0, v2  }
0x109: {  	[tilespmem:$0x13D10] =	vst v1;
	v1 =	vadd.s32 v0, v3  }
0x10a: {  	[tilespmem:$0x13D20] =	vst v1;
	v1 =	vadd.s32 v0, v4  }
0x10b: {  	[tilespmem:$0x13D30] =	vst v1  }
0x10c: {  	_ =	swait.ge [sflag:s30], $0x2000  }
0x10d: {  	[sflag:s30] =	ssyncset.done $0x0  }
0x10e: {  	[sflag:s30] =	ssyncadd.s32 $0xFFFFE000  }
0x10f: {  	[tilespmem:s24], [sflag:$0xB] =	stream.indirect.gather.add.f32 [hbm:s1], $0x80, s14, s17, $0xb8;
	[tilespmem:$0x1C100] =	vst v63  }
0x110: {  	_ =	swait.ge [sflag:s31], $0x2000  }
0x111: {  	[sflag:s31] =	ssyncset.done $0x0  }
0x112: {  	s25 =	simm.s32 $0x0;
	[sflag:s31] =	ssyncadd.s32 $0xFFFFE000  }
0x113: {  	v3 =	vld [tilespmem:s25+$0x16100]  }
0x114: {  	v5 =	vld [tilespmem:s25+$0x16110]  }
0x115: {  	v4 =	vld [tilespmem:s25+$0x16120]  }
0x116: {  	v2 =	vld [tilespmem:s25+$0x16130]  }
0x117: {  	v1 =	vld [tilespmem:s25+$0x16140]  }
0x118: {  	v6 =	vmax.f32 v3, $0.0e+00;
	v3 =	vld [tilespmem:s25+$0x16150]  }
0x119: {  	s26 =	simm.s32 $0x200;
	[tilespmem:s25+$0x16100] =	vst v6;
	v6 =	vmax.f32 v5, $0.0e+00;
	v5 =	vld [tilespmem:s25+$0x16160]  }
.LBB2_5:
0x11a: {  	s0 =	sshra.s32 s26, $0x2;
	p2 =	sne.s32 s26, $0x7E00;
	[tilespmem:s25+$0x16110] =	vst v6;
	v4 =	vmax.f32 v4, $0.0e+00;
	v6 =	vld [tilespmem:s25+$0x16170]  }
0x11b: {  	v7 =	vld [tilespmem:s0+$0x16100];
	[tilespmem:s25+$0x16120] =	vst v4;
	v2 =	vmax.f32 v2, $0.0e+00  }
0x11c: {  	v8 =	vld [tilespmem:s0+$0x16110];
	[tilespmem:s25+$0x16130] =	vst v2;
	v1 =	vmax.f32 v1, $0.0e+00  }
.Ltmp1:
0x11d: {  	v4 =	vld [tilespmem:s0+$0x16120];
	[tilespmem:s25+$0x16140] =	vst v1;
	v1 =	vmax.f32 v3, $0.0e+00;
	(pc) =	sbr.rel @p2 .LBB2_5-.Ltmp1, $4  }
0x11e: {  	v2 =	vld [tilespmem:s0+$0x16130];
	[tilespmem:s25+$0x16150] =	vst v1;
	v3 =	vmax.f32 v5, $0.0e+00  }
0x11f: {  	v1 =	vld [tilespmem:s0+$0x16140];
	[tilespmem:s25+$0x16160] =	vst v3;
	v5 =	vmax.f32 v6, $0.0e+00  }
0x120: {  	v6 =	vmax.f32 v7, $0.0e+00;
	v3 =	vld [tilespmem:s0+$0x16150];
	[tilespmem:s25+$0x16170] =	vst v5;
	s25 =	smov.u32 s0  }
0x121: {  	s26 =	sadd.s32 $0x200, s26;
	[tilespmem:s25+$0x16100] =	vst v6;
	v6 =	vmax.f32 v8, $0.0e+00;
	v5 =	vld [tilespmem:s25+$0x16160]  }
0x122: {  	[tilespmem:s25+$0x16110] =	vst v6;
	v4 =	vmax.f32 v4, $0.0e+00;
	v6 =	vld [tilespmem:s25+$0x16170]  }
0x123: {  	[tilespmem:s25+$0x16120] =	vst v4;
	v2 =	vmax.f32 v2, $0.0e+00  }
0x124: {  	[tilespmem:s25+$0x16130] =	vst v2;
	v1 =	vmax.f32 v1, $0.0e+00  }
0x125: {  	[tilespmem:s25+$0x16140] =	vst v1;
	v1 =	vmax.f32 v3, $0.0e+00  }
0x126: {  	[tilespmem:s25+$0x16150] =	vst v1;
	v1 =	vmax.f32 v5, $0.0e+00  }
0x127: {  	[tilespmem:s25+$0x16160] =	vst v1;
	v1 =	vmax.f32 v6, $0.0e+00  }
0x128: {  	s0 =	simm.s32 $0x13E80;
	[tilespmem:s25+$0x16170] =	vst v1  }
0x129: {  	[spmem:s13] =	stream.indirect.scatter.add.f32 [tilespmem:s11], [sflag:$0x12], $0x80, s0, s17, $0xb8;
	[tilespmem:$0x1C100] =	vst v63  }
0x12a: {  	s8 =	sadd.s32 $0xC0, s8;
	s0 =	simm.s32 @!p1 $0x14  }
0x12b: {  	s26 =	sshll.u32 s8, $0x4;
	_ =	swait.ge @!p1 [sflag:s0], $0x2000  }
0x12c: {  	s14 =	sadd.s32 s18, s26;
	[sflag:s0] =	ssyncset.done @!p1 $0x0  }
0x12d: {  	s26 =	sshrl.u32 s8, $0x3;
	s25 =	simm.s32 $0x0;
	[sflag:s0] =	ssyncadd.s32 @!p1 $0xFFFFE000  }
0x12e: {  	[tilespmem:s12], [sflag:$0x10] =	stream.linear.gather [hbm4b:s14+s25], $0x2000, $0x38;
	[tilespmem:$0x1C100] =	vst v63  }
0x12f: {  	s8 =	sadd.s32 s19, s26;
	s14 =	simm.s32 $0x13D80  }
0x130: {  	[tilespmem:s14], [sflag:$0x4] =	stream.linear.gather [hbm4b:s8+s25], $0x40, $0x38;
	[tilespmem:$0x1C100] =	vst v63  }
0x131: {  	s0 =	sadd.s32 s20, s26;
	s26 =	simm.s32 $0x13F80  }
0x132: {  	[tilespmem:s26], [sflag:$0x8] =	stream.linear.gather [hbm4b:s0+s25], $0x40, $0x38;
	[tilespmem:$0x1C100] =	vst v63  }
0x133: {  	_ =	swait.ge [sflag:s15], $0x40  }
0x134: {  	[sflag:s15] =	ssyncset.done $0x0  }
0x135: {  	[sflag:s15] =	ssyncadd.s32 $0xFFFFFFC0  }
0x136: {  	_ =	swait.ge [sflag:s16], $0x40  }
0x137: {  	[sflag:s16] =	ssyncset.done $0x0  }
0x138: {  	[sflag:s16] =	ssyncadd.s32 $0xFFFFFFC0  }
0x139: {  	v1 =	vld [tilespmem:$0x13D80]  }
0x13a: {  	v2 =	vld [tilespmem:$0x13D90]  }
0x13b: {  	v3 =	vld [tilespmem:$0x13DA0]  }
0x13c: {  	v4 =	vld [tilespmem:$0x13DB0];
	_ =	sdelay $0x1  }
0x13d: {  	v1 =	vadd.s32 v0, v1  }
0x13e: {  	[tilespmem:$0x13D80] =	vst v1;
	v1 =	vadd.s32 v0, v2  }
0x13f: {  	[tilespmem:$0x13D90] =	vst v1;
	v1 =	vadd.s32 v0, v3  }
0x140: {  	[tilespmem:$0x13DA0] =	vst v1;
	v1 =	vadd.s32 v0, v4  }
0x141: {  	[tilespmem:$0x13DB0] =	vst v1  }
0x142: {  	_ =	swait.ge [sflag:s6], $0x2000  }
0x143: {  	[sflag:s6] =	ssyncset.done $0x0  }
0x144: {  	[sflag:s6] =	ssyncadd.s32 $0xFFFFE000  }
0x145: {  	[tilespmem:s12], [sflag:$0xC] =	stream.indirect.gather.add.f32 [hbm:s1], $0x80, s14, s17, $0xb8;
	[tilespmem:$0x1C100] =	vst v63  }
0x146: {  	_ =	swait.ge [sflag:s10], $0x2000  }
0x147: {  	[sflag:s10] =	ssyncset.done $0x0  }
0x148: {  	s8 =	simm.s32 $0x0;
	[sflag:s10] =	ssyncadd.s32 $0xFFFFE000  }
0x149: {  	v3 =	vld [tilespmem:s8+$0x18100]  }
0x14a: {  	v5 =	vld [tilespmem:s8+$0x18110]  }
0x14b: {  	v4 =	vld [tilespmem:s8+$0x18120]  }
0x14c: {  	v2 =	vld [tilespmem:s8+$0x18130]  }
0x14d: {  	v1 =	vld [tilespmem:s8+$0x18140]  }
0x14e: {  	v6 =	vmax.f32 v3, $0.0e+00;
	v3 =	vld [tilespmem:s8+$0x18150]  }
0x14f: {  	s25 =	simm.s32 $0x200;
	[tilespmem:s8+$0x18100] =	vst v6;
	v6 =	vmax.f32 v5, $0.0e+00;
	v5 =	vld [tilespmem:s8+$0x18160]  }
.LBB2_7:
0x150: {  	s0 =	sshra.s32 s25, $0x2;
	p1 =	sne.s32 s25, $0x7E00;
	[tilespmem:s8+$0x18110] =	vst v6;
	v4 =	vmax.f32 v4, $0.0e+00;
	v6 =	vld [tilespmem:s8+$0x18170]  }
0x151: {  	v7 =	vld [tilespmem:s0+$0x18100];
	[tilespmem:s8+$0x18120] =	vst v4;
	v2 =	vmax.f32 v2, $0.0e+00  }
0x152: {  	v8 =	vld [tilespmem:s0+$0x18110];
	[tilespmem:s8+$0x18130] =	vst v2;
	v1 =	vmax.f32 v1, $0.0e+00  }
.Ltmp2:
0x153: {  	v4 =	vld [tilespmem:s0+$0x18120];
	[tilespmem:s8+$0x18140] =	vst v1;
	v1 =	vmax.f32 v3, $0.0e+00;
	(pc) =	sbr.rel @p1 .LBB2_7-.Ltmp2, $4  }
0x154: {  	v2 =	vld [tilespmem:s0+$0x18130];
	[tilespmem:s8+$0x18150] =	vst v1;
	v3 =	vmax.f32 v5, $0.0e+00  }
0x155: {  	v1 =	vld [tilespmem:s0+$0x18140];
	[tilespmem:s8+$0x18160] =	vst v3;
	v5 =	vmax.f32 v6, $0.0e+00  }
0x156: {  	v6 =	vmax.f32 v7, $0.0e+00;
	v3 =	vld [tilespmem:s0+$0x18150];
	[tilespmem:s8+$0x18170] =	vst v5;
	s8 =	smov.u32 s0  }
0x157: {  	s25 =	sadd.s32 $0x200, s25;
	[tilespmem:s8+$0x18100] =	vst v6;
	v6 =	vmax.f32 v8, $0.0e+00;
	v5 =	vld [tilespmem:s8+$0x18160]  }
0x158: {  	[tilespmem:s8+$0x18110] =	vst v6;
	v4 =	vmax.f32 v4, $0.0e+00;
	v6 =	vld [tilespmem:s8+$0x18170]  }
0x159: {  	[tilespmem:s8+$0x18120] =	vst v4;
	v2 =	vmax.f32 v2, $0.0e+00  }
0x15a: {  	[tilespmem:s8+$0x18130] =	vst v2;
	v1 =	vmax.f32 v1, $0.0e+00  }
0x15b: {  	[tilespmem:s8+$0x18140] =	vst v1;
	v1 =	vmax.f32 v3, $0.0e+00  }
0x15c: {  	[tilespmem:s8+$0x18150] =	vst v1;
	v1 =	vmax.f32 v5, $0.0e+00  }
0x15d: {  	[tilespmem:s8+$0x18160] =	vst v1;
	v1 =	vmax.f32 v6, $0.0e+00  }
0x15e: {  	s0 =	simm.s32 $0x13F00;
	p1 =	seq.s32 s3, $0x26;
	[tilespmem:s8+$0x18170] =	vst v1  }
0x15f: {  	[spmem:s13] =	stream.indirect.scatter.add.f32 [tilespmem:s24], [sflag:$0x13], $0x80, s0, s17, $0xb8;
	[tilespmem:$0x1C100] =	vst v63  }
0x160: {  	s0 =	simm.s32 @!p1 $0x11  }
0x161: {  	_ =	swait.ge @!p1 [sflag:s0], $0x2000  }
0x162: {  	s8 =	sld [smem:$0x7FC];
	_ =	sdelay $0x2  }
0x163: {  	[sflag:s0] =	ssyncset.done @!p1 $0x0;
	s8 =	sadd.s32 @!p1 s7, s8  }
0x164: {  	[sflag:s0] =	ssyncadd.s32 @!p1 $0xFFFFE000;
	s0 =	sshll.u32 @!p1 s8, $0x4  }
0x165: {  	s25 =	simm.s32 @!p1 $0x0;
	s26 =	simm.s32 @!p1 $0x14100;
	s0 =	sadd.s32 @!p1 s18, s0  }
0x166: {  	[tilespmem:s26], [sflag:$0xD] =	stream.linear.gather @!p1 [hbm4b:s0+s25], $0x2000, $0x38;
	[tilespmem:$0x1C100] =	vst v63  }
0x167: {  	s0 =	sshrl.u32 @!p1 s8, $0x3  }
0x168: {  	s14 =	simm.s32 @!p1 $0x13C00;
	s8 =	sadd.s32 @!p1 s19, s0  }
0x169: {  	[tilespmem:s14], [sflag:$0x1] =	stream.linear.gather @!p1 [hbm4b:s8+s25], $0x40, $0x38;
	[tilespmem:$0x1C100] =	vst v63  }
0x16a: {  	s0 =	sadd.s32 @!p1 s20, s0;
	s8 =	simm.s32 @!p1 $0x13E00  }
0x16b: {  	[tilespmem:s8], [sflag:$0x5] =	stream.linear.gather @!p1 [hbm4b:s0+s25], $0x40, $0x38;
	[tilespmem:$0x1C100] =	vst v63  }
0x16c: {  	s0 =	simm.s32 @!p1 $0x1  }
0x16d: {  	_ =	swait.ge @!p1 [sflag:s0], $0x40  }
0x16e: {  	[sflag:s0] =	ssyncset.done @!p1 $0x0  }
0x16f: {  	[sflag:s0] =	ssyncadd.s32 @!p1 $0xFFFFFFC0;
	s0 =	simm.s32 @!p1 $0x5  }
0x170: {  	_ =	swait.ge @!p1 [sflag:s0], $0x40  }
0x171: {  	[sflag:s0] =	ssyncset.done @!p1 $0x0  }
0x172: {  	[sflag:s0] =	ssyncadd.s32 @!p1 $0xFFFFFFC0  }
0x173: {  	v1 =	vld @!p1 [tilespmem:$0x13C00]  }
0x174: {  	v2 =	vld @!p1 [tilespmem:$0x13C10]  }
0x175: {  	v3 =	vld @!p1 [tilespmem:$0x13C20]  }
0x176: {  	v4 =	vld @!p1 [tilespmem:$0x13C30];
	_ =	sdelay $0x1  }
0x177: {  	v1 =	vadd.s32 @!p1 v0, v1  }
0x178: {  	[tilespmem:$0x13C00] =	vst @!p1 v1;
	v1 =	vadd.s32 @!p1 v0, v2  }
0x179: {  	[tilespmem:$0x13C10] =	vst @!p1 v1;
	v1 =	vadd.s32 @!p1 v0, v3  }
0x17a: {  	[tilespmem:$0x13C20] =	vst @!p1 v1;
	v1 =	vadd.s32 @!p1 v0, v4  }
0x17b: {  	s0 =	simm.s32 @!p1 $0xD;
	[tilespmem:$0x13C30] =	vst @!p1 v1  }
0x17c: {  	_ =	swait.ge @!p1 [sflag:s0], $0x2000  }
0x17d: {  	[sflag:s0] =	ssyncset.done @!p1 $0x0  }
0x17e: {  	[sflag:s0] =	ssyncadd.s32 @!p1 $0xFFFFE000;
	s0 =	simm.s32 @!p1 $0x40  }
0x17f: {  	[tilespmem:s26], [sflag:$0x9] =	stream.indirect.gather.add.f32 @!p1 [hbm:s1], $0x80, s14, s0, $0xb8;
	[tilespmem:$0x1C100] =	vst v63  }
0x180: {  	_ =	swait.ge [sflag:s9], $0x2000  }
0x181: {  	[sflag:s9] =	ssyncset.done $0x0  }
0x182: {  	s8 =	simm.s32 $0x0;
	[sflag:s9] =	ssyncadd.s32 $0xFFFFE000  }
0x183: {  	v3 =	vld [tilespmem:s8+$0x1A100]  }
0x184: {  	v5 =	vld [tilespmem:s8+$0x1A110]  }
0x185: {  	v4 =	vld [tilespmem:s8+$0x1A120]  }
0x186: {  	v2 =	vld [tilespmem:s8+$0x1A130]  }
0x187: {  	v1 =	vld [tilespmem:s8+$0x1A140]  }
0x188: {  	v6 =	vmax.f32 v3, $0.0e+00;
	v3 =	vld [tilespmem:s8+$0x1A150]  }
0x189: {  	s25 =	simm.s32 $0x200;
	[tilespmem:s8+$0x1A100] =	vst v6;
	v6 =	vmax.f32 v5, $0.0e+00;
	v5 =	vld [tilespmem:s8+$0x1A160]  }
.LBB2_9:
0x18a: {  	s0 =	sshra.s32 s25, $0x2;
	p2 =	sne.s32 s25, $0x7E00;
	[tilespmem:s8+$0x1A110] =	vst v6;
	v4 =	vmax.f32 v4, $0.0e+00;
	v6 =	vld [tilespmem:s8+$0x1A170]  }
0x18b: {  	v7 =	vld [tilespmem:s0+$0x1A100];
	[tilespmem:s8+$0x1A120] =	vst v4;
	v2 =	vmax.f32 v2, $0.0e+00  }
0x18c: {  	v8 =	vld [tilespmem:s0+$0x1A110];
	[tilespmem:s8+$0x1A130] =	vst v2;
	v1 =	vmax.f32 v1, $0.0e+00  }
.Ltmp3:
0x18d: {  	v4 =	vld [tilespmem:s0+$0x1A120];
	[tilespmem:s8+$0x1A140] =	vst v1;
	v1 =	vmax.f32 v3, $0.0e+00;
	(pc) =	sbr.rel @p2 .LBB2_9-.Ltmp3, $4  }
0x18e: {  	v2 =	vld [tilespmem:s0+$0x1A130];
	[tilespmem:s8+$0x1A150] =	vst v1;
	v3 =	vmax.f32 v5, $0.0e+00  }
0x18f: {  	v1 =	vld [tilespmem:s0+$0x1A140];
	[tilespmem:s8+$0x1A160] =	vst v3;
	v5 =	vmax.f32 v6, $0.0e+00  }
0x190: {  	v6 =	vmax.f32 v7, $0.0e+00;
	v3 =	vld [tilespmem:s0+$0x1A150];
	[tilespmem:s8+$0x1A170] =	vst v5;
	s8 =	smov.u32 s0  }
0x191: {  	s25 =	sadd.s32 $0x200, s25;
	[tilespmem:s8+$0x1A100] =	vst v6;
	v6 =	vmax.f32 v8, $0.0e+00;
	v5 =	vld [tilespmem:s8+$0x1A160]  }
0x192: {  	[tilespmem:s8+$0x1A110] =	vst v6;
	v4 =	vmax.f32 v4, $0.0e+00;
	v63 =	vld [tilespmem:s8+$0x1A170]  }
0x193: {  	[tilespmem:s8+$0x1A120] =	vst v4;
	v2 =	vmax.f32 v2, $0.0e+00  }
0x194: {  	[tilespmem:s8+$0x1A130] =	vst v2;
	v1 =	vmax.f32 v1, $0.0e+00  }
.Ltmp4:
0x195: {  	[tilespmem:s8+$0x1A140] =	vst v1;
	v1 =	vmax.f32 v3, $0.0e+00;
	(pc) =	sbr.rel @p1 .LBB2_12-.Ltmp4, $4  }
0x196: {  	[tilespmem:s8+$0x1A150] =	vst v1;
	v1 =	vmax.f32 v5, $0.0e+00  }
0x197: {  	[tilespmem:s8+$0x1A160] =	vst v1;
	v1 =	vmax.f32 v63, $0.0e+00  }
0x198: {  	s0 =	simm.s32 $0x13F80;
	s14 =	simm.s32 $0x13C80;
	s26 =	simm.s32 $0x14100;
	[tilespmem:s8+$0x1A170] =	vst v1  }
0x199: {  	[spmem:s13] =	stream.indirect.scatter.add.f32 [tilespmem:s12], [sflag:$0x14], $0x80, s0, s17, $0xb8;
	[tilespmem:$0x1C100] =	vst v63  }
0x19a: {  	_ =	swait.ge [sflag:s4], $0x2000  }
0x19b: {  	s0 =	sld [smem:$0x7FD];
	_ =	sdelay $0x2  }
0x19c: {  	s0 =	sadd.s32 s7, s0  }
0x19d: {  	[sflag:s4] =	ssyncset.done $0x0;
	s7 =	sshll.u32 s0, $0x4  }
0x19e: {  	[sflag:s4] =	ssyncadd.s32 $0xFFFFE000;
	s7 =	sadd.s32 s18, s7  }
0x19f: {  	[tilespmem:s11], [sflag:$0xE] =	stream.linear.gather [hbm4b:s7+s2], $0x2000, $0x38;
	[tilespmem:$0x1C100] =	vst v63  }
.Ltmp5:
0x1a0: {  	s0 =	sshrl.u32 s0, $0x3;
	(pc) =	sbr.rel .LBB2_2-.Ltmp5, $4  }
0x1a1: {  	s8 =	sadd.s32 s19, s0  }
0x1a2: {  	[tilespmem:s14], [sflag:$0x2] =	stream.linear.gather [hbm4b:s8+s2], $0x40, $0x38;
	[tilespmem:$0x1C100] =	vst v63  }
0x1a3: {  	s25 =	simm.s32 $0x13E80;
	s3 =	sadd.s32 $0x1, s3;
	s0 =	sadd.s32 s20, s0  }
0x1a4: {  	[tilespmem:s25], [sflag:$0x6] =	stream.linear.gather [hbm4b:s0+s2], $0x40, $0x38;
	[tilespmem:$0x1C100] =	vst v63  }
.LBB2_12:
0x1a5: {  	s0 =	simm.s32 $0x11  }
0x1a6: {  	_ =	swait.ge [sflag:s0], $0x2000  }
0x1a7: {  	[sflag:s0] =	ssyncset.done $0x0  }
0x1a8: {  	[sflag:s0] =	ssyncadd.s32 $0xFFFFE000  }
0x1a9: {  	_ =	swait.ge [sflag:s4], $0x2000  }
0x1aa: {  	[sflag:s4] =	ssyncset.done $0x0  }
0x1ab: {  	s8 =	simm.s32 $0x13;
	[sflag:s4] =	ssyncadd.s32 $0xFFFFE000  }
0x1ac: {  	_ =	swait.ge [sflag:s8], $0x2000  }
0x1ad: {  	[sflag:s8] =	ssyncset.done $0x0  }
0x1ae: {  	s25 =	simm.s32 $0x14;
	[sflag:s8] =	ssyncadd.s32 $0xFFFFE000  }
0x1af: {  	_ =	swait.ge [sflag:s25], $0x2000  }
0x1b0: {  	s3 =	sld [smem:$0x7E7]  }
0x1b1: {  	s7 =	simm.s32 $0x14000;
	[sflag:s25] =	ssyncset.done $0x0  }
0x1b2: {  	s0 =	simm.s32 $0x0;
	s8 =	simm.s32 $0x15;
	[sflag:s25] =	ssyncadd.s32 $0xFFFFE000  }
0x1b3: {  	[tilespmem:s7], [sflag:$0x15] =	stream.linear.gather [hbm4b:s3+s0], $0x10, $0x38;
	[tilespmem:$0x1C100] =	vst v63  }
0x1b4: {  	_ =	swait.ge [sflag:s8], $0x10  }
0x1b5: {  	s3 =	sld [smem:$0x7E8]  }
0x1b6: {  	[sflag:s8] =	ssyncset.done $0x0  }
0x1b7: {  	s25 =	simm.s32 $0x14080;
	[sflag:s8] =	ssyncadd.s32 $0xFFFFFFF0  }
0x1b8: {  	[tilespmem:s25], [sflag:$0x15] =	stream.linear.gather [hbm4b:s3+s0], $0x10, $0x38;
	[tilespmem:$0x1C100] =	vst v63  }
0x1b9: {  	_ =	swait.ge [sflag:s8], $0x10  }
0x1ba: {  	[sflag:s8] =	ssyncset.done $0x0  }
0x1bb: {  	[sflag:s8] =	ssyncadd.s32 $0xFFFFFFF0  }
0x1bc: {  	v1 =	vld [tilespmem:$0x14000];
	_ =	sdelay $0x3  }
0x1bd: {  	s3 =	sld [smem:$0x7E9]  }
0x1be: {  	v1 =	vadd.s32 v0, v1  }
0x1bf: {  	[tilespmem:$0x14000] =	vst v1  }
0x1c0: {  	[tilespmem:s26], [sflag:$0x15] =	stream.linear.gather [hbm4b:s3+s0], $0x800, $0x38;
	[tilespmem:$0x1C100] =	vst v63  }
0x1c1: {  	_ =	swait.ge [sflag:s8], $0x800  }
0x1c2: {  	[sflag:s8] =	ssyncset.done $0x0  }
0x1c3: {  	[sflag:s8] =	ssyncadd.s32 $0xFFFFF800  }
0x1c4: {  	[tilespmem:s26], [sflag:$0x9] =	stream.indirect.gather.add.f32 [hbm:s1], $0x80, s7, s6, $0xb8;
	[tilespmem:$0x1C100] =	vst v63  }
0x1c5: {  	_ =	swait.ge [sflag:s5], $0x800  }
0x1c6: {  	[sflag:s5] =	ssyncset.done $0x0  }
0x1c7: {  	s3 =	simm.s32 $0x0;
	[sflag:s5] =	ssyncadd.s32 $0xFFFFF800  }
0x1c8: {  	v3 =	vld [tilespmem:s3+$0x14100]  }
0x1c9: {  	v5 =	vld [tilespmem:s3+$0x14110]  }
0x1ca: {  	v4 =	vld [tilespmem:s3+$0x14120]  }
0x1cb: {  	v2 =	vld [tilespmem:s3+$0x14130]  }
0x1cc: {  	v1 =	vld [tilespmem:s3+$0x14140]  }
0x1cd: {  	v6 =	vmax.f32 v3, $0.0e+00;
	v3 =	vld [tilespmem:s3+$0x14150]  }
0x1ce: {  	s7 =	simm.s32 $0x200;
	[tilespmem:s3+$0x14100] =	vst v6;
	v6 =	vmax.f32 v5, $0.0e+00;
	v5 =	vld [tilespmem:s3+$0x14160]  }
.LBB2_13:
0x1cf: {  	s0 =	sshra.s32 s7, $0x2;
	p1 =	sne.s32 s7, $0x1E00;
	[tilespmem:s3+$0x14110] =	vst v6;
	v4 =	vmax.f32 v4, $0.0e+00;
	v6 =	vld [tilespmem:s3+$0x14170]  }
0x1d0: {  	v7 =	vld [tilespmem:s0+$0x14100];
	[tilespmem:s3+$0x14120] =	vst v4;
	v2 =	vmax.f32 v2, $0.0e+00  }
0x1d1: {  	v8 =	vld [tilespmem:s0+$0x14110];
	[tilespmem:s3+$0x14130] =	vst v2;
	v1 =	vmax.f32 v1, $0.0e+00  }
.Ltmp6:
0x1d2: {  	v4 =	vld [tilespmem:s0+$0x14120];
	[tilespmem:s3+$0x14140] =	vst v1;
	v1 =	vmax.f32 v3, $0.0e+00;
	(pc) =	sbr.rel @p1 .LBB2_13-.Ltmp6, $4  }
0x1d3: {  	v2 =	vld [tilespmem:s0+$0x14130];
	[tilespmem:s3+$0x14150] =	vst v1;
	v3 =	vmax.f32 v5, $0.0e+00  }
0x1d4: {  	v1 =	vld [tilespmem:s0+$0x14140];
	[tilespmem:s3+$0x14160] =	vst v3;
	v5 =	vmax.f32 v6, $0.0e+00  }
0x1d5: {  	v6 =	vmax.f32 v7, $0.0e+00;
	v3 =	vld [tilespmem:s0+$0x14150];
	[tilespmem:s3+$0x14170] =	vst v5;
	s3 =	smov.u32 s0  }
0x1d6: {  	s7 =	sadd.s32 $0x200, s7;
	[tilespmem:s3+$0x14100] =	vst v6;
	v6 =	vmax.f32 v8, $0.0e+00;
	v5 =	vld [tilespmem:s3+$0x14160]  }
0x1d7: {  	[tilespmem:s3+$0x14110] =	vst v6;
	v4 =	vmax.f32 v4, $0.0e+00;
	v63 =	vld [tilespmem:s3+$0x14170]  }
0x1d8: {  	[tilespmem:s3+$0x14120] =	vst v4;
	v2 =	vmax.f32 v2, $0.0e+00  }
0x1d9: {  	[tilespmem:s3+$0x14130] =	vst v2;
	v1 =	vmax.f32 v1, $0.0e+00  }
0x1da: {  	[tilespmem:s3+$0x14140] =	vst v1;
	v1 =	vmax.f32 v3, $0.0e+00  }
0x1db: {  	[tilespmem:s3+$0x14150] =	vst v1;
	v1 =	vmax.f32 v5, $0.0e+00  }
0x1dc: {  	[tilespmem:s3+$0x14160] =	vst v1;
	v1 =	vmax.f32 v63, $0.0e+00  }
0x1dd: {  	[tilespmem:s3+$0x14170] =	vst v1  }
0x1de: {  	[spmem:s13] =	stream.indirect.scatter.add.f32 [tilespmem:s26], [sflag:$0x15], $0x80, s25, s6, $0xb8;
	[tilespmem:$0x1C100] =	vst v63  }
0x1df: {  	_ =	swait.ge [sflag:s8], $0x800  }
0x1e0: {  	[sflag:s8] =	ssyncset.done $0x0  }
0x1e1: {  	[sflag:s8] =	ssyncadd.s32 $0xFFFFF800  }
0x1e2: {  	[bflag:$0x0] =	sbarrier.arrive $0xFFFF  }
0x1e3: {  	s7 =	sld [smem:$0x7E3];
	_ =	sdelay $0x1  }
0x1e4: {  	s0 =	simm.s32 @p0 $0x1FD5;
	s3 =	rddreg [dreg:$0x11]  }
0x1e5: {  	[hbm:s3], [sflag:s0] =	dma.local @p0 [spmem:s7], $0x2080  }
0x1e6: {  	s0 =	simm.s32 @p0 $0x15  }
0x1e7: {  	_ =	swait.ge @p0 [sflag:s0], $0x2080  }
0x1e8: {  	s3 =	sld [smem:$0x7E5]  }
0x1e9: {  	s7 =	sld [smem:$0x7E4]  }
0x1ea: {  	[sflag:s0] =	ssyncset.done @p0 $0x0  }
0x1eb: {  	[sflag:s0] =	ssyncadd.s32 @p0 $0xFFFFDF80;
	s0 =	rddreg [dreg:$0x10]  }
0x1ec: {  	[hbm:s0], [sflag:s3] =	dma.local @!p0 [spmem:s7], $0x2780  }
0x1ed: {  	s0 =	simm.s32 @!p0 $0x15  }
0x1ee: {  	_ =	swait.ge @!p0 [sflag:s0], $0x2780  }
0x1ef: {  	s8 =	sld [smem:$0x7E2]  }
0x1f0: {  	s25 =	sld [smem:$0x7EA];
	_ =	sdelay $0x1  }
0x1f1: {  	s7 =	sadd.s32 $0x1, s8  }
0x1f2: {  	p1 =	sne.s32 s7, s25  }
.Ltmp7:
0x1f3: {  	_ = 	snop;
	(pc) =	sbr.rel @p1 .LBB2_1-.Ltmp7, $3  }
0x1f4: {  	_ =	sdelay $0x1  }
0x1f5: {  	[sflag:s0] =	ssyncset.done @!p0 $0x0  }
0x1f6: {  	[sflag:s0] =	ssyncadd.s32 @!p0 $0xFFFFD880  }
0x1f7: {  	_ =	sfence.sel $0x180000  }
0x1f8: {  	[bflag:$0x0] =	sbarrier.arrive $0xFFFF  }
0x1f9: {  	_ =	strace $0x9000004A  }
0x1fa: {  	s0 =	stileid.u32;
	[bflag:$0x2] =	sbarrier.arrive $0xFFFF  }
0x1fb: {  	p0 =	sne.s32 s0, $0x0;
	s0 =	rddreg [dreg:$0x4]  }
0x1fc: {  	s0 =	sadd.s32 @!p0 $0x100000, s0  }
0x1fd: {  	[sflag:s0] =	ssyncadd.tile.s32 @!p0 $0x1;
	_ =	shalt  }
.Lfunc_end2:
_tile_overlayer_lowered:
.L_overlay_start_2:
0x1fe: {  	(tag) =	ssettag $0x2  }
0x1ff: {  	s0 =	rddreg [dreg:$0x0];
	s2 =	stileid.u32  }
0x200: {  	s1 =	rddreg [dreg:$0x1];
	p0 =	sne.s32 s2, $0x0  }
0x201: {  	s3 =	rddreg [dreg:$0x2];
	[bflag:$0x3] =	sbarrier.arrive $0xFFFF;
	s2 =	simm.s32 @!p0 $0x1C15  }
0x202: {  	[timem:s3], [sflag:s2] =	dma.local @!p0 [hbm:s0], s1  }
0x203: {  	s0 =	simm.s32 @!p0 $0x15  }
0x204: {  	_ =	swait.ge @!p0 [sflag:s0], s1  }
0x205: {  	s1 =	ssub.s32 @!p0 $0x0, s1;
	[sflag:s0] =	ssyncset.done @!p0 $0x0  }
0x206: {  	[sflag:s0] =	ssyncadd.s32 @!p0 s1  }
0x207: {  	[bflag:$0x3] =	sbarrier.arrive $0xFFFF  }
0x208: {  	_ =	shalt  }

</sc_bundles>
